<compile_context>
chip_gen: v7x
topology: tpu7x:2x2x1
jax: 0.10.2.dev20260603
libtpu: 0.0.44.dev20260713+nightly
codegen_flags: <defaults>
</compile_context>

<pallas_src>
import functools

import jax
import jax.numpy as jnp
from jax import lax
from jax.experimental import pallas as pl
from jax.experimental.pallas import tpu as pltpu
from jax.experimental.pallas import tpu_sc as plsc

_NHID = 128
_ALPHA = 0.2
_ROWW = 144
_CH = 128
_NSC = 2
_NSUB = 16
_NW = _NSC * _NSUB



def _mm_kernel(x_ref, w_ref, o_ref):
    o_ref[...] = jnp.dot(x_ref[...], w_ref[...],
                         preferred_element_type=jnp.float32)


def _mm(x, w, bm=1024):
    m, k = x.shape
    n = w.shape[1]
    return pl.pallas_call(
        _mm_kernel,
        grid=(pl.cdiv(m, bm),),
        in_specs=[pl.BlockSpec((bm, k), lambda i: (i, 0)),
                  pl.BlockSpec((k, n), lambda i: (0, 0))],
        out_specs=pl.BlockSpec((bm, n), lambda i: (i, 0)),
        out_shape=jax.ShapeDtypeStruct((m, n), jnp.float32),
    )(x, w)


def _combine_kernel(pa_ref, pb_ref, o_ref):
    for idx, p in ((slice(0, _NHID), pa_ref), (slice(_NHID, 2 * _NHID),
                                               pb_ref)):
        h = p[0, :, :_NHID] + p[1, :, :_NHID]
        r = p[0, :, _NHID:_NHID + 1] + p[1, :, _NHID:_NHID + 1]
        r = jnp.where(r == 0, 1e-12, r)
        x = h / r
        o_ref[:, idx] = jnp.where(x > 0, x, jnp.exp(x) - 1.0)


def _combine(pa, pb, bm=512):
    n = pa.shape[1]
    return pl.pallas_call(
        _combine_kernel,
        grid=(pl.cdiv(n, bm),),
        in_specs=[pl.BlockSpec((2, bm, _ROWW), lambda i: (0, i, 0)),
                  pl.BlockSpec((2, bm, _ROWW), lambda i: (0, i, 0))],
        out_specs=pl.BlockSpec((bm, 2 * _NHID), lambda i: (i, 0)),
        out_shape=jax.ShapeDtypeStruct((n, 2 * _NHID), jnp.float32),
    )(pa, pb)



@functools.cache
def _make_edge_pass(n1, n2p, n3, ne):
    nchunks = ne // _CH
    rows1_per_tile = n1 // _NSUB
    z1 = 128
    nz1 = rows1_per_tile // z1
    rows2_per_tile = n2p // _NSUB
    mesh = plsc.VectorSubcoreMesh(core_axis_name="c", subcore_axis_name="s")

    @functools.partial(
        pl.kernel,
        out_type=(jax.ShapeDtypeStruct((_NSC, n1, _ROWW), jnp.float32),
                  jax.ShapeDtypeStruct((_NSC, n2p, _ROWW), jnp.float32)),
        mesh=mesh,
        scratch_types=[
            pltpu.VMEM((128,), jnp.int32),
            pltpu.VMEM((128,), jnp.int32),
            pltpu.VMEM((128,), jnp.int32),
            pltpu.VMEM((_CH, _ROWW), jnp.float32),
            pltpu.VMEM_SHARED((n1, _ROWW), jnp.float32),
            pltpu.VMEM_SHARED((n2p, _ROWW), jnp.float32),
        ],
        compiler_params=pltpu.CompilerParams(use_tc_tiling_on_sc=False,
                                             needs_layout_passes=False),
    )
    def edge_pass(src_h, dst_h, i3_h, t1_h, t2_h, t3_h, out1_h, out2_h,
                  src_v, dst_v, i3_v, buf, h1_sh, h2_sh):
        c = lax.axis_index("c")
        s = lax.axis_index("s")
        g = c * _NSUB + s

        def zrow(r, _):
            for j in range(_ROWW // 16):
                buf[r, pl.ds(16 * j, 16)] = jnp.zeros((16,), jnp.float32)
            return _
        lax.fori_loop(0, _CH, zrow, None)
        for k in range(nz1):
            pltpu.sync_copy(
                buf.at[pl.ds(0, z1)],
                h1_sh.at[pl.ds(s * rows1_per_tile + k * z1, z1)])
        pltpu.sync_copy(buf.at[pl.ds(0, rows2_per_tile)],
                        h2_sh.at[pl.ds(s * rows2_per_tile, rows2_per_tile)])
        plsc.subcore_barrier()

        lo = nchunks * g // _NW
        hi = nchunks * (g + 1) // _NW

        def chunk_body(ci, _):
            pltpu.sync_copy(src_h.at[ci], src_v)
            pltpu.sync_copy(dst_h.at[ci], dst_v)
            pltpu.sync_copy(i3_h.at[ci], i3_v)
            pltpu.sync_copy(t1_h.at[src_v], buf)
            pltpu.sync_copy(t2_h.at[dst_v], buf, add=True)
            pltpu.sync_copy(t3_h.at[i3_v], buf, add=True)

            def row_body(e, _):
                pw = jnp.full((16,), buf[e, pl.ds(_NHID, 16)][0],
                              jnp.float32)
                eev = jnp.exp(-jnp.where(pw > 0, pw, _ALPHA * pw))
                for j in range(_NHID // 16):
                    sl = pl.ds(16 * j, 16)
                    buf[e, sl] = buf[e, sl] * eev
                buf[e, pl.ds(_NHID, 16)] = eev
                return _
            lax.fori_loop(0, _CH, row_body, None)

            pltpu.sync_copy(buf, h1_sh.at[src_v], add=True)
            pltpu.sync_copy(buf, h2_sh.at[dst_v], add=True)
            return _

        lax.fori_loop(lo, hi, chunk_body, None)
        plsc.subcore_barrier()

        for k in range(nz1):
            off = s * rows1_per_tile + k * z1
            pltpu.sync_copy(h1_sh.at[pl.ds(off, z1)],
                            out1_h.at[c, pl.ds(off, z1)])
        pltpu.sync_copy(h2_sh.at[pl.ds(s * rows2_per_tile, rows2_per_tile)],
                        out2_h.at[c, pl.ds(s * rows2_per_tile,
                                           rows2_per_tile)])

    return edge_pass



def _ext_w(wt, u):
    k = wt.shape[0]
    return jnp.concatenate(
        [wt, u[:, None], jnp.zeros((k, _ROWW - _NHID - 1), jnp.float32)],
        axis=1)


def kernel(Corpus_, batch_inputs, entity_embeddings, relation_embed,
           type_embed, edge_list, edge_type, edge_embed, edge_list_nhop,
           a0, a2_0, a1, a2_1, W, a_out, a2_out):
    del Corpus_, batch_inputs, edge_list_nhop
    f1 = entity_embeddings.shape[1]
    f2 = type_embed.shape[1]
    ne = edge_type.shape[0]
    n_ent = entity_embeddings.shape[0]
    n_typ = type_embed.shape[0]
    n1p = 10240
    n2p = 512

    nchunks = ne // _CH
    dst3 = edge_list[0].reshape(nchunks, _CH)
    src3 = edge_list[1].reshape(nchunks, _CH)
    et3 = edge_type.reshape(nchunks, _CH)
    io3 = jnp.arange(ne, dtype=jnp.int32).reshape(nchunks, _CH)

    l1_pass = _make_edge_pass(n1p, n2p, ne, ne)
    parts = []
    for a, a2 in ((a0, a2_0), (a1, a2_1)):
        a_s, a_t, a_e = a[:, :f1], a[:, f1:f1 + f2], a[:, f1 + f2:]
        t1 = _mm(entity_embeddings, _ext_w(a_s.T, a_s.T @ a2[0]))
        t2 = _mm(type_embed, _ext_w(a_t.T, a_t.T @ a2[0]))
        t3 = _mm(edge_embed, _ext_w(a_e.T, a_e.T @ a2[0]))
        parts.append(l1_pass(src3, dst3, io3, t1, t2, t3))
    x1 = _combine(parts[0][0], parts[1][0])[:n_ent]
    x2 = _combine(parts[0][1], parts[1][1])[:n_typ]

    out_relation_1 = _mm(relation_embed, W)
    d = 2 * _NHID
    A_s, A_t, A_e = a_out[:, :d], a_out[:, d:2 * d], a_out[:, 2 * d:]
    u_s = A_s.T @ a2_out[0]
    u_t = A_t.T @ a2_out[0]
    u_e = A_e.T @ a2_out[0]
    out_pass = _make_edge_pass(n1p, n2p, out_relation_1.shape[0], ne)
    parts = []
    for h in range(2):
        cols = slice(h * _NHID, (h + 1) * _NHID)
        t1 = _mm(x1, _ext_w(A_s.T[:, cols], u_s))
        t2 = _mm(x2, _ext_w(A_t.T[:, cols], u_t))
        t3 = _mm(out_relation_1, _ext_w(A_e.T[:, cols], u_e))
        parts.append(out_pass(src3, dst3, et3, t1, t2, t3))
    y1 = _combine(parts[0][0], parts[1][0])[:n_ent]
    y2 = _combine(parts[0][1], parts[1][1])[:n_typ]
    return y1, y2, out_relation_1

# --- scband reference (transcript-rebuilt; emitter-appended) ---
"""Pipeline reference for scband-sp-gat-e2t-37641093382700 (READ-ONLY COPY).

The authoritative reference and input builder live on the scoring server;
editing this copy changes nothing except your own understanding.
"""

import jax, jax.numpy as jnp
import numpy as np

NUM_E = 10000
NUM_T = 500
NUM_R = 500
NF1 = 128
NF2 = 128
NHID = 128
RD = 128
NHEADS = 2
ALPHA = 0.2
NE = 160000


def _xavier(key, shape, gain=1.414):
    fan_out, fan_in = shape[0], shape[1]
    lim = gain * np.sqrt(6.0 / (fan_in + fan_out))
    return jax.random.uniform(key, shape, minval=-lim, maxval=lim, dtype=jnp.float32)


def setup_inputs(seed: int = 0):
    key = jax.random.key(seed)
    ks = jax.random.split(key, 16)
    entity_embeddings = jax.random.normal(ks[0], (NUM_E, NF1), dtype=jnp.float32)
    type_embed = jax.random.normal(ks[1], (NUM_T, NF2), dtype=jnp.float32)
    relation_embed = jax.random.normal(ks[2], (NUM_R, RD), dtype=jnp.float32)
    dst = jax.random.randint(ks[3], (NE,), 0, NUM_T, dtype=jnp.int32)
    src = jax.random.randint(ks[4], (NE,), 0, NUM_E, dtype=jnp.int32)
    edge_list = jnp.stack([dst, src], axis=0)
    edge_type = jax.random.randint(ks[5], (NE,), 0, NUM_R, dtype=jnp.int32)
    edge_embed = jax.random.normal(ks[6], (NE, RD), dtype=jnp.float32)
    edge_list_nhop = jnp.zeros((2, 0), dtype=jnp.int32)
    a0 = _xavier(ks[7], (NHID, NF1 + NF2 + RD))
    a2_0 = _xavier(ks[8], (1, NHID))
    a1 = _xavier(ks[9], (NHID, NF1 + NF2 + RD))
    a2_1 = _xavier(ks[10], (1, NHID))
    W = _xavier(ks[11], (RD, NHEADS * NHID))
    a_out = _xavier(ks[12], (NHEADS * NHID, 3 * NHEADS * NHID))
    a2_out = _xavier(ks[13], (1, NHEADS * NHID))
    batch_inputs = jax.random.randint(ks[14], (1024, 3), 0, NUM_T, dtype=jnp.int32)
    return {"Corpus_": 0, "batch_inputs": batch_inputs, "entity_embeddings": entity_embeddings, "relation_embed": relation_embed, "type_embed": type_embed, "edge_list": edge_list, "edge_type": edge_type, "edge_embed": edge_embed, "edge_list_nhop": edge_list_nhop, "a0": a0, "a2_0": a2_0, "a1": a1, "a2_1": a2_1, "W": W, "a_out": a_out, "a2_out": a2_out}


def _leaky(x):
    return jnp.where(x > 0, x, ALPHA * x)


def _elu(x):
    return jnp.where(x > 0, x, jnp.expm1(x))


def _att_layer(x1, x2, edge, eemb, a, a2, concat):
    # edge[0]: type (dst) index, edge[1]: entity (src) index
    eh = jnp.concatenate([x1[edge[1]], x2[edge[0]], eemb], axis=1)  # E x (f1+f2+rel)
    em = eh @ a.T  # E x nhid
    powers = -_leaky((em @ a2.T)[:, 0])  # E
    ee = jnp.exp(powers)
    ew = ee[:, None] * em  # E x nhid
    h1 = jax.ops.segment_sum(ew, edge[1], num_segments=x1.shape[0])
    r1 = jax.ops.segment_sum(ee, edge[1], num_segments=x1.shape[0])
    r1 = jnp.where(r1 == 0, 1e-12, r1)
    h1 = h1 / r1[:, None]
    h2 = jax.ops.segment_sum(ew, edge[0], num_segments=x2.shape[0])
    r2 = jax.ops.segment_sum(ee, edge[0], num_segments=x2.shape[0])
    r2 = jnp.where(r2 == 0, 1e-12, r2)
    h2 = h2 / r2[:, None]
    if concat:
        return _elu(h1), _elu(h2)
    return h1, h2


def reference(Corpus_, batch_inputs, entity_embeddings, relation_embed, type_embed, edge_list, edge_type, edge_embed, edge_list_nhop, a0, a2_0, a1, a2_1, W, a_out, a2_out):
    # n-hop edge set is empty (edge_embed_nhop = LongTensor([]) in original forward)
    edge = jnp.concatenate([edge_list, edge_list_nhop], axis=1)
    eemb = jnp.concatenate([edge_embed, jnp.zeros((edge_list_nhop.shape[1], edge_embed.shape[1]), edge_embed.dtype)], axis=0)
    r1 = _att_layer(entity_embeddings, type_embed, edge, eemb, a0, a2_0, True)
    r2 = _att_layer(entity_embeddings, type_embed, edge, eemb, a1, a2_1, True)
    x1 = jnp.concatenate([r1[0], r2[0]], axis=1)
    x2 = jnp.concatenate([r1[1], r2[1]], axis=1)
    # dropout skipped (eval mode / deterministic)
    out_relation_1 = relation_embed @ W
    eemb2 = out_relation_1[edge_type]
    x1, x2 = _att_layer(x1, x2, edge, eemb2, a_out, a2_out, False)
    return _elu(x1), _elu(x2), out_relation_1

if __name__ == "__main__":
    import jax
    _d = setup_inputs()
    print(jax.jit(kernel)(*tuple(_d.values())))

</pallas_src>

<mosaic_0001>
#map = affine_map<(d0, d1) -> (0, 0)>
#map1 = affine_map<(d0, d1) -> (0, 0, 0)>
module attributes {stable_mosaic.version = 14 : i64} {
  func.func @edge_pass(%arg0: i32, %arg1: i32, %arg2: memref<1250x128xi32, #tpu.memory_space<hbm>>, %arg3: memref<1250x128xi32, #tpu.memory_space<hbm>>, %arg4: memref<1250x128xi32, #tpu.memory_space<hbm>>, %arg5: memref<10000x144xf32, #tpu.memory_space<hbm>>, %arg6: memref<500x144xf32, #tpu.memory_space<hbm>>, %arg7: memref<160000x144xf32, #tpu.memory_space<hbm>>, %arg8: memref<2x10240x144xf32, #tpu.memory_space<hbm>>, %arg9: memref<2x512x144xf32, #tpu.memory_space<hbm>>, %arg10: memref<128xi32, #tpu.memory_space<vmem>>, %arg11: memref<128xi32, #tpu.memory_space<vmem>>, %arg12: memref<128xi32, #tpu.memory_space<vmem>>, %arg13: memref<128x144xf32, #tpu.memory_space<vmem>>, %arg14: memref<10240x144xf32, #tpu.memory_space<vmem_shared>>, %arg15: memref<512x144xf32, #tpu.memory_space<vmem_shared>>) attributes {dimension_semantics = [#tpu.dimension_semantics<core_parallel>, #tpu.dimension_semantics<subcore_parallel>], iteration_bounds = array<i64: 2, 16>, scalar_prefetch = 0 : i64, scratch_operands = 6 : i64, tpu.core_type = #tpu.core_type<sc_vector_subcore>, window_params = [{transform_indices = #map}, {transform_indices = #map}, {transform_indices = #map}, {transform_indices = #map}, {transform_indices = #map}, {transform_indices = #map}, {transform_indices = #map1}, {transform_indices = #map1}]} {
    %mul3A = arith.constant 16 : i32
    %mul3A_0 = arith.muli %arg0, %mul3A : i32
    %add3A = arith.addi %mul3A_0, %arg1 : i32
    %scan3A = arith.constant 0 : i32
    %scan3A_1 = arith.constant 128 : i32
    %scan3A_2 = arith.addi %scan3A, %scan3A_1 : i32
    %scan3A_3 = arith.constant 1 : i32
    scf.for %scan3A_105 = %scan3A to %scan3A_2 step %scan3A_3  : i32 {
      %broadcast_in_dim3A = arith.constant 0.000000e+00 : f32
      %broadcast_in_dim3A_106 = vector.broadcast %broadcast_in_dim3A : f32 to vector<16xf32>
      %swap3A = arith.index_cast %scan3A_105 : i32 to index
      %swap3A_107 = arith.constant 0 : index
      %swap3A_108 = tpu.vector_load %arg13[%swap3A, %swap3A_107] {strides = array<i32>} : memref<128x144xf32, #tpu.memory_space<vmem>>, vector<16xf32>,
      tpu.vector_store %arg13[%swap3A, %swap3A_107], %broadcast_in_dim3A_106 {strides = array<i32>} : memref<128x144xf32, #tpu.memory_space<vmem>>, vector<16xf32>,
      %broadcast_in_dim3A_109 = arith.constant 0.000000e+00 : f32
      %broadcast_in_dim3A_110 = vector.broadcast %broadcast_in_dim3A_109 : f32 to vector<16xf32>
      %swap3A_111 = arith.index_cast %scan3A_105 : i32 to index
      %swap3A_112 = arith.constant 16 : index
      %swap3A_113 = tpu.vector_load %arg13[%swap3A_111, %swap3A_112] {strides = array<i32>} : memref<128x144xf32, #tpu.memory_space<vmem>>, vector<16xf32>,
      tpu.vector_store %arg13[%swap3A_111, %swap3A_112], %broadcast_in_dim3A_110 {strides = array<i32>} : memref<128x144xf32, #tpu.memory_space<vmem>>, vector<16xf32>,
      %broadcast_in_dim3A_114 = arith.constant 0.000000e+00 : f32
      %broadcast_in_dim3A_115 = vector.broadcast %broadcast_in_dim3A_114 : f32 to vector<16xf32>
      %swap3A_116 = arith.index_cast %scan3A_105 : i32 to index
      %swap3A_117 = arith.constant 32 : index
      %swap3A_118 = tpu.vector_load %arg13[%swap3A_116, %swap3A_117] {strides = array<i32>} : memref<128x144xf32, #tpu.memory_space<vmem>>, vector<16xf32>,
      tpu.vector_store %arg13[%swap3A_116, %swap3A_117], %broadcast_in_dim3A_115 {strides = array<i32>} : memref<128x144xf32, #tpu.memory_space<vmem>>, vector<16xf32>,
      %broadcast_in_dim3A_119 = arith.constant 0.000000e+00 : f32
      %broadcast_in_dim3A_120 = vector.broadcast %broadcast_in_dim3A_119 : f32 to vector<16xf32>
      %swap3A_121 = arith.index_cast %scan3A_105 : i32 to index
      %swap3A_122 = arith.constant 48 : index
      %swap3A_123 = tpu.vector_load %arg13[%swap3A_121, %swap3A_122] {strides = array<i32>} : memref<128x144xf32, #tpu.memory_space<vmem>>, vector<16xf32>,
      tpu.vector_store %arg13[%swap3A_121, %swap3A_122], %broadcast_in_dim3A_120 {strides = array<i32>} : memref<128x144xf32, #tpu.memory_space<vmem>>, vector<16xf32>,
      %broadcast_in_dim3A_124 = arith.constant 0.000000e+00 : f32
      %broadcast_in_dim3A_125 = vector.broadcast %broadcast_in_dim3A_124 : f32 to vector<16xf32>
      %swap3A_126 = arith.index_cast %scan3A_105 : i32 to index
      %swap3A_127 = arith.constant 64 : index
      %swap3A_128 = tpu.vector_load %arg13[%swap3A_126, %swap3A_127] {strides = array<i32>} : memref<128x144xf32, #tpu.memory_space<vmem>>, vector<16xf32>,
      tpu.vector_store %arg13[%swap3A_126, %swap3A_127], %broadcast_in_dim3A_125 {strides = array<i32>} : memref<128x144xf32, #tpu.memory_space<vmem>>, vector<16xf32>,
      %broadcast_in_dim3A_129 = arith.constant 0.000000e+00 : f32
      %broadcast_in_dim3A_130 = vector.broadcast %broadcast_in_dim3A_129 : f32 to vector<16xf32>
      %swap3A_131 = arith.index_cast %scan3A_105 : i32 to index
      %swap3A_132 = arith.constant 80 : index
      %swap3A_133 = tpu.vector_load %arg13[%swap3A_131, %swap3A_132] {strides = array<i32>} : memref<128x144xf32, #tpu.memory_space<vmem>>, vector<16xf32>,
      tpu.vector_store %arg13[%swap3A_131, %swap3A_132], %broadcast_in_dim3A_130 {strides = array<i32>} : memref<128x144xf32, #tpu.memory_space<vmem>>, vector<16xf32>,
      %broadcast_in_dim3A_134 = arith.constant 0.000000e+00 : f32
      %broadcast_in_dim3A_135 = vector.broadcast %broadcast_in_dim3A_134 : f32 to vector<16xf32>
      %swap3A_136 = arith.index_cast %scan3A_105 : i32 to index
      %swap3A_137 = arith.constant 96 : index
      %swap3A_138 = tpu.vector_load %arg13[%swap3A_136, %swap3A_137] {strides = array<i32>} : memref<128x144xf32, #tpu.memory_space<vmem>>, vector<16xf32>,
      tpu.vector_store %arg13[%swap3A_136, %swap3A_137], %broadcast_in_dim3A_135 {strides = array<i32>} : memref<128x144xf32, #tpu.memory_space<vmem>>, vector<16xf32>,
      %broadcast_in_dim3A_139 = arith.constant 0.000000e+00 : f32
      %broadcast_in_dim3A_140 = vector.broadcast %broadcast_in_dim3A_139 : f32 to vector<16xf32>
      %swap3A_141 = arith.index_cast %scan3A_105 : i32 to index
      %swap3A_142 = arith.constant 112 : index
      %swap3A_143 = tpu.vector_load %arg13[%swap3A_141, %swap3A_142] {strides = array<i32>} : memref<128x144xf32, #tpu.memory_space<vmem>>, vector<16xf32>,
      tpu.vector_store %arg13[%swap3A_141, %swap3A_142], %broadcast_in_dim3A_140 {strides = array<i32>} : memref<128x144xf32, #tpu.memory_space<vmem>>, vector<16xf32>,
      %broadcast_in_dim3A_144 = arith.constant 0.000000e+00 : f32
      %broadcast_in_dim3A_145 = vector.broadcast %broadcast_in_dim3A_144 : f32 to vector<16xf32>
      %swap3A_146 = arith.index_cast %scan3A_105 : i32 to index
      %swap3A_147 = arith.constant 128 : index
      %swap3A_148 = tpu.vector_load %arg13[%swap3A_146, %swap3A_147] {strides = array<i32>} : memref<128x144xf32, #tpu.memory_space<vmem>>, vector<16xf32>,
      tpu.vector_store %arg13[%swap3A_146, %swap3A_147], %broadcast_in_dim3A_145 {strides = array<i32>} : memref<128x144xf32, #tpu.memory_space<vmem>>, vector<16xf32>,
    }
    %scan3A_4 = arith.constant 128 : i32
    %mul3A_5 = arith.constant 640 : i32
    %mul3A_6 = arith.muli %arg1, %mul3A_5 : i32
    %add3A_7 = arith.constant 0 : i32
    %add3A_8 = arith.addi %mul3A_6, %add3A_7 : i32
    "tpu.region"() ({
      %run_scoped3A = tpu.sem_alloc : memref<!tpu.dma_semaphore, #tpu.memory_space<semaphore_mem>>
      %dma_start3A = arith.constant 0 : i32
      %dma_start3A_105 = arith.constant 0 : i32
      %dma_start3A_106 = tpu.memref_slice %arg13[%dma_start3A, %dma_start3A_105] : memref<128x144xf32, #tpu.memory_space<vmem>> -> memref<128x144xf32, #tpu.memory_space<vmem>>
      %dma_start3A_107 = arith.constant 0 : i32
      %dma_start3A_108 = tpu.memref_slice %arg14[%add3A_8, %dma_start3A_107] : memref<10240x144xf32, #tpu.memory_space<vmem_shared>> -> memref<128x144xf32, #tpu.memory_space<vmem_shared>>
      %dma_start3A_109 = arith.constant 0 : i32
      %dma_start3A_110 = tpu.memref_slice %arg14[%add3A_8, %dma_start3A_109] : memref<10240x144xf32, #tpu.memory_space<vmem_shared>> -> memref<128x144xf32, #tpu.memory_space<vmem_shared>>
      %dma_start3A_111 = arith.constant 0 : i32
      %dma_start3A_112 = arith.constant 0 : i32
      %dma_start3A_113 = tpu.memref_slice %arg13[%dma_start3A_111, %dma_start3A_112] : memref<128x144xf32, #tpu.memory_space<vmem>> -> memref<128x144xf32, #tpu.memory_space<vmem>>
      tpu.enqueue_dma source(%dma_start3A_113 : memref<128x144xf32, #tpu.memory_space<vmem>>) target(%dma_start3A_110 : memref<128x144xf32, #tpu.memory_space<vmem_shared>>) target_semaphore(%run_scoped3A : memref<!tpu.dma_semaphore, #tpu.memory_space<semaphore_mem>>)
      %dma_wait3A = arith.constant 0 : i32
      %dma_wait3A_114 = arith.constant 0 : i32
      %dma_wait3A_115 = tpu.memref_slice %arg13[%dma_wait3A, %dma_wait3A_114] : memref<128x144xf32, #tpu.memory_space<vmem>> -> memref<128x144xf32, #tpu.memory_space<vmem>>
      %dma_wait3A_116 = arith.constant 0 : i32
      %dma_wait3A_117 = tpu.memref_slice %arg14[%add3A_8, %dma_wait3A_116] : memref<10240x144xf32, #tpu.memory_space<vmem_shared>> -> memref<128x144xf32, #tpu.memory_space<vmem_shared>>
      %dma_wait3A_118 = arith.constant 0 : i32
      %dma_wait3A_119 = tpu.memref_slice %arg14[%add3A_8, %dma_wait3A_118] : memref<10240x144xf32, #tpu.memory_space<vmem_shared>> -> memref<128x144xf32, #tpu.memory_space<vmem_shared>>
      %dma_wait3A_120 = arith.constant 0 : i32
      %dma_wait3A_121 = arith.constant 0 : i32
      %dma_wait3A_122 = tpu.memref_slice %arg13[%dma_wait3A_120, %dma_wait3A_121] : memref<128x144xf32, #tpu.memory_space<vmem>> -> memref<128x144xf32, #tpu.memory_space<vmem>>
      tpu.wait_dma2 semaphore(%run_scoped3A : memref<!tpu.dma_semaphore, #tpu.memory_space<semaphore_mem>>) src(%dma_wait3A_122 : memref<128x144xf32, #tpu.memory_space<vmem>>) dst(%dma_wait3A_119 : memref<128x144xf32, #tpu.memory_space<vmem_shared>>)
      tpu.yield
    }) : () -> ()
    %mul3A_9 = arith.constant 640 : i32
    %mul3A_10 = arith.muli %arg1, %mul3A_9 : i32
    %add3A_11 = arith.constant 128 : i32
    %add3A_12 = arith.addi %mul3A_10, %add3A_11 : i32
    "tpu.region"() ({
      %run_scoped3A = tpu.sem_alloc : memref<!tpu.dma_semaphore, #tpu.memory_space<semaphore_mem>>
      %dma_start3A = arith.constant 0 : i32
      %dma_start3A_105 = arith.constant 0 : i32
      %dma_start3A_106 = tpu.memref_slice %arg13[%dma_start3A, %dma_start3A_105] : memref<128x144xf32, #tpu.memory_space<vmem>> -> memref<128x144xf32, #tpu.memory_space<vmem>>
      %dma_start3A_107 = arith.constant 0 : i32
      %dma_start3A_108 = tpu.memref_slice %arg14[%add3A_12, %dma_start3A_107] : memref<10240x144xf32, #tpu.memory_space<vmem_shared>> -> memref<128x144xf32, #tpu.memory_space<vmem_shared>>
      %dma_start3A_109 = arith.constant 0 : i32
      %dma_start3A_110 = tpu.memref_slice %arg14[%add3A_12, %dma_start3A_109] : memref<10240x144xf32, #tpu.memory_space<vmem_shared>> -> memref<128x144xf32, #tpu.memory_space<vmem_shared>>
      %dma_start3A_111 = arith.constant 0 : i32
      %dma_start3A_112 = arith.constant 0 : i32
      %dma_start3A_113 = tpu.memref_slice %arg13[%dma_start3A_111, %dma_start3A_112] : memref<128x144xf32, #tpu.memory_space<vmem>> -> memref<128x144xf32, #tpu.memory_space<vmem>>
      tpu.enqueue_dma source(%dma_start3A_113 : memref<128x144xf32, #tpu.memory_space<vmem>>) target(%dma_start3A_110 : memref<128x144xf32, #tpu.memory_space<vmem_shared>>) target_semaphore(%run_scoped3A : memref<!tpu.dma_semaphore, #tpu.memory_space<semaphore_mem>>)
      %dma_wait3A = arith.constant 0 : i32
      %dma_wait3A_114 = arith.constant 0 : i32
      %dma_wait3A_115 = tpu.memref_slice %arg13[%dma_wait3A, %dma_wait3A_114] : memref<128x144xf32, #tpu.memory_space<vmem>> -> memref<128x144xf32, #tpu.memory_space<vmem>>
      %dma_wait3A_116 = arith.constant 0 : i32
      %dma_wait3A_117 = tpu.memref_slice %arg14[%add3A_12, %dma_wait3A_116] : memref<10240x144xf32, #tpu.memory_space<vmem_shared>> -> memref<128x144xf32, #tpu.memory_space<vmem_shared>>
      %dma_wait3A_118 = arith.constant 0 : i32
      %dma_wait3A_119 = tpu.memref_slice %arg14[%add3A_12, %dma_wait3A_118] : memref<10240x144xf32, #tpu.memory_space<vmem_shared>> -> memref<128x144xf32, #tpu.memory_space<vmem_shared>>
      %dma_wait3A_120 = arith.constant 0 : i32
      %dma_wait3A_121 = arith.constant 0 : i32
      %dma_wait3A_122 = tpu.memref_slice %arg13[%dma_wait3A_120, %dma_wait3A_121] : memref<128x144xf32, #tpu.memory_space<vmem>> -> memref<128x144xf32, #tpu.memory_space<vmem>>
      tpu.wait_dma2 semaphore(%run_scoped3A : memref<!tpu.dma_semaphore, #tpu.memory_space<semaphore_mem>>) src(%dma_wait3A_122 : memref<128x144xf32, #tpu.memory_space<vmem>>) dst(%dma_wait3A_119 : memref<128x144xf32, #tpu.memory_space<vmem_shared>>)
      tpu.yield
    }) : () -> ()
    %mul3A_13 = arith.constant 640 : i32
    %mul3A_14 = arith.muli %arg1, %mul3A_13 : i32
    %add3A_15 = arith.constant 256 : i32
    %add3A_16 = arith.addi %mul3A_14, %add3A_15 : i32
    "tpu.region"() ({
      %run_scoped3A = tpu.sem_alloc : memref<!tpu.dma_semaphore, #tpu.memory_space<semaphore_mem>>
      %dma_start3A = arith.constant 0 : i32
      %dma_start3A_105 = arith.constant 0 : i32
      %dma_start3A_106 = tpu.memref_slice %arg13[%dma_start3A, %dma_start3A_105] : memref<128x144xf32, #tpu.memory_space<vmem>> -> memref<128x144xf32, #tpu.memory_space<vmem>>
      %dma_start3A_107 = arith.constant 0 : i32
      %dma_start3A_108 = tpu.memref_slice %arg14[%add3A_16, %dma_start3A_107] : memref<10240x144xf32, #tpu.memory_space<vmem_shared>> -> memref<128x144xf32, #tpu.memory_space<vmem_shared>>
      %dma_start3A_109 = arith.constant 0 : i32
      %dma_start3A_110 = tpu.memref_slice %arg14[%add3A_16, %dma_start3A_109] : memref<10240x144xf32, #tpu.memory_space<vmem_shared>> -> memref<128x144xf32, #tpu.memory_space<vmem_shared>>
      %dma_start3A_111 = arith.constant 0 : i32
      %dma_start3A_112 = arith.constant 0 : i32
      %dma_start3A_113 = tpu.memref_slice %arg13[%dma_start3A_111, %dma_start3A_112] : memref<128x144xf32, #tpu.memory_space<vmem>> -> memref<128x144xf32, #tpu.memory_space<vmem>>
      tpu.enqueue_dma source(%dma_start3A_113 : memref<128x144xf32, #tpu.memory_space<vmem>>) target(%dma_start3A_110 : memref<128x144xf32, #tpu.memory_space<vmem_shared>>) target_semaphore(%run_scoped3A : memref<!tpu.dma_semaphore, #tpu.memory_space<semaphore_mem>>)
      %dma_wait3A = arith.constant 0 : i32
      %dma_wait3A_114 = arith.constant 0 : i32
      %dma_wait3A_115 = tpu.memref_slice %arg13[%dma_wait3A, %dma_wait3A_114] : memref<128x144xf32, #tpu.memory_space<vmem>> -> memref<128x144xf32, #tpu.memory_space<vmem>>
      %dma_wait3A_116 = arith.constant 0 : i32
      %dma_wait3A_117 = tpu.memref_slice %arg14[%add3A_16, %dma_wait3A_116] : memref<10240x144xf32, #tpu.memory_space<vmem_shared>> -> memref<128x144xf32, #tpu.memory_space<vmem_shared>>
      %dma_wait3A_118 = arith.constant 0 : i32
      %dma_wait3A_119 = tpu.memref_slice %arg14[%add3A_16, %dma_wait3A_118] : memref<10240x144xf32, #tpu.memory_space<vmem_shared>> -> memref<128x144xf32, #tpu.memory_space<vmem_shared>>
      %dma_wait3A_120 = arith.constant 0 : i32
      %dma_wait3A_121 = arith.constant 0 : i32
      %dma_wait3A_122 = tpu.memref_slice %arg13[%dma_wait3A_120, %dma_wait3A_121] : memref<128x144xf32, #tpu.memory_space<vmem>> -> memref<128x144xf32, #tpu.memory_space<vmem>>
      tpu.wait_dma2 semaphore(%run_scoped3A : memref<!tpu.dma_semaphore, #tpu.memory_space<semaphore_mem>>) src(%dma_wait3A_122 : memref<128x144xf32, #tpu.memory_space<vmem>>) dst(%dma_wait3A_119 : memref<128x144xf32, #tpu.memory_space<vmem_shared>>)
      tpu.yield
    }) : () -> ()
    %mul3A_17 = arith.constant 640 : i32
    %mul3A_18 = arith.muli %arg1, %mul3A_17 : i32
    %add3A_19 = arith.constant 384 : i32
    %add3A_20 = arith.addi %mul3A_18, %add3A_19 : i32
    "tpu.region"() ({
      %run_scoped3A = tpu.sem_alloc : memref<!tpu.dma_semaphore, #tpu.memory_space<semaphore_mem>>
      %dma_start3A = arith.constant 0 : i32
      %dma_start3A_105 = arith.constant 0 : i32
      %dma_start3A_106 = tpu.memref_slice %arg13[%dma_start3A, %dma_start3A_105] : memref<128x144xf32, #tpu.memory_space<vmem>> -> memref<128x144xf32, #tpu.memory_space<vmem>>
      %dma_start3A_107 = arith.constant 0 : i32
      %dma_start3A_108 = tpu.memref_slice %arg14[%add3A_20, %dma_start3A_107] : memref<10240x144xf32, #tpu.memory_space<vmem_shared>> -> memref<128x144xf32, #tpu.memory_space<vmem_shared>>
      %dma_start3A_109 = arith.constant 0 : i32
      %dma_start3A_110 = tpu.memref_slice %arg14[%add3A_20, %dma_start3A_109] : memref<10240x144xf32, #tpu.memory_space<vmem_shared>> -> memref<128x144xf32, #tpu.memory_space<vmem_shared>>
      %dma_start3A_111 = arith.constant 0 : i32
      %dma_start3A_112 = arith.constant 0 : i32
      %dma_start3A_113 = tpu.memref_slice %arg13[%dma_start3A_111, %dma_start3A_112] : memref<128x144xf32, #tpu.memory_space<vmem>> -> memref<128x144xf32, #tpu.memory_space<vmem>>
      tpu.enqueue_dma source(%dma_start3A_113 : memref<128x144xf32, #tpu.memory_space<vmem>>) target(%dma_start3A_110 : memref<128x144xf32, #tpu.memory_space<vmem_shared>>) target_semaphore(%run_scoped3A : memref<!tpu.dma_semaphore, #tpu.memory_space<semaphore_mem>>)
      %dma_wait3A = arith.constant 0 : i32
      %dma_wait3A_114 = arith.constant 0 : i32
      %dma_wait3A_115 = tpu.memref_slice %arg13[%dma_wait3A, %dma_wait3A_114] : memref<128x144xf32, #tpu.memory_space<vmem>> -> memref<128x144xf32, #tpu.memory_space<vmem>>
      %dma_wait3A_116 = arith.constant 0 : i32
      %dma_wait3A_117 = tpu.memref_slice %arg14[%add3A_20, %dma_wait3A_116] : memref<10240x144xf32, #tpu.memory_space<vmem_shared>> -> memref<128x144xf32, #tpu.memory_space<vmem_shared>>
      %dma_wait3A_118 = arith.constant 0 : i32
      %dma_wait3A_119 = tpu.memref_slice %arg14[%add3A_20, %dma_wait3A_118] : memref<10240x144xf32, #tpu.memory_space<vmem_shared>> -> memref<128x144xf32, #tpu.memory_space<vmem_shared>>
      %dma_wait3A_120 = arith.constant 0 : i32
      %dma_wait3A_121 = arith.constant 0 : i32
      %dma_wait3A_122 = tpu.memref_slice %arg13[%dma_wait3A_120, %dma_wait3A_121] : memref<128x144xf32, #tpu.memory_space<vmem>> -> memref<128x144xf32, #tpu.memory_space<vmem>>
      tpu.wait_dma2 semaphore(%run_scoped3A : memref<!tpu.dma_semaphore, #tpu.memory_space<semaphore_mem>>) src(%dma_wait3A_122 : memref<128x144xf32, #tpu.memory_space<vmem>>) dst(%dma_wait3A_119 : memref<128x144xf32, #tpu.memory_space<vmem_shared>>)
      tpu.yield
    }) : () -> ()
    %mul3A_21 = arith.constant 640 : i32
    %mul3A_22 = arith.muli %arg1, %mul3A_21 : i32
    %add3A_23 = arith.constant 512 : i32
    %add3A_24 = arith.addi %mul3A_22, %add3A_23 : i32
    "tpu.region"() ({
      %run_scoped3A = tpu.sem_alloc : memref<!tpu.dma_semaphore, #tpu.memory_space<semaphore_mem>>
      %dma_start3A = arith.constant 0 : i32
      %dma_start3A_105 = arith.constant 0 : i32
      %dma_start3A_106 = tpu.memref_slice %arg13[%dma_start3A, %dma_start3A_105] : memref<128x144xf32, #tpu.memory_space<vmem>> -> memref<128x144xf32, #tpu.memory_space<vmem>>
      %dma_start3A_107 = arith.constant 0 : i32
      %dma_start3A_108 = tpu.memref_slice %arg14[%add3A_24, %dma_start3A_107] : memref<10240x144xf32, #tpu.memory_space<vmem_shared>> -> memref<128x144xf32, #tpu.memory_space<vmem_shared>>
      %dma_start3A_109 = arith.constant 0 : i32
      %dma_start3A_110 = tpu.memref_slice %arg14[%add3A_24, %dma_start3A_109] : memref<10240x144xf32, #tpu.memory_space<vmem_shared>> -> memref<128x144xf32, #tpu.memory_space<vmem_shared>>
      %dma_start3A_111 = arith.constant 0 : i32
      %dma_start3A_112 = arith.constant 0 : i32
      %dma_start3A_113 = tpu.memref_slice %arg13[%dma_start3A_111, %dma_start3A_112] : memref<128x144xf32, #tpu.memory_space<vmem>> -> memref<128x144xf32, #tpu.memory_space<vmem>>
      tpu.enqueue_dma source(%dma_start3A_113 : memref<128x144xf32, #tpu.memory_space<vmem>>) target(%dma_start3A_110 : memref<128x144xf32, #tpu.memory_space<vmem_shared>>) target_semaphore(%run_scoped3A : memref<!tpu.dma_semaphore, #tpu.memory_space<semaphore_mem>>)
      %dma_wait3A = arith.constant 0 : i32
      %dma_wait3A_114 = arith.constant 0 : i32
      %dma_wait3A_115 = tpu.memref_slice %arg13[%dma_wait3A, %dma_wait3A_114] : memref<128x144xf32, #tpu.memory_space<vmem>> -> memref<128x144xf32, #tpu.memory_space<vmem>>
      %dma_wait3A_116 = arith.constant 0 : i32
      %dma_wait3A_117 = tpu.memref_slice %arg14[%add3A_24, %dma_wait3A_116] : memref<10240x144xf32, #tpu.memory_space<vmem_shared>> -> memref<128x144xf32, #tpu.memory_space<vmem_shared>>
      %dma_wait3A_118 = arith.constant 0 : i32
      %dma_wait3A_119 = tpu.memref_slice %arg14[%add3A_24, %dma_wait3A_118] : memref<10240x144xf32, #tpu.memory_space<vmem_shared>> -> memref<128x144xf32, #tpu.memory_space<vmem_shared>>
      %dma_wait3A_120 = arith.constant 0 : i32
      %dma_wait3A_121 = arith.constant 0 : i32
      %dma_wait3A_122 = tpu.memref_slice %arg13[%dma_wait3A_120, %dma_wait3A_121] : memref<128x144xf32, #tpu.memory_space<vmem>> -> memref<128x144xf32, #tpu.memory_space<vmem>>
      tpu.wait_dma2 semaphore(%run_scoped3A : memref<!tpu.dma_semaphore, #tpu.memory_space<semaphore_mem>>) src(%dma_wait3A_122 : memref<128x144xf32, #tpu.memory_space<vmem>>) dst(%dma_wait3A_119 : memref<128x144xf32, #tpu.memory_space<vmem_shared>>)
      tpu.yield
    }) : () -> ()
    %mul3A_25 = arith.constant 32 : i32
    %mul3A_26 = arith.muli %arg1, %mul3A_25 : i32
    "tpu.region"() ({
      %run_scoped3A = tpu.sem_alloc : memref<!tpu.dma_semaphore, #tpu.memory_space<semaphore_mem>>
      %dma_start3A = arith.constant 0 : i32
      %dma_start3A_105 = arith.constant 0 : i32
      %dma_start3A_106 = tpu.memref_slice %arg13[%dma_start3A, %dma_start3A_105] : memref<128x144xf32, #tpu.memory_space<vmem>> -> memref<32x144xf32, #tpu.memory_space<vmem>>
      %dma_start3A_107 = arith.constant 0 : i32
      %dma_start3A_108 = tpu.memref_slice %arg15[%mul3A_26, %dma_start3A_107] : memref<512x144xf32, #tpu.memory_space<vmem_shared>> -> memref<32x144xf32, #tpu.memory_space<vmem_shared>>
      %dma_start3A_109 = arith.constant 0 : i32
      %dma_start3A_110 = tpu.memref_slice %arg15[%mul3A_26, %dma_start3A_109] : memref<512x144xf32, #tpu.memory_space<vmem_shared>> -> memref<32x144xf32, #tpu.memory_space<vmem_shared>>
      %dma_start3A_111 = arith.constant 0 : i32
      %dma_start3A_112 = arith.constant 0 : i32
      %dma_start3A_113 = tpu.memref_slice %arg13[%dma_start3A_111, %dma_start3A_112] : memref<128x144xf32, #tpu.memory_space<vmem>> -> memref<32x144xf32, #tpu.memory_space<vmem>>
      tpu.enqueue_dma source(%dma_start3A_113 : memref<32x144xf32, #tpu.memory_space<vmem>>) target(%dma_start3A_110 : memref<32x144xf32, #tpu.memory_space<vmem_shared>>) target_semaphore(%run_scoped3A : memref<!tpu.dma_semaphore, #tpu.memory_space<semaphore_mem>>)
      %dma_wait3A = arith.constant 0 : i32
      %dma_wait3A_114 = arith.constant 0 : i32
      %dma_wait3A_115 = tpu.memref_slice %arg13[%dma_wait3A, %dma_wait3A_114] : memref<128x144xf32, #tpu.memory_space<vmem>> -> memref<32x144xf32, #tpu.memory_space<vmem>>
      %dma_wait3A_116 = arith.constant 0 : i32
      %dma_wait3A_117 = tpu.memref_slice %arg15[%mul3A_26, %dma_wait3A_116] : memref<512x144xf32, #tpu.memory_space<vmem_shared>> -> memref<32x144xf32, #tpu.memory_space<vmem_shared>>
      %dma_wait3A_118 = arith.constant 0 : i32
      %dma_wait3A_119 = tpu.memref_slice %arg15[%mul3A_26, %dma_wait3A_118] : memref<512x144xf32, #tpu.memory_space<vmem_shared>> -> memref<32x144xf32, #tpu.memory_space<vmem_shared>>
      %dma_wait3A_120 = arith.constant 0 : i32
      %dma_wait3A_121 = arith.constant 0 : i32
      %dma_wait3A_122 = tpu.memref_slice %arg13[%dma_wait3A_120, %dma_wait3A_121] : memref<128x144xf32, #tpu.memory_space<vmem>> -> memref<32x144xf32, #tpu.memory_space<vmem>>
      tpu.wait_dma2 semaphore(%run_scoped3A : memref<!tpu.dma_semaphore, #tpu.memory_space<semaphore_mem>>) src(%dma_wait3A_122 : memref<32x144xf32, #tpu.memory_space<vmem>>) dst(%dma_wait3A_119 : memref<32x144xf32, #tpu.memory_space<vmem_shared>>)
      tpu.yield
    }) : () -> ()
    %barrier3A = arith.constant 0 : index
    tpu.barrier barrier_id(%barrier3A)
    %mul3A_27 = arith.constant 1250 : i32
    %mul3A_28 = arith.muli %mul3A_27, %add3A : i32
    %jit3A = arith.constant 32 : i32
    %div3A = arith.divsi %mul3A_28, %jit3A : i32
    %sign3A = arith.constant 0 : i32
    %sign3A_29 = arith.cmpi sgt, %mul3A_28, %sign3A : i32
    %sign3A_30 = arith.extui %sign3A_29 : i1 to i32
    %sign3A_31 = arith.constant 0 : i32
    %sign3A_32 = arith.cmpi slt, %mul3A_28, %sign3A_31 : i32
    %sign3A_33 = arith.extui %sign3A_32 : i1 to i32
    %sign3A_34 = arith.subi %sign3A_30, %sign3A_33 : i32
    %sign3A_35 = arith.constant 0 : i32
    %sign3A_36 = arith.cmpi sgt, %jit3A, %sign3A_35 : i32
    %sign3A_37 = arith.extui %sign3A_36 : i1 to i32
    %sign3A_38 = arith.constant 0 : i32
    %sign3A_39 = arith.cmpi slt, %jit3A, %sign3A_38 : i32
    %sign3A_40 = arith.extui %sign3A_39 : i1 to i32
    %sign3A_41 = arith.subi %sign3A_37, %sign3A_40 : i32
    %ne3A = arith.cmpi ne, %sign3A_34, %sign3A_41 : i32
    %rem3A = arith.remsi %mul3A_28, %jit3A : i32
    %ne3A_42 = arith.constant 0 : i32
    %ne3A_43 = arith.cmpi ne, %rem3A, %ne3A_42 : i32
    %and3A = arith.andi %ne3A, %ne3A_43 : i1
    %sub3A = arith.constant 1 : i32
    %sub3A_44 = arith.subi %div3A, %sub3A : i32
    %select_n3A = arith.select %and3A, %sub3A_44, %div3A : i32
    %add3A_45 = arith.constant 1 : i32
    %add3A_46 = arith.addi %add3A, %add3A_45 : i32
    %mul3A_47 = arith.constant 1250 : i32
    %mul3A_48 = arith.muli %mul3A_47, %add3A_46 : i32
    %jit3A_49 = arith.constant 32 : i32
    %div3A_50 = arith.divsi %mul3A_48, %jit3A_49 : i32
    %sign3A_51 = arith.constant 0 : i32
    %sign3A_52 = arith.cmpi sgt, %mul3A_48, %sign3A_51 : i32
    %sign3A_53 = arith.extui %sign3A_52 : i1 to i32
    %sign3A_54 = arith.constant 0 : i32
    %sign3A_55 = arith.cmpi slt, %mul3A_48, %sign3A_54 : i32
    %sign3A_56 = arith.extui %sign3A_55 : i1 to i32
    %sign3A_57 = arith.subi %sign3A_53, %sign3A_56 : i32
    %sign3A_58 = arith.constant 0 : i32
    %sign3A_59 = arith.cmpi sgt, %jit3A_49, %sign3A_58 : i32
    %sign3A_60 = arith.extui %sign3A_59 : i1 to i32
    %sign3A_61 = arith.constant 0 : i32
    %sign3A_62 = arith.cmpi slt, %jit3A_49, %sign3A_61 : i32
    %sign3A_63 = arith.extui %sign3A_62 : i1 to i32
    %sign3A_64 = arith.subi %sign3A_60, %sign3A_63 : i32
    %ne3A_65 = arith.cmpi ne, %sign3A_57, %sign3A_64 : i32
    %rem3A_66 = arith.remsi %mul3A_48, %jit3A_49 : i32
    %ne3A_67 = arith.constant 0 : i32
    %ne3A_68 = arith.cmpi ne, %rem3A_66, %ne3A_67 : i32
    %and3A_69 = arith.andi %ne3A_65, %ne3A_68 : i1
    %sub3A_70 = arith.constant 1 : i32
    %sub3A_71 = arith.subi %div3A_50, %sub3A_70 : i32
    %select_n3A_72 = arith.select %and3A_69, %sub3A_71, %div3A_50 : i32
    %while3A = arith.subi %select_n3A_72, %select_n3A : i32
    %while3A_73 = arith.addi %select_n3A, %while3A : i32
    %while3A_74 = arith.constant 1 : i32
    %while3A_75 = arith.divsi %while3A, %while3A_74 : i32
    %while3A_76 = arith.muli %while3A_75, %while3A_74 : i32
    %while3A_77 = arith.addi %select_n3A, %while3A_76 : i32
    %while3A_78 = arith.constant 1 : i32
    scf.for %while3A_105 = %select_n3A to %while3A_77 step %while3A_78  : i32 {
      "tpu.region"() ({
        %run_scoped3A = tpu.sem_alloc : memref<!tpu.dma_semaphore, #tpu.memory_space<semaphore_mem>>
        %dma_start3A = arith.constant 0 : i32
        %dma_start3A_111 = tpu.memref_slice %arg2[%while3A_105, %dma_start3A] : memref<1250x128xi32, #tpu.memory_space<hbm>> -> memref<1x128xi32, #tpu.memory_space<hbm>>
        %dma_start3A_112 = tpu.memref_squeeze %dma_start3A_111 : memref<1x128xi32, #tpu.memory_space<hbm>> -> memref<128xi32, #tpu.memory_space<hbm>>
        %dma_start3A_113 = arith.constant 0 : i32
        %dma_start3A_114 = tpu.memref_slice %arg2[%while3A_105, %dma_start3A_113] : memref<1250x128xi32, #tpu.memory_space<hbm>> -> memref<1x128xi32, #tpu.memory_space<hbm>>
        %dma_start3A_115 = tpu.memref_squeeze %dma_start3A_114 : memref<1x128xi32, #tpu.memory_space<hbm>> -> memref<128xi32, #tpu.memory_space<hbm>>
        tpu.enqueue_dma source(%dma_start3A_115 : memref<128xi32, #tpu.memory_space<hbm>>) target(%arg10 : memref<128xi32, #tpu.memory_space<vmem>>) target_semaphore(%run_scoped3A : memref<!tpu.dma_semaphore, #tpu.memory_space<semaphore_mem>>)
        %dma_wait3A = arith.constant 0 : i32
        %dma_wait3A_116 = tpu.memref_slice %arg2[%while3A_105, %dma_wait3A] : memref<1250x128xi32, #tpu.memory_space<hbm>> -> memref<1x128xi32, #tpu.memory_space<hbm>>
        %dma_wait3A_117 = tpu.memref_squeeze %dma_wait3A_116 : memref<1x128xi32, #tpu.memory_space<hbm>> -> memref<128xi32, #tpu.memory_space<hbm>>
        %dma_wait3A_118 = arith.constant 0 : i32
        %dma_wait3A_119 = tpu.memref_slice %arg2[%while3A_105, %dma_wait3A_118] : memref<1250x128xi32, #tpu.memory_space<hbm>> -> memref<1x128xi32, #tpu.memory_space<hbm>>
        %dma_wait3A_120 = tpu.memref_squeeze %dma_wait3A_119 : memref<1x128xi32, #tpu.memory_space<hbm>> -> memref<128xi32, #tpu.memory_space<hbm>>
        tpu.wait_dma2 semaphore(%run_scoped3A : memref<!tpu.dma_semaphore, #tpu.memory_space<semaphore_mem>>) src(%dma_wait3A_120 : memref<128xi32, #tpu.memory_space<hbm>>) dst(%arg10 : memref<128xi32, #tpu.memory_space<vmem>>)
        tpu.yield
      }) : () -> ()
      "tpu.region"() ({
        %run_scoped3A = tpu.sem_alloc : memref<!tpu.dma_semaphore, #tpu.memory_space<semaphore_mem>>
        %dma_start3A = arith.constant 0 : i32
        %dma_start3A_111 = tpu.memref_slice %arg3[%while3A_105, %dma_start3A] : memref<1250x128xi32, #tpu.memory_space<hbm>> -> memref<1x128xi32, #tpu.memory_space<hbm>>
        %dma_start3A_112 = tpu.memref_squeeze %dma_start3A_111 : memref<1x128xi32, #tpu.memory_space<hbm>> -> memref<128xi32, #tpu.memory_space<hbm>>
        %dma_start3A_113 = arith.constant 0 : i32
        %dma_start3A_114 = tpu.memref_slice %arg3[%while3A_105, %dma_start3A_113] : memref<1250x128xi32, #tpu.memory_space<hbm>> -> memref<1x128xi32, #tpu.memory_space<hbm>>
        %dma_start3A_115 = tpu.memref_squeeze %dma_start3A_114 : memref<1x128xi32, #tpu.memory_space<hbm>> -> memref<128xi32, #tpu.memory_space<hbm>>
        tpu.enqueue_dma source(%dma_start3A_115 : memref<128xi32, #tpu.memory_space<hbm>>) target(%arg11 : memref<128xi32, #tpu.memory_space<vmem>>) target_semaphore(%run_scoped3A : memref<!tpu.dma_semaphore, #tpu.memory_space<semaphore_mem>>)
        %dma_wait3A = arith.constant 0 : i32
        %dma_wait3A_116 = tpu.memref_slice %arg3[%while3A_105, %dma_wait3A] : memref<1250x128xi32, #tpu.memory_space<hbm>> -> memref<1x128xi32, #tpu.memory_space<hbm>>
        %dma_wait3A_117 = tpu.memref_squeeze %dma_wait3A_116 : memref<1x128xi32, #tpu.memory_space<hbm>> -> memref<128xi32, #tpu.memory_space<hbm>>
        %dma_wait3A_118 = arith.constant 0 : i32
        %dma_wait3A_119 = tpu.memref_slice %arg3[%while3A_105, %dma_wait3A_118] : memref<1250x128xi32, #tpu.memory_space<hbm>> -> memref<1x128xi32, #tpu.memory_space<hbm>>
        %dma_wait3A_120 = tpu.memref_squeeze %dma_wait3A_119 : memref<1x128xi32, #tpu.memory_space<hbm>> -> memref<128xi32, #tpu.memory_space<hbm>>
        tpu.wait_dma2 semaphore(%run_scoped3A : memref<!tpu.dma_semaphore, #tpu.memory_space<semaphore_mem>>) src(%dma_wait3A_120 : memref<128xi32, #tpu.memory_space<hbm>>) dst(%arg11 : memref<128xi32, #tpu.memory_space<vmem>>)
        tpu.yield
      }) : () -> ()
      "tpu.region"() ({
        %run_scoped3A = tpu.sem_alloc : memref<!tpu.dma_semaphore, #tpu.memory_space<semaphore_mem>>
        %dma_start3A = arith.constant 0 : i32
        %dma_start3A_111 = tpu.memref_slice %arg4[%while3A_105, %dma_start3A] : memref<1250x128xi32, #tpu.memory_space<hbm>> -> memref<1x128xi32, #tpu.memory_space<hbm>>
        %dma_start3A_112 = tpu.memref_squeeze %dma_start3A_111 : memref<1x128xi32, #tpu.memory_space<hbm>> -> memref<128xi32, #tpu.memory_space<hbm>>
        %dma_start3A_113 = arith.constant 0 : i32
        %dma_start3A_114 = tpu.memref_slice %arg4[%while3A_105, %dma_start3A_113] : memref<1250x128xi32, #tpu.memory_space<hbm>> -> memref<1x128xi32, #tpu.memory_space<hbm>>
        %dma_start3A_115 = tpu.memref_squeeze %dma_start3A_114 : memref<1x128xi32, #tpu.memory_space<hbm>> -> memref<128xi32, #tpu.memory_space<hbm>>
        tpu.enqueue_dma source(%dma_start3A_115 : memref<128xi32, #tpu.memory_space<hbm>>) target(%arg12 : memref<128xi32, #tpu.memory_space<vmem>>) target_semaphore(%run_scoped3A : memref<!tpu.dma_semaphore, #tpu.memory_space<semaphore_mem>>)
        %dma_wait3A = arith.constant 0 : i32
        %dma_wait3A_116 = tpu.memref_slice %arg4[%while3A_105, %dma_wait3A] : memref<1250x128xi32, #tpu.memory_space<hbm>> -> memref<1x128xi32, #tpu.memory_space<hbm>>
        %dma_wait3A_117 = tpu.memref_squeeze %dma_wait3A_116 : memref<1x128xi32, #tpu.memory_space<hbm>> -> memref<128xi32, #tpu.memory_space<hbm>>
        %dma_wait3A_118 = arith.constant 0 : i32
        %dma_wait3A_119 = tpu.memref_slice %arg4[%while3A_105, %dma_wait3A_118] : memref<1250x128xi32, #tpu.memory_space<hbm>> -> memref<1x128xi32, #tpu.memory_space<hbm>>
        %dma_wait3A_120 = tpu.memref_squeeze %dma_wait3A_119 : memref<1x128xi32, #tpu.memory_space<hbm>> -> memref<128xi32, #tpu.memory_space<hbm>>
        tpu.wait_dma2 semaphore(%run_scoped3A : memref<!tpu.dma_semaphore, #tpu.memory_space<semaphore_mem>>) src(%dma_wait3A_120 : memref<128xi32, #tpu.memory_space<hbm>>) dst(%arg12 : memref<128xi32, #tpu.memory_space<vmem>>)
        tpu.yield
      }) : () -> ()
      "tpu.region"() ({
        %run_scoped3A = tpu.sem_alloc : memref<!tpu.dma_semaphore, #tpu.memory_space<semaphore_mem>>
        %dma_start3A = arith.constant 0 : i32
        %dma_start3A_111 = arith.constant 0 : i32
        %dma_start3A_112 = tpu.memref_slice %arg5[%dma_start3A, %dma_start3A_111] : memref<10000x144xf32, #tpu.memory_space<hbm>> -> memref<10000x144xf32, #tpu.memory_space<hbm>>
        tpu.enqueue_indirect_dma source(%dma_start3A_112 : memref<10000x144xf32, #tpu.memory_space<hbm>>) target(%arg13 : memref<128x144xf32, #tpu.memory_space<vmem>>) offsets(%arg10 : memref<128xi32, #tpu.memory_space<vmem>>) semaphore(%run_scoped3A : memref<!tpu.dma_semaphore, #tpu.memory_space<semaphore_mem>>)
        %dma_wait3A = arith.constant 0 : i32
        %dma_wait3A_113 = arith.constant 0 : i32
        %dma_wait3A_114 = tpu.memref_slice %arg5[%dma_wait3A, %dma_wait3A_113] : memref<10000x144xf32, #tpu.memory_space<hbm>> -> memref<10000x144xf32, #tpu.memory_space<hbm>>
        tpu.wait_indirect_dma semaphore(%run_scoped3A : memref<!tpu.dma_semaphore, #tpu.memory_space<semaphore_mem>>) src(%dma_wait3A_114 : memref<10000x144xf32, #tpu.memory_space<hbm>>) dst(%arg13 : memref<128x144xf32, #tpu.memory_space<vmem>>)
        tpu.yield
      }) : () -> ()
      "tpu.region"() ({
        %run_scoped3A = tpu.sem_alloc : memref<!tpu.dma_semaphore, #tpu.memory_space<semaphore_mem>>
        %dma_start3A = arith.constant 0 : i32
        %dma_start3A_111 = arith.constant 0 : i32
        %dma_start3A_112 = tpu.memref_slice %arg6[%dma_start3A, %dma_start3A_111] : memref<500x144xf32, #tpu.memory_space<hbm>> -> memref<500x144xf32, #tpu.memory_space<hbm>>
        tpu.enqueue_indirect_dma source(%dma_start3A_112 : memref<500x144xf32, #tpu.memory_space<hbm>>) target(%arg13 : memref<128x144xf32, #tpu.memory_space<vmem>>) offsets(%arg11 : memref<128xi32, #tpu.memory_space<vmem>>) semaphore(%run_scoped3A : memref<!tpu.dma_semaphore, #tpu.memory_space<semaphore_mem>>) {add = true}
        %dma_wait3A = arith.constant 0 : i32
        %dma_wait3A_113 = arith.constant 0 : i32
        %dma_wait3A_114 = tpu.memref_slice %arg6[%dma_wait3A, %dma_wait3A_113] : memref<500x144xf32, #tpu.memory_space<hbm>> -> memref<500x144xf32, #tpu.memory_space<hbm>>
        tpu.wait_indirect_dma semaphore(%run_scoped3A : memref<!tpu.dma_semaphore, #tpu.memory_space<semaphore_mem>>) src(%dma_wait3A_114 : memref<500x144xf32, #tpu.memory_space<hbm>>) dst(%arg13 : memref<128x144xf32, #tpu.memory_space<vmem>>)
        tpu.yield
      }) : () -> ()
      "tpu.region"() ({
        %run_scoped3A = tpu.sem_alloc : memref<!tpu.dma_semaphore, #tpu.memory_space<semaphore_mem>>
        %dma_start3A = arith.constant 0 : i32
        %dma_start3A_111 = arith.constant 0 : i32
        %dma_start3A_112 = tpu.memref_slice %arg7[%dma_start3A, %dma_start3A_111] : memref<160000x144xf32, #tpu.memory_space<hbm>> -> memref<160000x144xf32, #tpu.memory_space<hbm>>
        tpu.enqueue_indirect_dma source(%dma_start3A_112 : memref<160000x144xf32, #tpu.memory_space<hbm>>) target(%arg13 : memref<128x144xf32, #tpu.memory_space<vmem>>) offsets(%arg12 : memref<128xi32, #tpu.memory_space<vmem>>) semaphore(%run_scoped3A : memref<!tpu.dma_semaphore, #tpu.memory_space<semaphore_mem>>) {add = true}
        %dma_wait3A = arith.constant 0 : i32
        %dma_wait3A_113 = arith.constant 0 : i32
        %dma_wait3A_114 = tpu.memref_slice %arg7[%dma_wait3A, %dma_wait3A_113] : memref<160000x144xf32, #tpu.memory_space<hbm>> -> memref<160000x144xf32, #tpu.memory_space<hbm>>
        tpu.wait_indirect_dma semaphore(%run_scoped3A : memref<!tpu.dma_semaphore, #tpu.memory_space<semaphore_mem>>) src(%dma_wait3A_114 : memref<160000x144xf32, #tpu.memory_space<hbm>>) dst(%arg13 : memref<128x144xf32, #tpu.memory_space<vmem>>)
        tpu.yield
      }) : () -> ()
      %scan3A_106 = arith.constant 0 : i32
      %scan3A_107 = arith.constant 128 : i32
      %scan3A_108 = arith.addi %scan3A_106, %scan3A_107 : i32
      %scan3A_109 = arith.constant 1 : i32
      scf.for %scan3A_111 = %scan3A_106 to %scan3A_108 step %scan3A_109  : i32 {
        %get3A = arith.index_cast %scan3A_111 : i32 to index
        %get3A_112 = arith.constant 128 : index
        %get3A_113 = tpu.vector_load %arg13[%get3A, %get3A_112] {strides = array<i32>} : memref<128x144xf32, #tpu.memory_space<vmem>>, vector<16xf32>,
        %slice3A = vector.extract_strided_slice %get3A_113 {offsets = [0], sizes = [1], strides = [1]} : vector<16xf32> to vector<1xf32>
        %squeeze3A = vector.extract %slice3A[0] : f32 from vector<1xf32>
        %broadcast_in_dim3A = vector.broadcast %squeeze3A : f32 to vector<16xf32>
        %gt3A = arith.constant 0.000000e+00 : f32
        %gt3A_114 = vector.broadcast %gt3A : f32 to vector<16xf32>
        %gt3A_115 = arith.cmpf ogt, %broadcast_in_dim3A, %gt3A_114 : vector<16xf32>
        %mul3A_116 = arith.constant 2.000000e-01 : f32
        %mul3A_117 = vector.broadcast %mul3A_116 : f32 to vector<16xf32>
        %mul3A_118 = arith.mulf %mul3A_117, %broadcast_in_dim3A : vector<16xf32>
        %select_n3A_119 = arith.select %gt3A_115, %broadcast_in_dim3A, %mul3A_118 : vector<16xi1>, vector<16xf32>
        %neg3A = arith.constant 0.000000e+00 : f32
        %neg3A_120 = vector.broadcast %neg3A : f32 to vector<16xf32>
        %neg3A_121 = arith.subf %neg3A_120, %select_n3A_119 : vector<16xf32>
        %exp3A = math.exp %neg3A_121 : vector<16xf32>
        %get3A_122 = arith.index_cast %scan3A_111 : i32 to index
        %get3A_123 = arith.constant 0 : index
        %get3A_124 = tpu.vector_load %arg13[%get3A_122, %get3A_123] {strides = array<i32>} : memref<128x144xf32, #tpu.memory_space<vmem>>, vector<16xf32>,
        %mul3A_125 = arith.mulf %get3A_124, %exp3A : vector<16xf32>
        %swap3A = arith.index_cast %scan3A_111 : i32 to index
        %swap3A_126 = arith.constant 0 : index
        %swap3A_127 = tpu.vector_load %arg13[%swap3A, %swap3A_126] {strides = array<i32>} : memref<128x144xf32, #tpu.memory_space<vmem>>, vector<16xf32>,
        tpu.vector_store %arg13[%swap3A, %swap3A_126], %mul3A_125 {strides = array<i32>} : memref<128x144xf32, #tpu.memory_space<vmem>>, vector<16xf32>,
        %get3A_128 = arith.index_cast %scan3A_111 : i32 to index
        %get3A_129 = arith.constant 16 : index
        %get3A_130 = tpu.vector_load %arg13[%get3A_128, %get3A_129] {strides = array<i32>} : memref<128x144xf32, #tpu.memory_space<vmem>>, vector<16xf32>,
        %mul3A_131 = arith.mulf %get3A_130, %exp3A : vector<16xf32>
        %swap3A_132 = arith.index_cast %scan3A_111 : i32 to index
        %swap3A_133 = arith.constant 16 : index
        %swap3A_134 = tpu.vector_load %arg13[%swap3A_132, %swap3A_133] {strides = array<i32>} : memref<128x144xf32, #tpu.memory_space<vmem>>, vector<16xf32>,
        tpu.vector_store %arg13[%swap3A_132, %swap3A_133], %mul3A_131 {strides = array<i32>} : memref<128x144xf32, #tpu.memory_space<vmem>>, vector<16xf32>,
        %get3A_135 = arith.index_cast %scan3A_111 : i32 to index
        %get3A_136 = arith.constant 32 : index
        %get3A_137 = tpu.vector_load %arg13[%get3A_135, %get3A_136] {strides = array<i32>} : memref<128x144xf32, #tpu.memory_space<vmem>>, vector<16xf32>,
        %mul3A_138 = arith.mulf %get3A_137, %exp3A : vector<16xf32>
        %swap3A_139 = arith.index_cast %scan3A_111 : i32 to index
        %swap3A_140 = arith.constant 32 : index
        %swap3A_141 = tpu.vector_load %arg13[%swap3A_139, %swap3A_140] {strides = array<i32>} : memref<128x144xf32, #tpu.memory_space<vmem>>, vector<16xf32>,
        tpu.vector_store %arg13[%swap3A_139, %swap3A_140], %mul3A_138 {strides = array<i32>} : memref<128x144xf32, #tpu.memory_space<vmem>>, vector<16xf32>,
        %get3A_142 = arith.index_cast %scan3A_111 : i32 to index
        %get3A_143 = arith.constant 48 : index
        %get3A_144 = tpu.vector_load %arg13[%get3A_142, %get3A_143] {strides = array<i32>} : memref<128x144xf32, #tpu.memory_space<vmem>>, vector<16xf32>,
        %mul3A_145 = arith.mulf %get3A_144, %exp3A : vector<16xf32>
        %swap3A_146 = arith.index_cast %scan3A_111 : i32 to index
        %swap3A_147 = arith.constant 48 : index
        %swap3A_148 = tpu.vector_load %arg13[%swap3A_146, %swap3A_147] {strides = array<i32>} : memref<128x144xf32, #tpu.memory_space<vmem>>, vector<16xf32>,
        tpu.vector_store %arg13[%swap3A_146, %swap3A_147], %mul3A_145 {strides = array<i32>} : memref<128x144xf32, #tpu.memory_space<vmem>>, vector<16xf32>,
        %get3A_149 = arith.index_cast %scan3A_111 : i32 to index
        %get3A_150 = arith.constant 64 : index
        %get3A_151 = tpu.vector_load %arg13[%get3A_149, %get3A_150] {strides = array<i32>} : memref<128x144xf32, #tpu.memory_space<vmem>>, vector<16xf32>,
        %mul3A_152 = arith.mulf %get3A_151, %exp3A : vector<16xf32>
        %swap3A_153 = arith.index_cast %scan3A_111 : i32 to index
        %swap3A_154 = arith.constant 64 : index
        %swap3A_155 = tpu.vector_load %arg13[%swap3A_153, %swap3A_154] {strides = array<i32>} : memref<128x144xf32, #tpu.memory_space<vmem>>, vector<16xf32>,
        tpu.vector_store %arg13[%swap3A_153, %swap3A_154], %mul3A_152 {strides = array<i32>} : memref<128x144xf32, #tpu.memory_space<vmem>>, vector<16xf32>,
        %get3A_156 = arith.index_cast %scan3A_111 : i32 to index
        %get3A_157 = arith.constant 80 : index
        %get3A_158 = tpu.vector_load %arg13[%get3A_156, %get3A_157] {strides = array<i32>} : memref<128x144xf32, #tpu.memory_space<vmem>>, vector<16xf32>,
        %mul3A_159 = arith.mulf %get3A_158, %exp3A : vector<16xf32>
        %swap3A_160 = arith.index_cast %scan3A_111 : i32 to index
        %swap3A_161 = arith.constant 80 : index
        %swap3A_162 = tpu.vector_load %arg13[%swap3A_160, %swap3A_161] {strides = array<i32>} : memref<128x144xf32, #tpu.memory_space<vmem>>, vector<16xf32>,
        tpu.vector_store %arg13[%swap3A_160, %swap3A_161], %mul3A_159 {strides = array<i32>} : memref<128x144xf32, #tpu.memory_space<vmem>>, vector<16xf32>,
        %get3A_163 = arith.index_cast %scan3A_111 : i32 to index
        %get3A_164 = arith.constant 96 : index
        %get3A_165 = tpu.vector_load %arg13[%get3A_163, %get3A_164] {strides = array<i32>} : memref<128x144xf32, #tpu.memory_space<vmem>>, vector<16xf32>,
        %mul3A_166 = arith.mulf %get3A_165, %exp3A : vector<16xf32>
        %swap3A_167 = arith.index_cast %scan3A_111 : i32 to index
        %swap3A_168 = arith.constant 96 : index
        %swap3A_169 = tpu.vector_load %arg13[%swap3A_167, %swap3A_168] {strides = array<i32>} : memref<128x144xf32, #tpu.memory_space<vmem>>, vector<16xf32>,
        tpu.vector_store %arg13[%swap3A_167, %swap3A_168], %mul3A_166 {strides = array<i32>} : memref<128x144xf32, #tpu.memory_space<vmem>>, vector<16xf32>,
        %get3A_170 = arith.index_cast %scan3A_111 : i32 to index
        %get3A_171 = arith.constant 112 : index
        %get3A_172 = tpu.vector_load %arg13[%get3A_170, %get3A_171] {strides = array<i32>} : memref<128x144xf32, #tpu.memory_space<vmem>>, vector<16xf32>,
        %mul3A_173 = arith.mulf %get3A_172, %exp3A : vector<16xf32>
        %swap3A_174 = arith.index_cast %scan3A_111 : i32 to index
        %swap3A_175 = arith.constant 112 : index
        %swap3A_176 = tpu.vector_load %arg13[%swap3A_174, %swap3A_175] {strides = array<i32>} : memref<128x144xf32, #tpu.memory_space<vmem>>, vector<16xf32>,
        tpu.vector_store %arg13[%swap3A_174, %swap3A_175], %mul3A_173 {strides = array<i32>} : memref<128x144xf32, #tpu.memory_space<vmem>>, vector<16xf32>,
        %swap3A_177 = arith.index_cast %scan3A_111 : i32 to index
        %swap3A_178 = arith.constant 128 : index
        %swap3A_179 = tpu.vector_load %arg13[%swap3A_177, %swap3A_178] {strides = array<i32>} : memref<128x144xf32, #tpu.memory_space<vmem>>, vector<16xf32>,
        tpu.vector_store %arg13[%swap3A_177, %swap3A_178], %exp3A {strides = array<i32>} : memref<128x144xf32, #tpu.memory_space<vmem>>, vector<16xf32>,
      }
      %scan3A_110 = arith.constant 128 : i32
      "tpu.region"() ({
        %run_scoped3A = tpu.sem_alloc : memref<!tpu.dma_semaphore, #tpu.memory_space<semaphore_mem>>
        %dma_start3A = arith.constant 0 : i32
        %dma_start3A_111 = arith.constant 0 : i32
        %dma_start3A_112 = tpu.memref_slice %arg14[%dma_start3A, %dma_start3A_111] : memref<10240x144xf32, #tpu.memory_space<vmem_shared>> -> memref<10240x144xf32, #tpu.memory_space<vmem_shared>>
        tpu.enqueue_indirect_dma source(%arg13 : memref<128x144xf32, #tpu.memory_space<vmem>>) target(%dma_start3A_112 : memref<10240x144xf32, #tpu.memory_space<vmem_shared>>) offsets(%arg10 : memref<128xi32, #tpu.memory_space<vmem>>) semaphore(%run_scoped3A : memref<!tpu.dma_semaphore, #tpu.memory_space<semaphore_mem>>) {add = true}
        %dma_wait3A = arith.constant 0 : i32
        %dma_wait3A_113 = arith.constant 0 : i32
        %dma_wait3A_114 = tpu.memref_slice %arg14[%dma_wait3A, %dma_wait3A_113] : memref<10240x144xf32, #tpu.memory_space<vmem_shared>> -> memref<10240x144xf32, #tpu.memory_space<vmem_shared>>
        tpu.wait_indirect_dma semaphore(%run_scoped3A : memref<!tpu.dma_semaphore, #tpu.memory_space<semaphore_mem>>) src(%arg13 : memref<128x144xf32, #tpu.memory_space<vmem>>) dst(%dma_wait3A_114 : memref<10240x144xf32, #tpu.memory_space<vmem_shared>>)
        tpu.yield
      }) : () -> ()
      "tpu.region"() ({
        %run_scoped3A = tpu.sem_alloc : memref<!tpu.dma_semaphore, #tpu.memory_space<semaphore_mem>>
        %dma_start3A = arith.constant 0 : i32
        %dma_start3A_111 = arith.constant 0 : i32
        %dma_start3A_112 = tpu.memref_slice %arg15[%dma_start3A, %dma_start3A_111] : memref<512x144xf32, #tpu.memory_space<vmem_shared>> -> memref<512x144xf32, #tpu.memory_space<vmem_shared>>
        tpu.enqueue_indirect_dma source(%arg13 : memref<128x144xf32, #tpu.memory_space<vmem>>) target(%dma_start3A_112 : memref<512x144xf32, #tpu.memory_space<vmem_shared>>) offsets(%arg11 : memref<128xi32, #tpu.memory_space<vmem>>) semaphore(%run_scoped3A : memref<!tpu.dma_semaphore, #tpu.memory_space<semaphore_mem>>) {add = true}
        %dma_wait3A = arith.constant 0 : i32
        %dma_wait3A_113 = arith.constant 0 : i32
        %dma_wait3A_114 = tpu.memref_slice %arg15[%dma_wait3A, %dma_wait3A_113] : memref<512x144xf32, #tpu.memory_space<vmem_shared>> -> memref<512x144xf32, #tpu.memory_space<vmem_shared>>
        tpu.wait_indirect_dma semaphore(%run_scoped3A : memref<!tpu.dma_semaphore, #tpu.memory_space<semaphore_mem>>) src(%arg13 : memref<128x144xf32, #tpu.memory_space<vmem>>) dst(%dma_wait3A_114 : memref<512x144xf32, #tpu.memory_space<vmem_shared>>)
        tpu.yield
      }) : () -> ()
    }
    %while3A_79 = arith.constant 1 : i32
    scf.for %while3A_105 = %while3A_77 to %while3A_73 step %while3A_79  : i32 {
      "tpu.region"() ({
        %run_scoped3A = tpu.sem_alloc : memref<!tpu.dma_semaphore, #tpu.memory_space<semaphore_mem>>
        %dma_start3A = arith.constant 0 : i32
        %dma_start3A_111 = tpu.memref_slice %arg2[%while3A_105, %dma_start3A] : memref<1250x128xi32, #tpu.memory_space<hbm>> -> memref<1x128xi32, #tpu.memory_space<hbm>>
        %dma_start3A_112 = tpu.memref_squeeze %dma_start3A_111 : memref<1x128xi32, #tpu.memory_space<hbm>> -> memref<128xi32, #tpu.memory_space<hbm>>
        %dma_start3A_113 = arith.constant 0 : i32
        %dma_start3A_114 = tpu.memref_slice %arg2[%while3A_105, %dma_start3A_113] : memref<1250x128xi32, #tpu.memory_space<hbm>> -> memref<1x128xi32, #tpu.memory_space<hbm>>
        %dma_start3A_115 = tpu.memref_squeeze %dma_start3A_114 : memref<1x128xi32, #tpu.memory_space<hbm>> -> memref<128xi32, #tpu.memory_space<hbm>>
        tpu.enqueue_dma source(%dma_start3A_115 : memref<128xi32, #tpu.memory_space<hbm>>) target(%arg10 : memref<128xi32, #tpu.memory_space<vmem>>) target_semaphore(%run_scoped3A : memref<!tpu.dma_semaphore, #tpu.memory_space<semaphore_mem>>)
        %dma_wait3A = arith.constant 0 : i32
        %dma_wait3A_116 = tpu.memref_slice %arg2[%while3A_105, %dma_wait3A] : memref<1250x128xi32, #tpu.memory_space<hbm>> -> memref<1x128xi32, #tpu.memory_space<hbm>>
        %dma_wait3A_117 = tpu.memref_squeeze %dma_wait3A_116 : memref<1x128xi32, #tpu.memory_space<hbm>> -> memref<128xi32, #tpu.memory_space<hbm>>
        %dma_wait3A_118 = arith.constant 0 : i32
        %dma_wait3A_119 = tpu.memref_slice %arg2[%while3A_105, %dma_wait3A_118] : memref<1250x128xi32, #tpu.memory_space<hbm>> -> memref<1x128xi32, #tpu.memory_space<hbm>>
        %dma_wait3A_120 = tpu.memref_squeeze %dma_wait3A_119 : memref<1x128xi32, #tpu.memory_space<hbm>> -> memref<128xi32, #tpu.memory_space<hbm>>
        tpu.wait_dma2 semaphore(%run_scoped3A : memref<!tpu.dma_semaphore, #tpu.memory_space<semaphore_mem>>) src(%dma_wait3A_120 : memref<128xi32, #tpu.memory_space<hbm>>) dst(%arg10 : memref<128xi32, #tpu.memory_space<vmem>>)
        tpu.yield
      }) : () -> ()
      "tpu.region"() ({
        %run_scoped3A = tpu.sem_alloc : memref<!tpu.dma_semaphore, #tpu.memory_space<semaphore_mem>>
        %dma_start3A = arith.constant 0 : i32
        %dma_start3A_111 = tpu.memref_slice %arg3[%while3A_105, %dma_start3A] : memref<1250x128xi32, #tpu.memory_space<hbm>> -> memref<1x128xi32, #tpu.memory_space<hbm>>
        %dma_start3A_112 = tpu.memref_squeeze %dma_start3A_111 : memref<1x128xi32, #tpu.memory_space<hbm>> -> memref<128xi32, #tpu.memory_space<hbm>>
        %dma_start3A_113 = arith.constant 0 : i32
        %dma_start3A_114 = tpu.memref_slice %arg3[%while3A_105, %dma_start3A_113] : memref<1250x128xi32, #tpu.memory_space<hbm>> -> memref<1x128xi32, #tpu.memory_space<hbm>>
        %dma_start3A_115 = tpu.memref_squeeze %dma_start3A_114 : memref<1x128xi32, #tpu.memory_space<hbm>> -> memref<128xi32, #tpu.memory_space<hbm>>
        tpu.enqueue_dma source(%dma_start3A_115 : memref<128xi32, #tpu.memory_space<hbm>>) target(%arg11 : memref<128xi32, #tpu.memory_space<vmem>>) target_semaphore(%run_scoped3A : memref<!tpu.dma_semaphore, #tpu.memory_space<semaphore_mem>>)
        %dma_wait3A = arith.constant 0 : i32
        %dma_wait3A_116 = tpu.memref_slice %arg3[%while3A_105, %dma_wait3A] : memref<1250x128xi32, #tpu.memory_space<hbm>> -> memref<1x128xi32, #tpu.memory_space<hbm>>
        %dma_wait3A_117 = tpu.memref_squeeze %dma_wait3A_116 : memref<1x128xi32, #tpu.memory_space<hbm>> -> memref<128xi32, #tpu.memory_space<hbm>>
        %dma_wait3A_118 = arith.constant 0 : i32
        %dma_wait3A_119 = tpu.memref_slice %arg3[%while3A_105, %dma_wait3A_118] : memref<1250x128xi32, #tpu.memory_space<hbm>> -> memref<1x128xi32, #tpu.memory_space<hbm>>
        %dma_wait3A_120 = tpu.memref_squeeze %dma_wait3A_119 : memref<1x128xi32, #tpu.memory_space<hbm>> -> memref<128xi32, #tpu.memory_space<hbm>>
        tpu.wait_dma2 semaphore(%run_scoped3A : memref<!tpu.dma_semaphore, #tpu.memory_space<semaphore_mem>>) src(%dma_wait3A_120 : memref<128xi32, #tpu.memory_space<hbm>>) dst(%arg11 : memref<128xi32, #tpu.memory_space<vmem>>)
        tpu.yield
      }) : () -> ()
      "tpu.region"() ({
        %run_scoped3A = tpu.sem_alloc : memref<!tpu.dma_semaphore, #tpu.memory_space<semaphore_mem>>
        %dma_start3A = arith.constant 0 : i32
        %dma_start3A_111 = tpu.memref_slice %arg4[%while3A_105, %dma_start3A] : memref<1250x128xi32, #tpu.memory_space<hbm>> -> memref<1x128xi32, #tpu.memory_space<hbm>>
        %dma_start3A_112 = tpu.memref_squeeze %dma_start3A_111 : memref<1x128xi32, #tpu.memory_space<hbm>> -> memref<128xi32, #tpu.memory_space<hbm>>
        %dma_start3A_113 = arith.constant 0 : i32
        %dma_start3A_114 = tpu.memref_slice %arg4[%while3A_105, %dma_start3A_113] : memref<1250x128xi32, #tpu.memory_space<hbm>> -> memref<1x128xi32, #tpu.memory_space<hbm>>
        %dma_start3A_115 = tpu.memref_squeeze %dma_start3A_114 : memref<1x128xi32, #tpu.memory_space<hbm>> -> memref<128xi32, #tpu.memory_space<hbm>>
        tpu.enqueue_dma source(%dma_start3A_115 : memref<128xi32, #tpu.memory_space<hbm>>) target(%arg12 : memref<128xi32, #tpu.memory_space<vmem>>) target_semaphore(%run_scoped3A : memref<!tpu.dma_semaphore, #tpu.memory_space<semaphore_mem>>)
        %dma_wait3A = arith.constant 0 : i32
        %dma_wait3A_116 = tpu.memref_slice %arg4[%while3A_105, %dma_wait3A] : memref<1250x128xi32, #tpu.memory_space<hbm>> -> memref<1x128xi32, #tpu.memory_space<hbm>>
        %dma_wait3A_117 = tpu.memref_squeeze %dma_wait3A_116 : memref<1x128xi32, #tpu.memory_space<hbm>> -> memref<128xi32, #tpu.memory_space<hbm>>
        %dma_wait3A_118 = arith.constant 0 : i32
        %dma_wait3A_119 = tpu.memref_slice %arg4[%while3A_105, %dma_wait3A_118] : memref<1250x128xi32, #tpu.memory_space<hbm>> -> memref<1x128xi32, #tpu.memory_space<hbm>>
        %dma_wait3A_120 = tpu.memref_squeeze %dma_wait3A_119 : memref<1x128xi32, #tpu.memory_space<hbm>> -> memref<128xi32, #tpu.memory_space<hbm>>
        tpu.wait_dma2 semaphore(%run_scoped3A : memref<!tpu.dma_semaphore, #tpu.memory_space<semaphore_mem>>) src(%dma_wait3A_120 : memref<128xi32, #tpu.memory_space<hbm>>) dst(%arg12 : memref<128xi32, #tpu.memory_space<vmem>>)
        tpu.yield
      }) : () -> ()
      "tpu.region"() ({
        %run_scoped3A = tpu.sem_alloc : memref<!tpu.dma_semaphore, #tpu.memory_space<semaphore_mem>>
        %dma_start3A = arith.constant 0 : i32
        %dma_start3A_111 = arith.constant 0 : i32
        %dma_start3A_112 = tpu.memref_slice %arg5[%dma_start3A, %dma_start3A_111] : memref<10000x144xf32, #tpu.memory_space<hbm>> -> memref<10000x144xf32, #tpu.memory_space<hbm>>
        tpu.enqueue_indirect_dma source(%dma_start3A_112 : memref<10000x144xf32, #tpu.memory_space<hbm>>) target(%arg13 : memref<128x144xf32, #tpu.memory_space<vmem>>) offsets(%arg10 : memref<128xi32, #tpu.memory_space<vmem>>) semaphore(%run_scoped3A : memref<!tpu.dma_semaphore, #tpu.memory_space<semaphore_mem>>)
        %dma_wait3A = arith.constant 0 : i32
        %dma_wait3A_113 = arith.constant 0 : i32
        %dma_wait3A_114 = tpu.memref_slice %arg5[%dma_wait3A, %dma_wait3A_113] : memref<10000x144xf32, #tpu.memory_space<hbm>> -> memref<10000x144xf32, #tpu.memory_space<hbm>>
        tpu.wait_indirect_dma semaphore(%run_scoped3A : memref<!tpu.dma_semaphore, #tpu.memory_space<semaphore_mem>>) src(%dma_wait3A_114 : memref<10000x144xf32, #tpu.memory_space<hbm>>) dst(%arg13 : memref<128x144xf32, #tpu.memory_space<vmem>>)
        tpu.yield
      }) : () -> ()
      "tpu.region"() ({
        %run_scoped3A = tpu.sem_alloc : memref<!tpu.dma_semaphore, #tpu.memory_space<semaphore_mem>>
        %dma_start3A = arith.constant 0 : i32
        %dma_start3A_111 = arith.constant 0 : i32
        %dma_start3A_112 = tpu.memref_slice %arg6[%dma_start3A, %dma_start3A_111] : memref<500x144xf32, #tpu.memory_space<hbm>> -> memref<500x144xf32, #tpu.memory_space<hbm>>
        tpu.enqueue_indirect_dma source(%dma_start3A_112 : memref<500x144xf32, #tpu.memory_space<hbm>>) target(%arg13 : memref<128x144xf32, #tpu.memory_space<vmem>>) offsets(%arg11 : memref<128xi32, #tpu.memory_space<vmem>>) semaphore(%run_scoped3A : memref<!tpu.dma_semaphore, #tpu.memory_space<semaphore_mem>>) {add = true}
        %dma_wait3A = arith.constant 0 : i32
        %dma_wait3A_113 = arith.constant 0 : i32
        %dma_wait3A_114 = tpu.memref_slice %arg6[%dma_wait3A, %dma_wait3A_113] : memref<500x144xf32, #tpu.memory_space<hbm>> -> memref<500x144xf32, #tpu.memory_space<hbm>>
        tpu.wait_indirect_dma semaphore(%run_scoped3A : memref<!tpu.dma_semaphore, #tpu.memory_space<semaphore_mem>>) src(%dma_wait3A_114 : memref<500x144xf32, #tpu.memory_space<hbm>>) dst(%arg13 : memref<128x144xf32, #tpu.memory_space<vmem>>)
        tpu.yield
      }) : () -> ()
      "tpu.region"() ({
        %run_scoped3A = tpu.sem_alloc : memref<!tpu.dma_semaphore, #tpu.memory_space<semaphore_mem>>
        %dma_start3A = arith.constant 0 : i32
        %dma_start3A_111 = arith.constant 0 : i32
        %dma_start3A_112 = tpu.memref_slice %arg7[%dma_start3A, %dma_start3A_111] : memref<160000x144xf32, #tpu.memory_space<hbm>> -> memref<160000x144xf32, #tpu.memory_space<hbm>>
        tpu.enqueue_indirect_dma source(%dma_start3A_112 : memref<160000x144xf32, #tpu.memory_space<hbm>>) target(%arg13 : memref<128x144xf32, #tpu.memory_space<vmem>>) offsets(%arg12 : memref<128xi32, #tpu.memory_space<vmem>>) semaphore(%run_scoped3A : memref<!tpu.dma_semaphore, #tpu.memory_space<semaphore_mem>>) {add = true}
        %dma_wait3A = arith.constant 0 : i32
        %dma_wait3A_113 = arith.constant 0 : i32
        %dma_wait3A_114 = tpu.memref_slice %arg7[%dma_wait3A, %dma_wait3A_113] : memref<160000x144xf32, #tpu.memory_space<hbm>> -> memref<160000x144xf32, #tpu.memory_space<hbm>>
        tpu.wait_indirect_dma semaphore(%run_scoped3A : memref<!tpu.dma_semaphore, #tpu.memory_space<semaphore_mem>>) src(%dma_wait3A_114 : memref<160000x144xf32, #tpu.memory_space<hbm>>) dst(%arg13 : memref<128x144xf32, #tpu.memory_space<vmem>>)
        tpu.yield
      }) : () -> ()
      %scan3A_106 = arith.constant 0 : i32
      %scan3A_107 = arith.constant 128 : i32
      %scan3A_108 = arith.addi %scan3A_106, %scan3A_107 : i32
      %scan3A_109 = arith.constant 1 : i32
      scf.for %scan3A_111 = %scan3A_106 to %scan3A_108 step %scan3A_109  : i32 {
        %get3A = arith.index_cast %scan3A_111 : i32 to index
        %get3A_112 = arith.constant 128 : index
        %get3A_113 = tpu.vector_load %arg13[%get3A, %get3A_112] {strides = array<i32>} : memref<128x144xf32, #tpu.memory_space<vmem>>, vector<16xf32>,
        %slice3A = vector.extract_strided_slice %get3A_113 {offsets = [0], sizes = [1], strides = [1]} : vector<16xf32> to vector<1xf32>
        %squeeze3A = vector.extract %slice3A[0] : f32 from vector<1xf32>
        %broadcast_in_dim3A = vector.broadcast %squeeze3A : f32 to vector<16xf32>
        %gt3A = arith.constant 0.000000e+00 : f32
        %gt3A_114 = vector.broadcast %gt3A : f32 to vector<16xf32>
        %gt3A_115 = arith.cmpf ogt, %broadcast_in_dim3A, %gt3A_114 : vector<16xf32>
        %mul3A_116 = arith.constant 2.000000e-01 : f32
        %mul3A_117 = vector.broadcast %mul3A_116 : f32 to vector<16xf32>
        %mul3A_118 = arith.mulf %mul3A_117, %broadcast_in_dim3A : vector<16xf32>
        %select_n3A_119 = arith.select %gt3A_115, %broadcast_in_dim3A, %mul3A_118 : vector<16xi1>, vector<16xf32>
        %neg3A = arith.constant 0.000000e+00 : f32
        %neg3A_120 = vector.broadcast %neg3A : f32 to vector<16xf32>
        %neg3A_121 = arith.subf %neg3A_120, %select_n3A_119 : vector<16xf32>
        %exp3A = math.exp %neg3A_121 : vector<16xf32>
        %get3A_122 = arith.index_cast %scan3A_111 : i32 to index
        %get3A_123 = arith.constant 0 : index
        %get3A_124 = tpu.vector_load %arg13[%get3A_122, %get3A_123] {strides = array<i32>} : memref<128x144xf32, #tpu.memory_space<vmem>>, vector<16xf32>,
        %mul3A_125 = arith.mulf %get3A_124, %exp3A : vector<16xf32>
        %swap3A = arith.index_cast %scan3A_111 : i32 to index
        %swap3A_126 = arith.constant 0 : index
        %swap3A_127 = tpu.vector_load %arg13[%swap3A, %swap3A_126] {strides = array<i32>} : memref<128x144xf32, #tpu.memory_space<vmem>>, vector<16xf32>,
        tpu.vector_store %arg13[%swap3A, %swap3A_126], %mul3A_125 {strides = array<i32>} : memref<128x144xf32, #tpu.memory_space<vmem>>, vector<16xf32>,
        %get3A_128 = arith.index_cast %scan3A_111 : i32 to index
        %get3A_129 = arith.constant 16 : index
        %get3A_130 = tpu.vector_load %arg13[%get3A_128, %get3A_129] {strides = array<i32>} : memref<128x144xf32, #tpu.memory_space<vmem>>, vector<16xf32>,
        %mul3A_131 = arith.mulf %get3A_130, %exp3A : vector<16xf32>
        %swap3A_132 = arith.index_cast %scan3A_111 : i32 to index
        %swap3A_133 = arith.constant 16 : index
        %swap3A_134 = tpu.vector_load %arg13[%swap3A_132, %swap3A_133] {strides = array<i32>} : memref<128x144xf32, #tpu.memory_space<vmem>>, vector<16xf32>,
        tpu.vector_store %arg13[%swap3A_132, %swap3A_133], %mul3A_131 {strides = array<i32>} : memref<128x144xf32, #tpu.memory_space<vmem>>, vector<16xf32>,
        %get3A_135 = arith.index_cast %scan3A_111 : i32 to index
        %get3A_136 = arith.constant 32 : index
        %get3A_137 = tpu.vector_load %arg13[%get3A_135, %get3A_136] {strides = array<i32>} : memref<128x144xf32, #tpu.memory_space<vmem>>, vector<16xf32>,
        %mul3A_138 = arith.mulf %get3A_137, %exp3A : vector<16xf32>
        %swap3A_139 = arith.index_cast %scan3A_111 : i32 to index
        %swap3A_140 = arith.constant 32 : index
        %swap3A_141 = tpu.vector_load %arg13[%swap3A_139, %swap3A_140] {strides = array<i32>} : memref<128x144xf32, #tpu.memory_space<vmem>>, vector<16xf32>,
        tpu.vector_store %arg13[%swap3A_139, %swap3A_140], %mul3A_138 {strides = array<i32>} : memref<128x144xf32, #tpu.memory_space<vmem>>, vector<16xf32>,
        %get3A_142 = arith.index_cast %scan3A_111 : i32 to index
        %get3A_143 = arith.constant 48 : index
        %get3A_144 = tpu.vector_load %arg13[%get3A_142, %get3A_143] {strides = array<i32>} : memref<128x144xf32, #tpu.memory_space<vmem>>, vector<16xf32>,
        %mul3A_145 = arith.mulf %get3A_144, %exp3A : vector<16xf32>
        %swap3A_146 = arith.index_cast %scan3A_111 : i32 to index
        %swap3A_147 = arith.constant 48 : index
        %swap3A_148 = tpu.vector_load %arg13[%swap3A_146, %swap3A_147] {strides = array<i32>} : memref<128x144xf32, #tpu.memory_space<vmem>>, vector<16xf32>,
        tpu.vector_store %arg13[%swap3A_146, %swap3A_147], %mul3A_145 {strides = array<i32>} : memref<128x144xf32, #tpu.memory_space<vmem>>, vector<16xf32>,
        %get3A_149 = arith.index_cast %scan3A_111 : i32 to index
        %get3A_150 = arith.constant 64 : index
        %get3A_151 = tpu.vector_load %arg13[%get3A_149, %get3A_150] {strides = array<i32>} : memref<128x144xf32, #tpu.memory_space<vmem>>, vector<16xf32>,
        %mul3A_152 = arith.mulf %get3A_151, %exp3A : vector<16xf32>
        %swap3A_153 = arith.index_cast %scan3A_111 : i32 to index
        %swap3A_154 = arith.constant 64 : index
        %swap3A_155 = tpu.vector_load %arg13[%swap3A_153, %swap3A_154] {strides = array<i32>} : memref<128x144xf32, #tpu.memory_space<vmem>>, vector<16xf32>,
        tpu.vector_store %arg13[%swap3A_153, %swap3A_154], %mul3A_152 {strides = array<i32>} : memref<128x144xf32, #tpu.memory_space<vmem>>, vector<16xf32>,
        %get3A_156 = arith.index_cast %scan3A_111 : i32 to index
        %get3A_157 = arith.constant 80 : index
        %get3A_158 = tpu.vector_load %arg13[%get3A_156, %get3A_157] {strides = array<i32>} : memref<128x144xf32, #tpu.memory_space<vmem>>, vector<16xf32>,
        %mul3A_159 = arith.mulf %get3A_158, %exp3A : vector<16xf32>
        %swap3A_160 = arith.index_cast %scan3A_111 : i32 to index
        %swap3A_161 = arith.constant 80 : index
        %swap3A_162 = tpu.vector_load %arg13[%swap3A_160, %swap3A_161] {strides = array<i32>} : memref<128x144xf32, #tpu.memory_space<vmem>>, vector<16xf32>,
        tpu.vector_store %arg13[%swap3A_160, %swap3A_161], %mul3A_159 {strides = array<i32>} : memref<128x144xf32, #tpu.memory_space<vmem>>, vector<16xf32>,
        %get3A_163 = arith.index_cast %scan3A_111 : i32 to index
        %get3A_164 = arith.constant 96 : index
        %get3A_165 = tpu.vector_load %arg13[%get3A_163, %get3A_164] {strides = array<i32>} : memref<128x144xf32, #tpu.memory_space<vmem>>, vector<16xf32>,
        %mul3A_166 = arith.mulf %get3A_165, %exp3A : vector<16xf32>
        %swap3A_167 = arith.index_cast %scan3A_111 : i32 to index
        %swap3A_168 = arith.constant 96 : index
        %swap3A_169 = tpu.vector_load %arg13[%swap3A_167, %swap3A_168] {strides = array<i32>} : memref<128x144xf32, #tpu.memory_space<vmem>>, vector<16xf32>,
        tpu.vector_store %arg13[%swap3A_167, %swap3A_168], %mul3A_166 {strides = array<i32>} : memref<128x144xf32, #tpu.memory_space<vmem>>, vector<16xf32>,
        %get3A_170 = arith.index_cast %scan3A_111 : i32 to index
        %get3A_171 = arith.constant 112 : index
        %get3A_172 = tpu.vector_load %arg13[%get3A_170, %get3A_171] {strides = array<i32>} : memref<128x144xf32, #tpu.memory_space<vmem>>, vector<16xf32>,
        %mul3A_173 = arith.mulf %get3A_172, %exp3A : vector<16xf32>
        %swap3A_174 = arith.index_cast %scan3A_111 : i32 to index
        %swap3A_175 = arith.constant 112 : index
        %swap3A_176 = tpu.vector_load %arg13[%swap3A_174, %swap3A_175] {strides = array<i32>} : memref<128x144xf32, #tpu.memory_space<vmem>>, vector<16xf32>,
        tpu.vector_store %arg13[%swap3A_174, %swap3A_175], %mul3A_173 {strides = array<i32>} : memref<128x144xf32, #tpu.memory_space<vmem>>, vector<16xf32>,
        %swap3A_177 = arith.index_cast %scan3A_111 : i32 to index
        %swap3A_178 = arith.constant 128 : index
        %swap3A_179 = tpu.vector_load %arg13[%swap3A_177, %swap3A_178] {strides = array<i32>} : memref<128x144xf32, #tpu.memory_space<vmem>>, vector<16xf32>,
        tpu.vector_store %arg13[%swap3A_177, %swap3A_178], %exp3A {strides = array<i32>} : memref<128x144xf32, #tpu.memory_space<vmem>>, vector<16xf32>,
      }
      %scan3A_110 = arith.constant 128 : i32
      "tpu.region"() ({
        %run_scoped3A = tpu.sem_alloc : memref<!tpu.dma_semaphore, #tpu.memory_space<semaphore_mem>>
        %dma_start3A = arith.constant 0 : i32
        %dma_start3A_111 = arith.constant 0 : i32
        %dma_start3A_112 = tpu.memref_slice %arg14[%dma_start3A, %dma_start3A_111] : memref<10240x144xf32, #tpu.memory_space<vmem_shared>> -> memref<10240x144xf32, #tpu.memory_space<vmem_shared>>
        tpu.enqueue_indirect_dma source(%arg13 : memref<128x144xf32, #tpu.memory_space<vmem>>) target(%dma_start3A_112 : memref<10240x144xf32, #tpu.memory_space<vmem_shared>>) offsets(%arg10 : memref<128xi32, #tpu.memory_space<vmem>>) semaphore(%run_scoped3A : memref<!tpu.dma_semaphore, #tpu.memory_space<semaphore_mem>>) {add = true}
        %dma_wait3A = arith.constant 0 : i32
        %dma_wait3A_113 = arith.constant 0 : i32
        %dma_wait3A_114 = tpu.memref_slice %arg14[%dma_wait3A, %dma_wait3A_113] : memref<10240x144xf32, #tpu.memory_space<vmem_shared>> -> memref<10240x144xf32, #tpu.memory_space<vmem_shared>>
        tpu.wait_indirect_dma semaphore(%run_scoped3A : memref<!tpu.dma_semaphore, #tpu.memory_space<semaphore_mem>>) src(%arg13 : memref<128x144xf32, #tpu.memory_space<vmem>>) dst(%dma_wait3A_114 : memref<10240x144xf32, #tpu.memory_space<vmem_shared>>)
        tpu.yield
      }) : () -> ()
      "tpu.region"() ({
        %run_scoped3A = tpu.sem_alloc : memref<!tpu.dma_semaphore, #tpu.memory_space<semaphore_mem>>
        %dma_start3A = arith.constant 0 : i32
        %dma_start3A_111 = arith.constant 0 : i32
        %dma_start3A_112 = tpu.memref_slice %arg15[%dma_start3A, %dma_start3A_111] : memref<512x144xf32, #tpu.memory_space<vmem_shared>> -> memref<512x144xf32, #tpu.memory_space<vmem_shared>>
        tpu.enqueue_indirect_dma source(%arg13 : memref<128x144xf32, #tpu.memory_space<vmem>>) target(%dma_start3A_112 : memref<512x144xf32, #tpu.memory_space<vmem_shared>>) offsets(%arg11 : memref<128xi32, #tpu.memory_space<vmem>>) semaphore(%run_scoped3A : memref<!tpu.dma_semaphore, #tpu.memory_space<semaphore_mem>>) {add = true}
        %dma_wait3A = arith.constant 0 : i32
        %dma_wait3A_113 = arith.constant 0 : i32
        %dma_wait3A_114 = tpu.memref_slice %arg15[%dma_wait3A, %dma_wait3A_113] : memref<512x144xf32, #tpu.memory_space<vmem_shared>> -> memref<512x144xf32, #tpu.memory_space<vmem_shared>>
        tpu.wait_indirect_dma semaphore(%run_scoped3A : memref<!tpu.dma_semaphore, #tpu.memory_space<semaphore_mem>>) src(%arg13 : memref<128x144xf32, #tpu.memory_space<vmem>>) dst(%dma_wait3A_114 : memref<512x144xf32, #tpu.memory_space<vmem_shared>>)
        tpu.yield
      }) : () -> ()
    }
    %barrier3A_80 = arith.constant 0 : index
    tpu.barrier barrier_id(%barrier3A_80)
    %mul3A_81 = arith.constant 640 : i32
    %mul3A_82 = arith.muli %arg1, %mul3A_81 : i32
    %add3A_83 = arith.constant 0 : i32
    %add3A_84 = arith.addi %mul3A_82, %add3A_83 : i32
    "tpu.region"() ({
      %run_scoped3A = tpu.sem_alloc : memref<!tpu.dma_semaphore, #tpu.memory_space<semaphore_mem>>
      %dma_start3A = arith.constant 0 : i32
      %dma_start3A_105 = tpu.memref_slice %arg8[%arg0, %add3A_84, %dma_start3A] : memref<2x10240x144xf32, #tpu.memory_space<hbm>> -> memref<1x128x144xf32, #tpu.memory_space<hbm>>
      %dma_start3A_106 = tpu.memref_squeeze %dma_start3A_105 : memref<1x128x144xf32, #tpu.memory_space<hbm>> -> memref<128x144xf32, #tpu.memory_space<hbm>>
      %dma_start3A_107 = arith.constant 0 : i32
      %dma_start3A_108 = tpu.memref_slice %arg14[%add3A_84, %dma_start3A_107] : memref<10240x144xf32, #tpu.memory_space<vmem_shared>> -> memref<128x144xf32, #tpu.memory_space<vmem_shared>>
      tpu.enqueue_dma source(%dma_start3A_108 : memref<128x144xf32, #tpu.memory_space<vmem_shared>>) target(%dma_start3A_106 : memref<128x144xf32, #tpu.memory_space<hbm>>) target_semaphore(%run_scoped3A : memref<!tpu.dma_semaphore, #tpu.memory_space<semaphore_mem>>)
      %dma_wait3A = arith.constant 0 : i32
      %dma_wait3A_109 = tpu.memref_slice %arg8[%arg0, %add3A_84, %dma_wait3A] : memref<2x10240x144xf32, #tpu.memory_space<hbm>> -> memref<1x128x144xf32, #tpu.memory_space<hbm>>
      %dma_wait3A_110 = tpu.memref_squeeze %dma_wait3A_109 : memref<1x128x144xf32, #tpu.memory_space<hbm>> -> memref<128x144xf32, #tpu.memory_space<hbm>>
      %dma_wait3A_111 = arith.constant 0 : i32
      %dma_wait3A_112 = tpu.memref_slice %arg14[%add3A_84, %dma_wait3A_111] : memref<10240x144xf32, #tpu.memory_space<vmem_shared>> -> memref<128x144xf32, #tpu.memory_space<vmem_shared>>
      tpu.wait_dma2 semaphore(%run_scoped3A : memref<!tpu.dma_semaphore, #tpu.memory_space<semaphore_mem>>) src(%dma_wait3A_112 : memref<128x144xf32, #tpu.memory_space<vmem_shared>>) dst(%dma_wait3A_110 : memref<128x144xf32, #tpu.memory_space<hbm>>)
      tpu.yield
    }) : () -> ()
    %mul3A_85 = arith.constant 640 : i32
    %mul3A_86 = arith.muli %arg1, %mul3A_85 : i32
    %add3A_87 = arith.constant 128 : i32
    %add3A_88 = arith.addi %mul3A_86, %add3A_87 : i32
    "tpu.region"() ({
      %run_scoped3A = tpu.sem_alloc : memref<!tpu.dma_semaphore, #tpu.memory_space<semaphore_mem>>
      %dma_start3A = arith.constant 0 : i32
      %dma_start3A_105 = tpu.memref_slice %arg8[%arg0, %add3A_88, %dma_start3A] : memref<2x10240x144xf32, #tpu.memory_space<hbm>> -> memref<1x128x144xf32, #tpu.memory_space<hbm>>
      %dma_start3A_106 = tpu.memref_squeeze %dma_start3A_105 : memref<1x128x144xf32, #tpu.memory_space<hbm>> -> memref<128x144xf32, #tpu.memory_space<hbm>>
      %dma_start3A_107 = arith.constant 0 : i32
      %dma_start3A_108 = tpu.memref_slice %arg14[%add3A_88, %dma_start3A_107] : memref<10240x144xf32, #tpu.memory_space<vmem_shared>> -> memref<128x144xf32, #tpu.memory_space<vmem_shared>>
      tpu.enqueue_dma source(%dma_start3A_108 : memref<128x144xf32, #tpu.memory_space<vmem_shared>>) target(%dma_start3A_106 : memref<128x144xf32, #tpu.memory_space<hbm>>) target_semaphore(%run_scoped3A : memref<!tpu.dma_semaphore, #tpu.memory_space<semaphore_mem>>)
      %dma_wait3A = arith.constant 0 : i32
      %dma_wait3A_109 = tpu.memref_slice %arg8[%arg0, %add3A_88, %dma_wait3A] : memref<2x10240x144xf32, #tpu.memory_space<hbm>> -> memref<1x128x144xf32, #tpu.memory_space<hbm>>
      %dma_wait3A_110 = tpu.memref_squeeze %dma_wait3A_109 : memref<1x128x144xf32, #tpu.memory_space<hbm>> -> memref<128x144xf32, #tpu.memory_space<hbm>>
      %dma_wait3A_111 = arith.constant 0 : i32
      %dma_wait3A_112 = tpu.memref_slice %arg14[%add3A_88, %dma_wait3A_111] : memref<10240x144xf32, #tpu.memory_space<vmem_shared>> -> memref<128x144xf32, #tpu.memory_space<vmem_shared>>
      tpu.wait_dma2 semaphore(%run_scoped3A : memref<!tpu.dma_semaphore, #tpu.memory_space<semaphore_mem>>) src(%dma_wait3A_112 : memref<128x144xf32, #tpu.memory_space<vmem_shared>>) dst(%dma_wait3A_110 : memref<128x144xf32, #tpu.memory_space<hbm>>)
      tpu.yield
    }) : () -> ()
    %mul3A_89 = arith.constant 640 : i32
    %mul3A_90 = arith.muli %arg1, %mul3A_89 : i32
    %add3A_91 = arith.constant 256 : i32
    %add3A_92 = arith.addi %mul3A_90, %add3A_91 : i32
    "tpu.region"() ({
      %run_scoped3A = tpu.sem_alloc : memref<!tpu.dma_semaphore, #tpu.memory_space<semaphore_mem>>
      %dma_start3A = arith.constant 0 : i32
      %dma_start3A_105 = tpu.memref_slice %arg8[%arg0, %add3A_92, %dma_start3A] : memref<2x10240x144xf32, #tpu.memory_space<hbm>> -> memref<1x128x144xf32, #tpu.memory_space<hbm>>
      %dma_start3A_106 = tpu.memref_squeeze %dma_start3A_105 : memref<1x128x144xf32, #tpu.memory_space<hbm>> -> memref<128x144xf32, #tpu.memory_space<hbm>>
      %dma_start3A_107 = arith.constant 0 : i32
      %dma_start3A_108 = tpu.memref_slice %arg14[%add3A_92, %dma_start3A_107] : memref<10240x144xf32, #tpu.memory_space<vmem_shared>> -> memref<128x144xf32, #tpu.memory_space<vmem_shared>>
      tpu.enqueue_dma source(%dma_start3A_108 : memref<128x144xf32, #tpu.memory_space<vmem_shared>>) target(%dma_start3A_106 : memref<128x144xf32, #tpu.memory_space<hbm>>) target_semaphore(%run_scoped3A : memref<!tpu.dma_semaphore, #tpu.memory_space<semaphore_mem>>)
      %dma_wait3A = arith.constant 0 : i32
      %dma_wait3A_109 = tpu.memref_slice %arg8[%arg0, %add3A_92, %dma_wait3A] : memref<2x10240x144xf32, #tpu.memory_space<hbm>> -> memref<1x128x144xf32, #tpu.memory_space<hbm>>
      %dma_wait3A_110 = tpu.memref_squeeze %dma_wait3A_109 : memref<1x128x144xf32, #tpu.memory_space<hbm>> -> memref<128x144xf32, #tpu.memory_space<hbm>>
      %dma_wait3A_111 = arith.constant 0 : i32
      %dma_wait3A_112 = tpu.memref_slice %arg14[%add3A_92, %dma_wait3A_111] : memref<10240x144xf32, #tpu.memory_space<vmem_shared>> -> memref<128x144xf32, #tpu.memory_space<vmem_shared>>
      tpu.wait_dma2 semaphore(%run_scoped3A : memref<!tpu.dma_semaphore, #tpu.memory_space<semaphore_mem>>) src(%dma_wait3A_112 : memref<128x144xf32, #tpu.memory_space<vmem_shared>>) dst(%dma_wait3A_110 : memref<128x144xf32, #tpu.memory_space<hbm>>)
      tpu.yield
    }) : () -> ()
    %mul3A_93 = arith.constant 640 : i32
    %mul3A_94 = arith.muli %arg1, %mul3A_93 : i32
    %add3A_95 = arith.constant 384 : i32
    %add3A_96 = arith.addi %mul3A_94, %add3A_95 : i32
    "tpu.region"() ({
      %run_scoped3A = tpu.sem_alloc : memref<!tpu.dma_semaphore, #tpu.memory_space<semaphore_mem>>
      %dma_start3A = arith.constant 0 : i32
      %dma_start3A_105 = tpu.memref_slice %arg8[%arg0, %add3A_96, %dma_start3A] : memref<2x10240x144xf32, #tpu.memory_space<hbm>> -> memref<1x128x144xf32, #tpu.memory_space<hbm>>
      %dma_start3A_106 = tpu.memref_squeeze %dma_start3A_105 : memref<1x128x144xf32, #tpu.memory_space<hbm>> -> memref<128x144xf32, #tpu.memory_space<hbm>>
      %dma_start3A_107 = arith.constant 0 : i32
      %dma_start3A_108 = tpu.memref_slice %arg14[%add3A_96, %dma_start3A_107] : memref<10240x144xf32, #tpu.memory_space<vmem_shared>> -> memref<128x144xf32, #tpu.memory_space<vmem_shared>>
      tpu.enqueue_dma source(%dma_start3A_108 : memref<128x144xf32, #tpu.memory_space<vmem_shared>>) target(%dma_start3A_106 : memref<128x144xf32, #tpu.memory_space<hbm>>) target_semaphore(%run_scoped3A : memref<!tpu.dma_semaphore, #tpu.memory_space<semaphore_mem>>)
      %dma_wait3A = arith.constant 0 : i32
      %dma_wait3A_109 = tpu.memref_slice %arg8[%arg0, %add3A_96, %dma_wait3A] : memref<2x10240x144xf32, #tpu.memory_space<hbm>> -> memref<1x128x144xf32, #tpu.memory_space<hbm>>
      %dma_wait3A_110 = tpu.memref_squeeze %dma_wait3A_109 : memref<1x128x144xf32, #tpu.memory_space<hbm>> -> memref<128x144xf32, #tpu.memory_space<hbm>>
      %dma_wait3A_111 = arith.constant 0 : i32
      %dma_wait3A_112 = tpu.memref_slice %arg14[%add3A_96, %dma_wait3A_111] : memref<10240x144xf32, #tpu.memory_space<vmem_shared>> -> memref<128x144xf32, #tpu.memory_space<vmem_shared>>
      tpu.wait_dma2 semaphore(%run_scoped3A : memref<!tpu.dma_semaphore, #tpu.memory_space<semaphore_mem>>) src(%dma_wait3A_112 : memref<128x144xf32, #tpu.memory_space<vmem_shared>>) dst(%dma_wait3A_110 : memref<128x144xf32, #tpu.memory_space<hbm>>)
      tpu.yield
    }) : () -> ()
    %mul3A_97 = arith.constant 640 : i32
    %mul3A_98 = arith.muli %arg1, %mul3A_97 : i32
    %add3A_99 = arith.constant 512 : i32
    %add3A_100 = arith.addi %mul3A_98, %add3A_99 : i32
    "tpu.region"() ({
      %run_scoped3A = tpu.sem_alloc : memref<!tpu.dma_semaphore, #tpu.memory_space<semaphore_mem>>
      %dma_start3A = arith.constant 0 : i32
      %dma_start3A_105 = tpu.memref_slice %arg8[%arg0, %add3A_100, %dma_start3A] : memref<2x10240x144xf32, #tpu.memory_space<hbm>> -> memref<1x128x144xf32, #tpu.memory_space<hbm>>
      %dma_start3A_106 = tpu.memref_squeeze %dma_start3A_105 : memref<1x128x144xf32, #tpu.memory_space<hbm>> -> memref<128x144xf32, #tpu.memory_space<hbm>>
      %dma_start3A_107 = arith.constant 0 : i32
      %dma_start3A_108 = tpu.memref_slice %arg14[%add3A_100, %dma_start3A_107] : memref<10240x144xf32, #tpu.memory_space<vmem_shared>> -> memref<128x144xf32, #tpu.memory_space<vmem_shared>>
      tpu.enqueue_dma source(%dma_start3A_108 : memref<128x144xf32, #tpu.memory_space<vmem_shared>>) target(%dma_start3A_106 : memref<128x144xf32, #tpu.memory_space<hbm>>) target_semaphore(%run_scoped3A : memref<!tpu.dma_semaphore, #tpu.memory_space<semaphore_mem>>)
      %dma_wait3A = arith.constant 0 : i32
      %dma_wait3A_109 = tpu.memref_slice %arg8[%arg0, %add3A_100, %dma_wait3A] : memref<2x10240x144xf32, #tpu.memory_space<hbm>> -> memref<1x128x144xf32, #tpu.memory_space<hbm>>
      %dma_wait3A_110 = tpu.memref_squeeze %dma_wait3A_109 : memref<1x128x144xf32, #tpu.memory_space<hbm>> -> memref<128x144xf32, #tpu.memory_space<hbm>>
      %dma_wait3A_111 = arith.constant 0 : i32
      %dma_wait3A_112 = tpu.memref_slice %arg14[%add3A_100, %dma_wait3A_111] : memref<10240x144xf32, #tpu.memory_space<vmem_shared>> -> memref<128x144xf32, #tpu.memory_space<vmem_shared>>
      tpu.wait_dma2 semaphore(%run_scoped3A : memref<!tpu.dma_semaphore, #tpu.memory_space<semaphore_mem>>) src(%dma_wait3A_112 : memref<128x144xf32, #tpu.memory_space<vmem_shared>>) dst(%dma_wait3A_110 : memref<128x144xf32, #tpu.memory_space<hbm>>)
      tpu.yield
    }) : () -> ()
    %mul3A_101 = arith.constant 32 : i32
    %mul3A_102 = arith.muli %arg1, %mul3A_101 : i32
    %mul3A_103 = arith.constant 32 : i32
    %mul3A_104 = arith.muli %arg1, %mul3A_103 : i32
    "tpu.region"() ({
      %run_scoped3A = tpu.sem_alloc : memref<!tpu.dma_semaphore, #tpu.memory_space<semaphore_mem>>
      %dma_start3A = arith.constant 0 : i32
      %dma_start3A_105 = tpu.memref_slice %arg9[%arg0, %mul3A_104, %dma_start3A] : memref<2x512x144xf32, #tpu.memory_space<hbm>> -> memref<1x32x144xf32, #tpu.memory_space<hbm>>
      %dma_start3A_106 = tpu.memref_squeeze %dma_start3A_105 : memref<1x32x144xf32, #tpu.memory_space<hbm>> -> memref<32x144xf32, #tpu.memory_space<hbm>>
      %dma_start3A_107 = arith.constant 0 : i32
      %dma_start3A_108 = tpu.memref_slice %arg15[%mul3A_102, %dma_start3A_107] : memref<512x144xf32, #tpu.memory_space<vmem_shared>> -> memref<32x144xf32, #tpu.memory_space<vmem_shared>>
      tpu.enqueue_dma source(%dma_start3A_108 : memref<32x144xf32, #tpu.memory_space<vmem_shared>>) target(%dma_start3A_106 : memref<32x144xf32, #tpu.memory_space<hbm>>) target_semaphore(%run_scoped3A : memref<!tpu.dma_semaphore, #tpu.memory_space<semaphore_mem>>)
      %dma_wait3A = arith.constant 0 : i32
      %dma_wait3A_109 = tpu.memref_slice %arg9[%arg0, %mul3A_104, %dma_wait3A] : memref<2x512x144xf32, #tpu.memory_space<hbm>> -> memref<1x32x144xf32, #tpu.memory_space<hbm>>
      %dma_wait3A_110 = tpu.memref_squeeze %dma_wait3A_109 : memref<1x32x144xf32, #tpu.memory_space<hbm>> -> memref<32x144xf32, #tpu.memory_space<hbm>>
      %dma_wait3A_111 = arith.constant 0 : i32
      %dma_wait3A_112 = tpu.memref_slice %arg15[%mul3A_102, %dma_wait3A_111] : memref<512x144xf32, #tpu.memory_space<vmem_shared>> -> memref<32x144xf32, #tpu.memory_space<vmem_shared>>
      tpu.wait_dma2 semaphore(%run_scoped3A : memref<!tpu.dma_semaphore, #tpu.memory_space<semaphore_mem>>) src(%dma_wait3A_112 : memref<32x144xf32, #tpu.memory_space<vmem_shared>>) dst(%dma_wait3A_110 : memref<32x144xf32, #tpu.memory_space<hbm>>)
      tpu.yield
    }) : () -> ()
    return
  }
}

#map = affine_map<(d0, d1) -> (0, 0)>
#map1 = affine_map<(d0, d1) -> (0, 0, 0)>
module attributes {stable_mosaic.version = 14 : i64} {
  func.func @edge_pass(%arg0: i32, %arg1: i32, %arg2: memref<1250x128xi32, #tpu.memory_space<hbm>>, %arg3: memref<1250x128xi32, #tpu.memory_space<hbm>>, %arg4: memref<1250x128xi32, #tpu.memory_space<hbm>>, %arg5: memref<10000x144xf32, #tpu.memory_space<hbm>>, %arg6: memref<500x144xf32, #tpu.memory_space<hbm>>, %arg7: memref<500x144xf32, #tpu.memory_space<hbm>>, %arg8: memref<2x10240x144xf32, #tpu.memory_space<hbm>>, %arg9: memref<2x512x144xf32, #tpu.memory_space<hbm>>, %arg10: memref<128xi32, #tpu.memory_space<vmem>>, %arg11: memref<128xi32, #tpu.memory_space<vmem>>, %arg12: memref<128xi32, #tpu.memory_space<vmem>>, %arg13: memref<128x144xf32, #tpu.memory_space<vmem>>, %arg14: memref<10240x144xf32, #tpu.memory_space<vmem_shared>>, %arg15: memref<512x144xf32, #tpu.memory_space<vmem_shared>>) attributes {dimension_semantics = [#tpu.dimension_semantics<core_parallel>, #tpu.dimension_semantics<subcore_parallel>], iteration_bounds = array<i64: 2, 16>, scalar_prefetch = 0 : i64, scratch_operands = 6 : i64, tpu.core_type = #tpu.core_type<sc_vector_subcore>, window_params = [{transform_indices = #map}, {transform_indices = #map}, {transform_indices = #map}, {transform_indices = #map}, {transform_indices = #map}, {transform_indices = #map}, {transform_indices = #map1}, {transform_indices = #map1}]} {
    %mul3A = arith.constant 16 : i32
    %mul3A_0 = arith.muli %arg0, %mul3A : i32
    %add3A = arith.addi %mul3A_0, %arg1 : i32
    %scan3A = arith.constant 0 : i32
    %scan3A_1 = arith.constant 128 : i32
    %scan3A_2 = arith.addi %scan3A, %scan3A_1 : i32
    %scan3A_3 = arith.constant 1 : i32
    scf.for %scan3A_105 = %scan3A to %scan3A_2 step %scan3A_3  : i32 {
      %broadcast_in_dim3A = arith.constant 0.000000e+00 : f32
      %broadcast_in_dim3A_106 = vector.broadcast %broadcast_in_dim3A : f32 to vector<16xf32>
      %swap3A = arith.index_cast %scan3A_105 : i32 to index
      %swap3A_107 = arith.constant 0 : index
      %swap3A_108 = tpu.vector_load %arg13[%swap3A, %swap3A_107] {strides = array<i32>} : memref<128x144xf32, #tpu.memory_space<vmem>>, vector<16xf32>,
      tpu.vector_store %arg13[%swap3A, %swap3A_107], %broadcast_in_dim3A_106 {strides = array<i32>} : memref<128x144xf32, #tpu.memory_space<vmem>>, vector<16xf32>,
      %broadcast_in_dim3A_109 = arith.constant 0.000000e+00 : f32
      %broadcast_in_dim3A_110 = vector.broadcast %broadcast_in_dim3A_109 : f32 to vector<16xf32>
      %swap3A_111 = arith.index_cast %scan3A_105 : i32 to index
      %swap3A_112 = arith.constant 16 : index
      %swap3A_113 = tpu.vector_load %arg13[%swap3A_111, %swap3A_112] {strides = array<i32>} : memref<128x144xf32, #tpu.memory_space<vmem>>, vector<16xf32>,
      tpu.vector_store %arg13[%swap3A_111, %swap3A_112], %broadcast_in_dim3A_110 {strides = array<i32>} : memref<128x144xf32, #tpu.memory_space<vmem>>, vector<16xf32>,
      %broadcast_in_dim3A_114 = arith.constant 0.000000e+00 : f32
      %broadcast_in_dim3A_115 = vector.broadcast %broadcast_in_dim3A_114 : f32 to vector<16xf32>
      %swap3A_116 = arith.index_cast %scan3A_105 : i32 to index
      %swap3A_117 = arith.constant 32 : index
      %swap3A_118 = tpu.vector_load %arg13[%swap3A_116, %swap3A_117] {strides = array<i32>} : memref<128x144xf32, #tpu.memory_space<vmem>>, vector<16xf32>,
      tpu.vector_store %arg13[%swap3A_116, %swap3A_117], %broadcast_in_dim3A_115 {strides = array<i32>} : memref<128x144xf32, #tpu.memory_space<vmem>>, vector<16xf32>,
      %broadcast_in_dim3A_119 = arith.constant 0.000000e+00 : f32
      %broadcast_in_dim3A_120 = vector.broadcast %broadcast_in_dim3A_119 : f32 to vector<16xf32>
      %swap3A_121 = arith.index_cast %scan3A_105 : i32 to index
      %swap3A_122 = arith.constant 48 : index
      %swap3A_123 = tpu.vector_load %arg13[%swap3A_121, %swap3A_122] {strides = array<i32>} : memref<128x144xf32, #tpu.memory_space<vmem>>, vector<16xf32>,
      tpu.vector_store %arg13[%swap3A_121, %swap3A_122], %broadcast_in_dim3A_120 {strides = array<i32>} : memref<128x144xf32, #tpu.memory_space<vmem>>, vector<16xf32>,
      %broadcast_in_dim3A_124 = arith.constant 0.000000e+00 : f32
      %broadcast_in_dim3A_125 = vector.broadcast %broadcast_in_dim3A_124 : f32 to vector<16xf32>
      %swap3A_126 = arith.index_cast %scan3A_105 : i32 to index
      %swap3A_127 = arith.constant 64 : index
      %swap3A_128 = tpu.vector_load %arg13[%swap3A_126, %swap3A_127] {strides = array<i32>} : memref<128x144xf32, #tpu.memory_space<vmem>>, vector<16xf32>,
      tpu.vector_store %arg13[%swap3A_126, %swap3A_127], %broadcast_in_dim3A_125 {strides = array<i32>} : memref<128x144xf32, #tpu.memory_space<vmem>>, vector<16xf32>,
      %broadcast_in_dim3A_129 = arith.constant 0.000000e+00 : f32
      %broadcast_in_dim3A_130 = vector.broadcast %broadcast_in_dim3A_129 : f32 to vector<16xf32>
      %swap3A_131 = arith.index_cast %scan3A_105 : i32 to index
      %swap3A_132 = arith.constant 80 : index
      %swap3A_133 = tpu.vector_load %arg13[%swap3A_131, %swap3A_132] {strides = array<i32>} : memref<128x144xf32, #tpu.memory_space<vmem>>, vector<16xf32>,
      tpu.vector_store %arg13[%swap3A_131, %swap3A_132], %broadcast_in_dim3A_130 {strides = array<i32>} : memref<128x144xf32, #tpu.memory_space<vmem>>, vector<16xf32>,
      %broadcast_in_dim3A_134 = arith.constant 0.000000e+00 : f32
      %broadcast_in_dim3A_135 = vector.broadcast %broadcast_in_dim3A_134 : f32 to vector<16xf32>
      %swap3A_136 = arith.index_cast %scan3A_105 : i32 to index
      %swap3A_137 = arith.constant 96 : index
      %swap3A_138 = tpu.vector_load %arg13[%swap3A_136, %swap3A_137] {strides = array<i32>} : memref<128x144xf32, #tpu.memory_space<vmem>>, vector<16xf32>,
      tpu.vector_store %arg13[%swap3A_136, %swap3A_137], %broadcast_in_dim3A_135 {strides = array<i32>} : memref<128x144xf32, #tpu.memory_space<vmem>>, vector<16xf32>,
      %broadcast_in_dim3A_139 = arith.constant 0.000000e+00 : f32
      %broadcast_in_dim3A_140 = vector.broadcast %broadcast_in_dim3A_139 : f32 to vector<16xf32>
      %swap3A_141 = arith.index_cast %scan3A_105 : i32 to index
      %swap3A_142 = arith.constant 112 : index
      %swap3A_143 = tpu.vector_load %arg13[%swap3A_141, %swap3A_142] {strides = array<i32>} : memref<128x144xf32, #tpu.memory_space<vmem>>, vector<16xf32>,
      tpu.vector_store %arg13[%swap3A_141, %swap3A_142], %broadcast_in_dim3A_140 {strides = array<i32>} : memref<128x144xf32, #tpu.memory_space<vmem>>, vector<16xf32>,
      %broadcast_in_dim3A_144 = arith.constant 0.000000e+00 : f32
      %broadcast_in_dim3A_145 = vector.broadcast %broadcast_in_dim3A_144 : f32 to vector<16xf32>
      %swap3A_146 = arith.index_cast %scan3A_105 : i32 to index
      %swap3A_147 = arith.constant 128 : index
      %swap3A_148 = tpu.vector_load %arg13[%swap3A_146, %swap3A_147] {strides = array<i32>} : memref<128x144xf32, #tpu.memory_space<vmem>>, vector<16xf32>,
      tpu.vector_store %arg13[%swap3A_146, %swap3A_147], %broadcast_in_dim3A_145 {strides = array<i32>} : memref<128x144xf32, #tpu.memory_space<vmem>>, vector<16xf32>,
    }
    %scan3A_4 = arith.constant 128 : i32
    %mul3A_5 = arith.constant 640 : i32
    %mul3A_6 = arith.muli %arg1, %mul3A_5 : i32
    %add3A_7 = arith.constant 0 : i32
    %add3A_8 = arith.addi %mul3A_6, %add3A_7 : i32
    "tpu.region"() ({
      %run_scoped3A = tpu.sem_alloc : memref<!tpu.dma_semaphore, #tpu.memory_space<semaphore_mem>>
      %dma_start3A = arith.constant 0 : i32
      %dma_start3A_105 = arith.constant 0 : i32
      %dma_start3A_106 = tpu.memref_slice %arg13[%dma_start3A, %dma_start3A_105] : memref<128x144xf32, #tpu.memory_space<vmem>> -> memref<128x144xf32, #tpu.memory_space<vmem>>
      %dma_start3A_107 = arith.constant 0 : i32
      %dma_start3A_108 = tpu.memref_slice %arg14[%add3A_8, %dma_start3A_107] : memref<10240x144xf32, #tpu.memory_space<vmem_shared>> -> memref<128x144xf32, #tpu.memory_space<vmem_shared>>
      %dma_start3A_109 = arith.constant 0 : i32
      %dma_start3A_110 = tpu.memref_slice %arg14[%add3A_8, %dma_start3A_109] : memref<10240x144xf32, #tpu.memory_space<vmem_shared>> -> memref<128x144xf32, #tpu.memory_space<vmem_shared>>
      %dma_start3A_111 = arith.constant 0 : i32
      %dma_start3A_112 = arith.constant 0 : i32
      %dma_start3A_113 = tpu.memref_slice %arg13[%dma_start3A_111, %dma_start3A_112] : memref<128x144xf32, #tpu.memory_space<vmem>> -> memref<128x144xf32, #tpu.memory_space<vmem>>
      tpu.enqueue_dma source(%dma_start3A_113 : memref<128x144xf32, #tpu.memory_space<vmem>>) target(%dma_start3A_110 : memref<128x144xf32, #tpu.memory_space<vmem_shared>>) target_semaphore(%run_scoped3A : memref<!tpu.dma_semaphore, #tpu.memory_space<semaphore_mem>>)
      %dma_wait3A = arith.constant 0 : i32
      %dma_wait3A_114 = arith.constant 0 : i32
      %dma_wait3A_115 = tpu.memref_slice %arg13[%dma_wait3A, %dma_wait3A_114] : memref<128x144xf32, #tpu.memory_space<vmem>> -> memref<128x144xf32, #tpu.memory_space<vmem>>
      %dma_wait3A_116 = arith.constant 0 : i32
      %dma_wait3A_117 = tpu.memref_slice %arg14[%add3A_8, %dma_wait3A_116] : memref<10240x144xf32, #tpu.memory_space<vmem_shared>> -> memref<128x144xf32, #tpu.memory_space<vmem_shared>>
      %dma_wait3A_118 = arith.constant 0 : i32
      %dma_wait3A_119 = tpu.memref_slice %arg14[%add3A_8, %dma_wait3A_118] : memref<10240x144xf32, #tpu.memory_space<vmem_shared>> -> memref<128x144xf32, #tpu.memory_space<vmem_shared>>
      %dma_wait3A_120 = arith.constant 0 : i32
      %dma_wait3A_121 = arith.constant 0 : i32
      %dma_wait3A_122 = tpu.memref_slice %arg13[%dma_wait3A_120, %dma_wait3A_121] : memref<128x144xf32, #tpu.memory_space<vmem>> -> memref<128x144xf32, #tpu.memory_space<vmem>>
      tpu.wait_dma2 semaphore(%run_scoped3A : memref<!tpu.dma_semaphore, #tpu.memory_space<semaphore_mem>>) src(%dma_wait3A_122 : memref<128x144xf32, #tpu.memory_space<vmem>>) dst(%dma_wait3A_119 : memref<128x144xf32, #tpu.memory_space<vmem_shared>>)
      tpu.yield
    }) : () -> ()
    %mul3A_9 = arith.constant 640 : i32
    %mul3A_10 = arith.muli %arg1, %mul3A_9 : i32
    %add3A_11 = arith.constant 128 : i32
    %add3A_12 = arith.addi %mul3A_10, %add3A_11 : i32
    "tpu.region"() ({
      %run_scoped3A = tpu.sem_alloc : memref<!tpu.dma_semaphore, #tpu.memory_space<semaphore_mem>>
      %dma_start3A = arith.constant 0 : i32
      %dma_start3A_105 = arith.constant 0 : i32
      %dma_start3A_106 = tpu.memref_slice %arg13[%dma_start3A, %dma_start3A_105] : memref<128x144xf32, #tpu.memory_space<vmem>> -> memref<128x144xf32, #tpu.memory_space<vmem>>
      %dma_start3A_107 = arith.constant 0 : i32
      %dma_start3A_108 = tpu.memref_slice %arg14[%add3A_12, %dma_start3A_107] : memref<10240x144xf32, #tpu.memory_space<vmem_shared>> -> memref<128x144xf32, #tpu.memory_space<vmem_shared>>
      %dma_start3A_109 = arith.constant 0 : i32
      %dma_start3A_110 = tpu.memref_slice %arg14[%add3A_12, %dma_start3A_109] : memref<10240x144xf32, #tpu.memory_space<vmem_shared>> -> memref<128x144xf32, #tpu.memory_space<vmem_shared>>
      %dma_start3A_111 = arith.constant 0 : i32
      %dma_start3A_112 = arith.constant 0 : i32
      %dma_start3A_113 = tpu.memref_slice %arg13[%dma_start3A_111, %dma_start3A_112] : memref<128x144xf32, #tpu.memory_space<vmem>> -> memref<128x144xf32, #tpu.memory_space<vmem>>
      tpu.enqueue_dma source(%dma_start3A_113 : memref<128x144xf32, #tpu.memory_space<vmem>>) target(%dma_start3A_110 : memref<128x144xf32, #tpu.memory_space<vmem_shared>>) target_semaphore(%run_scoped3A : memref<!tpu.dma_semaphore, #tpu.memory_space<semaphore_mem>>)
      %dma_wait3A = arith.constant 0 : i32
      %dma_wait3A_114 = arith.constant 0 : i32
      %dma_wait3A_115 = tpu.memref_slice %arg13[%dma_wait3A, %dma_wait3A_114] : memref<128x144xf32, #tpu.memory_space<vmem>> -> memref<128x144xf32, #tpu.memory_space<vmem>>
      %dma_wait3A_116 = arith.constant 0 : i32
      %dma_wait3A_117 = tpu.memref_slice %arg14[%add3A_12, %dma_wait3A_116] : memref<10240x144xf32, #tpu.memory_space<vmem_shared>> -> memref<128x144xf32, #tpu.memory_space<vmem_shared>>
      %dma_wait3A_118 = arith.constant 0 : i32
      %dma_wait3A_119 = tpu.memref_slice %arg14[%add3A_12, %dma_wait3A_118] : memref<10240x144xf32, #tpu.memory_space<vmem_shared>> -> memref<128x144xf32, #tpu.memory_space<vmem_shared>>
      %dma_wait3A_120 = arith.constant 0 : i32
      %dma_wait3A_121 = arith.constant 0 : i32
      %dma_wait3A_122 = tpu.memref_slice %arg13[%dma_wait3A_120, %dma_wait3A_121] : memref<128x144xf32, #tpu.memory_space<vmem>> -> memref<128x144xf32, #tpu.memory_space<vmem>>
      tpu.wait_dma2 semaphore(%run_scoped3A : memref<!tpu.dma_semaphore, #tpu.memory_space<semaphore_mem>>) src(%dma_wait3A_122 : memref<128x144xf32, #tpu.memory_space<vmem>>) dst(%dma_wait3A_119 : memref<128x144xf32, #tpu.memory_space<vmem_shared>>)
      tpu.yield
    }) : () -> ()
    %mul3A_13 = arith.constant 640 : i32
    %mul3A_14 = arith.muli %arg1, %mul3A_13 : i32
    %add3A_15 = arith.constant 256 : i32
    %add3A_16 = arith.addi %mul3A_14, %add3A_15 : i32
    "tpu.region"() ({
      %run_scoped3A = tpu.sem_alloc : memref<!tpu.dma_semaphore, #tpu.memory_space<semaphore_mem>>
      %dma_start3A = arith.constant 0 : i32
      %dma_start3A_105 = arith.constant 0 : i32
      %dma_start3A_106 = tpu.memref_slice %arg13[%dma_start3A, %dma_start3A_105] : memref<128x144xf32, #tpu.memory_space<vmem>> -> memref<128x144xf32, #tpu.memory_space<vmem>>
      %dma_start3A_107 = arith.constant 0 : i32
      %dma_start3A_108 = tpu.memref_slice %arg14[%add3A_16, %dma_start3A_107] : memref<10240x144xf32, #tpu.memory_space<vmem_shared>> -> memref<128x144xf32, #tpu.memory_space<vmem_shared>>
      %dma_start3A_109 = arith.constant 0 : i32
      %dma_start3A_110 = tpu.memref_slice %arg14[%add3A_16, %dma_start3A_109] : memref<10240x144xf32, #tpu.memory_space<vmem_shared>> -> memref<128x144xf32, #tpu.memory_space<vmem_shared>>
      %dma_start3A_111 = arith.constant 0 : i32
      %dma_start3A_112 = arith.constant 0 : i32
      %dma_start3A_113 = tpu.memref_slice %arg13[%dma_start3A_111, %dma_start3A_112] : memref<128x144xf32, #tpu.memory_space<vmem>> -> memref<128x144xf32, #tpu.memory_space<vmem>>
      tpu.enqueue_dma source(%dma_start3A_113 : memref<128x144xf32, #tpu.memory_space<vmem>>) target(%dma_start3A_110 : memref<128x144xf32, #tpu.memory_space<vmem_shared>>) target_semaphore(%run_scoped3A : memref<!tpu.dma_semaphore, #tpu.memory_space<semaphore_mem>>)
      %dma_wait3A = arith.constant 0 : i32
      %dma_wait3A_114 = arith.constant 0 : i32
      %dma_wait3A_115 = tpu.memref_slice %arg13[%dma_wait3A, %dma_wait3A_114] : memref<128x144xf32, #tpu.memory_space<vmem>> -> memref<128x144xf32, #tpu.memory_space<vmem>>
      %dma_wait3A_116 = arith.constant 0 : i32
      %dma_wait3A_117 = tpu.memref_slice %arg14[%add3A_16, %dma_wait3A_116] : memref<10240x144xf32, #tpu.memory_space<vmem_shared>> -> memref<128x144xf32, #tpu.memory_space<vmem_shared>>
      %dma_wait3A_118 = arith.constant 0 : i32
      %dma_wait3A_119 = tpu.memref_slice %arg14[%add3A_16, %dma_wait3A_118] : memref<10240x144xf32, #tpu.memory_space<vmem_shared>> -> memref<128x144xf32, #tpu.memory_space<vmem_shared>>
      %dma_wait3A_120 = arith.constant 0 : i32
      %dma_wait3A_121 = arith.constant 0 : i32
      %dma_wait3A_122 = tpu.memref_slice %arg13[%dma_wait3A_120, %dma_wait3A_121] : memref<128x144xf32, #tpu.memory_space<vmem>> -> memref<128x144xf32, #tpu.memory_space<vmem>>
      tpu.wait_dma2 semaphore(%run_scoped3A : memref<!tpu.dma_semaphore, #tpu.memory_space<semaphore_mem>>) src(%dma_wait3A_122 : memref<128x144xf32, #tpu.memory_space<vmem>>) dst(%dma_wait3A_119 : memref<128x144xf32, #tpu.memory_space<vmem_shared>>)
      tpu.yield
    }) : () -> ()
    %mul3A_17 = arith.constant 640 : i32
    %mul3A_18 = arith.muli %arg1, %mul3A_17 : i32
    %add3A_19 = arith.constant 384 : i32
    %add3A_20 = arith.addi %mul3A_18, %add3A_19 : i32
    "tpu.region"() ({
      %run_scoped3A = tpu.sem_alloc : memref<!tpu.dma_semaphore, #tpu.memory_space<semaphore_mem>>
      %dma_start3A = arith.constant 0 : i32
      %dma_start3A_105 = arith.constant 0 : i32
      %dma_start3A_106 = tpu.memref_slice %arg13[%dma_start3A, %dma_start3A_105] : memref<128x144xf32, #tpu.memory_space<vmem>> -> memref<128x144xf32, #tpu.memory_space<vmem>>
      %dma_start3A_107 = arith.constant 0 : i32
      %dma_start3A_108 = tpu.memref_slice %arg14[%add3A_20, %dma_start3A_107] : memref<10240x144xf32, #tpu.memory_space<vmem_shared>> -> memref<128x144xf32, #tpu.memory_space<vmem_shared>>
      %dma_start3A_109 = arith.constant 0 : i32
      %dma_start3A_110 = tpu.memref_slice %arg14[%add3A_20, %dma_start3A_109] : memref<10240x144xf32, #tpu.memory_space<vmem_shared>> -> memref<128x144xf32, #tpu.memory_space<vmem_shared>>
      %dma_start3A_111 = arith.constant 0 : i32
      %dma_start3A_112 = arith.constant 0 : i32
      %dma_start3A_113 = tpu.memref_slice %arg13[%dma_start3A_111, %dma_start3A_112] : memref<128x144xf32, #tpu.memory_space<vmem>> -> memref<128x144xf32, #tpu.memory_space<vmem>>
      tpu.enqueue_dma source(%dma_start3A_113 : memref<128x144xf32, #tpu.memory_space<vmem>>) target(%dma_start3A_110 : memref<128x144xf32, #tpu.memory_space<vmem_shared>>) target_semaphore(%run_scoped3A : memref<!tpu.dma_semaphore, #tpu.memory_space<semaphore_mem>>)
      %dma_wait3A = arith.constant 0 : i32
      %dma_wait3A_114 = arith.constant 0 : i32
      %dma_wait3A_115 = tpu.memref_slice %arg13[%dma_wait3A, %dma_wait3A_114] : memref<128x144xf32, #tpu.memory_space<vmem>> -> memref<128x144xf32, #tpu.memory_space<vmem>>
      %dma_wait3A_116 = arith.constant 0 : i32
      %dma_wait3A_117 = tpu.memref_slice %arg14[%add3A_20, %dma_wait3A_116] : memref<10240x144xf32, #tpu.memory_space<vmem_shared>> -> memref<128x144xf32, #tpu.memory_space<vmem_shared>>
      %dma_wait3A_118 = arith.constant 0 : i32
      %dma_wait3A_119 = tpu.memref_slice %arg14[%add3A_20, %dma_wait3A_118] : memref<10240x144xf32, #tpu.memory_space<vmem_shared>> -> memref<128x144xf32, #tpu.memory_space<vmem_shared>>
      %dma_wait3A_120 = arith.constant 0 : i32
      %dma_wait3A_121 = arith.constant 0 : i32
      %dma_wait3A_122 = tpu.memref_slice %arg13[%dma_wait3A_120, %dma_wait3A_121] : memref<128x144xf32, #tpu.memory_space<vmem>> -> memref<128x144xf32, #tpu.memory_space<vmem>>
      tpu.wait_dma2 semaphore(%run_scoped3A : memref<!tpu.dma_semaphore, #tpu.memory_space<semaphore_mem>>) src(%dma_wait3A_122 : memref<128x144xf32, #tpu.memory_space<vmem>>) dst(%dma_wait3A_119 : memref<128x144xf32, #tpu.memory_space<vmem_shared>>)
      tpu.yield
    }) : () -> ()
    %mul3A_21 = arith.constant 640 : i32
    %mul3A_22 = arith.muli %arg1, %mul3A_21 : i32
    %add3A_23 = arith.constant 512 : i32
    %add3A_24 = arith.addi %mul3A_22, %add3A_23 : i32
    "tpu.region"() ({
      %run_scoped3A = tpu.sem_alloc : memref<!tpu.dma_semaphore, #tpu.memory_space<semaphore_mem>>
      %dma_start3A = arith.constant 0 : i32
      %dma_start3A_105 = arith.constant 0 : i32
      %dma_start3A_106 = tpu.memref_slice %arg13[%dma_start3A, %dma_start3A_105] : memref<128x144xf32, #tpu.memory_space<vmem>> -> memref<128x144xf32, #tpu.memory_space<vmem>>
      %dma_start3A_107 = arith.constant 0 : i32
      %dma_start3A_108 = tpu.memref_slice %arg14[%add3A_24, %dma_start3A_107] : memref<10240x144xf32, #tpu.memory_space<vmem_shared>> -> memref<128x144xf32, #tpu.memory_space<vmem_shared>>
      %dma_start3A_109 = arith.constant 0 : i32
      %dma_start3A_110 = tpu.memref_slice %arg14[%add3A_24, %dma_start3A_109] : memref<10240x144xf32, #tpu.memory_space<vmem_shared>> -> memref<128x144xf32, #tpu.memory_space<vmem_shared>>
      %dma_start3A_111 = arith.constant 0 : i32
      %dma_start3A_112 = arith.constant 0 : i32
      %dma_start3A_113 = tpu.memref_slice %arg13[%dma_start3A_111, %dma_start3A_112] : memref<128x144xf32, #tpu.memory_space<vmem>> -> memref<128x144xf32, #tpu.memory_space<vmem>>
      tpu.enqueue_dma source(%dma_start3A_113 : memref<128x144xf32, #tpu.memory_space<vmem>>) target(%dma_start3A_110 : memref<128x144xf32, #tpu.memory_space<vmem_shared>>) target_semaphore(%run_scoped3A : memref<!tpu.dma_semaphore, #tpu.memory_space<semaphore_mem>>)
      %dma_wait3A = arith.constant 0 : i32
      %dma_wait3A_114 = arith.constant 0 : i32
      %dma_wait3A_115 = tpu.memref_slice %arg13[%dma_wait3A, %dma_wait3A_114] : memref<128x144xf32, #tpu.memory_space<vmem>> -> memref<128x144xf32, #tpu.memory_space<vmem>>
      %dma_wait3A_116 = arith.constant 0 : i32
      %dma_wait3A_117 = tpu.memref_slice %arg14[%add3A_24, %dma_wait3A_116] : memref<10240x144xf32, #tpu.memory_space<vmem_shared>> -> memref<128x144xf32, #tpu.memory_space<vmem_shared>>
      %dma_wait3A_118 = arith.constant 0 : i32
      %dma_wait3A_119 = tpu.memref_slice %arg14[%add3A_24, %dma_wait3A_118] : memref<10240x144xf32, #tpu.memory_space<vmem_shared>> -> memref<128x144xf32, #tpu.memory_space<vmem_shared>>
      %dma_wait3A_120 = arith.constant 0 : i32
      %dma_wait3A_121 = arith.constant 0 : i32
      %dma_wait3A_122 = tpu.memref_slice %arg13[%dma_wait3A_120, %dma_wait3A_121] : memref<128x144xf32, #tpu.memory_space<vmem>> -> memref<128x144xf32, #tpu.memory_space<vmem>>
      tpu.wait_dma2 semaphore(%run_scoped3A : memref<!tpu.dma_semaphore, #tpu.memory_space<semaphore_mem>>) src(%dma_wait3A_122 : memref<128x144xf32, #tpu.memory_space<vmem>>) dst(%dma_wait3A_119 : memref<128x144xf32, #tpu.memory_space<vmem_shared>>)
      tpu.yield
    }) : () -> ()
    %mul3A_25 = arith.constant 32 : i32
    %mul3A_26 = arith.muli %arg1, %mul3A_25 : i32
    "tpu.region"() ({
      %run_scoped3A = tpu.sem_alloc : memref<!tpu.dma_semaphore, #tpu.memory_space<semaphore_mem>>
      %dma_start3A = arith.constant 0 : i32
      %dma_start3A_105 = arith.constant 0 : i32
      %dma_start3A_106 = tpu.memref_slice %arg13[%dma_start3A, %dma_start3A_105] : memref<128x144xf32, #tpu.memory_space<vmem>> -> memref<32x144xf32, #tpu.memory_space<vmem>>
      %dma_start3A_107 = arith.constant 0 : i32
      %dma_start3A_108 = tpu.memref_slice %arg15[%mul3A_26, %dma_start3A_107] : memref<512x144xf32, #tpu.memory_space<vmem_shared>> -> memref<32x144xf32, #tpu.memory_space<vmem_shared>>
      %dma_start3A_109 = arith.constant 0 : i32
      %dma_start3A_110 = tpu.memref_slice %arg15[%mul3A_26, %dma_start3A_109] : memref<512x144xf32, #tpu.memory_space<vmem_shared>> -> memref<32x144xf32, #tpu.memory_space<vmem_shared>>
      %dma_start3A_111 = arith.constant 0 : i32
      %dma_start3A_112 = arith.constant 0 : i32
      %dma_start3A_113 = tpu.memref_slice %arg13[%dma_start3A_111, %dma_start3A_112] : memref<128x144xf32, #tpu.memory_space<vmem>> -> memref<32x144xf32, #tpu.memory_space<vmem>>
      tpu.enqueue_dma source(%dma_start3A_113 : memref<32x144xf32, #tpu.memory_space<vmem>>) target(%dma_start3A_110 : memref<32x144xf32, #tpu.memory_space<vmem_shared>>) target_semaphore(%run_scoped3A : memref<!tpu.dma_semaphore, #tpu.memory_space<semaphore_mem>>)
      %dma_wait3A = arith.constant 0 : i32
      %dma_wait3A_114 = arith.constant 0 : i32
      %dma_wait3A_115 = tpu.memref_slice %arg13[%dma_wait3A, %dma_wait3A_114] : memref<128x144xf32, #tpu.memory_space<vmem>> -> memref<32x144xf32, #tpu.memory_space<vmem>>
      %dma_wait3A_116 = arith.constant 0 : i32
      %dma_wait3A_117 = tpu.memref_slice %arg15[%mul3A_26, %dma_wait3A_116] : memref<512x144xf32, #tpu.memory_space<vmem_shared>> -> memref<32x144xf32, #tpu.memory_space<vmem_shared>>
      %dma_wait3A_118 = arith.constant 0 : i32
      %dma_wait3A_119 = tpu.memref_slice %arg15[%mul3A_26, %dma_wait3A_118] : memref<512x144xf32, #tpu.memory_space<vmem_shared>> -> memref<32x144xf32, #tpu.memory_space<vmem_shared>>
      %dma_wait3A_120 = arith.constant 0 : i32
      %dma_wait3A_121 = arith.constant 0 : i32
      %dma_wait3A_122 = tpu.memref_slice %arg13[%dma_wait3A_120, %dma_wait3A_121] : memref<128x144xf32, #tpu.memory_space<vmem>> -> memref<32x144xf32, #tpu.memory_space<vmem>>
      tpu.wait_dma2 semaphore(%run_scoped3A : memref<!tpu.dma_semaphore, #tpu.memory_space<semaphore_mem>>) src(%dma_wait3A_122 : memref<32x144xf32, #tpu.memory_space<vmem>>) dst(%dma_wait3A_119 : memref<32x144xf32, #tpu.memory_space<vmem_shared>>)
      tpu.yield
    }) : () -> ()
    %barrier3A = arith.constant 0 : index
    tpu.barrier barrier_id(%barrier3A)
    %mul3A_27 = arith.constant 1250 : i32
    %mul3A_28 = arith.muli %mul3A_27, %add3A : i32
    %jit3A = arith.constant 32 : i32
    %div3A = arith.divsi %mul3A_28, %jit3A : i32
    %sign3A = arith.constant 0 : i32
    %sign3A_29 = arith.cmpi sgt, %mul3A_28, %sign3A : i32
    %sign3A_30 = arith.extui %sign3A_29 : i1 to i32
    %sign3A_31 = arith.constant 0 : i32
    %sign3A_32 = arith.cmpi slt, %mul3A_28, %sign3A_31 : i32
    %sign3A_33 = arith.extui %sign3A_32 : i1 to i32
    %sign3A_34 = arith.subi %sign3A_30, %sign3A_33 : i32
    %sign3A_35 = arith.constant 0 : i32
    %sign3A_36 = arith.cmpi sgt, %jit3A, %sign3A_35 : i32
    %sign3A_37 = arith.extui %sign3A_36 : i1 to i32
    %sign3A_38 = arith.constant 0 : i32
    %sign3A_39 = arith.cmpi slt, %jit3A, %sign3A_38 : i32
    %sign3A_40 = arith.extui %sign3A_39 : i1 to i32
    %sign3A_41 = arith.subi %sign3A_37, %sign3A_40 : i32
    %ne3A = arith.cmpi ne, %sign3A_34, %sign3A_41 : i32
    %rem3A = arith.remsi %mul3A_28, %jit3A : i32
    %ne3A_42 = arith.constant 0 : i32
    %ne3A_43 = arith.cmpi ne, %rem3A, %ne3A_42 : i32
    %and3A = arith.andi %ne3A, %ne3A_43 : i1
    %sub3A = arith.constant 1 : i32
    %sub3A_44 = arith.subi %div3A, %sub3A : i32
    %select_n3A = arith.select %and3A, %sub3A_44, %div3A : i32
    %add3A_45 = arith.constant 1 : i32
    %add3A_46 = arith.addi %add3A, %add3A_45 : i32
    %mul3A_47 = arith.constant 1250 : i32
    %mul3A_48 = arith.muli %mul3A_47, %add3A_46 : i32
    %jit3A_49 = arith.constant 32 : i32
    %div3A_50 = arith.divsi %mul3A_48, %jit3A_49 : i32
    %sign3A_51 = arith.constant 0 : i32
    %sign3A_52 = arith.cmpi sgt, %mul3A_48, %sign3A_51 : i32
    %sign3A_53 = arith.extui %sign3A_52 : i1 to i32
    %sign3A_54 = arith.constant 0 : i32
    %sign3A_55 = arith.cmpi slt, %mul3A_48, %sign3A_54 : i32
    %sign3A_56 = arith.extui %sign3A_55 : i1 to i32
    %sign3A_57 = arith.subi %sign3A_53, %sign3A_56 : i32
    %sign3A_58 = arith.constant 0 : i32
    %sign3A_59 = arith.cmpi sgt, %jit3A_49, %sign3A_58 : i32
    %sign3A_60 = arith.extui %sign3A_59 : i1 to i32
    %sign3A_61 = arith.constant 0 : i32
    %sign3A_62 = arith.cmpi slt, %jit3A_49, %sign3A_61 : i32
    %sign3A_63 = arith.extui %sign3A_62 : i1 to i32
    %sign3A_64 = arith.subi %sign3A_60, %sign3A_63 : i32
    %ne3A_65 = arith.cmpi ne, %sign3A_57, %sign3A_64 : i32
    %rem3A_66 = arith.remsi %mul3A_48, %jit3A_49 : i32
    %ne3A_67 = arith.constant 0 : i32
    %ne3A_68 = arith.cmpi ne, %rem3A_66, %ne3A_67 : i32
    %and3A_69 = arith.andi %ne3A_65, %ne3A_68 : i1
    %sub3A_70 = arith.constant 1 : i32
    %sub3A_71 = arith.subi %div3A_50, %sub3A_70 : i32
    %select_n3A_72 = arith.select %and3A_69, %sub3A_71, %div3A_50 : i32
    %while3A = arith.subi %select_n3A_72, %select_n3A : i32
    %while3A_73 = arith.addi %select_n3A, %while3A : i32
    %while3A_74 = arith.constant 1 : i32
    %while3A_75 = arith.divsi %while3A, %while3A_74 : i32
    %while3A_76 = arith.muli %while3A_75, %while3A_74 : i32
    %while3A_77 = arith.addi %select_n3A, %while3A_76 : i32
    %while3A_78 = arith.constant 1 : i32
    scf.for %while3A_105 = %select_n3A to %while3A_77 step %while3A_78  : i32 {
      "tpu.region"() ({
        %run_scoped3A = tpu.sem_alloc : memref<!tpu.dma_semaphore, #tpu.memory_space<semaphore_mem>>
        %dma_start3A = arith.constant 0 : i32
        %dma_start3A_111 = tpu.memref_slice %arg2[%while3A_105, %dma_start3A] : memref<1250x128xi32, #tpu.memory_space<hbm>> -> memref<1x128xi32, #tpu.memory_space<hbm>>
        %dma_start3A_112 = tpu.memref_squeeze %dma_start3A_111 : memref<1x128xi32, #tpu.memory_space<hbm>> -> memref<128xi32, #tpu.memory_space<hbm>>
        %dma_start3A_113 = arith.constant 0 : i32
        %dma_start3A_114 = tpu.memref_slice %arg2[%while3A_105, %dma_start3A_113] : memref<1250x128xi32, #tpu.memory_space<hbm>> -> memref<1x128xi32, #tpu.memory_space<hbm>>
        %dma_start3A_115 = tpu.memref_squeeze %dma_start3A_114 : memref<1x128xi32, #tpu.memory_space<hbm>> -> memref<128xi32, #tpu.memory_space<hbm>>
        tpu.enqueue_dma source(%dma_start3A_115 : memref<128xi32, #tpu.memory_space<hbm>>) target(%arg10 : memref<128xi32, #tpu.memory_space<vmem>>) target_semaphore(%run_scoped3A : memref<!tpu.dma_semaphore, #tpu.memory_space<semaphore_mem>>)
        %dma_wait3A = arith.constant 0 : i32
        %dma_wait3A_116 = tpu.memref_slice %arg2[%while3A_105, %dma_wait3A] : memref<1250x128xi32, #tpu.memory_space<hbm>> -> memref<1x128xi32, #tpu.memory_space<hbm>>
        %dma_wait3A_117 = tpu.memref_squeeze %dma_wait3A_116 : memref<1x128xi32, #tpu.memory_space<hbm>> -> memref<128xi32, #tpu.memory_space<hbm>>
        %dma_wait3A_118 = arith.constant 0 : i32
        %dma_wait3A_119 = tpu.memref_slice %arg2[%while3A_105, %dma_wait3A_118] : memref<1250x128xi32, #tpu.memory_space<hbm>> -> memref<1x128xi32, #tpu.memory_space<hbm>>
        %dma_wait3A_120 = tpu.memref_squeeze %dma_wait3A_119 : memref<1x128xi32, #tpu.memory_space<hbm>> -> memref<128xi32, #tpu.memory_space<hbm>>
        tpu.wait_dma2 semaphore(%run_scoped3A : memref<!tpu.dma_semaphore, #tpu.memory_space<semaphore_mem>>) src(%dma_wait3A_120 : memref<128xi32, #tpu.memory_space<hbm>>) dst(%arg10 : memref<128xi32, #tpu.memory_space<vmem>>)
        tpu.yield
      }) : () -> ()
      "tpu.region"() ({
        %run_scoped3A = tpu.sem_alloc : memref<!tpu.dma_semaphore, #tpu.memory_space<semaphore_mem>>
        %dma_start3A = arith.constant 0 : i32
        %dma_start3A_111 = tpu.memref_slice %arg3[%while3A_105, %dma_start3A] : memref<1250x128xi32, #tpu.memory_space<hbm>> -> memref<1x128xi32, #tpu.memory_space<hbm>>
        %dma_start3A_112 = tpu.memref_squeeze %dma_start3A_111 : memref<1x128xi32, #tpu.memory_space<hbm>> -> memref<128xi32, #tpu.memory_space<hbm>>
        %dma_start3A_113 = arith.constant 0 : i32
        %dma_start3A_114 = tpu.memref_slice %arg3[%while3A_105, %dma_start3A_113] : memref<1250x128xi32, #tpu.memory_space<hbm>> -> memref<1x128xi32, #tpu.memory_space<hbm>>
        %dma_start3A_115 = tpu.memref_squeeze %dma_start3A_114 : memref<1x128xi32, #tpu.memory_space<hbm>> -> memref<128xi32, #tpu.memory_space<hbm>>
        tpu.enqueue_dma source(%dma_start3A_115 : memref<128xi32, #tpu.memory_space<hbm>>) target(%arg11 : memref<128xi32, #tpu.memory_space<vmem>>) target_semaphore(%run_scoped3A : memref<!tpu.dma_semaphore, #tpu.memory_space<semaphore_mem>>)
        %dma_wait3A = arith.constant 0 : i32
        %dma_wait3A_116 = tpu.memref_slice %arg3[%while3A_105, %dma_wait3A] : memref<1250x128xi32, #tpu.memory_space<hbm>> -> memref<1x128xi32, #tpu.memory_space<hbm>>
        %dma_wait3A_117 = tpu.memref_squeeze %dma_wait3A_116 : memref<1x128xi32, #tpu.memory_space<hbm>> -> memref<128xi32, #tpu.memory_space<hbm>>
        %dma_wait3A_118 = arith.constant 0 : i32
        %dma_wait3A_119 = tpu.memref_slice %arg3[%while3A_105, %dma_wait3A_118] : memref<1250x128xi32, #tpu.memory_space<hbm>> -> memref<1x128xi32, #tpu.memory_space<hbm>>
        %dma_wait3A_120 = tpu.memref_squeeze %dma_wait3A_119 : memref<1x128xi32, #tpu.memory_space<hbm>> -> memref<128xi32, #tpu.memory_space<hbm>>
        tpu.wait_dma2 semaphore(%run_scoped3A : memref<!tpu.dma_semaphore, #tpu.memory_space<semaphore_mem>>) src(%dma_wait3A_120 : memref<128xi32, #tpu.memory_space<hbm>>) dst(%arg11 : memref<128xi32, #tpu.memory_space<vmem>>)
        tpu.yield
      }) : () -> ()
      "tpu.region"() ({
        %run_scoped3A = tpu.sem_alloc : memref<!tpu.dma_semaphore, #tpu.memory_space<semaphore_mem>>
        %dma_start3A = arith.constant 0 : i32
        %dma_start3A_111 = tpu.memref_slice %arg4[%while3A_105, %dma_start3A] : memref<1250x128xi32, #tpu.memory_space<hbm>> -> memref<1x128xi32, #tpu.memory_space<hbm>>
        %dma_start3A_112 = tpu.memref_squeeze %dma_start3A_111 : memref<1x128xi32, #tpu.memory_space<hbm>> -> memref<128xi32, #tpu.memory_space<hbm>>
        %dma_start3A_113 = arith.constant 0 : i32
        %dma_start3A_114 = tpu.memref_slice %arg4[%while3A_105, %dma_start3A_113] : memref<1250x128xi32, #tpu.memory_space<hbm>> -> memref<1x128xi32, #tpu.memory_space<hbm>>
        %dma_start3A_115 = tpu.memref_squeeze %dma_start3A_114 : memref<1x128xi32, #tpu.memory_space<hbm>> -> memref<128xi32, #tpu.memory_space<hbm>>
        tpu.enqueue_dma source(%dma_start3A_115 : memref<128xi32, #tpu.memory_space<hbm>>) target(%arg12 : memref<128xi32, #tpu.memory_space<vmem>>) target_semaphore(%run_scoped3A : memref<!tpu.dma_semaphore, #tpu.memory_space<semaphore_mem>>)
        %dma_wait3A = arith.constant 0 : i32
        %dma_wait3A_116 = tpu.memref_slice %arg4[%while3A_105, %dma_wait3A] : memref<1250x128xi32, #tpu.memory_space<hbm>> -> memref<1x128xi32, #tpu.memory_space<hbm>>
        %dma_wait3A_117 = tpu.memref_squeeze %dma_wait3A_116 : memref<1x128xi32, #tpu.memory_space<hbm>> -> memref<128xi32, #tpu.memory_space<hbm>>
        %dma_wait3A_118 = arith.constant 0 : i32
        %dma_wait3A_119 = tpu.memref_slice %arg4[%while3A_105, %dma_wait3A_118] : memref<1250x128xi32, #tpu.memory_space<hbm>> -> memref<1x128xi32, #tpu.memory_space<hbm>>
        %dma_wait3A_120 = tpu.memref_squeeze %dma_wait3A_119 : memref<1x128xi32, #tpu.memory_space<hbm>> -> memref<128xi32, #tpu.memory_space<hbm>>
        tpu.wait_dma2 semaphore(%run_scoped3A : memref<!tpu.dma_semaphore, #tpu.memory_space<semaphore_mem>>) src(%dma_wait3A_120 : memref<128xi32, #tpu.memory_space<hbm>>) dst(%arg12 : memref<128xi32, #tpu.memory_space<vmem>>)
        tpu.yield
      }) : () -> ()
      "tpu.region"() ({
        %run_scoped3A = tpu.sem_alloc : memref<!tpu.dma_semaphore, #tpu.memory_space<semaphore_mem>>
        %dma_start3A = arith.constant 0 : i32
        %dma_start3A_111 = arith.constant 0 : i32
        %dma_start3A_112 = tpu.memref_slice %arg5[%dma_start3A, %dma_start3A_111] : memref<10000x144xf32, #tpu.memory_space<hbm>> -> memref<10000x144xf32, #tpu.memory_space<hbm>>
        tpu.enqueue_indirect_dma source(%dma_start3A_112 : memref<10000x144xf32, #tpu.memory_space<hbm>>) target(%arg13 : memref<128x144xf32, #tpu.memory_space<vmem>>) offsets(%arg10 : memref<128xi32, #tpu.memory_space<vmem>>) semaphore(%run_scoped3A : memref<!tpu.dma_semaphore, #tpu.memory_space<semaphore_mem>>)
        %dma_wait3A = arith.constant 0 : i32
        %dma_wait3A_113 = arith.constant 0 : i32
        %dma_wait3A_114 = tpu.memref_slice %arg5[%dma_wait3A, %dma_wait3A_113] : memref<10000x144xf32, #tpu.memory_space<hbm>> -> memref<10000x144xf32, #tpu.memory_space<hbm>>
        tpu.wait_indirect_dma semaphore(%run_scoped3A : memref<!tpu.dma_semaphore, #tpu.memory_space<semaphore_mem>>) src(%dma_wait3A_114 : memref<10000x144xf32, #tpu.memory_space<hbm>>) dst(%arg13 : memref<128x144xf32, #tpu.memory_space<vmem>>)
        tpu.yield
      }) : () -> ()
      "tpu.region"() ({
        %run_scoped3A = tpu.sem_alloc : memref<!tpu.dma_semaphore, #tpu.memory_space<semaphore_mem>>
        %dma_start3A = arith.constant 0 : i32
        %dma_start3A_111 = arith.constant 0 : i32
        %dma_start3A_112 = tpu.memref_slice %arg6[%dma_start3A, %dma_start3A_111] : memref<500x144xf32, #tpu.memory_space<hbm>> -> memref<500x144xf32, #tpu.memory_space<hbm>>
        tpu.enqueue_indirect_dma source(%dma_start3A_112 : memref<500x144xf32, #tpu.memory_space<hbm>>) target(%arg13 : memref<128x144xf32, #tpu.memory_space<vmem>>) offsets(%arg11 : memref<128xi32, #tpu.memory_space<vmem>>) semaphore(%run_scoped3A : memref<!tpu.dma_semaphore, #tpu.memory_space<semaphore_mem>>) {add = true}
        %dma_wait3A = arith.constant 0 : i32
        %dma_wait3A_113 = arith.constant 0 : i32
        %dma_wait3A_114 = tpu.memref_slice %arg6[%dma_wait3A, %dma_wait3A_113] : memref<500x144xf32, #tpu.memory_space<hbm>> -> memref<500x144xf32, #tpu.memory_space<hbm>>
        tpu.wait_indirect_dma semaphore(%run_scoped3A : memref<!tpu.dma_semaphore, #tpu.memory_space<semaphore_mem>>) src(%dma_wait3A_114 : memref<500x144xf32, #tpu.memory_space<hbm>>) dst(%arg13 : memref<128x144xf32, #tpu.memory_space<vmem>>)
        tpu.yield
      }) : () -> ()
      "tpu.region"() ({
        %run_scoped3A = tpu.sem_alloc : memref<!tpu.dma_semaphore, #tpu.memory_space<semaphore_mem>>
        %dma_start3A = arith.constant 0 : i32
        %dma_start3A_111 = arith.constant 0 : i32
        %dma_start3A_112 = tpu.memref_slice %arg7[%dma_start3A, %dma_start3A_111] : memref<500x144xf32, #tpu.memory_space<hbm>> -> memref<500x144xf32, #tpu.memory_space<hbm>>
        tpu.enqueue_indirect_dma source(%dma_start3A_112 : memref<500x144xf32, #tpu.memory_space<hbm>>) target(%arg13 : memref<128x144xf32, #tpu.memory_space<vmem>>) offsets(%arg12 : memref<128xi32, #tpu.memory_space<vmem>>) semaphore(%run_scoped3A : memref<!tpu.dma_semaphore, #tpu.memory_space<semaphore_mem>>) {add = true}
        %dma_wait3A = arith.constant 0 : i32
        %dma_wait3A_113 = arith.constant 0 : i32
        %dma_wait3A_114 = tpu.memref_slice %arg7[%dma_wait3A, %dma_wait3A_113] : memref<500x144xf32, #tpu.memory_space<hbm>> -> memref<500x144xf32, #tpu.memory_space<hbm>>
        tpu.wait_indirect_dma semaphore(%run_scoped3A : memref<!tpu.dma_semaphore, #tpu.memory_space<semaphore_mem>>) src(%dma_wait3A_114 : memref<500x144xf32, #tpu.memory_space<hbm>>) dst(%arg13 : memref<128x144xf32, #tpu.memory_space<vmem>>)
        tpu.yield
      }) : () -> ()
      %scan3A_106 = arith.constant 0 : i32
      %scan3A_107 = arith.constant 128 : i32
      %scan3A_108 = arith.addi %scan3A_106, %scan3A_107 : i32
      %scan3A_109 = arith.constant 1 : i32
      scf.for %scan3A_111 = %scan3A_106 to %scan3A_108 step %scan3A_109  : i32 {
        %get3A = arith.index_cast %scan3A_111 : i32 to index
        %get3A_112 = arith.constant 128 : index
        %get3A_113 = tpu.vector_load %arg13[%get3A, %get3A_112] {strides = array<i32>} : memref<128x144xf32, #tpu.memory_space<vmem>>, vector<16xf32>,
        %slice3A = vector.extract_strided_slice %get3A_113 {offsets = [0], sizes = [1], strides = [1]} : vector<16xf32> to vector<1xf32>
        %squeeze3A = vector.extract %slice3A[0] : f32 from vector<1xf32>
        %broadcast_in_dim3A = vector.broadcast %squeeze3A : f32 to vector<16xf32>
        %gt3A = arith.constant 0.000000e+00 : f32
        %gt3A_114 = vector.broadcast %gt3A : f32 to vector<16xf32>
        %gt3A_115 = arith.cmpf ogt, %broadcast_in_dim3A, %gt3A_114 : vector<16xf32>
        %mul3A_116 = arith.constant 2.000000e-01 : f32
        %mul3A_117 = vector.broadcast %mul3A_116 : f32 to vector<16xf32>
        %mul3A_118 = arith.mulf %mul3A_117, %broadcast_in_dim3A : vector<16xf32>
        %select_n3A_119 = arith.select %gt3A_115, %broadcast_in_dim3A, %mul3A_118 : vector<16xi1>, vector<16xf32>
        %neg3A = arith.constant 0.000000e+00 : f32
        %neg3A_120 = vector.broadcast %neg3A : f32 to vector<16xf32>
        %neg3A_121 = arith.subf %neg3A_120, %select_n3A_119 : vector<16xf32>
        %exp3A = math.exp %neg3A_121 : vector<16xf32>
        %get3A_122 = arith.index_cast %scan3A_111 : i32 to index
        %get3A_123 = arith.constant 0 : index
        %get3A_124 = tpu.vector_load %arg13[%get3A_122, %get3A_123] {strides = array<i32>} : memref<128x144xf32, #tpu.memory_space<vmem>>, vector<16xf32>,
        %mul3A_125 = arith.mulf %get3A_124, %exp3A : vector<16xf32>
        %swap3A = arith.index_cast %scan3A_111 : i32 to index
        %swap3A_126 = arith.constant 0 : index
        %swap3A_127 = tpu.vector_load %arg13[%swap3A, %swap3A_126] {strides = array<i32>} : memref<128x144xf32, #tpu.memory_space<vmem>>, vector<16xf32>,
        tpu.vector_store %arg13[%swap3A, %swap3A_126], %mul3A_125 {strides = array<i32>} : memref<128x144xf32, #tpu.memory_space<vmem>>, vector<16xf32>,
        %get3A_128 = arith.index_cast %scan3A_111 : i32 to index
        %get3A_129 = arith.constant 16 : index
        %get3A_130 = tpu.vector_load %arg13[%get3A_128, %get3A_129] {strides = array<i32>} : memref<128x144xf32, #tpu.memory_space<vmem>>, vector<16xf32>,
        %mul3A_131 = arith.mulf %get3A_130, %exp3A : vector<16xf32>
        %swap3A_132 = arith.index_cast %scan3A_111 : i32 to index
        %swap3A_133 = arith.constant 16 : index
        %swap3A_134 = tpu.vector_load %arg13[%swap3A_132, %swap3A_133] {strides = array<i32>} : memref<128x144xf32, #tpu.memory_space<vmem>>, vector<16xf32>,
        tpu.vector_store %arg13[%swap3A_132, %swap3A_133], %mul3A_131 {strides = array<i32>} : memref<128x144xf32, #tpu.memory_space<vmem>>, vector<16xf32>,
        %get3A_135 = arith.index_cast %scan3A_111 : i32 to index
        %get3A_136 = arith.constant 32 : index
        %get3A_137 = tpu.vector_load %arg13[%get3A_135, %get3A_136] {strides = array<i32>} : memref<128x144xf32, #tpu.memory_space<vmem>>, vector<16xf32>,
        %mul3A_138 = arith.mulf %get3A_137, %exp3A : vector<16xf32>
        %swap3A_139 = arith.index_cast %scan3A_111 : i32 to index
        %swap3A_140 = arith.constant 32 : index
        %swap3A_141 = tpu.vector_load %arg13[%swap3A_139, %swap3A_140] {strides = array<i32>} : memref<128x144xf32, #tpu.memory_space<vmem>>, vector<16xf32>,
        tpu.vector_store %arg13[%swap3A_139, %swap3A_140], %mul3A_138 {strides = array<i32>} : memref<128x144xf32, #tpu.memory_space<vmem>>, vector<16xf32>,
        %get3A_142 = arith.index_cast %scan3A_111 : i32 to index
        %get3A_143 = arith.constant 48 : index
        %get3A_144 = tpu.vector_load %arg13[%get3A_142, %get3A_143] {strides = array<i32>} : memref<128x144xf32, #tpu.memory_space<vmem>>, vector<16xf32>,
        %mul3A_145 = arith.mulf %get3A_144, %exp3A : vector<16xf32>
        %swap3A_146 = arith.index_cast %scan3A_111 : i32 to index
        %swap3A_147 = arith.constant 48 : index
        %swap3A_148 = tpu.vector_load %arg13[%swap3A_146, %swap3A_147] {strides = array<i32>} : memref<128x144xf32, #tpu.memory_space<vmem>>, vector<16xf32>,
        tpu.vector_store %arg13[%swap3A_146, %swap3A_147], %mul3A_145 {strides = array<i32>} : memref<128x144xf32, #tpu.memory_space<vmem>>, vector<16xf32>,
        %get3A_149 = arith.index_cast %scan3A_111 : i32 to index
        %get3A_150 = arith.constant 64 : index
        %get3A_151 = tpu.vector_load %arg13[%get3A_149, %get3A_150] {strides = array<i32>} : memref<128x144xf32, #tpu.memory_space<vmem>>, vector<16xf32>,
        %mul3A_152 = arith.mulf %get3A_151, %exp3A : vector<16xf32>
        %swap3A_153 = arith.index_cast %scan3A_111 : i32 to index
        %swap3A_154 = arith.constant 64 : index
        %swap3A_155 = tpu.vector_load %arg13[%swap3A_153, %swap3A_154] {strides = array<i32>} : memref<128x144xf32, #tpu.memory_space<vmem>>, vector<16xf32>,
        tpu.vector_store %arg13[%swap3A_153, %swap3A_154], %mul3A_152 {strides = array<i32>} : memref<128x144xf32, #tpu.memory_space<vmem>>, vector<16xf32>,
        %get3A_156 = arith.index_cast %scan3A_111 : i32 to index
        %get3A_157 = arith.constant 80 : index
        %get3A_158 = tpu.vector_load %arg13[%get3A_156, %get3A_157] {strides = array<i32>} : memref<128x144xf32, #tpu.memory_space<vmem>>, vector<16xf32>,
        %mul3A_159 = arith.mulf %get3A_158, %exp3A : vector<16xf32>
        %swap3A_160 = arith.index_cast %scan3A_111 : i32 to index
        %swap3A_161 = arith.constant 80 : index
        %swap3A_162 = tpu.vector_load %arg13[%swap3A_160, %swap3A_161] {strides = array<i32>} : memref<128x144xf32, #tpu.memory_space<vmem>>, vector<16xf32>,
        tpu.vector_store %arg13[%swap3A_160, %swap3A_161], %mul3A_159 {strides = array<i32>} : memref<128x144xf32, #tpu.memory_space<vmem>>, vector<16xf32>,
        %get3A_163 = arith.index_cast %scan3A_111 : i32 to index
        %get3A_164 = arith.constant 96 : index
        %get3A_165 = tpu.vector_load %arg13[%get3A_163, %get3A_164] {strides = array<i32>} : memref<128x144xf32, #tpu.memory_space<vmem>>, vector<16xf32>,
        %mul3A_166 = arith.mulf %get3A_165, %exp3A : vector<16xf32>
        %swap3A_167 = arith.index_cast %scan3A_111 : i32 to index
        %swap3A_168 = arith.constant 96 : index
        %swap3A_169 = tpu.vector_load %arg13[%swap3A_167, %swap3A_168] {strides = array<i32>} : memref<128x144xf32, #tpu.memory_space<vmem>>, vector<16xf32>,
        tpu.vector_store %arg13[%swap3A_167, %swap3A_168], %mul3A_166 {strides = array<i32>} : memref<128x144xf32, #tpu.memory_space<vmem>>, vector<16xf32>,
        %get3A_170 = arith.index_cast %scan3A_111 : i32 to index
        %get3A_171 = arith.constant 112 : index
        %get3A_172 = tpu.vector_load %arg13[%get3A_170, %get3A_171] {strides = array<i32>} : memref<128x144xf32, #tpu.memory_space<vmem>>, vector<16xf32>,
        %mul3A_173 = arith.mulf %get3A_172, %exp3A : vector<16xf32>
        %swap3A_174 = arith.index_cast %scan3A_111 : i32 to index
        %swap3A_175 = arith.constant 112 : index
        %swap3A_176 = tpu.vector_load %arg13[%swap3A_174, %swap3A_175] {strides = array<i32>} : memref<128x144xf32, #tpu.memory_space<vmem>>, vector<16xf32>,
        tpu.vector_store %arg13[%swap3A_174, %swap3A_175], %mul3A_173 {strides = array<i32>} : memref<128x144xf32, #tpu.memory_space<vmem>>, vector<16xf32>,
        %swap3A_177 = arith.index_cast %scan3A_111 : i32 to index
        %swap3A_178 = arith.constant 128 : index
        %swap3A_179 = tpu.vector_load %arg13[%swap3A_177, %swap3A_178] {strides = array<i32>} : memref<128x144xf32, #tpu.memory_space<vmem>>, vector<16xf32>,
        tpu.vector_store %arg13[%swap3A_177, %swap3A_178], %exp3A {strides = array<i32>} : memref<128x144xf32, #tpu.memory_space<vmem>>, vector<16xf32>,
      }
      %scan3A_110 = arith.constant 128 : i32
      "tpu.region"() ({
        %run_scoped3A = tpu.sem_alloc : memref<!tpu.dma_semaphore, #tpu.memory_space<semaphore_mem>>
        %dma_start3A = arith.constant 0 : i32
        %dma_start3A_111 = arith.constant 0 : i32
        %dma_start3A_112 = tpu.memref_slice %arg14[%dma_start3A, %dma_start3A_111] : memref<10240x144xf32, #tpu.memory_space<vmem_shared>> -> memref<10240x144xf32, #tpu.memory_space<vmem_shared>>
        tpu.enqueue_indirect_dma source(%arg13 : memref<128x144xf32, #tpu.memory_space<vmem>>) target(%dma_start3A_112 : memref<10240x144xf32, #tpu.memory_space<vmem_shared>>) offsets(%arg10 : memref<128xi32, #tpu.memory_space<vmem>>) semaphore(%run_scoped3A : memref<!tpu.dma_semaphore, #tpu.memory_space<semaphore_mem>>) {add = true}
        %dma_wait3A = arith.constant 0 : i32
        %dma_wait3A_113 = arith.constant 0 : i32
        %dma_wait3A_114 = tpu.memref_slice %arg14[%dma_wait3A, %dma_wait3A_113] : memref<10240x144xf32, #tpu.memory_space<vmem_shared>> -> memref<10240x144xf32, #tpu.memory_space<vmem_shared>>
        tpu.wait_indirect_dma semaphore(%run_scoped3A : memref<!tpu.dma_semaphore, #tpu.memory_space<semaphore_mem>>) src(%arg13 : memref<128x144xf32, #tpu.memory_space<vmem>>) dst(%dma_wait3A_114 : memref<10240x144xf32, #tpu.memory_space<vmem_shared>>)
        tpu.yield
      }) : () -> ()
      "tpu.region"() ({
        %run_scoped3A = tpu.sem_alloc : memref<!tpu.dma_semaphore, #tpu.memory_space<semaphore_mem>>
        %dma_start3A = arith.constant 0 : i32
        %dma_start3A_111 = arith.constant 0 : i32
        %dma_start3A_112 = tpu.memref_slice %arg15[%dma_start3A, %dma_start3A_111] : memref<512x144xf32, #tpu.memory_space<vmem_shared>> -> memref<512x144xf32, #tpu.memory_space<vmem_shared>>
        tpu.enqueue_indirect_dma source(%arg13 : memref<128x144xf32, #tpu.memory_space<vmem>>) target(%dma_start3A_112 : memref<512x144xf32, #tpu.memory_space<vmem_shared>>) offsets(%arg11 : memref<128xi32, #tpu.memory_space<vmem>>) semaphore(%run_scoped3A : memref<!tpu.dma_semaphore, #tpu.memory_space<semaphore_mem>>) {add = true}
        %dma_wait3A = arith.constant 0 : i32
        %dma_wait3A_113 = arith.constant 0 : i32
        %dma_wait3A_114 = tpu.memref_slice %arg15[%dma_wait3A, %dma_wait3A_113] : memref<512x144xf32, #tpu.memory_space<vmem_shared>> -> memref<512x144xf32, #tpu.memory_space<vmem_shared>>
        tpu.wait_indirect_dma semaphore(%run_scoped3A : memref<!tpu.dma_semaphore, #tpu.memory_space<semaphore_mem>>) src(%arg13 : memref<128x144xf32, #tpu.memory_space<vmem>>) dst(%dma_wait3A_114 : memref<512x144xf32, #tpu.memory_space<vmem_shared>>)
        tpu.yield
      }) : () -> ()
    }
    %while3A_79 = arith.constant 1 : i32
    scf.for %while3A_105 = %while3A_77 to %while3A_73 step %while3A_79  : i32 {
      "tpu.region"() ({
        %run_scoped3A = tpu.sem_alloc : memref<!tpu.dma_semaphore, #tpu.memory_space<semaphore_mem>>
        %dma_start3A = arith.constant 0 : i32
        %dma_start3A_111 = tpu.memref_slice %arg2[%while3A_105, %dma_start3A] : memref<1250x128xi32, #tpu.memory_space<hbm>> -> memref<1x128xi32, #tpu.memory_space<hbm>>
        %dma_start3A_112 = tpu.memref_squeeze %dma_start3A_111 : memref<1x128xi32, #tpu.memory_space<hbm>> -> memref<128xi32, #tpu.memory_space<hbm>>
        %dma_start3A_113 = arith.constant 0 : i32
        %dma_start3A_114 = tpu.memref_slice %arg2[%while3A_105, %dma_start3A_113] : memref<1250x128xi32, #tpu.memory_space<hbm>> -> memref<1x128xi32, #tpu.memory_space<hbm>>
        %dma_start3A_115 = tpu.memref_squeeze %dma_start3A_114 : memref<1x128xi32, #tpu.memory_space<hbm>> -> memref<128xi32, #tpu.memory_space<hbm>>
        tpu.enqueue_dma source(%dma_start3A_115 : memref<128xi32, #tpu.memory_space<hbm>>) target(%arg10 : memref<128xi32, #tpu.memory_space<vmem>>) target_semaphore(%run_scoped3A : memref<!tpu.dma_semaphore, #tpu.memory_space<semaphore_mem>>)
        %dma_wait3A = arith.constant 0 : i32
        %dma_wait3A_116 = tpu.memref_slice %arg2[%while3A_105, %dma_wait3A] : memref<1250x128xi32, #tpu.memory_space<hbm>> -> memref<1x128xi32, #tpu.memory_space<hbm>>
        %dma_wait3A_117 = tpu.memref_squeeze %dma_wait3A_116 : memref<1x128xi32, #tpu.memory_space<hbm>> -> memref<128xi32, #tpu.memory_space<hbm>>
        %dma_wait3A_118 = arith.constant 0 : i32
        %dma_wait3A_119 = tpu.memref_slice %arg2[%while3A_105, %dma_wait3A_118] : memref<1250x128xi32, #tpu.memory_space<hbm>> -> memref<1x128xi32, #tpu.memory_space<hbm>>
        %dma_wait3A_120 = tpu.memref_squeeze %dma_wait3A_119 : memref<1x128xi32, #tpu.memory_space<hbm>> -> memref<128xi32, #tpu.memory_space<hbm>>
        tpu.wait_dma2 semaphore(%run_scoped3A : memref<!tpu.dma_semaphore, #tpu.memory_space<semaphore_mem>>) src(%dma_wait3A_120 : memref<128xi32, #tpu.memory_space<hbm>>) dst(%arg10 : memref<128xi32, #tpu.memory_space<vmem>>)
        tpu.yield
      }) : () -> ()
      "tpu.region"() ({
        %run_scoped3A = tpu.sem_alloc : memref<!tpu.dma_semaphore, #tpu.memory_space<semaphore_mem>>
        %dma_start3A = arith.constant 0 : i32
        %dma_start3A_111 = tpu.memref_slice %arg3[%while3A_105, %dma_start3A] : memref<1250x128xi32, #tpu.memory_space<hbm>> -> memref<1x128xi32, #tpu.memory_space<hbm>>
        %dma_start3A_112 = tpu.memref_squeeze %dma_start3A_111 : memref<1x128xi32, #tpu.memory_space<hbm>> -> memref<128xi32, #tpu.memory_space<hbm>>
        %dma_start3A_113 = arith.constant 0 : i32
        %dma_start3A_114 = tpu.memref_slice %arg3[%while3A_105, %dma_start3A_113] : memref<1250x128xi32, #tpu.memory_space<hbm>> -> memref<1x128xi32, #tpu.memory_space<hbm>>
        %dma_start3A_115 = tpu.memref_squeeze %dma_start3A_114 : memref<1x128xi32, #tpu.memory_space<hbm>> -> memref<128xi32, #tpu.memory_space<hbm>>
        tpu.enqueue_dma source(%dma_start3A_115 : memref<128xi32, #tpu.memory_space<hbm>>) target(%arg11 : memref<128xi32, #tpu.memory_space<vmem>>) target_semaphore(%run_scoped3A : memref<!tpu.dma_semaphore, #tpu.memory_space<semaphore_mem>>)
        %dma_wait3A = arith.constant 0 : i32
        %dma_wait3A_116 = tpu.memref_slice %arg3[%while3A_105, %dma_wait3A] : memref<1250x128xi32, #tpu.memory_space<hbm>> -> memref<1x128xi32, #tpu.memory_space<hbm>>
        %dma_wait3A_117 = tpu.memref_squeeze %dma_wait3A_116 : memref<1x128xi32, #tpu.memory_space<hbm>> -> memref<128xi32, #tpu.memory_space<hbm>>
        %dma_wait3A_118 = arith.constant 0 : i32
        %dma_wait3A_119 = tpu.memref_slice %arg3[%while3A_105, %dma_wait3A_118] : memref<1250x128xi32, #tpu.memory_space<hbm>> -> memref<1x128xi32, #tpu.memory_space<hbm>>
        %dma_wait3A_120 = tpu.memref_squeeze %dma_wait3A_119 : memref<1x128xi32, #tpu.memory_space<hbm>> -> memref<128xi32, #tpu.memory_space<hbm>>
        tpu.wait_dma2 semaphore(%run_scoped3A : memref<!tpu.dma_semaphore, #tpu.memory_space<semaphore_mem>>) src(%dma_wait3A_120 : memref<128xi32, #tpu.memory_space<hbm>>) dst(%arg11 : memref<128xi32, #tpu.memory_space<vmem>>)
        tpu.yield
      }) : () -> ()
      "tpu.region"() ({
        %run_scoped3A = tpu.sem_alloc : memref<!tpu.dma_semaphore, #tpu.memory_space<semaphore_mem>>
        %dma_start3A = arith.constant 0 : i32
        %dma_start3A_111 = tpu.memref_slice %arg4[%while3A_105, %dma_start3A] : memref<1250x128xi32, #tpu.memory_space<hbm>> -> memref<1x128xi32, #tpu.memory_space<hbm>>
        %dma_start3A_112 = tpu.memref_squeeze %dma_start3A_111 : memref<1x128xi32, #tpu.memory_space<hbm>> -> memref<128xi32, #tpu.memory_space<hbm>>
        %dma_start3A_113 = arith.constant 0 : i32
        %dma_start3A_114 = tpu.memref_slice %arg4[%while3A_105, %dma_start3A_113] : memref<1250x128xi32, #tpu.memory_space<hbm>> -> memref<1x128xi32, #tpu.memory_space<hbm>>
        %dma_start3A_115 = tpu.memref_squeeze %dma_start3A_114 : memref<1x128xi32, #tpu.memory_space<hbm>> -> memref<128xi32, #tpu.memory_space<hbm>>
        tpu.enqueue_dma source(%dma_start3A_115 : memref<128xi32, #tpu.memory_space<hbm>>) target(%arg12 : memref<128xi32, #tpu.memory_space<vmem>>) target_semaphore(%run_scoped3A : memref<!tpu.dma_semaphore, #tpu.memory_space<semaphore_mem>>)
        %dma_wait3A = arith.constant 0 : i32
        %dma_wait3A_116 = tpu.memref_slice %arg4[%while3A_105, %dma_wait3A] : memref<1250x128xi32, #tpu.memory_space<hbm>> -> memref<1x128xi32, #tpu.memory_space<hbm>>
        %dma_wait3A_117 = tpu.memref_squeeze %dma_wait3A_116 : memref<1x128xi32, #tpu.memory_space<hbm>> -> memref<128xi32, #tpu.memory_space<hbm>>
        %dma_wait3A_118 = arith.constant 0 : i32
        %dma_wait3A_119 = tpu.memref_slice %arg4[%while3A_105, %dma_wait3A_118] : memref<1250x128xi32, #tpu.memory_space<hbm>> -> memref<1x128xi32, #tpu.memory_space<hbm>>
        %dma_wait3A_120 = tpu.memref_squeeze %dma_wait3A_119 : memref<1x128xi32, #tpu.memory_space<hbm>> -> memref<128xi32, #tpu.memory_space<hbm>>
        tpu.wait_dma2 semaphore(%run_scoped3A : memref<!tpu.dma_semaphore, #tpu.memory_space<semaphore_mem>>) src(%dma_wait3A_120 : memref<128xi32, #tpu.memory_space<hbm>>) dst(%arg12 : memref<128xi32, #tpu.memory_space<vmem>>)
        tpu.yield
      }) : () -> ()
      "tpu.region"() ({
        %run_scoped3A = tpu.sem_alloc : memref<!tpu.dma_semaphore, #tpu.memory_space<semaphore_mem>>
        %dma_start3A = arith.constant 0 : i32
        %dma_start3A_111 = arith.constant 0 : i32
        %dma_start3A_112 = tpu.memref_slice %arg5[%dma_start3A, %dma_start3A_111] : memref<10000x144xf32, #tpu.memory_space<hbm>> -> memref<10000x144xf32, #tpu.memory_space<hbm>>
        tpu.enqueue_indirect_dma source(%dma_start3A_112 : memref<10000x144xf32, #tpu.memory_space<hbm>>) target(%arg13 : memref<128x144xf32, #tpu.memory_space<vmem>>) offsets(%arg10 : memref<128xi32, #tpu.memory_space<vmem>>) semaphore(%run_scoped3A : memref<!tpu.dma_semaphore, #tpu.memory_space<semaphore_mem>>)
        %dma_wait3A = arith.constant 0 : i32
        %dma_wait3A_113 = arith.constant 0 : i32
        %dma_wait3A_114 = tpu.memref_slice %arg5[%dma_wait3A, %dma_wait3A_113] : memref<10000x144xf32, #tpu.memory_space<hbm>> -> memref<10000x144xf32, #tpu.memory_space<hbm>>
        tpu.wait_indirect_dma semaphore(%run_scoped3A : memref<!tpu.dma_semaphore, #tpu.memory_space<semaphore_mem>>) src(%dma_wait3A_114 : memref<10000x144xf32, #tpu.memory_space<hbm>>) dst(%arg13 : memref<128x144xf32, #tpu.memory_space<vmem>>)
        tpu.yield
      }) : () -> ()
      "tpu.region"() ({
        %run_scoped3A = tpu.sem_alloc : memref<!tpu.dma_semaphore, #tpu.memory_space<semaphore_mem>>
        %dma_start3A = arith.constant 0 : i32
        %dma_start3A_111 = arith.constant 0 : i32
        %dma_start3A_112 = tpu.memref_slice %arg6[%dma_start3A, %dma_start3A_111] : memref<500x144xf32, #tpu.memory_space<hbm>> -> memref<500x144xf32, #tpu.memory_space<hbm>>
        tpu.enqueue_indirect_dma source(%dma_start3A_112 : memref<500x144xf32, #tpu.memory_space<hbm>>) target(%arg13 : memref<128x144xf32, #tpu.memory_space<vmem>>) offsets(%arg11 : memref<128xi32, #tpu.memory_space<vmem>>) semaphore(%run_scoped3A : memref<!tpu.dma_semaphore, #tpu.memory_space<semaphore_mem>>) {add = true}
        %dma_wait3A = arith.constant 0 : i32
        %dma_wait3A_113 = arith.constant 0 : i32
        %dma_wait3A_114 = tpu.memref_slice %arg6[%dma_wait3A, %dma_wait3A_113] : memref<500x144xf32, #tpu.memory_space<hbm>> -> memref<500x144xf32, #tpu.memory_space<hbm>>
        tpu.wait_indirect_dma semaphore(%run_scoped3A : memref<!tpu.dma_semaphore, #tpu.memory_space<semaphore_mem>>) src(%dma_wait3A_114 : memref<500x144xf32, #tpu.memory_space<hbm>>) dst(%arg13 : memref<128x144xf32, #tpu.memory_space<vmem>>)
        tpu.yield
      }) : () -> ()
      "tpu.region"() ({
        %run_scoped3A = tpu.sem_alloc : memref<!tpu.dma_semaphore, #tpu.memory_space<semaphore_mem>>
        %dma_start3A = arith.constant 0 : i32
        %dma_start3A_111 = arith.constant 0 : i32
        %dma_start3A_112 = tpu.memref_slice %arg7[%dma_start3A, %dma_start3A_111] : memref<500x144xf32, #tpu.memory_space<hbm>> -> memref<500x144xf32, #tpu.memory_space<hbm>>
        tpu.enqueue_indirect_dma source(%dma_start3A_112 : memref<500x144xf32, #tpu.memory_space<hbm>>) target(%arg13 : memref<128x144xf32, #tpu.memory_space<vmem>>) offsets(%arg12 : memref<128xi32, #tpu.memory_space<vmem>>) semaphore(%run_scoped3A : memref<!tpu.dma_semaphore, #tpu.memory_space<semaphore_mem>>) {add = true}
        %dma_wait3A = arith.constant 0 : i32
        %dma_wait3A_113 = arith.constant 0 : i32
        %dma_wait3A_114 = tpu.memref_slice %arg7[%dma_wait3A, %dma_wait3A_113] : memref<500x144xf32, #tpu.memory_space<hbm>> -> memref<500x144xf32, #tpu.memory_space<hbm>>
        tpu.wait_indirect_dma semaphore(%run_scoped3A : memref<!tpu.dma_semaphore, #tpu.memory_space<semaphore_mem>>) src(%dma_wait3A_114 : memref<500x144xf32, #tpu.memory_space<hbm>>) dst(%arg13 : memref<128x144xf32, #tpu.memory_space<vmem>>)
        tpu.yield
      }) : () -> ()
      %scan3A_106 = arith.constant 0 : i32
      %scan3A_107 = arith.constant 128 : i32
      %scan3A_108 = arith.addi %scan3A_106, %scan3A_107 : i32
      %scan3A_109 = arith.constant 1 : i32
      scf.for %scan3A_111 = %scan3A_106 to %scan3A_108 step %scan3A_109  : i32 {
        %get3A = arith.index_cast %scan3A_111 : i32 to index
        %get3A_112 = arith.constant 128 : index
        %get3A_113 = tpu.vector_load %arg13[%get3A, %get3A_112] {strides = array<i32>} : memref<128x144xf32, #tpu.memory_space<vmem>>, vector<16xf32>,
        %slice3A = vector.extract_strided_slice %get3A_113 {offsets = [0], sizes = [1], strides = [1]} : vector<16xf32> to vector<1xf32>
        %squeeze3A = vector.extract %slice3A[0] : f32 from vector<1xf32>
        %broadcast_in_dim3A = vector.broadcast %squeeze3A : f32 to vector<16xf32>
        %gt3A = arith.constant 0.000000e+00 : f32
        %gt3A_114 = vector.broadcast %gt3A : f32 to vector<16xf32>
        %gt3A_115 = arith.cmpf ogt, %broadcast_in_dim3A, %gt3A_114 : vector<16xf32>
        %mul3A_116 = arith.constant 2.000000e-01 : f32
        %mul3A_117 = vector.broadcast %mul3A_116 : f32 to vector<16xf32>
        %mul3A_118 = arith.mulf %mul3A_117, %broadcast_in_dim3A : vector<16xf32>
        %select_n3A_119 = arith.select %gt3A_115, %broadcast_in_dim3A, %mul3A_118 : vector<16xi1>, vector<16xf32>
        %neg3A = arith.constant 0.000000e+00 : f32
        %neg3A_120 = vector.broadcast %neg3A : f32 to vector<16xf32>
        %neg3A_121 = arith.subf %neg3A_120, %select_n3A_119 : vector<16xf32>
        %exp3A = math.exp %neg3A_121 : vector<16xf32>
        %get3A_122 = arith.index_cast %scan3A_111 : i32 to index
        %get3A_123 = arith.constant 0 : index
        %get3A_124 = tpu.vector_load %arg13[%get3A_122, %get3A_123] {strides = array<i32>} : memref<128x144xf32, #tpu.memory_space<vmem>>, vector<16xf32>,
        %mul3A_125 = arith.mulf %get3A_124, %exp3A : vector<16xf32>
        %swap3A = arith.index_cast %scan3A_111 : i32 to index
        %swap3A_126 = arith.constant 0 : index
        %swap3A_127 = tpu.vector_load %arg13[%swap3A, %swap3A_126] {strides = array<i32>} : memref<128x144xf32, #tpu.memory_space<vmem>>, vector<16xf32>,
        tpu.vector_store %arg13[%swap3A, %swap3A_126], %mul3A_125 {strides = array<i32>} : memref<128x144xf32, #tpu.memory_space<vmem>>, vector<16xf32>,
        %get3A_128 = arith.index_cast %scan3A_111 : i32 to index
        %get3A_129 = arith.constant 16 : index
        %get3A_130 = tpu.vector_load %arg13[%get3A_128, %get3A_129] {strides = array<i32>} : memref<128x144xf32, #tpu.memory_space<vmem>>, vector<16xf32>,
        %mul3A_131 = arith.mulf %get3A_130, %exp3A : vector<16xf32>
        %swap3A_132 = arith.index_cast %scan3A_111 : i32 to index
        %swap3A_133 = arith.constant 16 : index
        %swap3A_134 = tpu.vector_load %arg13[%swap3A_132, %swap3A_133] {strides = array<i32>} : memref<128x144xf32, #tpu.memory_space<vmem>>, vector<16xf32>,
        tpu.vector_store %arg13[%swap3A_132, %swap3A_133], %mul3A_131 {strides = array<i32>} : memref<128x144xf32, #tpu.memory_space<vmem>>, vector<16xf32>,
        %get3A_135 = arith.index_cast %scan3A_111 : i32 to index
        %get3A_136 = arith.constant 32 : index
        %get3A_137 = tpu.vector_load %arg13[%get3A_135, %get3A_136] {strides = array<i32>} : memref<128x144xf32, #tpu.memory_space<vmem>>, vector<16xf32>,
        %mul3A_138 = arith.mulf %get3A_137, %exp3A : vector<16xf32>
        %swap3A_139 = arith.index_cast %scan3A_111 : i32 to index
        %swap3A_140 = arith.constant 32 : index
        %swap3A_141 = tpu.vector_load %arg13[%swap3A_139, %swap3A_140] {strides = array<i32>} : memref<128x144xf32, #tpu.memory_space<vmem>>, vector<16xf32>,
        tpu.vector_store %arg13[%swap3A_139, %swap3A_140], %mul3A_138 {strides = array<i32>} : memref<128x144xf32, #tpu.memory_space<vmem>>, vector<16xf32>,
        %get3A_142 = arith.index_cast %scan3A_111 : i32 to index
        %get3A_143 = arith.constant 48 : index
        %get3A_144 = tpu.vector_load %arg13[%get3A_142, %get3A_143] {strides = array<i32>} : memref<128x144xf32, #tpu.memory_space<vmem>>, vector<16xf32>,
        %mul3A_145 = arith.mulf %get3A_144, %exp3A : vector<16xf32>
        %swap3A_146 = arith.index_cast %scan3A_111 : i32 to index
        %swap3A_147 = arith.constant 48 : index
        %swap3A_148 = tpu.vector_load %arg13[%swap3A_146, %swap3A_147] {strides = array<i32>} : memref<128x144xf32, #tpu.memory_space<vmem>>, vector<16xf32>,
        tpu.vector_store %arg13[%swap3A_146, %swap3A_147], %mul3A_145 {strides = array<i32>} : memref<128x144xf32, #tpu.memory_space<vmem>>, vector<16xf32>,
        %get3A_149 = arith.index_cast %scan3A_111 : i32 to index
        %get3A_150 = arith.constant 64 : index
        %get3A_151 = tpu.vector_load %arg13[%get3A_149, %get3A_150] {strides = array<i32>} : memref<128x144xf32, #tpu.memory_space<vmem>>, vector<16xf32>,
        %mul3A_152 = arith.mulf %get3A_151, %exp3A : vector<16xf32>
        %swap3A_153 = arith.index_cast %scan3A_111 : i32 to index
        %swap3A_154 = arith.constant 64 : index
        %swap3A_155 = tpu.vector_load %arg13[%swap3A_153, %swap3A_154] {strides = array<i32>} : memref<128x144xf32, #tpu.memory_space<vmem>>, vector<16xf32>,
        tpu.vector_store %arg13[%swap3A_153, %swap3A_154], %mul3A_152 {strides = array<i32>} : memref<128x144xf32, #tpu.memory_space<vmem>>, vector<16xf32>,
        %get3A_156 = arith.index_cast %scan3A_111 : i32 to index
        %get3A_157 = arith.constant 80 : index
        %get3A_158 = tpu.vector_load %arg13[%get3A_156, %get3A_157] {strides = array<i32>} : memref<128x144xf32, #tpu.memory_space<vmem>>, vector<16xf32>,
        %mul3A_159 = arith.mulf %get3A_158, %exp3A : vector<16xf32>
        %swap3A_160 = arith.index_cast %scan3A_111 : i32 to index
        %swap3A_161 = arith.constant 80 : index
        %swap3A_162 = tpu.vector_load %arg13[%swap3A_160, %swap3A_161] {strides = array<i32>} : memref<128x144xf32, #tpu.memory_space<vmem>>, vector<16xf32>,
        tpu.vector_store %arg13[%swap3A_160, %swap3A_161], %mul3A_159 {strides = array<i32>} : memref<128x144xf32, #tpu.memory_space<vmem>>, vector<16xf32>,
        %get3A_163 = arith.index_cast %scan3A_111 : i32 to index
        %get3A_164 = arith.constant 96 : index
        %get3A_165 = tpu.vector_load %arg13[%get3A_163, %get3A_164] {strides = array<i32>} : memref<128x144xf32, #tpu.memory_space<vmem>>, vector<16xf32>,
        %mul3A_166 = arith.mulf %get3A_165, %exp3A : vector<16xf32>
        %swap3A_167 = arith.index_cast %scan3A_111 : i32 to index
        %swap3A_168 = arith.constant 96 : index
        %swap3A_169 = tpu.vector_load %arg13[%swap3A_167, %swap3A_168] {strides = array<i32>} : memref<128x144xf32, #tpu.memory_space<vmem>>, vector<16xf32>,
        tpu.vector_store %arg13[%swap3A_167, %swap3A_168], %mul3A_166 {strides = array<i32>} : memref<128x144xf32, #tpu.memory_space<vmem>>, vector<16xf32>,
        %get3A_170 = arith.index_cast %scan3A_111 : i32 to index
        %get3A_171 = arith.constant 112 : index
        %get3A_172 = tpu.vector_load %arg13[%get3A_170, %get3A_171] {strides = array<i32>} : memref<128x144xf32, #tpu.memory_space<vmem>>, vector<16xf32>,
        %mul3A_173 = arith.mulf %get3A_172, %exp3A : vector<16xf32>
        %swap3A_174 = arith.index_cast %scan3A_111 : i32 to index
        %swap3A_175 = arith.constant 112 : index
        %swap3A_176 = tpu.vector_load %arg13[%swap3A_174, %swap3A_175] {strides = array<i32>} : memref<128x144xf32, #tpu.memory_space<vmem>>, vector<16xf32>,
        tpu.vector_store %arg13[%swap3A_174, %swap3A_175], %mul3A_173 {strides = array<i32>} : memref<128x144xf32, #tpu.memory_space<vmem>>, vector<16xf32>,
        %swap3A_177 = arith.index_cast %scan3A_111 : i32 to index
        %swap3A_178 = arith.constant 128 : index
        %swap3A_179 = tpu.vector_load %arg13[%swap3A_177, %swap3A_178] {strides = array<i32>} : memref<128x144xf32, #tpu.memory_space<vmem>>, vector<16xf32>,
        tpu.vector_store %arg13[%swap3A_177, %swap3A_178], %exp3A {strides = array<i32>} : memref<128x144xf32, #tpu.memory_space<vmem>>, vector<16xf32>,
      }
      %scan3A_110 = arith.constant 128 : i32
      "tpu.region"() ({
        %run_scoped3A = tpu.sem_alloc : memref<!tpu.dma_semaphore, #tpu.memory_space<semaphore_mem>>
        %dma_start3A = arith.constant 0 : i32
        %dma_start3A_111 = arith.constant 0 : i32
        %dma_start3A_112 = tpu.memref_slice %arg14[%dma_start3A, %dma_start3A_111] : memref<10240x144xf32, #tpu.memory_space<vmem_shared>> -> memref<10240x144xf32, #tpu.memory_space<vmem_shared>>
        tpu.enqueue_indirect_dma source(%arg13 : memref<128x144xf32, #tpu.memory_space<vmem>>) target(%dma_start3A_112 : memref<10240x144xf32, #tpu.memory_space<vmem_shared>>) offsets(%arg10 : memref<128xi32, #tpu.memory_space<vmem>>) semaphore(%run_scoped3A : memref<!tpu.dma_semaphore, #tpu.memory_space<semaphore_mem>>) {add = true}
        %dma_wait3A = arith.constant 0 : i32
        %dma_wait3A_113 = arith.constant 0 : i32
        %dma_wait3A_114 = tpu.memref_slice %arg14[%dma_wait3A, %dma_wait3A_113] : memref<10240x144xf32, #tpu.memory_space<vmem_shared>> -> memref<10240x144xf32, #tpu.memory_space<vmem_shared>>
        tpu.wait_indirect_dma semaphore(%run_scoped3A : memref<!tpu.dma_semaphore, #tpu.memory_space<semaphore_mem>>) src(%arg13 : memref<128x144xf32, #tpu.memory_space<vmem>>) dst(%dma_wait3A_114 : memref<10240x144xf32, #tpu.memory_space<vmem_shared>>)
        tpu.yield
      }) : () -> ()
      "tpu.region"() ({
        %run_scoped3A = tpu.sem_alloc : memref<!tpu.dma_semaphore, #tpu.memory_space<semaphore_mem>>
        %dma_start3A = arith.constant 0 : i32
        %dma_start3A_111 = arith.constant 0 : i32
        %dma_start3A_112 = tpu.memref_slice %arg15[%dma_start3A, %dma_start3A_111] : memref<512x144xf32, #tpu.memory_space<vmem_shared>> -> memref<512x144xf32, #tpu.memory_space<vmem_shared>>
        tpu.enqueue_indirect_dma source(%arg13 : memref<128x144xf32, #tpu.memory_space<vmem>>) target(%dma_start3A_112 : memref<512x144xf32, #tpu.memory_space<vmem_shared>>) offsets(%arg11 : memref<128xi32, #tpu.memory_space<vmem>>) semaphore(%run_scoped3A : memref<!tpu.dma_semaphore, #tpu.memory_space<semaphore_mem>>) {add = true}
        %dma_wait3A = arith.constant 0 : i32
        %dma_wait3A_113 = arith.constant 0 : i32
        %dma_wait3A_114 = tpu.memref_slice %arg15[%dma_wait3A, %dma_wait3A_113] : memref<512x144xf32, #tpu.memory_space<vmem_shared>> -> memref<512x144xf32, #tpu.memory_space<vmem_shared>>
        tpu.wait_indirect_dma semaphore(%run_scoped3A : memref<!tpu.dma_semaphore, #tpu.memory_space<semaphore_mem>>) src(%arg13 : memref<128x144xf32, #tpu.memory_space<vmem>>) dst(%dma_wait3A_114 : memref<512x144xf32, #tpu.memory_space<vmem_shared>>)
        tpu.yield
      }) : () -> ()
    }
    %barrier3A_80 = arith.constant 0 : index
    tpu.barrier barrier_id(%barrier3A_80)
    %mul3A_81 = arith.constant 640 : i32
    %mul3A_82 = arith.muli %arg1, %mul3A_81 : i32
    %add3A_83 = arith.constant 0 : i32
    %add3A_84 = arith.addi %mul3A_82, %add3A_83 : i32
    "tpu.region"() ({
      %run_scoped3A = tpu.sem_alloc : memref<!tpu.dma_semaphore, #tpu.memory_space<semaphore_mem>>
      %dma_start3A = arith.constant 0 : i32
      %dma_start3A_105 = tpu.memref_slice %arg8[%arg0, %add3A_84, %dma_start3A] : memref<2x10240x144xf32, #tpu.memory_space<hbm>> -> memref<1x128x144xf32, #tpu.memory_space<hbm>>
      %dma_start3A_106 = tpu.memref_squeeze %dma_start3A_105 : memref<1x128x144xf32, #tpu.memory_space<hbm>> -> memref<128x144xf32, #tpu.memory_space<hbm>>
      %dma_start3A_107 = arith.constant 0 : i32
      %dma_start3A_108 = tpu.memref_slice %arg14[%add3A_84, %dma_start3A_107] : memref<10240x144xf32, #tpu.memory_space<vmem_shared>> -> memref<128x144xf32, #tpu.memory_space<vmem_shared>>
      tpu.enqueue_dma source(%dma_start3A_108 : memref<128x144xf32, #tpu.memory_space<vmem_shared>>) target(%dma_start3A_106 : memref<128x144xf32, #tpu.memory_space<hbm>>) target_semaphore(%run_scoped3A : memref<!tpu.dma_semaphore, #tpu.memory_space<semaphore_mem>>)
      %dma_wait3A = arith.constant 0 : i32
      %dma_wait3A_109 = tpu.memref_slice %arg8[%arg0, %add3A_84, %dma_wait3A] : memref<2x10240x144xf32, #tpu.memory_space<hbm>> -> memref<1x128x144xf32, #tpu.memory_space<hbm>>
      %dma_wait3A_110 = tpu.memref_squeeze %dma_wait3A_109 : memref<1x128x144xf32, #tpu.memory_space<hbm>> -> memref<128x144xf32, #tpu.memory_space<hbm>>
      %dma_wait3A_111 = arith.constant 0 : i32
      %dma_wait3A_112 = tpu.memref_slice %arg14[%add3A_84, %dma_wait3A_111] : memref<10240x144xf32, #tpu.memory_space<vmem_shared>> -> memref<128x144xf32, #tpu.memory_space<vmem_shared>>
      tpu.wait_dma2 semaphore(%run_scoped3A : memref<!tpu.dma_semaphore, #tpu.memory_space<semaphore_mem>>) src(%dma_wait3A_112 : memref<128x144xf32, #tpu.memory_space<vmem_shared>>) dst(%dma_wait3A_110 : memref<128x144xf32, #tpu.memory_space<hbm>>)
      tpu.yield
    }) : () -> ()
    %mul3A_85 = arith.constant 640 : i32
    %mul3A_86 = arith.muli %arg1, %mul3A_85 : i32
    %add3A_87 = arith.constant 128 : i32
    %add3A_88 = arith.addi %mul3A_86, %add3A_87 : i32
    "tpu.region"() ({
      %run_scoped3A = tpu.sem_alloc : memref<!tpu.dma_semaphore, #tpu.memory_space<semaphore_mem>>
      %dma_start3A = arith.constant 0 : i32
      %dma_start3A_105 = tpu.memref_slice %arg8[%arg0, %add3A_88, %dma_start3A] : memref<2x10240x144xf32, #tpu.memory_space<hbm>> -> memref<1x128x144xf32, #tpu.memory_space<hbm>>
      %dma_start3A_106 = tpu.memref_squeeze %dma_start3A_105 : memref<1x128x144xf32, #tpu.memory_space<hbm>> -> memref<128x144xf32, #tpu.memory_space<hbm>>
      %dma_start3A_107 = arith.constant 0 : i32
      %dma_start3A_108 = tpu.memref_slice %arg14[%add3A_88, %dma_start3A_107] : memref<10240x144xf32, #tpu.memory_space<vmem_shared>> -> memref<128x144xf32, #tpu.memory_space<vmem_shared>>
      tpu.enqueue_dma source(%dma_start3A_108 : memref<128x144xf32, #tpu.memory_space<vmem_shared>>) target(%dma_start3A_106 : memref<128x144xf32, #tpu.memory_space<hbm>>) target_semaphore(%run_scoped3A : memref<!tpu.dma_semaphore, #tpu.memory_space<semaphore_mem>>)
      %dma_wait3A = arith.constant 0 : i32
      %dma_wait3A_109 = tpu.memref_slice %arg8[%arg0, %add3A_88, %dma_wait3A] : memref<2x10240x144xf32, #tpu.memory_space<hbm>> -> memref<1x128x144xf32, #tpu.memory_space<hbm>>
      %dma_wait3A_110 = tpu.memref_squeeze %dma_wait3A_109 : memref<1x128x144xf32, #tpu.memory_space<hbm>> -> memref<128x144xf32, #tpu.memory_space<hbm>>
      %dma_wait3A_111 = arith.constant 0 : i32
      %dma_wait3A_112 = tpu.memref_slice %arg14[%add3A_88, %dma_wait3A_111] : memref<10240x144xf32, #tpu.memory_space<vmem_shared>> -> memref<128x144xf32, #tpu.memory_space<vmem_shared>>
      tpu.wait_dma2 semaphore(%run_scoped3A : memref<!tpu.dma_semaphore, #tpu.memory_space<semaphore_mem>>) src(%dma_wait3A_112 : memref<128x144xf32, #tpu.memory_space<vmem_shared>>) dst(%dma_wait3A_110 : memref<128x144xf32, #tpu.memory_space<hbm>>)
      tpu.yield
    }) : () -> ()
    %mul3A_89 = arith.constant 640 : i32
    %mul3A_90 = arith.muli %arg1, %mul3A_89 : i32
    %add3A_91 = arith.constant 256 : i32
    %add3A_92 = arith.addi %mul3A_90, %add3A_91 : i32
    "tpu.region"() ({
      %run_scoped3A = tpu.sem_alloc : memref<!tpu.dma_semaphore, #tpu.memory_space<semaphore_mem>>
      %dma_start3A = arith.constant 0 : i32
      %dma_start3A_105 = tpu.memref_slice %arg8[%arg0, %add3A_92, %dma_start3A] : memref<2x10240x144xf32, #tpu.memory_space<hbm>> -> memref<1x128x144xf32, #tpu.memory_space<hbm>>
      %dma_start3A_106 = tpu.memref_squeeze %dma_start3A_105 : memref<1x128x144xf32, #tpu.memory_space<hbm>> -> memref<128x144xf32, #tpu.memory_space<hbm>>
      %dma_start3A_107 = arith.constant 0 : i32
      %dma_start3A_108 = tpu.memref_slice %arg14[%add3A_92, %dma_start3A_107] : memref<10240x144xf32, #tpu.memory_space<vmem_shared>> -> memref<128x144xf32, #tpu.memory_space<vmem_shared>>
      tpu.enqueue_dma source(%dma_start3A_108 : memref<128x144xf32, #tpu.memory_space<vmem_shared>>) target(%dma_start3A_106 : memref<128x144xf32, #tpu.memory_space<hbm>>) target_semaphore(%run_scoped3A : memref<!tpu.dma_semaphore, #tpu.memory_space<semaphore_mem>>)
      %dma_wait3A = arith.constant 0 : i32
      %dma_wait3A_109 = tpu.memref_slice %arg8[%arg0, %add3A_92, %dma_wait3A] : memref<2x10240x144xf32, #tpu.memory_space<hbm>> -> memref<1x128x144xf32, #tpu.memory_space<hbm>>
      %dma_wait3A_110 = tpu.memref_squeeze %dma_wait3A_109 : memref<1x128x144xf32, #tpu.memory_space<hbm>> -> memref<128x144xf32, #tpu.memory_space<hbm>>
      %dma_wait3A_111 = arith.constant 0 : i32
      %dma_wait3A_112 = tpu.memref_slice %arg14[%add3A_92, %dma_wait3A_111] : memref<10240x144xf32, #tpu.memory_space<vmem_shared>> -> memref<128x144xf32, #tpu.memory_space<vmem_shared>>
      tpu.wait_dma2 semaphore(%run_scoped3A : memref<!tpu.dma_semaphore, #tpu.memory_space<semaphore_mem>>) src(%dma_wait3A_112 : memref<128x144xf32, #tpu.memory_space<vmem_shared>>) dst(%dma_wait3A_110 : memref<128x144xf32, #tpu.memory_space<hbm>>)
      tpu.yield
    }) : () -> ()
    %mul3A_93 = arith.constant 640 : i32
    %mul3A_94 = arith.muli %arg1, %mul3A_93 : i32
    %add3A_95 = arith.constant 384 : i32
    %add3A_96 = arith.addi %mul3A_94, %add3A_95 : i32
    "tpu.region"() ({
      %run_scoped3A = tpu.sem_alloc : memref<!tpu.dma_semaphore, #tpu.memory_space<semaphore_mem>>
      %dma_start3A = arith.constant 0 : i32
      %dma_start3A_105 = tpu.memref_slice %arg8[%arg0, %add3A_96, %dma_start3A] : memref<2x10240x144xf32, #tpu.memory_space<hbm>> -> memref<1x128x144xf32, #tpu.memory_space<hbm>>
      %dma_start3A_106 = tpu.memref_squeeze %dma_start3A_105 : memref<1x128x144xf32, #tpu.memory_space<hbm>> -> memref<128x144xf32, #tpu.memory_space<hbm>>
      %dma_start3A_107 = arith.constant 0 : i32
      %dma_start3A_108 = tpu.memref_slice %arg14[%add3A_96, %dma_start3A_107] : memref<10240x144xf32, #tpu.memory_space<vmem_shared>> -> memref<128x144xf32, #tpu.memory_space<vmem_shared>>
      tpu.enqueue_dma source(%dma_start3A_108 : memref<128x144xf32, #tpu.memory_space<vmem_shared>>) target(%dma_start3A_106 : memref<128x144xf32, #tpu.memory_space<hbm>>) target_semaphore(%run_scoped3A : memref<!tpu.dma_semaphore, #tpu.memory_space<semaphore_mem>>)
      %dma_wait3A = arith.constant 0 : i32
      %dma_wait3A_109 = tpu.memref_slice %arg8[%arg0, %add3A_96, %dma_wait3A] : memref<2x10240x144xf32, #tpu.memory_space<hbm>> -> memref<1x128x144xf32, #tpu.memory_space<hbm>>
      %dma_wait3A_110 = tpu.memref_squeeze %dma_wait3A_109 : memref<1x128x144xf32, #tpu.memory_space<hbm>> -> memref<128x144xf32, #tpu.memory_space<hbm>>
      %dma_wait3A_111 = arith.constant 0 : i32
      %dma_wait3A_112 = tpu.memref_slice %arg14[%add3A_96, %dma_wait3A_111] : memref<10240x144xf32, #tpu.memory_space<vmem_shared>> -> memref<128x144xf32, #tpu.memory_space<vmem_shared>>
      tpu.wait_dma2 semaphore(%run_scoped3A : memref<!tpu.dma_semaphore, #tpu.memory_space<semaphore_mem>>) src(%dma_wait3A_112 : memref<128x144xf32, #tpu.memory_space<vmem_shared>>) dst(%dma_wait3A_110 : memref<128x144xf32, #tpu.memory_space<hbm>>)
      tpu.yield
    }) : () -> ()
    %mul3A_97 = arith.constant 640 : i32
    %mul3A_98 = arith.muli %arg1, %mul3A_97 : i32
    %add3A_99 = arith.constant 512 : i32
    %add3A_100 = arith.addi %mul3A_98, %add3A_99 : i32
    "tpu.region"() ({
      %run_scoped3A = tpu.sem_alloc : memref<!tpu.dma_semaphore, #tpu.memory_space<semaphore_mem>>
      %dma_start3A = arith.constant 0 : i32
      %dma_start3A_105 = tpu.memref_slice %arg8[%arg0, %add3A_100, %dma_start3A] : memref<2x10240x144xf32, #tpu.memory_space<hbm>> -> memref<1x128x144xf32, #tpu.memory_space<hbm>>
      %dma_start3A_106 = tpu.memref_squeeze %dma_start3A_105 : memref<1x128x144xf32, #tpu.memory_space<hbm>> -> memref<128x144xf32, #tpu.memory_space<hbm>>
      %dma_start3A_107 = arith.constant 0 : i32
      %dma_start3A_108 = tpu.memref_slice %arg14[%add3A_100, %dma_start3A_107] : memref<10240x144xf32, #tpu.memory_space<vmem_shared>> -> memref<128x144xf32, #tpu.memory_space<vmem_shared>>
      tpu.enqueue_dma source(%dma_start3A_108 : memref<128x144xf32, #tpu.memory_space<vmem_shared>>) target(%dma_start3A_106 : memref<128x144xf32, #tpu.memory_space<hbm>>) target_semaphore(%run_scoped3A : memref<!tpu.dma_semaphore, #tpu.memory_space<semaphore_mem>>)
      %dma_wait3A = arith.constant 0 : i32
      %dma_wait3A_109 = tpu.memref_slice %arg8[%arg0, %add3A_100, %dma_wait3A] : memref<2x10240x144xf32, #tpu.memory_space<hbm>> -> memref<1x128x144xf32, #tpu.memory_space<hbm>>
      %dma_wait3A_110 = tpu.memref_squeeze %dma_wait3A_109 : memref<1x128x144xf32, #tpu.memory_space<hbm>> -> memref<128x144xf32, #tpu.memory_space<hbm>>
      %dma_wait3A_111 = arith.constant 0 : i32
      %dma_wait3A_112 = tpu.memref_slice %arg14[%add3A_100, %dma_wait3A_111] : memref<10240x144xf32, #tpu.memory_space<vmem_shared>> -> memref<128x144xf32, #tpu.memory_space<vmem_shared>>
      tpu.wait_dma2 semaphore(%run_scoped3A : memref<!tpu.dma_semaphore, #tpu.memory_space<semaphore_mem>>) src(%dma_wait3A_112 : memref<128x144xf32, #tpu.memory_space<vmem_shared>>) dst(%dma_wait3A_110 : memref<128x144xf32, #tpu.memory_space<hbm>>)
      tpu.yield
    }) : () -> ()
    %mul3A_101 = arith.constant 32 : i32
    %mul3A_102 = arith.muli %arg1, %mul3A_101 : i32
    %mul3A_103 = arith.constant 32 : i32
    %mul3A_104 = arith.muli %arg1, %mul3A_103 : i32
    "tpu.region"() ({
      %run_scoped3A = tpu.sem_alloc : memref<!tpu.dma_semaphore, #tpu.memory_space<semaphore_mem>>
      %dma_start3A = arith.constant 0 : i32
      %dma_start3A_105 = tpu.memref_slice %arg9[%arg0, %mul3A_104, %dma_start3A] : memref<2x512x144xf32, #tpu.memory_space<hbm>> -> memref<1x32x144xf32, #tpu.memory_space<hbm>>
      %dma_start3A_106 = tpu.memref_squeeze %dma_start3A_105 : memref<1x32x144xf32, #tpu.memory_space<hbm>> -> memref<32x144xf32, #tpu.memory_space<hbm>>
      %dma_start3A_107 = arith.constant 0 : i32
      %dma_start3A_108 = tpu.memref_slice %arg15[%mul3A_102, %dma_start3A_107] : memref<512x144xf32, #tpu.memory_space<vmem_shared>> -> memref<32x144xf32, #tpu.memory_space<vmem_shared>>
      tpu.enqueue_dma source(%dma_start3A_108 : memref<32x144xf32, #tpu.memory_space<vmem_shared>>) target(%dma_start3A_106 : memref<32x144xf32, #tpu.memory_space<hbm>>) target_semaphore(%run_scoped3A : memref<!tpu.dma_semaphore, #tpu.memory_space<semaphore_mem>>)
      %dma_wait3A = arith.constant 0 : i32
      %dma_wait3A_109 = tpu.memref_slice %arg9[%arg0, %mul3A_104, %dma_wait3A] : memref<2x512x144xf32, #tpu.memory_space<hbm>> -> memref<1x32x144xf32, #tpu.memory_space<hbm>>
      %dma_wait3A_110 = tpu.memref_squeeze %dma_wait3A_109 : memref<1x32x144xf32, #tpu.memory_space<hbm>> -> memref<32x144xf32, #tpu.memory_space<hbm>>
      %dma_wait3A_111 = arith.constant 0 : i32
      %dma_wait3A_112 = tpu.memref_slice %arg15[%mul3A_102, %dma_wait3A_111] : memref<512x144xf32, #tpu.memory_space<vmem_shared>> -> memref<32x144xf32, #tpu.memory_space<vmem_shared>>
      tpu.wait_dma2 semaphore(%run_scoped3A : memref<!tpu.dma_semaphore, #tpu.memory_space<semaphore_mem>>) src(%dma_wait3A_112 : memref<32x144xf32, #tpu.memory_space<vmem_shared>>) dst(%dma_wait3A_110 : memref<32x144xf32, #tpu.memory_space<hbm>>)
      tpu.yield
    }) : () -> ()
    return
  }
}

#map = affine_map<(d0, d1) -> (0, 0)>
#map1 = affine_map<(d0, d1) -> (0, 0, 0)>
module attributes {stable_mosaic.version = 14 : i64} {
  func.func @edge_pass(%arg0: i32, %arg1: i32, %arg2: memref<1250x128xi32, #tpu.memory_space<hbm>>, %arg3: memref<1250x128xi32, #tpu.memory_space<hbm>>, %arg4: memref<1250x128xi32, #tpu.memory_space<hbm>>, %arg5: memref<10000x144xf32, #tpu.memory_space<hbm>>, %arg6: memref<500x144xf32, #tpu.memory_space<hbm>>, %arg7: memref<500x144xf32, #tpu.memory_space<hbm>>, %arg8: memref<2x10240x144xf32, #tpu.memory_space<hbm>>, %arg9: memref<2x512x144xf32, #tpu.memory_space<hbm>>, %arg10: memref<128xi32, #tpu.memory_space<vmem>>, %arg11: memref<128xi32, #tpu.memory_space<vmem>>, %arg12: memref<128xi32, #tpu.memory_space<vmem>>, %arg13: memref<128x144xf32, #tpu.memory_space<vmem>>, %arg14: memref<10240x144xf32, #tpu.memory_space<vmem_shared>>, %arg15: memref<512x144xf32, #tpu.memory_space<vmem_shared>>) attributes {dimension_semantics = [#tpu.dimension_semantics<core_parallel>, #tpu.dimension_semantics<subcore_parallel>], iteration_bounds = array<i64: 2, 16>, scalar_prefetch = 0 : i64, scratch_operands = 6 : i64, tpu.core_type = #tpu.core_type<sc_vector_subcore>, window_params = [{transform_indices = #map}, {transform_indices = #map}, {transform_indices = #map}, {transform_indices = #map}, {transform_indices = #map}, {transform_indices = #map}, {transform_indices = #map1}, {transform_indices = #map1}]} {
    %mul3A = arith.constant 16 : i32
    %mul3A_0 = arith.muli %arg0, %mul3A : i32
    %add3A = arith.addi %mul3A_0, %arg1 : i32
    %scan3A = arith.constant 0 : i32
    %scan3A_1 = arith.constant 128 : i32
    %scan3A_2 = arith.addi %scan3A, %scan3A_1 : i32
    %scan3A_3 = arith.constant 1 : i32
    scf.for %scan3A_105 = %scan3A to %scan3A_2 step %scan3A_3  : i32 {
      %broadcast_in_dim3A = arith.constant 0.000000e+00 : f32
      %broadcast_in_dim3A_106 = vector.broadcast %broadcast_in_dim3A : f32 to vector<16xf32>
      %swap3A = arith.index_cast %scan3A_105 : i32 to index
      %swap3A_107 = arith.constant 0 : index
      %swap3A_108 = tpu.vector_load %arg13[%swap3A, %swap3A_107] {strides = array<i32>} : memref<128x144xf32, #tpu.memory_space<vmem>>, vector<16xf32>,
      tpu.vector_store %arg13[%swap3A, %swap3A_107], %broadcast_in_dim3A_106 {strides = array<i32>} : memref<128x144xf32, #tpu.memory_space<vmem>>, vector<16xf32>,
      %broadcast_in_dim3A_109 = arith.constant 0.000000e+00 : f32
      %broadcast_in_dim3A_110 = vector.broadcast %broadcast_in_dim3A_109 : f32 to vector<16xf32>
      %swap3A_111 = arith.index_cast %scan3A_105 : i32 to index
      %swap3A_112 = arith.constant 16 : index
      %swap3A_113 = tpu.vector_load %arg13[%swap3A_111, %swap3A_112] {strides = array<i32>} : memref<128x144xf32, #tpu.memory_space<vmem>>, vector<16xf32>,
      tpu.vector_store %arg13[%swap3A_111, %swap3A_112], %broadcast_in_dim3A_110 {strides = array<i32>} : memref<128x144xf32, #tpu.memory_space<vmem>>, vector<16xf32>,
      %broadcast_in_dim3A_114 = arith.constant 0.000000e+00 : f32
      %broadcast_in_dim3A_115 = vector.broadcast %broadcast_in_dim3A_114 : f32 to vector<16xf32>
      %swap3A_116 = arith.index_cast %scan3A_105 : i32 to index
      %swap3A_117 = arith.constant 32 : index
      %swap3A_118 = tpu.vector_load %arg13[%swap3A_116, %swap3A_117] {strides = array<i32>} : memref<128x144xf32, #tpu.memory_space<vmem>>, vector<16xf32>,
      tpu.vector_store %arg13[%swap3A_116, %swap3A_117], %broadcast_in_dim3A_115 {strides = array<i32>} : memref<128x144xf32, #tpu.memory_space<vmem>>, vector<16xf32>,
      %broadcast_in_dim3A_119 = arith.constant 0.000000e+00 : f32
      %broadcast_in_dim3A_120 = vector.broadcast %broadcast_in_dim3A_119 : f32 to vector<16xf32>
      %swap3A_121 = arith.index_cast %scan3A_105 : i32 to index
      %swap3A_122 = arith.constant 48 : index
      %swap3A_123 = tpu.vector_load %arg13[%swap3A_121, %swap3A_122] {strides = array<i32>} : memref<128x144xf32, #tpu.memory_space<vmem>>, vector<16xf32>,
      tpu.vector_store %arg13[%swap3A_121, %swap3A_122], %broadcast_in_dim3A_120 {strides = array<i32>} : memref<128x144xf32, #tpu.memory_space<vmem>>, vector<16xf32>,
      %broadcast_in_dim3A_124 = arith.constant 0.000000e+00 : f32
      %broadcast_in_dim3A_125 = vector.broadcast %broadcast_in_dim3A_124 : f32 to vector<16xf32>
      %swap3A_126 = arith.index_cast %scan3A_105 : i32 to index
      %swap3A_127 = arith.constant 64 : index
      %swap3A_128 = tpu.vector_load %arg13[%swap3A_126, %swap3A_127] {strides = array<i32>} : memref<128x144xf32, #tpu.memory_space<vmem>>, vector<16xf32>,
      tpu.vector_store %arg13[%swap3A_126, %swap3A_127], %broadcast_in_dim3A_125 {strides = array<i32>} : memref<128x144xf32, #tpu.memory_space<vmem>>, vector<16xf32>,
      %broadcast_in_dim3A_129 = arith.constant 0.000000e+00 : f32
      %broadcast_in_dim3A_130 = vector.broadcast %broadcast_in_dim3A_129 : f32 to vector<16xf32>
      %swap3A_131 = arith.index_cast %scan3A_105 : i32 to index
      %swap3A_132 = arith.constant 80 : index
      %swap3A_133 = tpu.vector_load %arg13[%swap3A_131, %swap3A_132] {strides = array<i32>} : memref<128x144xf32, #tpu.memory_space<vmem>>, vector<16xf32>,
      tpu.vector_store %arg13[%swap3A_131, %swap3A_132], %broadcast_in_dim3A_130 {strides = array<i32>} : memref<128x144xf32, #tpu.memory_space<vmem>>, vector<16xf32>,
      %broadcast_in_dim3A_134 = arith.constant 0.000000e+00 : f32
      %broadcast_in_dim3A_135 = vector.broadcast %broadcast_in_dim3A_134 : f32 to vector<16xf32>
      %swap3A_136 = arith.index_cast %scan3A_105 : i32 to index
      %swap3A_137 = arith.constant 96 : index
      %swap3A_138 = tpu.vector_load %arg13[%swap3A_136, %swap3A_137] {strides = array<i32>} : memref<128x144xf32, #tpu.memory_space<vmem>>, vector<16xf32>,
      tpu.vector_store %arg13[%swap3A_136, %swap3A_137], %broadcast_in_dim3A_135 {strides = array<i32>} : memref<128x144xf32, #tpu.memory_space<vmem>>, vector<16xf32>,
      %broadcast_in_dim3A_139 = arith.constant 0.000000e+00 : f32
      %broadcast_in_dim3A_140 = vector.broadcast %broadcast_in_dim3A_139 : f32 to vector<16xf32>
      %swap3A_141 = arith.index_cast %scan3A_105 : i32 to index
      %swap3A_142 = arith.constant 112 : index
      %swap3A_143 = tpu.vector_load %arg13[%swap3A_141, %swap3A_142] {strides = array<i32>} : memref<128x144xf32, #tpu.memory_space<vmem>>, vector<16xf32>,
      tpu.vector_store %arg13[%swap3A_141, %swap3A_142], %broadcast_in_dim3A_140 {strides = array<i32>} : memref<128x144xf32, #tpu.memory_space<vmem>>, vector<16xf32>,
      %broadcast_in_dim3A_144 = arith.constant 0.000000e+00 : f32
      %broadcast_in_dim3A_145 = vector.broadcast %broadcast_in_dim3A_144 : f32 to vector<16xf32>
      %swap3A_146 = arith.index_cast %scan3A_105 : i32 to index
      %swap3A_147 = arith.constant 128 : index
      %swap3A_148 = tpu.vector_load %arg13[%swap3A_146, %swap3A_147] {strides = array<i32>} : memref<128x144xf32, #tpu.memory_space<vmem>>, vector<16xf32>,
      tpu.vector_store %arg13[%swap3A_146, %swap3A_147], %broadcast_in_dim3A_145 {strides = array<i32>} : memref<128x144xf32, #tpu.memory_space<vmem>>, vector<16xf32>,
    }
    %scan3A_4 = arith.constant 128 : i32
    %mul3A_5 = arith.constant 640 : i32
    %mul3A_6 = arith.muli %arg1, %mul3A_5 : i32
    %add3A_7 = arith.constant 0 : i32
    %add3A_8 = arith.addi %mul3A_6, %add3A_7 : i32
    "tpu.region"() ({
      %run_scoped3A = tpu.sem_alloc : memref<!tpu.dma_semaphore, #tpu.memory_space<semaphore_mem>>
      %dma_start3A = arith.constant 0 : i32
      %dma_start3A_105 = arith.constant 0 : i32
      %dma_start3A_106 = tpu.memref_slice %arg13[%dma_start3A, %dma_start3A_105] : memref<128x144xf32, #tpu.memory_space<vmem>> -> memref<128x144xf32, #tpu.memory_space<vmem>>
      %dma_start3A_107 = arith.constant 0 : i32
      %dma_start3A_108 = tpu.memref_slice %arg14[%add3A_8, %dma_start3A_107] : memref<10240x144xf32, #tpu.memory_space<vmem_shared>> -> memref<128x144xf32, #tpu.memory_space<vmem_shared>>
      %dma_start3A_109 = arith.constant 0 : i32
      %dma_start3A_110 = tpu.memref_slice %arg14[%add3A_8, %dma_start3A_109] : memref<10240x144xf32, #tpu.memory_space<vmem_shared>> -> memref<128x144xf32, #tpu.memory_space<vmem_shared>>
      %dma_start3A_111 = arith.constant 0 : i32
      %dma_start3A_112 = arith.constant 0 : i32
      %dma_start3A_113 = tpu.memref_slice %arg13[%dma_start3A_111, %dma_start3A_112] : memref<128x144xf32, #tpu.memory_space<vmem>> -> memref<128x144xf32, #tpu.memory_space<vmem>>
      tpu.enqueue_dma source(%dma_start3A_113 : memref<128x144xf32, #tpu.memory_space<vmem>>) target(%dma_start3A_110 : memref<128x144xf32, #tpu.memory_space<vmem_shared>>) target_semaphore(%run_scoped3A : memref<!tpu.dma_semaphore, #tpu.memory_space<semaphore_mem>>)
      %dma_wait3A = arith.constant 0 : i32
      %dma_wait3A_114 = arith.constant 0 : i32
      %dma_wait3A_115 = tpu.memref_slice %arg13[%dma_wait3A, %dma_wait3A_114] : memref<128x144xf32, #tpu.memory_space<vmem>> -> memref<128x144xf32, #tpu.memory_space<vmem>>
      %dma_wait3A_116 = arith.constant 0 : i32
      %dma_wait3A_117 = tpu.memref_slice %arg14[%add3A_8, %dma_wait3A_116] : memref<10240x144xf32, #tpu.memory_space<vmem_shared>> -> memref<128x144xf32, #tpu.memory_space<vmem_shared>>
      %dma_wait3A_118 = arith.constant 0 : i32
      %dma_wait3A_119 = tpu.memref_slice %arg14[%add3A_8, %dma_wait3A_118] : memref<10240x144xf32, #tpu.memory_space<vmem_shared>> -> memref<128x144xf32, #tpu.memory_space<vmem_shared>>
      %dma_wait3A_120 = arith.constant 0 : i32
      %dma_wait3A_121 = arith.constant 0 : i32
      %dma_wait3A_122 = tpu.memref_slice %arg13[%dma_wait3A_120, %dma_wait3A_121] : memref<128x144xf32, #tpu.memory_space<vmem>> -> memref<128x144xf32, #tpu.memory_space<vmem>>
      tpu.wait_dma2 semaphore(%run_scoped3A : memref<!tpu.dma_semaphore, #tpu.memory_space<semaphore_mem>>) src(%dma_wait3A_122 : memref<128x144xf32, #tpu.memory_space<vmem>>) dst(%dma_wait3A_119 : memref<128x144xf32, #tpu.memory_space<vmem_shared>>)
      tpu.yield
    }) : () -> ()
    %mul3A_9 = arith.constant 640 : i32
    %mul3A_10 = arith.muli %arg1, %mul3A_9 : i32
    %add3A_11 = arith.constant 128 : i32
    %add3A_12 = arith.addi %mul3A_10, %add3A_11 : i32
    "tpu.region"() ({
      %run_scoped3A = tpu.sem_alloc : memref<!tpu.dma_semaphore, #tpu.memory_space<semaphore_mem>>
      %dma_start3A = arith.constant 0 : i32
      %dma_start3A_105 = arith.constant 0 : i32
      %dma_start3A_106 = tpu.memref_slice %arg13[%dma_start3A, %dma_start3A_105] : memref<128x144xf32, #tpu.memory_space<vmem>> -> memref<128x144xf32, #tpu.memory_space<vmem>>
      %dma_start3A_107 = arith.constant 0 : i32
      %dma_start3A_108 = tpu.memref_slice %arg14[%add3A_12, %dma_start3A_107] : memref<10240x144xf32, #tpu.memory_space<vmem_shared>> -> memref<128x144xf32, #tpu.memory_space<vmem_shared>>
      %dma_start3A_109 = arith.constant 0 : i32
      %dma_start3A_110 = tpu.memref_slice %arg14[%add3A_12, %dma_start3A_109] : memref<10240x144xf32, #tpu.memory_space<vmem_shared>> -> memref<128x144xf32, #tpu.memory_space<vmem_shared>>
      %dma_start3A_111 = arith.constant 0 : i32
      %dma_start3A_112 = arith.constant 0 : i32
      %dma_start3A_113 = tpu.memref_slice %arg13[%dma_start3A_111, %dma_start3A_112] : memref<128x144xf32, #tpu.memory_space<vmem>> -> memref<128x144xf32, #tpu.memory_space<vmem>>
      tpu.enqueue_dma source(%dma_start3A_113 : memref<128x144xf32, #tpu.memory_space<vmem>>) target(%dma_start3A_110 : memref<128x144xf32, #tpu.memory_space<vmem_shared>>) target_semaphore(%run_scoped3A : memref<!tpu.dma_semaphore, #tpu.memory_space<semaphore_mem>>)
      %dma_wait3A = arith.constant 0 : i32
      %dma_wait3A_114 = arith.constant 0 : i32
      %dma_wait3A_115 = tpu.memref_slice %arg13[%dma_wait3A, %dma_wait3A_114] : memref<128x144xf32, #tpu.memory_space<vmem>> -> memref<128x144xf32, #tpu.memory_space<vmem>>
      %dma_wait3A_116 = arith.constant 0 : i32
      %dma_wait3A_117 = tpu.memref_slice %arg14[%add3A_12, %dma_wait3A_116] : memref<10240x144xf32, #tpu.memory_space<vmem_shared>> -> memref<128x144xf32, #tpu.memory_space<vmem_shared>>
      %dma_wait3A_118 = arith.constant 0 : i32
      %dma_wait3A_119 = tpu.memref_slice %arg14[%add3A_12, %dma_wait3A_118] : memref<10240x144xf32, #tpu.memory_space<vmem_shared>> -> memref<128x144xf32, #tpu.memory_space<vmem_shared>>
      %dma_wait3A_120 = arith.constant 0 : i32
      %dma_wait3A_121 = arith.constant 0 : i32
      %dma_wait3A_122 = tpu.memref_slice %arg13[%dma_wait3A_120, %dma_wait3A_121] : memref<128x144xf32, #tpu.memory_space<vmem>> -> memref<128x144xf32, #tpu.memory_space<vmem>>
      tpu.wait_dma2 semaphore(%run_scoped3A : memref<!tpu.dma_semaphore, #tpu.memory_space<semaphore_mem>>) src(%dma_wait3A_122 : memref<128x144xf32, #tpu.memory_space<vmem>>) dst(%dma_wait3A_119 : memref<128x144xf32, #tpu.memory_space<vmem_shared>>)
      tpu.yield
    }) : () -> ()
    %mul3A_13 = arith.constant 640 : i32
    %mul3A_14 = arith.muli %arg1, %mul3A_13 : i32
    %add3A_15 = arith.constant 256 : i32
    %add3A_16 = arith.addi %mul3A_14, %add3A_15 : i32
    "tpu.region"() ({
      %run_scoped3A = tpu.sem_alloc : memref<!tpu.dma_semaphore, #tpu.memory_space<semaphore_mem>>
      %dma_start3A = arith.constant 0 : i32
      %dma_start3A_105 = arith.constant 0 : i32
      %dma_start3A_106 = tpu.memref_slice %arg13[%dma_start3A, %dma_start3A_105] : memref<128x144xf32, #tpu.memory_space<vmem>> -> memref<128x144xf32, #tpu.memory_space<vmem>>
      %dma_start3A_107 = arith.constant 0 : i32
      %dma_start3A_108 = tpu.memref_slice %arg14[%add3A_16, %dma_start3A_107] : memref<10240x144xf32, #tpu.memory_space<vmem_shared>> -> memref<128x144xf32, #tpu.memory_space<vmem_shared>>
      %dma_start3A_109 = arith.constant 0 : i32
      %dma_start3A_110 = tpu.memref_slice %arg14[%add3A_16, %dma_start3A_109] : memref<10240x144xf32, #tpu.memory_space<vmem_shared>> -> memref<128x144xf32, #tpu.memory_space<vmem_shared>>
      %dma_start3A_111 = arith.constant 0 : i32
      %dma_start3A_112 = arith.constant 0 : i32
      %dma_start3A_113 = tpu.memref_slice %arg13[%dma_start3A_111, %dma_start3A_112] : memref<128x144xf32, #tpu.memory_space<vmem>> -> memref<128x144xf32, #tpu.memory_space<vmem>>
      tpu.enqueue_dma source(%dma_start3A_113 : memref<128x144xf32, #tpu.memory_space<vmem>>) target(%dma_start3A_110 : memref<128x144xf32, #tpu.memory_space<vmem_shared>>) target_semaphore(%run_scoped3A : memref<!tpu.dma_semaphore, #tpu.memory_space<semaphore_mem>>)
      %dma_wait3A = arith.constant 0 : i32
      %dma_wait3A_114 = arith.constant 0 : i32
      %dma_wait3A_115 = tpu.memref_slice %arg13[%dma_wait3A, %dma_wait3A_114] : memref<128x144xf32, #tpu.memory_space<vmem>> -> memref<128x144xf32, #tpu.memory_space<vmem>>
      %dma_wait3A_116 = arith.constant 0 : i32
      %dma_wait3A_117 = tpu.memref_slice %arg14[%add3A_16, %dma_wait3A_116] : memref<10240x144xf32, #tpu.memory_space<vmem_shared>> -> memref<128x144xf32, #tpu.memory_space<vmem_shared>>
      %dma_wait3A_118 = arith.constant 0 : i32
      %dma_wait3A_119 = tpu.memref_slice %arg14[%add3A_16, %dma_wait3A_118] : memref<10240x144xf32, #tpu.memory_space<vmem_shared>> -> memref<128x144xf32, #tpu.memory_space<vmem_shared>>
      %dma_wait3A_120 = arith.constant 0 : i32
      %dma_wait3A_121 = arith.constant 0 : i32
      %dma_wait3A_122 = tpu.memref_slice %arg13[%dma_wait3A_120, %dma_wait3A_121] : memref<128x144xf32, #tpu.memory_space<vmem>> -> memref<128x144xf32, #tpu.memory_space<vmem>>
      tpu.wait_dma2 semaphore(%run_scoped3A : memref<!tpu.dma_semaphore, #tpu.memory_space<semaphore_mem>>) src(%dma_wait3A_122 : memref<128x144xf32, #tpu.memory_space<vmem>>) dst(%dma_wait3A_119 : memref<128x144xf32, #tpu.memory_space<vmem_shared>>)
      tpu.yield
    }) : () -> ()
    %mul3A_17 = arith.constant 640 : i32
    %mul3A_18 = arith.muli %arg1, %mul3A_17 : i32
    %add3A_19 = arith.constant 384 : i32
    %add3A_20 = arith.addi %mul3A_18, %add3A_19 : i32
    "tpu.region"() ({
      %run_scoped3A = tpu.sem_alloc : memref<!tpu.dma_semaphore, #tpu.memory_space<semaphore_mem>>
      %dma_start3A = arith.constant 0 : i32
      %dma_start3A_105 = arith.constant 0 : i32
      %dma_start3A_106 = tpu.memref_slice %arg13[%dma_start3A, %dma_start3A_105] : memref<128x144xf32, #tpu.memory_space<vmem>> -> memref<128x144xf32, #tpu.memory_space<vmem>>
      %dma_start3A_107 = arith.constant 0 : i32
      %dma_start3A_108 = tpu.memref_slice %arg14[%add3A_20, %dma_start3A_107] : memref<10240x144xf32, #tpu.memory_space<vmem_shared>> -> memref<128x144xf32, #tpu.memory_space<vmem_shared>>
      %dma_start3A_109 = arith.constant 0 : i32
      %dma_start3A_110 = tpu.memref_slice %arg14[%add3A_20, %dma_start3A_109] : memref<10240x144xf32, #tpu.memory_space<vmem_shared>> -> memref<128x144xf32, #tpu.memory_space<vmem_shared>>
      %dma_start3A_111 = arith.constant 0 : i32
      %dma_start3A_112 = arith.constant 0 : i32
      %dma_start3A_113 = tpu.memref_slice %arg13[%dma_start3A_111, %dma_start3A_112] : memref<128x144xf32, #tpu.memory_space<vmem>> -> memref<128x144xf32, #tpu.memory_space<vmem>>
      tpu.enqueue_dma source(%dma_start3A_113 : memref<128x144xf32, #tpu.memory_space<vmem>>) target(%dma_start3A_110 : memref<128x144xf32, #tpu.memory_space<vmem_shared>>) target_semaphore(%run_scoped3A : memref<!tpu.dma_semaphore, #tpu.memory_space<semaphore_mem>>)
      %dma_wait3A = arith.constant 0 : i32
      %dma_wait3A_114 = arith.constant 0 : i32
      %dma_wait3A_115 = tpu.memref_slice %arg13[%dma_wait3A, %dma_wait3A_114] : memref<128x144xf32, #tpu.memory_space<vmem>> -> memref<128x144xf32, #tpu.memory_space<vmem>>
      %dma_wait3A_116 = arith.constant 0 : i32
      %dma_wait3A_117 = tpu.memref_slice %arg14[%add3A_20, %dma_wait3A_116] : memref<10240x144xf32, #tpu.memory_space<vmem_shared>> -> memref<128x144xf32, #tpu.memory_space<vmem_shared>>
      %dma_wait3A_118 = arith.constant 0 : i32
      %dma_wait3A_119 = tpu.memref_slice %arg14[%add3A_20, %dma_wait3A_118] : memref<10240x144xf32, #tpu.memory_space<vmem_shared>> -> memref<128x144xf32, #tpu.memory_space<vmem_shared>>
      %dma_wait3A_120 = arith.constant 0 : i32
      %dma_wait3A_121 = arith.constant 0 : i32
      %dma_wait3A_122 = tpu.memref_slice %arg13[%dma_wait3A_120, %dma_wait3A_121] : memref<128x144xf32, #tpu.memory_space<vmem>> -> memref<128x144xf32, #tpu.memory_space<vmem>>
      tpu.wait_dma2 semaphore(%run_scoped3A : memref<!tpu.dma_semaphore, #tpu.memory_space<semaphore_mem>>) src(%dma_wait3A_122 : memref<128x144xf32, #tpu.memory_space<vmem>>) dst(%dma_wait3A_119 : memref<128x144xf32, #tpu.memory_space<vmem_shared>>)
      tpu.yield
    }) : () -> ()
    %mul3A_21 = arith.constant 640 : i32
    %mul3A_22 = arith.muli %arg1, %mul3A_21 : i32
    %add3A_23 = arith.constant 512 : i32
    %add3A_24 = arith.addi %mul3A_22, %add3A_23 : i32
    "tpu.region"() ({
      %run_scoped3A = tpu.sem_alloc : memref<!tpu.dma_semaphore, #tpu.memory_space<semaphore_mem>>
      %dma_start3A = arith.constant 0 : i32
      %dma_start3A_105 = arith.constant 0 : i32
      %dma_start3A_106 = tpu.memref_slice %arg13[%dma_start3A, %dma_start3A_105] : memref<128x144xf32, #tpu.memory_space<vmem>> -> memref<128x144xf32, #tpu.memory_space<vmem>>
      %dma_start3A_107 = arith.constant 0 : i32
      %dma_start3A_108 = tpu.memref_slice %arg14[%add3A_24, %dma_start3A_107] : memref<10240x144xf32, #tpu.memory_space<vmem_shared>> -> memref<128x144xf32, #tpu.memory_space<vmem_shared>>
      %dma_start3A_109 = arith.constant 0 : i32
      %dma_start3A_110 = tpu.memref_slice %arg14[%add3A_24, %dma_start3A_109] : memref<10240x144xf32, #tpu.memory_space<vmem_shared>> -> memref<128x144xf32, #tpu.memory_space<vmem_shared>>
      %dma_start3A_111 = arith.constant 0 : i32
      %dma_start3A_112 = arith.constant 0 : i32
      %dma_start3A_113 = tpu.memref_slice %arg13[%dma_start3A_111, %dma_start3A_112] : memref<128x144xf32, #tpu.memory_space<vmem>> -> memref<128x144xf32, #tpu.memory_space<vmem>>
      tpu.enqueue_dma source(%dma_start3A_113 : memref<128x144xf32, #tpu.memory_space<vmem>>) target(%dma_start3A_110 : memref<128x144xf32, #tpu.memory_space<vmem_shared>>) target_semaphore(%run_scoped3A : memref<!tpu.dma_semaphore, #tpu.memory_space<semaphore_mem>>)
      %dma_wait3A = arith.constant 0 : i32
      %dma_wait3A_114 = arith.constant 0 : i32
      %dma_wait3A_115 = tpu.memref_slice %arg13[%dma_wait3A, %dma_wait3A_114] : memref<128x144xf32, #tpu.memory_space<vmem>> -> memref<128x144xf32, #tpu.memory_space<vmem>>
      %dma_wait3A_116 = arith.constant 0 : i32
      %dma_wait3A_117 = tpu.memref_slice %arg14[%add3A_24, %dma_wait3A_116] : memref<10240x144xf32, #tpu.memory_space<vmem_shared>> -> memref<128x144xf32, #tpu.memory_space<vmem_shared>>
      %dma_wait3A_118 = arith.constant 0 : i32
      %dma_wait3A_119 = tpu.memref_slice %arg14[%add3A_24, %dma_wait3A_118] : memref<10240x144xf32, #tpu.memory_space<vmem_shared>> -> memref<128x144xf32, #tpu.memory_space<vmem_shared>>
      %dma_wait3A_120 = arith.constant 0 : i32
      %dma_wait3A_121 = arith.constant 0 : i32
      %dma_wait3A_122 = tpu.memref_slice %arg13[%dma_wait3A_120, %dma_wait3A_121] : memref<128x144xf32, #tpu.memory_space<vmem>> -> memref<128x144xf32, #tpu.memory_space<vmem>>
      tpu.wait_dma2 semaphore(%run_scoped3A : memref<!tpu.dma_semaphore, #tpu.memory_space<semaphore_mem>>) src(%dma_wait3A_122 : memref<128x144xf32, #tpu.memory_space<vmem>>) dst(%dma_wait3A_119 : memref<128x144xf32, #tpu.memory_space<vmem_shared>>)
      tpu.yield
    }) : () -> ()
    %mul3A_25 = arith.constant 32 : i32
    %mul3A_26 = arith.muli %arg1, %mul3A_25 : i32
    "tpu.region"() ({
      %run_scoped3A = tpu.sem_alloc : memref<!tpu.dma_semaphore, #tpu.memory_space<semaphore_mem>>
      %dma_start3A = arith.constant 0 : i32
      %dma_start3A_105 = arith.constant 0 : i32
      %dma_start3A_106 = tpu.memref_slice %arg13[%dma_start3A, %dma_start3A_105] : memref<128x144xf32, #tpu.memory_space<vmem>> -> memref<32x144xf32, #tpu.memory_space<vmem>>
      %dma_start3A_107 = arith.constant 0 : i32
      %dma_start3A_108 = tpu.memref_slice %arg15[%mul3A_26, %dma_start3A_107] : memref<512x144xf32, #tpu.memory_space<vmem_shared>> -> memref<32x144xf32, #tpu.memory_space<vmem_shared>>
      %dma_start3A_109 = arith.constant 0 : i32
      %dma_start3A_110 = tpu.memref_slice %arg15[%mul3A_26, %dma_start3A_109] : memref<512x144xf32, #tpu.memory_space<vmem_shared>> -> memref<32x144xf32, #tpu.memory_space<vmem_shared>>
      %dma_start3A_111 = arith.constant 0 : i32
      %dma_start3A_112 = arith.constant 0 : i32
      %dma_start3A_113 = tpu.memref_slice %arg13[%dma_start3A_111, %dma_start3A_112] : memref<128x144xf32, #tpu.memory_space<vmem>> -> memref<32x144xf32, #tpu.memory_space<vmem>>
      tpu.enqueue_dma source(%dma_start3A_113 : memref<32x144xf32, #tpu.memory_space<vmem>>) target(%dma_start3A_110 : memref<32x144xf32, #tpu.memory_space<vmem_shared>>) target_semaphore(%run_scoped3A : memref<!tpu.dma_semaphore, #tpu.memory_space<semaphore_mem>>)
      %dma_wait3A = arith.constant 0 : i32
      %dma_wait3A_114 = arith.constant 0 : i32
      %dma_wait3A_115 = tpu.memref_slice %arg13[%dma_wait3A, %dma_wait3A_114] : memref<128x144xf32, #tpu.memory_space<vmem>> -> memref<32x144xf32, #tpu.memory_space<vmem>>
      %dma_wait3A_116 = arith.constant 0 : i32
      %dma_wait3A_117 = tpu.memref_slice %arg15[%mul3A_26, %dma_wait3A_116] : memref<512x144xf32, #tpu.memory_space<vmem_shared>> -> memref<32x144xf32, #tpu.memory_space<vmem_shared>>
      %dma_wait3A_118 = arith.constant 0 : i32
      %dma_wait3A_119 = tpu.memref_slice %arg15[%mul3A_26, %dma_wait3A_118] : memref<512x144xf32, #tpu.memory_space<vmem_shared>> -> memref<32x144xf32, #tpu.memory_space<vmem_shared>>
      %dma_wait3A_120 = arith.constant 0 : i32
      %dma_wait3A_121 = arith.constant 0 : i32
      %dma_wait3A_122 = tpu.memref_slice %arg13[%dma_wait3A_120, %dma_wait3A_121] : memref<128x144xf32, #tpu.memory_space<vmem>> -> memref<32x144xf32, #tpu.memory_space<vmem>>
      tpu.wait_dma2 semaphore(%run_scoped3A : memref<!tpu.dma_semaphore, #tpu.memory_space<semaphore_mem>>) src(%dma_wait3A_122 : memref<32x144xf32, #tpu.memory_space<vmem>>) dst(%dma_wait3A_119 : memref<32x144xf32, #tpu.memory_space<vmem_shared>>)
      tpu.yield
    }) : () -> ()
    %barrier3A = arith.constant 0 : index
    tpu.barrier barrier_id(%barrier3A)
    %mul3A_27 = arith.constant 1250 : i32
    %mul3A_28 = arith.muli %mul3A_27, %add3A : i32
    %jit3A = arith.constant 32 : i32
    %div3A = arith.divsi %mul3A_28, %jit3A : i32
    %sign3A = arith.constant 0 : i32
    %sign3A_29 = arith.cmpi sgt, %mul3A_28, %sign3A : i32
    %sign3A_30 = arith.extui %sign3A_29 : i1 to i32
    %sign3A_31 = arith.constant 0 : i32
    %sign3A_32 = arith.cmpi slt, %mul3A_28, %sign3A_31 : i32
    %sign3A_33 = arith.extui %sign3A_32 : i1 to i32
    %sign3A_34 = arith.subi %sign3A_30, %sign3A_33 : i32
    %sign3A_35 = arith.constant 0 : i32
    %sign3A_36 = arith.cmpi sgt, %jit3A, %sign3A_35 : i32
    %sign3A_37 = arith.extui %sign3A_36 : i1 to i32
    %sign3A_38 = arith.constant 0 : i32
    %sign3A_39 = arith.cmpi slt, %jit3A, %sign3A_38 : i32
    %sign3A_40 = arith.extui %sign3A_39 : i1 to i32
    %sign3A_41 = arith.subi %sign3A_37, %sign3A_40 : i32
    %ne3A = arith.cmpi ne, %sign3A_34, %sign3A_41 : i32
    %rem3A = arith.remsi %mul3A_28, %jit3A : i32
    %ne3A_42 = arith.constant 0 : i32
    %ne3A_43 = arith.cmpi ne, %rem3A, %ne3A_42 : i32
    %and3A = arith.andi %ne3A, %ne3A_43 : i1
    %sub3A = arith.constant 1 : i32
    %sub3A_44 = arith.subi %div3A, %sub3A : i32
    %select_n3A = arith.select %and3A, %sub3A_44, %div3A : i32
    %add3A_45 = arith.constant 1 : i32
    %add3A_46 = arith.addi %add3A, %add3A_45 : i32
    %mul3A_47 = arith.constant 1250 : i32
    %mul3A_48 = arith.muli %mul3A_47, %add3A_46 : i32
    %jit3A_49 = arith.constant 32 : i32
    %div3A_50 = arith.divsi %mul3A_48, %jit3A_49 : i32
    %sign3A_51 = arith.constant 0 : i32
    %sign3A_52 = arith.cmpi sgt, %mul3A_48, %sign3A_51 : i32
    %sign3A_53 = arith.extui %sign3A_52 : i1 to i32
    %sign3A_54 = arith.constant 0 : i32
    %sign3A_55 = arith.cmpi slt, %mul3A_48, %sign3A_54 : i32
    %sign3A_56 = arith.extui %sign3A_55 : i1 to i32
    %sign3A_57 = arith.subi %sign3A_53, %sign3A_56 : i32
    %sign3A_58 = arith.constant 0 : i32
    %sign3A_59 = arith.cmpi sgt, %jit3A_49, %sign3A_58 : i32
    %sign3A_60 = arith.extui %sign3A_59 : i1 to i32
    %sign3A_61 = arith.constant 0 : i32
    %sign3A_62 = arith.cmpi slt, %jit3A_49, %sign3A_61 : i32
    %sign3A_63 = arith.extui %sign3A_62 : i1 to i32
    %sign3A_64 = arith.subi %sign3A_60, %sign3A_63 : i32
    %ne3A_65 = arith.cmpi ne, %sign3A_57, %sign3A_64 : i32
    %rem3A_66 = arith.remsi %mul3A_48, %jit3A_49 : i32
    %ne3A_67 = arith.constant 0 : i32
    %ne3A_68 = arith.cmpi ne, %rem3A_66, %ne3A_67 : i32
    %and3A_69 = arith.andi %ne3A_65, %ne3A_68 : i1
    %sub3A_70 = arith.constant 1 : i32
    %sub3A_71 = arith.subi %div3A_50, %sub3A_70 : i32
    %select_n3A_72 = arith.select %and3A_69, %sub3A_71, %div3A_50 : i32
    %while3A = arith.subi %select_n3A_72, %select_n3A : i32
    %while3A_73 = arith.addi %select_n3A, %while3A : i32
    %while3A_74 = arith.constant 1 : i32
    %while3A_75 = arith.divsi %while3A, %while3A_74 : i32
    %while3A_76 = arith.muli %while3A_75, %while3A_74 : i32
    %while3A_77 = arith.addi %select_n3A, %while3A_76 : i32
    %while3A_78 = arith.constant 1 : i32
    scf.for %while3A_105 = %select_n3A to %while3A_77 step %while3A_78  : i32 {
      "tpu.region"() ({
        %run_scoped3A = tpu.sem_alloc : memref<!tpu.dma_semaphore, #tpu.memory_space<semaphore_mem>>
        %dma_start3A = arith.constant 0 : i32
        %dma_start3A_111 = tpu.memref_slice %arg2[%while3A_105, %dma_start3A] : memref<1250x128xi32, #tpu.memory_space<hbm>> -> memref<1x128xi32, #tpu.memory_space<hbm>>
        %dma_start3A_112 = tpu.memref_squeeze %dma_start3A_111 : memref<1x128xi32, #tpu.memory_space<hbm>> -> memref<128xi32, #tpu.memory_space<hbm>>
        %dma_start3A_113 = arith.constant 0 : i32
        %dma_start3A_114 = tpu.memref_slice %arg2[%while3A_105, %dma_start3A_113] : memref<1250x128xi32, #tpu.memory_space<hbm>> -> memref<1x128xi32, #tpu.memory_space<hbm>>
        %dma_start3A_115 = tpu.memref_squeeze %dma_start3A_114 : memref<1x128xi32, #tpu.memory_space<hbm>> -> memref<128xi32, #tpu.memory_space<hbm>>
        tpu.enqueue_dma source(%dma_start3A_115 : memref<128xi32, #tpu.memory_space<hbm>>) target(%arg10 : memref<128xi32, #tpu.memory_space<vmem>>) target_semaphore(%run_scoped3A : memref<!tpu.dma_semaphore, #tpu.memory_space<semaphore_mem>>)
        %dma_wait3A = arith.constant 0 : i32
        %dma_wait3A_116 = tpu.memref_slice %arg2[%while3A_105, %dma_wait3A] : memref<1250x128xi32, #tpu.memory_space<hbm>> -> memref<1x128xi32, #tpu.memory_space<hbm>>
        %dma_wait3A_117 = tpu.memref_squeeze %dma_wait3A_116 : memref<1x128xi32, #tpu.memory_space<hbm>> -> memref<128xi32, #tpu.memory_space<hbm>>
        %dma_wait3A_118 = arith.constant 0 : i32
        %dma_wait3A_119 = tpu.memref_slice %arg2[%while3A_105, %dma_wait3A_118] : memref<1250x128xi32, #tpu.memory_space<hbm>> -> memref<1x128xi32, #tpu.memory_space<hbm>>
        %dma_wait3A_120 = tpu.memref_squeeze %dma_wait3A_119 : memref<1x128xi32, #tpu.memory_space<hbm>> -> memref<128xi32, #tpu.memory_space<hbm>>
        tpu.wait_dma2 semaphore(%run_scoped3A : memref<!tpu.dma_semaphore, #tpu.memory_space<semaphore_mem>>) src(%dma_wait3A_120 : memref<128xi32, #tpu.memory_space<hbm>>) dst(%arg10 : memref<128xi32, #tpu.memory_space<vmem>>)
        tpu.yield
      }) : () -> ()
      "tpu.region"() ({
        %run_scoped3A = tpu.sem_alloc : memref<!tpu.dma_semaphore, #tpu.memory_space<semaphore_mem>>
        %dma_start3A = arith.constant 0 : i32
        %dma_start3A_111 = tpu.memref_slice %arg3[%while3A_105, %dma_start3A] : memref<1250x128xi32, #tpu.memory_space<hbm>> -> memref<1x128xi32, #tpu.memory_space<hbm>>
        %dma_start3A_112 = tpu.memref_squeeze %dma_start3A_111 : memref<1x128xi32, #tpu.memory_space<hbm>> -> memref<128xi32, #tpu.memory_space<hbm>>
        %dma_start3A_113 = arith.constant 0 : i32
        %dma_start3A_114 = tpu.memref_slice %arg3[%while3A_105, %dma_start3A_113] : memref<1250x128xi32, #tpu.memory_space<hbm>> -> memref<1x128xi32, #tpu.memory_space<hbm>>
        %dma_start3A_115 = tpu.memref_squeeze %dma_start3A_114 : memref<1x128xi32, #tpu.memory_space<hbm>> -> memref<128xi32, #tpu.memory_space<hbm>>
        tpu.enqueue_dma source(%dma_start3A_115 : memref<128xi32, #tpu.memory_space<hbm>>) target(%arg11 : memref<128xi32, #tpu.memory_space<vmem>>) target_semaphore(%run_scoped3A : memref<!tpu.dma_semaphore, #tpu.memory_space<semaphore_mem>>)
        %dma_wait3A = arith.constant 0 : i32
        %dma_wait3A_116 = tpu.memref_slice %arg3[%while3A_105, %dma_wait3A] : memref<1250x128xi32, #tpu.memory_space<hbm>> -> memref<1x128xi32, #tpu.memory_space<hbm>>
        %dma_wait3A_117 = tpu.memref_squeeze %dma_wait3A_116 : memref<1x128xi32, #tpu.memory_space<hbm>> -> memref<128xi32, #tpu.memory_space<hbm>>
        %dma_wait3A_118 = arith.constant 0 : i32
        %dma_wait3A_119 = tpu.memref_slice %arg3[%while3A_105, %dma_wait3A_118] : memref<1250x128xi32, #tpu.memory_space<hbm>> -> memref<1x128xi32, #tpu.memory_space<hbm>>
        %dma_wait3A_120 = tpu.memref_squeeze %dma_wait3A_119 : memref<1x128xi32, #tpu.memory_space<hbm>> -> memref<128xi32, #tpu.memory_space<hbm>>
        tpu.wait_dma2 semaphore(%run_scoped3A : memref<!tpu.dma_semaphore, #tpu.memory_space<semaphore_mem>>) src(%dma_wait3A_120 : memref<128xi32, #tpu.memory_space<hbm>>) dst(%arg11 : memref<128xi32, #tpu.memory_space<vmem>>)
        tpu.yield
      }) : () -> ()
      "tpu.region"() ({
        %run_scoped3A = tpu.sem_alloc : memref<!tpu.dma_semaphore, #tpu.memory_space<semaphore_mem>>
        %dma_start3A = arith.constant 0 : i32
        %dma_start3A_111 = tpu.memref_slice %arg4[%while3A_105, %dma_start3A] : memref<1250x128xi32, #tpu.memory_space<hbm>> -> memref<1x128xi32, #tpu.memory_space<hbm>>
        %dma_start3A_112 = tpu.memref_squeeze %dma_start3A_111 : memref<1x128xi32, #tpu.memory_space<hbm>> -> memref<128xi32, #tpu.memory_space<hbm>>
        %dma_start3A_113 = arith.constant 0 : i32
        %dma_start3A_114 = tpu.memref_slice %arg4[%while3A_105, %dma_start3A_113] : memref<1250x128xi32, #tpu.memory_space<hbm>> -> memref<1x128xi32, #tpu.memory_space<hbm>>
        %dma_start3A_115 = tpu.memref_squeeze %dma_start3A_114 : memref<1x128xi32, #tpu.memory_space<hbm>> -> memref<128xi32, #tpu.memory_space<hbm>>
        tpu.enqueue_dma source(%dma_start3A_115 : memref<128xi32, #tpu.memory_space<hbm>>) target(%arg12 : memref<128xi32, #tpu.memory_space<vmem>>) target_semaphore(%run_scoped3A : memref<!tpu.dma_semaphore, #tpu.memory_space<semaphore_mem>>)
        %dma_wait3A = arith.constant 0 : i32
        %dma_wait3A_116 = tpu.memref_slice %arg4[%while3A_105, %dma_wait3A] : memref<1250x128xi32, #tpu.memory_space<hbm>> -> memref<1x128xi32, #tpu.memory_space<hbm>>
        %dma_wait3A_117 = tpu.memref_squeeze %dma_wait3A_116 : memref<1x128xi32, #tpu.memory_space<hbm>> -> memref<128xi32, #tpu.memory_space<hbm>>
        %dma_wait3A_118 = arith.constant 0 : i32
        %dma_wait3A_119 = tpu.memref_slice %arg4[%while3A_105, %dma_wait3A_118] : memref<1250x128xi32, #tpu.memory_space<hbm>> -> memref<1x128xi32, #tpu.memory_space<hbm>>
        %dma_wait3A_120 = tpu.memref_squeeze %dma_wait3A_119 : memref<1x128xi32, #tpu.memory_space<hbm>> -> memref<128xi32, #tpu.memory_space<hbm>>
        tpu.wait_dma2 semaphore(%run_scoped3A : memref<!tpu.dma_semaphore, #tpu.memory_space<semaphore_mem>>) src(%dma_wait3A_120 : memref<128xi32, #tpu.memory_space<hbm>>) dst(%arg12 : memref<128xi32, #tpu.memory_space<vmem>>)
        tpu.yield
      }) : () -> ()
      "tpu.region"() ({
        %run_scoped3A = tpu.sem_alloc : memref<!tpu.dma_semaphore, #tpu.memory_space<semaphore_mem>>
        %dma_start3A = arith.constant 0 : i32
        %dma_start3A_111 = arith.constant 0 : i32
        %dma_start3A_112 = tpu.memref_slice %arg5[%dma_start3A, %dma_start3A_111] : memref<10000x144xf32, #tpu.memory_space<hbm>> -> memref<10000x144xf32, #tpu.memory_space<hbm>>
        tpu.enqueue_indirect_dma source(%dma_start3A_112 : memref<10000x144xf32, #tpu.memory_space<hbm>>) target(%arg13 : memref<128x144xf32, #tpu.memory_space<vmem>>) offsets(%arg10 : memref<128xi32, #tpu.memory_space<vmem>>) semaphore(%run_scoped3A : memref<!tpu.dma_semaphore, #tpu.memory_space<semaphore_mem>>)
        %dma_wait3A = arith.constant 0 : i32
        %dma_wait3A_113 = arith.constant 0 : i32
        %dma_wait3A_114 = tpu.memref_slice %arg5[%dma_wait3A, %dma_wait3A_113] : memref<10000x144xf32, #tpu.memory_space<hbm>> -> memref<10000x144xf32, #tpu.memory_space<hbm>>
        tpu.wait_indirect_dma semaphore(%run_scoped3A : memref<!tpu.dma_semaphore, #tpu.memory_space<semaphore_mem>>) src(%dma_wait3A_114 : memref<10000x144xf32, #tpu.memory_space<hbm>>) dst(%arg13 : memref<128x144xf32, #tpu.memory_space<vmem>>)
        tpu.yield
      }) : () -> ()
      "tpu.region"() ({
        %run_scoped3A = tpu.sem_alloc : memref<!tpu.dma_semaphore, #tpu.memory_space<semaphore_mem>>
        %dma_start3A = arith.constant 0 : i32
        %dma_start3A_111 = arith.constant 0 : i32
        %dma_start3A_112 = tpu.memref_slice %arg6[%dma_start3A, %dma_start3A_111] : memref<500x144xf32, #tpu.memory_space<hbm>> -> memref<500x144xf32, #tpu.memory_space<hbm>>
        tpu.enqueue_indirect_dma source(%dma_start3A_112 : memref<500x144xf32, #tpu.memory_space<hbm>>) target(%arg13 : memref<128x144xf32, #tpu.memory_space<vmem>>) offsets(%arg11 : memref<128xi32, #tpu.memory_space<vmem>>) semaphore(%run_scoped3A : memref<!tpu.dma_semaphore, #tpu.memory_space<semaphore_mem>>) {add = true}
        %dma_wait3A = arith.constant 0 : i32
        %dma_wait3A_113 = arith.constant 0 : i32
        %dma_wait3A_114 = tpu.memref_slice %arg6[%dma_wait3A, %dma_wait3A_113] : memref<500x144xf32, #tpu.memory_space<hbm>> -> memref<500x144xf32, #tpu.memory_space<hbm>>
        tpu.wait_indirect_dma semaphore(%run_scoped3A : memref<!tpu.dma_semaphore, #tpu.memory_space<semaphore_mem>>) src(%dma_wait3A_114 : memref<500x144xf32, #tpu.memory_space<hbm>>) dst(%arg13 : memref<128x144xf32, #tpu.memory_space<vmem>>)
        tpu.yield
      }) : () -> ()
      "tpu.region"() ({
        %run_scoped3A = tpu.sem_alloc : memref<!tpu.dma_semaphore, #tpu.memory_space<semaphore_mem>>
        %dma_start3A = arith.constant 0 : i32
        %dma_start3A_111 = arith.constant 0 : i32
        %dma_start3A_112 = tpu.memref_slice %arg7[%dma_start3A, %dma_start3A_111] : memref<500x144xf32, #tpu.memory_space<hbm>> -> memref<500x144xf32, #tpu.memory_space<hbm>>
        tpu.enqueue_indirect_dma source(%dma_start3A_112 : memref<500x144xf32, #tpu.memory_space<hbm>>) target(%arg13 : memref<128x144xf32, #tpu.memory_space<vmem>>) offsets(%arg12 : memref<128xi32, #tpu.memory_space<vmem>>) semaphore(%run_scoped3A : memref<!tpu.dma_semaphore, #tpu.memory_space<semaphore_mem>>) {add = true}
        %dma_wait3A = arith.constant 0 : i32
        %dma_wait3A_113 = arith.constant 0 : i32
        %dma_wait3A_114 = tpu.memref_slice %arg7[%dma_wait3A, %dma_wait3A_113] : memref<500x144xf32, #tpu.memory_space<hbm>> -> memref<500x144xf32, #tpu.memory_space<hbm>>
        tpu.wait_indirect_dma semaphore(%run_scoped3A : memref<!tpu.dma_semaphore, #tpu.memory_space<semaphore_mem>>) src(%dma_wait3A_114 : memref<500x144xf32, #tpu.memory_space<hbm>>) dst(%arg13 : memref<128x144xf32, #tpu.memory_space<vmem>>)
        tpu.yield
      }) : () -> ()
      %scan3A_106 = arith.constant 0 : i32
      %scan3A_107 = arith.constant 128 : i32
      %scan3A_108 = arith.addi %scan3A_106, %scan3A_107 : i32
      %scan3A_109 = arith.constant 1 : i32
      scf.for %scan3A_111 = %scan3A_106 to %scan3A_108 step %scan3A_109  : i32 {
        %get3A = arith.index_cast %scan3A_111 : i32 to index
        %get3A_112 = arith.constant 128 : index
        %get3A_113 = tpu.vector_load %arg13[%get3A, %get3A_112] {strides = array<i32>} : memref<128x144xf32, #tpu.memory_space<vmem>>, vector<16xf32>,
        %slice3A = vector.extract_strided_slice %get3A_113 {offsets = [0], sizes = [1], strides = [1]} : vector<16xf32> to vector<1xf32>
        %squeeze3A = vector.extract %slice3A[0] : f32 from vector<1xf32>
        %broadcast_in_dim3A = vector.broadcast %squeeze3A : f32 to vector<16xf32>
        %gt3A = arith.constant 0.000000e+00 : f32
        %gt3A_114 = vector.broadcast %gt3A : f32 to vector<16xf32>
        %gt3A_115 = arith.cmpf ogt, %broadcast_in_dim3A, %gt3A_114 : vector<16xf32>
        %mul3A_116 = arith.constant 2.000000e-01 : f32
        %mul3A_117 = vector.broadcast %mul3A_116 : f32 to vector<16xf32>
        %mul3A_118 = arith.mulf %mul3A_117, %broadcast_in_dim3A : vector<16xf32>
        %select_n3A_119 = arith.select %gt3A_115, %broadcast_in_dim3A, %mul3A_118 : vector<16xi1>, vector<16xf32>
        %neg3A = arith.constant 0.000000e+00 : f32
        %neg3A_120 = vector.broadcast %neg3A : f32 to vector<16xf32>
        %neg3A_121 = arith.subf %neg3A_120, %select_n3A_119 : vector<16xf32>
        %exp3A = math.exp %neg3A_121 : vector<16xf32>
        %get3A_122 = arith.index_cast %scan3A_111 : i32 to index
        %get3A_123 = arith.constant 0 : index
        %get3A_124 = tpu.vector_load %arg13[%get3A_122, %get3A_123] {strides = array<i32>} : memref<128x144xf32, #tpu.memory_space<vmem>>, vector<16xf32>,
        %mul3A_125 = arith.mulf %get3A_124, %exp3A : vector<16xf32>
        %swap3A = arith.index_cast %scan3A_111 : i32 to index
        %swap3A_126 = arith.constant 0 : index
        %swap3A_127 = tpu.vector_load %arg13[%swap3A, %swap3A_126] {strides = array<i32>} : memref<128x144xf32, #tpu.memory_space<vmem>>, vector<16xf32>,
        tpu.vector_store %arg13[%swap3A, %swap3A_126], %mul3A_125 {strides = array<i32>} : memref<128x144xf32, #tpu.memory_space<vmem>>, vector<16xf32>,
        %get3A_128 = arith.index_cast %scan3A_111 : i32 to index
        %get3A_129 = arith.constant 16 : index
        %get3A_130 = tpu.vector_load %arg13[%get3A_128, %get3A_129] {strides = array<i32>} : memref<128x144xf32, #tpu.memory_space<vmem>>, vector<16xf32>,
        %mul3A_131 = arith.mulf %get3A_130, %exp3A : vector<16xf32>
        %swap3A_132 = arith.index_cast %scan3A_111 : i32 to index
        %swap3A_133 = arith.constant 16 : index
        %swap3A_134 = tpu.vector_load %arg13[%swap3A_132, %swap3A_133] {strides = array<i32>} : memref<128x144xf32, #tpu.memory_space<vmem>>, vector<16xf32>,
        tpu.vector_store %arg13[%swap3A_132, %swap3A_133], %mul3A_131 {strides = array<i32>} : memref<128x144xf32, #tpu.memory_space<vmem>>, vector<16xf32>,
        %get3A_135 = arith.index_cast %scan3A_111 : i32 to index
        %get3A_136 = arith.constant 32 : index
        %get3A_137 = tpu.vector_load %arg13[%get3A_135, %get3A_136] {strides = array<i32>} : memref<128x144xf32, #tpu.memory_space<vmem>>, vector<16xf32>,
        %mul3A_138 = arith.mulf %get3A_137, %exp3A : vector<16xf32>
        %swap3A_139 = arith.index_cast %scan3A_111 : i32 to index
        %swap3A_140 = arith.constant 32 : index
        %swap3A_141 = tpu.vector_load %arg13[%swap3A_139, %swap3A_140] {strides = array<i32>} : memref<128x144xf32, #tpu.memory_space<vmem>>, vector<16xf32>,
        tpu.vector_store %arg13[%swap3A_139, %swap3A_140], %mul3A_138 {strides = array<i32>} : memref<128x144xf32, #tpu.memory_space<vmem>>, vector<16xf32>,
        %get3A_142 = arith.index_cast %scan3A_111 : i32 to index
        %get3A_143 = arith.constant 48 : index
        %get3A_144 = tpu.vector_load %arg13[%get3A_142, %get3A_143] {strides = array<i32>} : memref<128x144xf32, #tpu.memory_space<vmem>>, vector<16xf32>,
        %mul3A_145 = arith.mulf %get3A_144, %exp3A : vector<16xf32>
        %swap3A_146 = arith.index_cast %scan3A_111 : i32 to index
        %swap3A_147 = arith.constant 48 : index
        %swap3A_148 = tpu.vector_load %arg13[%swap3A_146, %swap3A_147] {strides = array<i32>} : memref<128x144xf32, #tpu.memory_space<vmem>>, vector<16xf32>,
        tpu.vector_store %arg13[%swap3A_146, %swap3A_147], %mul3A_145 {strides = array<i32>} : memref<128x144xf32, #tpu.memory_space<vmem>>, vector<16xf32>,
        %get3A_149 = arith.index_cast %scan3A_111 : i32 to index
        %get3A_150 = arith.constant 64 : index
        %get3A_151 = tpu.vector_load %arg13[%get3A_149, %get3A_150] {strides = array<i32>} : memref<128x144xf32, #tpu.memory_space<vmem>>, vector<16xf32>,
        %mul3A_152 = arith.mulf %get3A_151, %exp3A : vector<16xf32>
        %swap3A_153 = arith.index_cast %scan3A_111 : i32 to index
        %swap3A_154 = arith.constant 64 : index
        %swap3A_155 = tpu.vector_load %arg13[%swap3A_153, %swap3A_154] {strides = array<i32>} : memref<128x144xf32, #tpu.memory_space<vmem>>, vector<16xf32>,
        tpu.vector_store %arg13[%swap3A_153, %swap3A_154], %mul3A_152 {strides = array<i32>} : memref<128x144xf32, #tpu.memory_space<vmem>>, vector<16xf32>,
        %get3A_156 = arith.index_cast %scan3A_111 : i32 to index
        %get3A_157 = arith.constant 80 : index
        %get3A_158 = tpu.vector_load %arg13[%get3A_156, %get3A_157] {strides = array<i32>} : memref<128x144xf32, #tpu.memory_space<vmem>>, vector<16xf32>,
        %mul3A_159 = arith.mulf %get3A_158, %exp3A : vector<16xf32>
        %swap3A_160 = arith.index_cast %scan3A_111 : i32 to index
        %swap3A_161 = arith.constant 80 : index
        %swap3A_162 = tpu.vector_load %arg13[%swap3A_160, %swap3A_161] {strides = array<i32>} : memref<128x144xf32, #tpu.memory_space<vmem>>, vector<16xf32>,
        tpu.vector_store %arg13[%swap3A_160, %swap3A_161], %mul3A_159 {strides = array<i32>} : memref<128x144xf32, #tpu.memory_space<vmem>>, vector<16xf32>,
        %get3A_163 = arith.index_cast %scan3A_111 : i32 to index
        %get3A_164 = arith.constant 96 : index
        %get3A_165 = tpu.vector_load %arg13[%get3A_163, %get3A_164] {strides = array<i32>} : memref<128x144xf32, #tpu.memory_space<vmem>>, vector<16xf32>,
        %mul3A_166 = arith.mulf %get3A_165, %exp3A : vector<16xf32>
        %swap3A_167 = arith.index_cast %scan3A_111 : i32 to index
        %swap3A_168 = arith.constant 96 : index
        %swap3A_169 = tpu.vector_load %arg13[%swap3A_167, %swap3A_168] {strides = array<i32>} : memref<128x144xf32, #tpu.memory_space<vmem>>, vector<16xf32>,
        tpu.vector_store %arg13[%swap3A_167, %swap3A_168], %mul3A_166 {strides = array<i32>} : memref<128x144xf32, #tpu.memory_space<vmem>>, vector<16xf32>,
        %get3A_170 = arith.index_cast %scan3A_111 : i32 to index
        %get3A_171 = arith.constant 112 : index
        %get3A_172 = tpu.vector_load %arg13[%get3A_170, %get3A_171] {strides = array<i32>} : memref<128x144xf32, #tpu.memory_space<vmem>>, vector<16xf32>,
        %mul3A_173 = arith.mulf %get3A_172, %exp3A : vector<16xf32>
        %swap3A_174 = arith.index_cast %scan3A_111 : i32 to index
        %swap3A_175 = arith.constant 112 : index
        %swap3A_176 = tpu.vector_load %arg13[%swap3A_174, %swap3A_175] {strides = array<i32>} : memref<128x144xf32, #tpu.memory_space<vmem>>, vector<16xf32>,
        tpu.vector_store %arg13[%swap3A_174, %swap3A_175], %mul3A_173 {strides = array<i32>} : memref<128x144xf32, #tpu.memory_space<vmem>>, vector<16xf32>,
        %swap3A_177 = arith.index_cast %scan3A_111 : i32 to index
        %swap3A_178 = arith.constant 128 : index
        %swap3A_179 = tpu.vector_load %arg13[%swap3A_177, %swap3A_178] {strides = array<i32>} : memref<128x144xf32, #tpu.memory_space<vmem>>, vector<16xf32>,
        tpu.vector_store %arg13[%swap3A_177, %swap3A_178], %exp3A {strides = array<i32>} : memref<128x144xf32, #tpu.memory_space<vmem>>, vector<16xf32>,
      }
      %scan3A_110 = arith.constant 128 : i32
      "tpu.region"() ({
        %run_scoped3A = tpu.sem_alloc : memref<!tpu.dma_semaphore, #tpu.memory_space<semaphore_mem>>
        %dma_start3A = arith.constant 0 : i32
        %dma_start3A_111 = arith.constant 0 : i32
        %dma_start3A_112 = tpu.memref_slice %arg14[%dma_start3A, %dma_start3A_111] : memref<10240x144xf32, #tpu.memory_space<vmem_shared>> -> memref<10240x144xf32, #tpu.memory_space<vmem_shared>>
        tpu.enqueue_indirect_dma source(%arg13 : memref<128x144xf32, #tpu.memory_space<vmem>>) target(%dma_start3A_112 : memref<10240x144xf32, #tpu.memory_space<vmem_shared>>) offsets(%arg10 : memref<128xi32, #tpu.memory_space<vmem>>) semaphore(%run_scoped3A : memref<!tpu.dma_semaphore, #tpu.memory_space<semaphore_mem>>) {add = true}
        %dma_wait3A = arith.constant 0 : i32
        %dma_wait3A_113 = arith.constant 0 : i32
        %dma_wait3A_114 = tpu.memref_slice %arg14[%dma_wait3A, %dma_wait3A_113] : memref<10240x144xf32, #tpu.memory_space<vmem_shared>> -> memref<10240x144xf32, #tpu.memory_space<vmem_shared>>
        tpu.wait_indirect_dma semaphore(%run_scoped3A : memref<!tpu.dma_semaphore, #tpu.memory_space<semaphore_mem>>) src(%arg13 : memref<128x144xf32, #tpu.memory_space<vmem>>) dst(%dma_wait3A_114 : memref<10240x144xf32, #tpu.memory_space<vmem_shared>>)
        tpu.yield
      }) : () -> ()
      "tpu.region"() ({
        %run_scoped3A = tpu.sem_alloc : memref<!tpu.dma_semaphore, #tpu.memory_space<semaphore_mem>>
        %dma_start3A = arith.constant 0 : i32
        %dma_start3A_111 = arith.constant 0 : i32
        %dma_start3A_112 = tpu.memref_slice %arg15[%dma_start3A, %dma_start3A_111] : memref<512x144xf32, #tpu.memory_space<vmem_shared>> -> memref<512x144xf32, #tpu.memory_space<vmem_shared>>
        tpu.enqueue_indirect_dma source(%arg13 : memref<128x144xf32, #tpu.memory_space<vmem>>) target(%dma_start3A_112 : memref<512x144xf32, #tpu.memory_space<vmem_shared>>) offsets(%arg11 : memref<128xi32, #tpu.memory_space<vmem>>) semaphore(%run_scoped3A : memref<!tpu.dma_semaphore, #tpu.memory_space<semaphore_mem>>) {add = true}
        %dma_wait3A = arith.constant 0 : i32
        %dma_wait3A_113 = arith.constant 0 : i32
        %dma_wait3A_114 = tpu.memref_slice %arg15[%dma_wait3A, %dma_wait3A_113] : memref<512x144xf32, #tpu.memory_space<vmem_shared>> -> memref<512x144xf32, #tpu.memory_space<vmem_shared>>
        tpu.wait_indirect_dma semaphore(%run_scoped3A : memref<!tpu.dma_semaphore, #tpu.memory_space<semaphore_mem>>) src(%arg13 : memref<128x144xf32, #tpu.memory_space<vmem>>) dst(%dma_wait3A_114 : memref<512x144xf32, #tpu.memory_space<vmem_shared>>)
        tpu.yield
      }) : () -> ()
    }
    %while3A_79 = arith.constant 1 : i32
    scf.for %while3A_105 = %while3A_77 to %while3A_73 step %while3A_79  : i32 {
      "tpu.region"() ({
        %run_scoped3A = tpu.sem_alloc : memref<!tpu.dma_semaphore, #tpu.memory_space<semaphore_mem>>
        %dma_start3A = arith.constant 0 : i32
        %dma_start3A_111 = tpu.memref_slice %arg2[%while3A_105, %dma_start3A] : memref<1250x128xi32, #tpu.memory_space<hbm>> -> memref<1x128xi32, #tpu.memory_space<hbm>>
        %dma_start3A_112 = tpu.memref_squeeze %dma_start3A_111 : memref<1x128xi32, #tpu.memory_space<hbm>> -> memref<128xi32, #tpu.memory_space<hbm>>
        %dma_start3A_113 = arith.constant 0 : i32
        %dma_start3A_114 = tpu.memref_slice %arg2[%while3A_105, %dma_start3A_113] : memref<1250x128xi32, #tpu.memory_space<hbm>> -> memref<1x128xi32, #tpu.memory_space<hbm>>
        %dma_start3A_115 = tpu.memref_squeeze %dma_start3A_114 : memref<1x128xi32, #tpu.memory_space<hbm>> -> memref<128xi32, #tpu.memory_space<hbm>>
        tpu.enqueue_dma source(%dma_start3A_115 : memref<128xi32, #tpu.memory_space<hbm>>) target(%arg10 : memref<128xi32, #tpu.memory_space<vmem>>) target_semaphore(%run_scoped3A : memref<!tpu.dma_semaphore, #tpu.memory_space<semaphore_mem>>)
        %dma_wait3A = arith.constant 0 : i32
        %dma_wait3A_116 = tpu.memref_slice %arg2[%while3A_105, %dma_wait3A] : memref<1250x128xi32, #tpu.memory_space<hbm>> -> memref<1x128xi32, #tpu.memory_space<hbm>>
        %dma_wait3A_117 = tpu.memref_squeeze %dma_wait3A_116 : memref<1x128xi32, #tpu.memory_space<hbm>> -> memref<128xi32, #tpu.memory_space<hbm>>
        %dma_wait3A_118 = arith.constant 0 : i32
        %dma_wait3A_119 = tpu.memref_slice %arg2[%while3A_105, %dma_wait3A_118] : memref<1250x128xi32, #tpu.memory_space<hbm>> -> memref<1x128xi32, #tpu.memory_space<hbm>>
        %dma_wait3A_120 = tpu.memref_squeeze %dma_wait3A_119 : memref<1x128xi32, #tpu.memory_space<hbm>> -> memref<128xi32, #tpu.memory_space<hbm>>
        tpu.wait_dma2 semaphore(%run_scoped3A : memref<!tpu.dma_semaphore, #tpu.memory_space<semaphore_mem>>) src(%dma_wait3A_120 : memref<128xi32, #tpu.memory_space<hbm>>) dst(%arg10 : memref<128xi32, #tpu.memory_space<vmem>>)
        tpu.yield
      }) : () -> ()
      "tpu.region"() ({
        %run_scoped3A = tpu.sem_alloc : memref<!tpu.dma_semaphore, #tpu.memory_space<semaphore_mem>>
        %dma_start3A = arith.constant 0 : i32
        %dma_start3A_111 = tpu.memref_slice %arg3[%while3A_105, %dma_start3A] : memref<1250x128xi32, #tpu.memory_space<hbm>> -> memref<1x128xi32, #tpu.memory_space<hbm>>
        %dma_start3A_112 = tpu.memref_squeeze %dma_start3A_111 : memref<1x128xi32, #tpu.memory_space<hbm>> -> memref<128xi32, #tpu.memory_space<hbm>>
        %dma_start3A_113 = arith.constant 0 : i32
        %dma_start3A_114 = tpu.memref_slice %arg3[%while3A_105, %dma_start3A_113] : memref<1250x128xi32, #tpu.memory_space<hbm>> -> memref<1x128xi32, #tpu.memory_space<hbm>>
        %dma_start3A_115 = tpu.memref_squeeze %dma_start3A_114 : memref<1x128xi32, #tpu.memory_space<hbm>> -> memref<128xi32, #tpu.memory_space<hbm>>
        tpu.enqueue_dma source(%dma_start3A_115 : memref<128xi32, #tpu.memory_space<hbm>>) target(%arg11 : memref<128xi32, #tpu.memory_space<vmem>>) target_semaphore(%run_scoped3A : memref<!tpu.dma_semaphore, #tpu.memory_space<semaphore_mem>>)
        %dma_wait3A = arith.constant 0 : i32
        %dma_wait3A_116 = tpu.memref_slice %arg3[%while3A_105, %dma_wait3A] : memref<1250x128xi32, #tpu.memory_space<hbm>> -> memref<1x128xi32, #tpu.memory_space<hbm>>
        %dma_wait3A_117 = tpu.memref_squeeze %dma_wait3A_116 : memref<1x128xi32, #tpu.memory_space<hbm>> -> memref<128xi32, #tpu.memory_space<hbm>>
        %dma_wait3A_118 = arith.constant 0 : i32
        %dma_wait3A_119 = tpu.memref_slice %arg3[%while3A_105, %dma_wait3A_118] : memref<1250x128xi32, #tpu.memory_space<hbm>> -> memref<1x128xi32, #tpu.memory_space<hbm>>
        %dma_wait3A_120 = tpu.memref_squeeze %dma_wait3A_119 : memref<1x128xi32, #tpu.memory_space<hbm>> -> memref<128xi32, #tpu.memory_space<hbm>>
        tpu.wait_dma2 semaphore(%run_scoped3A : memref<!tpu.dma_semaphore, #tpu.memory_space<semaphore_mem>>) src(%dma_wait3A_120 : memref<128xi32, #tpu.memory_space<hbm>>) dst(%arg11 : memref<128xi32, #tpu.memory_space<vmem>>)
        tpu.yield
      }) : () -> ()
      "tpu.region"() ({
        %run_scoped3A = tpu.sem_alloc : memref<!tpu.dma_semaphore, #tpu.memory_space<semaphore_mem>>
        %dma_start3A = arith.constant 0 : i32
        %dma_start3A_111 = tpu.memref_slice %arg4[%while3A_105, %dma_start3A] : memref<1250x128xi32, #tpu.memory_space<hbm>> -> memref<1x128xi32, #tpu.memory_space<hbm>>
        %dma_start3A_112 = tpu.memref_squeeze %dma_start3A_111 : memref<1x128xi32, #tpu.memory_space<hbm>> -> memref<128xi32, #tpu.memory_space<hbm>>
        %dma_start3A_113 = arith.constant 0 : i32
        %dma_start3A_114 = tpu.memref_slice %arg4[%while3A_105, %dma_start3A_113] : memref<1250x128xi32, #tpu.memory_space<hbm>> -> memref<1x128xi32, #tpu.memory_space<hbm>>
        %dma_start3A_115 = tpu.memref_squeeze %dma_start3A_114 : memref<1x128xi32, #tpu.memory_space<hbm>> -> memref<128xi32, #tpu.memory_space<hbm>>
        tpu.enqueue_dma source(%dma_start3A_115 : memref<128xi32, #tpu.memory_space<hbm>>) target(%arg12 : memref<128xi32, #tpu.memory_space<vmem>>) target_semaphore(%run_scoped3A : memref<!tpu.dma_semaphore, #tpu.memory_space<semaphore_mem>>)
        %dma_wait3A = arith.constant 0 : i32
        %dma_wait3A_116 = tpu.memref_slice %arg4[%while3A_105, %dma_wait3A] : memref<1250x128xi32, #tpu.memory_space<hbm>> -> memref<1x128xi32, #tpu.memory_space<hbm>>
        %dma_wait3A_117 = tpu.memref_squeeze %dma_wait3A_116 : memref<1x128xi32, #tpu.memory_space<hbm>> -> memref<128xi32, #tpu.memory_space<hbm>>
        %dma_wait3A_118 = arith.constant 0 : i32
        %dma_wait3A_119 = tpu.memref_slice %arg4[%while3A_105, %dma_wait3A_118] : memref<1250x128xi32, #tpu.memory_space<hbm>> -> memref<1x128xi32, #tpu.memory_space<hbm>>
        %dma_wait3A_120 = tpu.memref_squeeze %dma_wait3A_119 : memref<1x128xi32, #tpu.memory_space<hbm>> -> memref<128xi32, #tpu.memory_space<hbm>>
        tpu.wait_dma2 semaphore(%run_scoped3A : memref<!tpu.dma_semaphore, #tpu.memory_space<semaphore_mem>>) src(%dma_wait3A_120 : memref<128xi32, #tpu.memory_space<hbm>>) dst(%arg12 : memref<128xi32, #tpu.memory_space<vmem>>)
        tpu.yield
      }) : () -> ()
      "tpu.region"() ({
        %run_scoped3A = tpu.sem_alloc : memref<!tpu.dma_semaphore, #tpu.memory_space<semaphore_mem>>
        %dma_start3A = arith.constant 0 : i32
        %dma_start3A_111 = arith.constant 0 : i32
        %dma_start3A_112 = tpu.memref_slice %arg5[%dma_start3A, %dma_start3A_111] : memref<10000x144xf32, #tpu.memory_space<hbm>> -> memref<10000x144xf32, #tpu.memory_space<hbm>>
        tpu.enqueue_indirect_dma source(%dma_start3A_112 : memref<10000x144xf32, #tpu.memory_space<hbm>>) target(%arg13 : memref<128x144xf32, #tpu.memory_space<vmem>>) offsets(%arg10 : memref<128xi32, #tpu.memory_space<vmem>>) semaphore(%run_scoped3A : memref<!tpu.dma_semaphore, #tpu.memory_space<semaphore_mem>>)
        %dma_wait3A = arith.constant 0 : i32
        %dma_wait3A_113 = arith.constant 0 : i32
        %dma_wait3A_114 = tpu.memref_slice %arg5[%dma_wait3A, %dma_wait3A_113] : memref<10000x144xf32, #tpu.memory_space<hbm>> -> memref<10000x144xf32, #tpu.memory_space<hbm>>
        tpu.wait_indirect_dma semaphore(%run_scoped3A : memref<!tpu.dma_semaphore, #tpu.memory_space<semaphore_mem>>) src(%dma_wait3A_114 : memref<10000x144xf32, #tpu.memory_space<hbm>>) dst(%arg13 : memref<128x144xf32, #tpu.memory_space<vmem>>)
        tpu.yield
      }) : () -> ()
      "tpu.region"() ({
        %run_scoped3A = tpu.sem_alloc : memref<!tpu.dma_semaphore, #tpu.memory_space<semaphore_mem>>
        %dma_start3A = arith.constant 0 : i32
        %dma_start3A_111 = arith.constant 0 : i32
        %dma_start3A_112 = tpu.memref_slice %arg6[%dma_start3A, %dma_start3A_111] : memref<500x144xf32, #tpu.memory_space<hbm>> -> memref<500x144xf32, #tpu.memory_space<hbm>>
        tpu.enqueue_indirect_dma source(%dma_start3A_112 : memref<500x144xf32, #tpu.memory_space<hbm>>) target(%arg13 : memref<128x144xf32, #tpu.memory_space<vmem>>) offsets(%arg11 : memref<128xi32, #tpu.memory_space<vmem>>) semaphore(%run_scoped3A : memref<!tpu.dma_semaphore, #tpu.memory_space<semaphore_mem>>) {add = true}
        %dma_wait3A = arith.constant 0 : i32
        %dma_wait3A_113 = arith.constant 0 : i32
        %dma_wait3A_114 = tpu.memref_slice %arg6[%dma_wait3A, %dma_wait3A_113] : memref<500x144xf32, #tpu.memory_space<hbm>> -> memref<500x144xf32, #tpu.memory_space<hbm>>
        tpu.wait_indirect_dma semaphore(%run_scoped3A : memref<!tpu.dma_semaphore, #tpu.memory_space<semaphore_mem>>) src(%dma_wait3A_114 : memref<500x144xf32, #tpu.memory_space<hbm>>) dst(%arg13 : memref<128x144xf32, #tpu.memory_space<vmem>>)
        tpu.yield
      }) : () -> ()
      "tpu.region"() ({
        %run_scoped3A = tpu.sem_alloc : memref<!tpu.dma_semaphore, #tpu.memory_space<semaphore_mem>>
        %dma_start3A = arith.constant 0 : i32
        %dma_start3A_111 = arith.constant 0 : i32
        %dma_start3A_112 = tpu.memref_slice %arg7[%dma_start3A, %dma_start3A_111] : memref<500x144xf32, #tpu.memory_space<hbm>> -> memref<500x144xf32, #tpu.memory_space<hbm>>
        tpu.enqueue_indirect_dma source(%dma_start3A_112 : memref<500x144xf32, #tpu.memory_space<hbm>>) target(%arg13 : memref<128x144xf32, #tpu.memory_space<vmem>>) offsets(%arg12 : memref<128xi32, #tpu.memory_space<vmem>>) semaphore(%run_scoped3A : memref<!tpu.dma_semaphore, #tpu.memory_space<semaphore_mem>>) {add = true}
        %dma_wait3A = arith.constant 0 : i32
        %dma_wait3A_113 = arith.constant 0 : i32
        %dma_wait3A_114 = tpu.memref_slice %arg7[%dma_wait3A, %dma_wait3A_113] : memref<500x144xf32, #tpu.memory_space<hbm>> -> memref<500x144xf32, #tpu.memory_space<hbm>>
        tpu.wait_indirect_dma semaphore(%run_scoped3A : memref<!tpu.dma_semaphore, #tpu.memory_space<semaphore_mem>>) src(%dma_wait3A_114 : memref<500x144xf32, #tpu.memory_space<hbm>>) dst(%arg13 : memref<128x144xf32, #tpu.memory_space<vmem>>)
        tpu.yield
      }) : () -> ()
      %scan3A_106 = arith.constant 0 : i32
      %scan3A_107 = arith.constant 128 : i32
      %scan3A_108 = arith.addi %scan3A_106, %scan3A_107 : i32
      %scan3A_109 = arith.constant 1 : i32
      scf.for %scan3A_111 = %scan3A_106 to %scan3A_108 step %scan3A_109  : i32 {
        %get3A = arith.index_cast %scan3A_111 : i32 to index
        %get3A_112 = arith.constant 128 : index
        %get3A_113 = tpu.vector_load %arg13[%get3A, %get3A_112] {strides = array<i32>} : memref<128x144xf32, #tpu.memory_space<vmem>>, vector<16xf32>,
        %slice3A = vector.extract_strided_slice %get3A_113 {offsets = [0], sizes = [1], strides = [1]} : vector<16xf32> to vector<1xf32>
        %squeeze3A = vector.extract %slice3A[0] : f32 from vector<1xf32>
        %broadcast_in_dim3A = vector.broadcast %squeeze3A : f32 to vector<16xf32>
        %gt3A = arith.constant 0.000000e+00 : f32
        %gt3A_114 = vector.broadcast %gt3A : f32 to vector<16xf32>
        %gt3A_115 = arith.cmpf ogt, %broadcast_in_dim3A, %gt3A_114 : vector<16xf32>
        %mul3A_116 = arith.constant 2.000000e-01 : f32
        %mul3A_117 = vector.broadcast %mul3A_116 : f32 to vector<16xf32>
        %mul3A_118 = arith.mulf %mul3A_117, %broadcast_in_dim3A : vector<16xf32>
        %select_n3A_119 = arith.select %gt3A_115, %broadcast_in_dim3A, %mul3A_118 : vector<16xi1>, vector<16xf32>
        %neg3A = arith.constant 0.000000e+00 : f32
        %neg3A_120 = vector.broadcast %neg3A : f32 to vector<16xf32>
        %neg3A_121 = arith.subf %neg3A_120, %select_n3A_119 : vector<16xf32>
        %exp3A = math.exp %neg3A_121 : vector<16xf32>
        %get3A_122 = arith.index_cast %scan3A_111 : i32 to index
        %get3A_123 = arith.constant 0 : index
        %get3A_124 = tpu.vector_load %arg13[%get3A_122, %get3A_123] {strides = array<i32>} : memref<128x144xf32, #tpu.memory_space<vmem>>, vector<16xf32>,
        %mul3A_125 = arith.mulf %get3A_124, %exp3A : vector<16xf32>
        %swap3A = arith.index_cast %scan3A_111 : i32 to index
        %swap3A_126 = arith.constant 0 : index
        %swap3A_127 = tpu.vector_load %arg13[%swap3A, %swap3A_126] {strides = array<i32>} : memref<128x144xf32, #tpu.memory_space<vmem>>, vector<16xf32>,
        tpu.vector_store %arg13[%swap3A, %swap3A_126], %mul3A_125 {strides = array<i32>} : memref<128x144xf32, #tpu.memory_space<vmem>>, vector<16xf32>,
        %get3A_128 = arith.index_cast %scan3A_111 : i32 to index
        %get3A_129 = arith.constant 16 : index
        %get3A_130 = tpu.vector_load %arg13[%get3A_128, %get3A_129] {strides = array<i32>} : memref<128x144xf32, #tpu.memory_space<vmem>>, vector<16xf32>,
        %mul3A_131 = arith.mulf %get3A_130, %exp3A : vector<16xf32>
        %swap3A_132 = arith.index_cast %scan3A_111 : i32 to index
        %swap3A_133 = arith.constant 16 : index
        %swap3A_134 = tpu.vector_load %arg13[%swap3A_132, %swap3A_133] {strides = array<i32>} : memref<128x144xf32, #tpu.memory_space<vmem>>, vector<16xf32>,
        tpu.vector_store %arg13[%swap3A_132, %swap3A_133], %mul3A_131 {strides = array<i32>} : memref<128x144xf32, #tpu.memory_space<vmem>>, vector<16xf32>,
        %get3A_135 = arith.index_cast %scan3A_111 : i32 to index
        %get3A_136 = arith.constant 32 : index
        %get3A_137 = tpu.vector_load %arg13[%get3A_135, %get3A_136] {strides = array<i32>} : memref<128x144xf32, #tpu.memory_space<vmem>>, vector<16xf32>,
        %mul3A_138 = arith.mulf %get3A_137, %exp3A : vector<16xf32>
        %swap3A_139 = arith.index_cast %scan3A_111 : i32 to index
        %swap3A_140 = arith.constant 32 : index
        %swap3A_141 = tpu.vector_load %arg13[%swap3A_139, %swap3A_140] {strides = array<i32>} : memref<128x144xf32, #tpu.memory_space<vmem>>, vector<16xf32>,
        tpu.vector_store %arg13[%swap3A_139, %swap3A_140], %mul3A_138 {strides = array<i32>} : memref<128x144xf32, #tpu.memory_space<vmem>>, vector<16xf32>,
        %get3A_142 = arith.index_cast %scan3A_111 : i32 to index
        %get3A_143 = arith.constant 48 : index
        %get3A_144 = tpu.vector_load %arg13[%get3A_142, %get3A_143] {strides = array<i32>} : memref<128x144xf32, #tpu.memory_space<vmem>>, vector<16xf32>,
        %mul3A_145 = arith.mulf %get3A_144, %exp3A : vector<16xf32>
        %swap3A_146 = arith.index_cast %scan3A_111 : i32 to index
        %swap3A_147 = arith.constant 48 : index
        %swap3A_148 = tpu.vector_load %arg13[%swap3A_146, %swap3A_147] {strides = array<i32>} : memref<128x144xf32, #tpu.memory_space<vmem>>, vector<16xf32>,
        tpu.vector_store %arg13[%swap3A_146, %swap3A_147], %mul3A_145 {strides = array<i32>} : memref<128x144xf32, #tpu.memory_space<vmem>>, vector<16xf32>,
        %get3A_149 = arith.index_cast %scan3A_111 : i32 to index
        %get3A_150 = arith.constant 64 : index
        %get3A_151 = tpu.vector_load %arg13[%get3A_149, %get3A_150] {strides = array<i32>} : memref<128x144xf32, #tpu.memory_space<vmem>>, vector<16xf32>,
        %mul3A_152 = arith.mulf %get3A_151, %exp3A : vector<16xf32>
        %swap3A_153 = arith.index_cast %scan3A_111 : i32 to index
        %swap3A_154 = arith.constant 64 : index
        %swap3A_155 = tpu.vector_load %arg13[%swap3A_153, %swap3A_154] {strides = array<i32>} : memref<128x144xf32, #tpu.memory_space<vmem>>, vector<16xf32>,
        tpu.vector_store %arg13[%swap3A_153, %swap3A_154], %mul3A_152 {strides = array<i32>} : memref<128x144xf32, #tpu.memory_space<vmem>>, vector<16xf32>,
        %get3A_156 = arith.index_cast %scan3A_111 : i32 to index
        %get3A_157 = arith.constant 80 : index
        %get3A_158 = tpu.vector_load %arg13[%get3A_156, %get3A_157] {strides = array<i32>} : memref<128x144xf32, #tpu.memory_space<vmem>>, vector<16xf32>,
        %mul3A_159 = arith.mulf %get3A_158, %exp3A : vector<16xf32>
        %swap3A_160 = arith.index_cast %scan3A_111 : i32 to index
        %swap3A_161 = arith.constant 80 : index
        %swap3A_162 = tpu.vector_load %arg13[%swap3A_160, %swap3A_161] {strides = array<i32>} : memref<128x144xf32, #tpu.memory_space<vmem>>, vector<16xf32>,
        tpu.vector_store %arg13[%swap3A_160, %swap3A_161], %mul3A_159 {strides = array<i32>} : memref<128x144xf32, #tpu.memory_space<vmem>>, vector<16xf32>,
        %get3A_163 = arith.index_cast %scan3A_111 : i32 to index
        %get3A_164 = arith.constant 96 : index
        %get3A_165 = tpu.vector_load %arg13[%get3A_163, %get3A_164] {strides = array<i32>} : memref<128x144xf32, #tpu.memory_space<vmem>>, vector<16xf32>,
        %mul3A_166 = arith.mulf %get3A_165, %exp3A : vector<16xf32>
        %swap3A_167 = arith.index_cast %scan3A_111 : i32 to index
        %swap3A_168 = arith.constant 96 : index
        %swap3A_169 = tpu.vector_load %arg13[%swap3A_167, %swap3A_168] {strides = array<i32>} : memref<128x144xf32, #tpu.memory_space<vmem>>, vector<16xf32>,
        tpu.vector_store %arg13[%swap3A_167, %swap3A_168], %mul3A_166 {strides = array<i32>} : memref<128x144xf32, #tpu.memory_space<vmem>>, vector<16xf32>,
        %get3A_170 = arith.index_cast %scan3A_111 : i32 to index
        %get3A_171 = arith.constant 112 : index
        %get3A_172 = tpu.vector_load %arg13[%get3A_170, %get3A_171] {strides = array<i32>} : memref<128x144xf32, #tpu.memory_space<vmem>>, vector<16xf32>,
        %mul3A_173 = arith.mulf %get3A_172, %exp3A : vector<16xf32>
        %swap3A_174 = arith.index_cast %scan3A_111 : i32 to index
        %swap3A_175 = arith.constant 112 : index
        %swap3A_176 = tpu.vector_load %arg13[%swap3A_174, %swap3A_175] {strides = array<i32>} : memref<128x144xf32, #tpu.memory_space<vmem>>, vector<16xf32>,
        tpu.vector_store %arg13[%swap3A_174, %swap3A_175], %mul3A_173 {strides = array<i32>} : memref<128x144xf32, #tpu.memory_space<vmem>>, vector<16xf32>,
        %swap3A_177 = arith.index_cast %scan3A_111 : i32 to index
        %swap3A_178 = arith.constant 128 : index
        %swap3A_179 = tpu.vector_load %arg13[%swap3A_177, %swap3A_178] {strides = array<i32>} : memref<128x144xf32, #tpu.memory_space<vmem>>, vector<16xf32>,
        tpu.vector_store %arg13[%swap3A_177, %swap3A_178], %exp3A {strides = array<i32>} : memref<128x144xf32, #tpu.memory_space<vmem>>, vector<16xf32>,
      }
      %scan3A_110 = arith.constant 128 : i32
      "tpu.region"() ({
        %run_scoped3A = tpu.sem_alloc : memref<!tpu.dma_semaphore, #tpu.memory_space<semaphore_mem>>
        %dma_start3A = arith.constant 0 : i32
        %dma_start3A_111 = arith.constant 0 : i32
        %dma_start3A_112 = tpu.memref_slice %arg14[%dma_start3A, %dma_start3A_111] : memref<10240x144xf32, #tpu.memory_space<vmem_shared>> -> memref<10240x144xf32, #tpu.memory_space<vmem_shared>>
        tpu.enqueue_indirect_dma source(%arg13 : memref<128x144xf32, #tpu.memory_space<vmem>>) target(%dma_start3A_112 : memref<10240x144xf32, #tpu.memory_space<vmem_shared>>) offsets(%arg10 : memref<128xi32, #tpu.memory_space<vmem>>) semaphore(%run_scoped3A : memref<!tpu.dma_semaphore, #tpu.memory_space<semaphore_mem>>) {add = true}
        %dma_wait3A = arith.constant 0 : i32
        %dma_wait3A_113 = arith.constant 0 : i32
        %dma_wait3A_114 = tpu.memref_slice %arg14[%dma_wait3A, %dma_wait3A_113] : memref<10240x144xf32, #tpu.memory_space<vmem_shared>> -> memref<10240x144xf32, #tpu.memory_space<vmem_shared>>
        tpu.wait_indirect_dma semaphore(%run_scoped3A : memref<!tpu.dma_semaphore, #tpu.memory_space<semaphore_mem>>) src(%arg13 : memref<128x144xf32, #tpu.memory_space<vmem>>) dst(%dma_wait3A_114 : memref<10240x144xf32, #tpu.memory_space<vmem_shared>>)
        tpu.yield
      }) : () -> ()
      "tpu.region"() ({
        %run_scoped3A = tpu.sem_alloc : memref<!tpu.dma_semaphore, #tpu.memory_space<semaphore_mem>>
        %dma_start3A = arith.constant 0 : i32
        %dma_start3A_111 = arith.constant 0 : i32
        %dma_start3A_112 = tpu.memref_slice %arg15[%dma_start3A, %dma_start3A_111] : memref<512x144xf32, #tpu.memory_space<vmem_shared>> -> memref<512x144xf32, #tpu.memory_space<vmem_shared>>
        tpu.enqueue_indirect_dma source(%arg13 : memref<128x144xf32, #tpu.memory_space<vmem>>) target(%dma_start3A_112 : memref<512x144xf32, #tpu.memory_space<vmem_shared>>) offsets(%arg11 : memref<128xi32, #tpu.memory_space<vmem>>) semaphore(%run_scoped3A : memref<!tpu.dma_semaphore, #tpu.memory_space<semaphore_mem>>) {add = true}
        %dma_wait3A = arith.constant 0 : i32
        %dma_wait3A_113 = arith.constant 0 : i32
        %dma_wait3A_114 = tpu.memref_slice %arg15[%dma_wait3A, %dma_wait3A_113] : memref<512x144xf32, #tpu.memory_space<vmem_shared>> -> memref<512x144xf32, #tpu.memory_space<vmem_shared>>
        tpu.wait_indirect_dma semaphore(%run_scoped3A : memref<!tpu.dma_semaphore, #tpu.memory_space<semaphore_mem>>) src(%arg13 : memref<128x144xf32, #tpu.memory_space<vmem>>) dst(%dma_wait3A_114 : memref<512x144xf32, #tpu.memory_space<vmem_shared>>)
        tpu.yield
      }) : () -> ()
    }
    %barrier3A_80 = arith.constant 0 : index
    tpu.barrier barrier_id(%barrier3A_80)
    %mul3A_81 = arith.constant 640 : i32
    %mul3A_82 = arith.muli %arg1, %mul3A_81 : i32
    %add3A_83 = arith.constant 0 : i32
    %add3A_84 = arith.addi %mul3A_82, %add3A_83 : i32
    "tpu.region"() ({
      %run_scoped3A = tpu.sem_alloc : memref<!tpu.dma_semaphore, #tpu.memory_space<semaphore_mem>>
      %dma_start3A = arith.constant 0 : i32
      %dma_start3A_105 = tpu.memref_slice %arg8[%arg0, %add3A_84, %dma_start3A] : memref<2x10240x144xf32, #tpu.memory_space<hbm>> -> memref<1x128x144xf32, #tpu.memory_space<hbm>>
      %dma_start3A_106 = tpu.memref_squeeze %dma_start3A_105 : memref<1x128x144xf32, #tpu.memory_space<hbm>> -> memref<128x144xf32, #tpu.memory_space<hbm>>
      %dma_start3A_107 = arith.constant 0 : i32
      %dma_start3A_108 = tpu.memref_slice %arg14[%add3A_84, %dma_start3A_107] : memref<10240x144xf32, #tpu.memory_space<vmem_shared>> -> memref<128x144xf32, #tpu.memory_space<vmem_shared>>
      tpu.enqueue_dma source(%dma_start3A_108 : memref<128x144xf32, #tpu.memory_space<vmem_shared>>) target(%dma_start3A_106 : memref<128x144xf32, #tpu.memory_space<hbm>>) target_semaphore(%run_scoped3A : memref<!tpu.dma_semaphore, #tpu.memory_space<semaphore_mem>>)
      %dma_wait3A = arith.constant 0 : i32
      %dma_wait3A_109 = tpu.memref_slice %arg8[%arg0, %add3A_84, %dma_wait3A] : memref<2x10240x144xf32, #tpu.memory_space<hbm>> -> memref<1x128x144xf32, #tpu.memory_space<hbm>>
      %dma_wait3A_110 = tpu.memref_squeeze %dma_wait3A_109 : memref<1x128x144xf32, #tpu.memory_space<hbm>> -> memref<128x144xf32, #tpu.memory_space<hbm>>
      %dma_wait3A_111 = arith.constant 0 : i32
      %dma_wait3A_112 = tpu.memref_slice %arg14[%add3A_84, %dma_wait3A_111] : memref<10240x144xf32, #tpu.memory_space<vmem_shared>> -> memref<128x144xf32, #tpu.memory_space<vmem_shared>>
      tpu.wait_dma2 semaphore(%run_scoped3A : memref<!tpu.dma_semaphore, #tpu.memory_space<semaphore_mem>>) src(%dma_wait3A_112 : memref<128x144xf32, #tpu.memory_space<vmem_shared>>) dst(%dma_wait3A_110 : memref<128x144xf32, #tpu.memory_space<hbm>>)
      tpu.yield
    }) : () -> ()
    %mul3A_85 = arith.constant 640 : i32
    %mul3A_86 = arith.muli %arg1, %mul3A_85 : i32
    %add3A_87 = arith.constant 128 : i32
    %add3A_88 = arith.addi %mul3A_86, %add3A_87 : i32
    "tpu.region"() ({
      %run_scoped3A = tpu.sem_alloc : memref<!tpu.dma_semaphore, #tpu.memory_space<semaphore_mem>>
      %dma_start3A = arith.constant 0 : i32
      %dma_start3A_105 = tpu.memref_slice %arg8[%arg0, %add3A_88, %dma_start3A] : memref<2x10240x144xf32, #tpu.memory_space<hbm>> -> memref<1x128x144xf32, #tpu.memory_space<hbm>>
      %dma_start3A_106 = tpu.memref_squeeze %dma_start3A_105 : memref<1x128x144xf32, #tpu.memory_space<hbm>> -> memref<128x144xf32, #tpu.memory_space<hbm>>
      %dma_start3A_107 = arith.constant 0 : i32
      %dma_start3A_108 = tpu.memref_slice %arg14[%add3A_88, %dma_start3A_107] : memref<10240x144xf32, #tpu.memory_space<vmem_shared>> -> memref<128x144xf32, #tpu.memory_space<vmem_shared>>
      tpu.enqueue_dma source(%dma_start3A_108 : memref<128x144xf32, #tpu.memory_space<vmem_shared>>) target(%dma_start3A_106 : memref<128x144xf32, #tpu.memory_space<hbm>>) target_semaphore(%run_scoped3A : memref<!tpu.dma_semaphore, #tpu.memory_space<semaphore_mem>>)
      %dma_wait3A = arith.constant 0 : i32
      %dma_wait3A_109 = tpu.memref_slice %arg8[%arg0, %add3A_88, %dma_wait3A] : memref<2x10240x144xf32, #tpu.memory_space<hbm>> -> memref<1x128x144xf32, #tpu.memory_space<hbm>>
      %dma_wait3A_110 = tpu.memref_squeeze %dma_wait3A_109 : memref<1x128x144xf32, #tpu.memory_space<hbm>> -> memref<128x144xf32, #tpu.memory_space<hbm>>
      %dma_wait3A_111 = arith.constant 0 : i32
      %dma_wait3A_112 = tpu.memref_slice %arg14[%add3A_88, %dma_wait3A_111] : memref<10240x144xf32, #tpu.memory_space<vmem_shared>> -> memref<128x144xf32, #tpu.memory_space<vmem_shared>>
      tpu.wait_dma2 semaphore(%run_scoped3A : memref<!tpu.dma_semaphore, #tpu.memory_space<semaphore_mem>>) src(%dma_wait3A_112 : memref<128x144xf32, #tpu.memory_space<vmem_shared>>) dst(%dma_wait3A_110 : memref<128x144xf32, #tpu.memory_space<hbm>>)
      tpu.yield
    }) : () -> ()
    %mul3A_89 = arith.constant 640 : i32
    %mul3A_90 = arith.muli %arg1, %mul3A_89 : i32
    %add3A_91 = arith.constant 256 : i32
    %add3A_92 = arith.addi %mul3A_90, %add3A_91 : i32
    "tpu.region"() ({
      %run_scoped3A = tpu.sem_alloc : memref<!tpu.dma_semaphore, #tpu.memory_space<semaphore_mem>>
      %dma_start3A = arith.constant 0 : i32
      %dma_start3A_105 = tpu.memref_slice %arg8[%arg0, %add3A_92, %dma_start3A] : memref<2x10240x144xf32, #tpu.memory_space<hbm>> -> memref<1x128x144xf32, #tpu.memory_space<hbm>>
      %dma_start3A_106 = tpu.memref_squeeze %dma_start3A_105 : memref<1x128x144xf32, #tpu.memory_space<hbm>> -> memref<128x144xf32, #tpu.memory_space<hbm>>
      %dma_start3A_107 = arith.constant 0 : i32
      %dma_start3A_108 = tpu.memref_slice %arg14[%add3A_92, %dma_start3A_107] : memref<10240x144xf32, #tpu.memory_space<vmem_shared>> -> memref<128x144xf32, #tpu.memory_space<vmem_shared>>
      tpu.enqueue_dma source(%dma_start3A_108 : memref<128x144xf32, #tpu.memory_space<vmem_shared>>) target(%dma_start3A_106 : memref<128x144xf32, #tpu.memory_space<hbm>>) target_semaphore(%run_scoped3A : memref<!tpu.dma_semaphore, #tpu.memory_space<semaphore_mem>>)
      %dma_wait3A = arith.constant 0 : i32
      %dma_wait3A_109 = tpu.memref_slice %arg8[%arg0, %add3A_92, %dma_wait3A] : memref<2x10240x144xf32, #tpu.memory_space<hbm>> -> memref<1x128x144xf32, #tpu.memory_space<hbm>>
      %dma_wait3A_110 = tpu.memref_squeeze %dma_wait3A_109 : memref<1x128x144xf32, #tpu.memory_space<hbm>> -> memref<128x144xf32, #tpu.memory_space<hbm>>
      %dma_wait3A_111 = arith.constant 0 : i32
      %dma_wait3A_112 = tpu.memref_slice %arg14[%add3A_92, %dma_wait3A_111] : memref<10240x144xf32, #tpu.memory_space<vmem_shared>> -> memref<128x144xf32, #tpu.memory_space<vmem_shared>>
      tpu.wait_dma2 semaphore(%run_scoped3A : memref<!tpu.dma_semaphore, #tpu.memory_space<semaphore_mem>>) src(%dma_wait3A_112 : memref<128x144xf32, #tpu.memory_space<vmem_shared>>) dst(%dma_wait3A_110 : memref<128x144xf32, #tpu.memory_space<hbm>>)
      tpu.yield
    }) : () -> ()
    %mul3A_93 = arith.constant 640 : i32
    %mul3A_94 = arith.muli %arg1, %mul3A_93 : i32
    %add3A_95 = arith.constant 384 : i32
    %add3A_96 = arith.addi %mul3A_94, %add3A_95 : i32
    "tpu.region"() ({
      %run_scoped3A = tpu.sem_alloc : memref<!tpu.dma_semaphore, #tpu.memory_space<semaphore_mem>>
      %dma_start3A = arith.constant 0 : i32
      %dma_start3A_105 = tpu.memref_slice %arg8[%arg0, %add3A_96, %dma_start3A] : memref<2x10240x144xf32, #tpu.memory_space<hbm>> -> memref<1x128x144xf32, #tpu.memory_space<hbm>>
      %dma_start3A_106 = tpu.memref_squeeze %dma_start3A_105 : memref<1x128x144xf32, #tpu.memory_space<hbm>> -> memref<128x144xf32, #tpu.memory_space<hbm>>
      %dma_start3A_107 = arith.constant 0 : i32
      %dma_start3A_108 = tpu.memref_slice %arg14[%add3A_96, %dma_start3A_107] : memref<10240x144xf32, #tpu.memory_space<vmem_shared>> -> memref<128x144xf32, #tpu.memory_space<vmem_shared>>
      tpu.enqueue_dma source(%dma_start3A_108 : memref<128x144xf32, #tpu.memory_space<vmem_shared>>) target(%dma_start3A_106 : memref<128x144xf32, #tpu.memory_space<hbm>>) target_semaphore(%run_scoped3A : memref<!tpu.dma_semaphore, #tpu.memory_space<semaphore_mem>>)
      %dma_wait3A = arith.constant 0 : i32
      %dma_wait3A_109 = tpu.memref_slice %arg8[%arg0, %add3A_96, %dma_wait3A] : memref<2x10240x144xf32, #tpu.memory_space<hbm>> -> memref<1x128x144xf32, #tpu.memory_space<hbm>>
      %dma_wait3A_110 = tpu.memref_squeeze %dma_wait3A_109 : memref<1x128x144xf32, #tpu.memory_space<hbm>> -> memref<128x144xf32, #tpu.memory_space<hbm>>
      %dma_wait3A_111 = arith.constant 0 : i32
      %dma_wait3A_112 = tpu.memref_slice %arg14[%add3A_96, %dma_wait3A_111] : memref<10240x144xf32, #tpu.memory_space<vmem_shared>> -> memref<128x144xf32, #tpu.memory_space<vmem_shared>>
      tpu.wait_dma2 semaphore(%run_scoped3A : memref<!tpu.dma_semaphore, #tpu.memory_space<semaphore_mem>>) src(%dma_wait3A_112 : memref<128x144xf32, #tpu.memory_space<vmem_shared>>) dst(%dma_wait3A_110 : memref<128x144xf32, #tpu.memory_space<hbm>>)
      tpu.yield
    }) : () -> ()
    %mul3A_97 = arith.constant 640 : i32
    %mul3A_98 = arith.muli %arg1, %mul3A_97 : i32
    %add3A_99 = arith.constant 512 : i32
    %add3A_100 = arith.addi %mul3A_98, %add3A_99 : i32
    "tpu.region"() ({
      %run_scoped3A = tpu.sem_alloc : memref<!tpu.dma_semaphore, #tpu.memory_space<semaphore_mem>>
      %dma_start3A = arith.constant 0 : i32
      %dma_start3A_105 = tpu.memref_slice %arg8[%arg0, %add3A_100, %dma_start3A] : memref<2x10240x144xf32, #tpu.memory_space<hbm>> -> memref<1x128x144xf32, #tpu.memory_space<hbm>>
      %dma_start3A_106 = tpu.memref_squeeze %dma_start3A_105 : memref<1x128x144xf32, #tpu.memory_space<hbm>> -> memref<128x144xf32, #tpu.memory_space<hbm>>
      %dma_start3A_107 = arith.constant 0 : i32
      %dma_start3A_108 = tpu.memref_slice %arg14[%add3A_100, %dma_start3A_107] : memref<10240x144xf32, #tpu.memory_space<vmem_shared>> -> memref<128x144xf32, #tpu.memory_space<vmem_shared>>
      tpu.enqueue_dma source(%dma_start3A_108 : memref<128x144xf32, #tpu.memory_space<vmem_shared>>) target(%dma_start3A_106 : memref<128x144xf32, #tpu.memory_space<hbm>>) target_semaphore(%run_scoped3A : memref<!tpu.dma_semaphore, #tpu.memory_space<semaphore_mem>>)
      %dma_wait3A = arith.constant 0 : i32
      %dma_wait3A_109 = tpu.memref_slice %arg8[%arg0, %add3A_100, %dma_wait3A] : memref<2x10240x144xf32, #tpu.memory_space<hbm>> -> memref<1x128x144xf32, #tpu.memory_space<hbm>>
      %dma_wait3A_110 = tpu.memref_squeeze %dma_wait3A_109 : memref<1x128x144xf32, #tpu.memory_space<hbm>> -> memref<128x144xf32, #tpu.memory_space<hbm>>
      %dma_wait3A_111 = arith.constant 0 : i32
      %dma_wait3A_112 = tpu.memref_slice %arg14[%add3A_100, %dma_wait3A_111] : memref<10240x144xf32, #tpu.memory_space<vmem_shared>> -> memref<128x144xf32, #tpu.memory_space<vmem_shared>>
      tpu.wait_dma2 semaphore(%run_scoped3A : memref<!tpu.dma_semaphore, #tpu.memory_space<semaphore_mem>>) src(%dma_wait3A_112 : memref<128x144xf32, #tpu.memory_space<vmem_shared>>) dst(%dma_wait3A_110 : memref<128x144xf32, #tpu.memory_space<hbm>>)
      tpu.yield
    }) : () -> ()
    %mul3A_101 = arith.constant 32 : i32
    %mul3A_102 = arith.muli %arg1, %mul3A_101 : i32
    %mul3A_103 = arith.constant 32 : i32
    %mul3A_104 = arith.muli %arg1, %mul3A_103 : i32
    "tpu.region"() ({
      %run_scoped3A = tpu.sem_alloc : memref<!tpu.dma_semaphore, #tpu.memory_space<semaphore_mem>>
      %dma_start3A = arith.constant 0 : i32
      %dma_start3A_105 = tpu.memref_slice %arg9[%arg0, %mul3A_104, %dma_start3A] : memref<2x512x144xf32, #tpu.memory_space<hbm>> -> memref<1x32x144xf32, #tpu.memory_space<hbm>>
      %dma_start3A_106 = tpu.memref_squeeze %dma_start3A_105 : memref<1x32x144xf32, #tpu.memory_space<hbm>> -> memref<32x144xf32, #tpu.memory_space<hbm>>
      %dma_start3A_107 = arith.constant 0 : i32
      %dma_start3A_108 = tpu.memref_slice %arg15[%mul3A_102, %dma_start3A_107] : memref<512x144xf32, #tpu.memory_space<vmem_shared>> -> memref<32x144xf32, #tpu.memory_space<vmem_shared>>
      tpu.enqueue_dma source(%dma_start3A_108 : memref<32x144xf32, #tpu.memory_space<vmem_shared>>) target(%dma_start3A_106 : memref<32x144xf32, #tpu.memory_space<hbm>>) target_semaphore(%run_scoped3A : memref<!tpu.dma_semaphore, #tpu.memory_space<semaphore_mem>>)
      %dma_wait3A = arith.constant 0 : i32
      %dma_wait3A_109 = tpu.memref_slice %arg9[%arg0, %mul3A_104, %dma_wait3A] : memref<2x512x144xf32, #tpu.memory_space<hbm>> -> memref<1x32x144xf32, #tpu.memory_space<hbm>>
      %dma_wait3A_110 = tpu.memref_squeeze %dma_wait3A_109 : memref<1x32x144xf32, #tpu.memory_space<hbm>> -> memref<32x144xf32, #tpu.memory_space<hbm>>
      %dma_wait3A_111 = arith.constant 0 : i32
      %dma_wait3A_112 = tpu.memref_slice %arg15[%mul3A_102, %dma_wait3A_111] : memref<512x144xf32, #tpu.memory_space<vmem_shared>> -> memref<32x144xf32, #tpu.memory_space<vmem_shared>>
      tpu.wait_dma2 semaphore(%run_scoped3A : memref<!tpu.dma_semaphore, #tpu.memory_space<semaphore_mem>>) src(%dma_wait3A_112 : memref<32x144xf32, #tpu.memory_space<vmem_shared>>) dst(%dma_wait3A_110 : memref<32x144xf32, #tpu.memory_space<hbm>>)
      tpu.yield
    }) : () -> ()
    return
  }
}

#map = affine_map<(d0, d1) -> (0, 0)>
#map1 = affine_map<(d0, d1) -> (0, 0, 0)>
module attributes {stable_mosaic.version = 14 : i64} {
  func.func @edge_pass(%arg0: i32, %arg1: i32, %arg2: memref<1250x128xi32, #tpu.memory_space<hbm>>, %arg3: memref<1250x128xi32, #tpu.memory_space<hbm>>, %arg4: memref<1250x128xi32, #tpu.memory_space<hbm>>, %arg5: memref<10000x144xf32, #tpu.memory_space<hbm>>, %arg6: memref<500x144xf32, #tpu.memory_space<hbm>>, %arg7: memref<160000x144xf32, #tpu.memory_space<hbm>>, %arg8: memref<2x10240x144xf32, #tpu.memory_space<hbm>>, %arg9: memref<2x512x144xf32, #tpu.memory_space<hbm>>, %arg10: memref<128xi32, #tpu.memory_space<vmem>>, %arg11: memref<128xi32, #tpu.memory_space<vmem>>, %arg12: memref<128xi32, #tpu.memory_space<vmem>>, %arg13: memref<128x144xf32, #tpu.memory_space<vmem>>, %arg14: memref<10240x144xf32, #tpu.memory_space<vmem_shared>>, %arg15: memref<512x144xf32, #tpu.memory_space<vmem_shared>>) attributes {dimension_semantics = [#tpu.dimension_semantics<core_parallel>, #tpu.dimension_semantics<subcore_parallel>], iteration_bounds = array<i64: 2, 16>, scalar_prefetch = 0 : i64, scratch_operands = 6 : i64, tpu.core_type = #tpu.core_type<sc_vector_subcore>, window_params = [{transform_indices = #map}, {transform_indices = #map}, {transform_indices = #map}, {transform_indices = #map}, {transform_indices = #map}, {transform_indices = #map}, {transform_indices = #map1}, {transform_indices = #map1}]} {
    %mul3A = arith.constant 16 : i32
    %mul3A_0 = arith.muli %arg0, %mul3A : i32
    %add3A = arith.addi %mul3A_0, %arg1 : i32
    %scan3A = arith.constant 0 : i32
    %scan3A_1 = arith.constant 128 : i32
    %scan3A_2 = arith.addi %scan3A, %scan3A_1 : i32
    %scan3A_3 = arith.constant 1 : i32
    scf.for %scan3A_105 = %scan3A to %scan3A_2 step %scan3A_3  : i32 {
      %broadcast_in_dim3A = arith.constant 0.000000e+00 : f32
      %broadcast_in_dim3A_106 = vector.broadcast %broadcast_in_dim3A : f32 to vector<16xf32>
      %swap3A = arith.index_cast %scan3A_105 : i32 to index
      %swap3A_107 = arith.constant 0 : index
      %swap3A_108 = tpu.vector_load %arg13[%swap3A, %swap3A_107] {strides = array<i32>} : memref<128x144xf32, #tpu.memory_space<vmem>>, vector<16xf32>,
      tpu.vector_store %arg13[%swap3A, %swap3A_107], %broadcast_in_dim3A_106 {strides = array<i32>} : memref<128x144xf32, #tpu.memory_space<vmem>>, vector<16xf32>,
      %broadcast_in_dim3A_109 = arith.constant 0.000000e+00 : f32
      %broadcast_in_dim3A_110 = vector.broadcast %broadcast_in_dim3A_109 : f32 to vector<16xf32>
      %swap3A_111 = arith.index_cast %scan3A_105 : i32 to index
      %swap3A_112 = arith.constant 16 : index
      %swap3A_113 = tpu.vector_load %arg13[%swap3A_111, %swap3A_112] {strides = array<i32>} : memref<128x144xf32, #tpu.memory_space<vmem>>, vector<16xf32>,
      tpu.vector_store %arg13[%swap3A_111, %swap3A_112], %broadcast_in_dim3A_110 {strides = array<i32>} : memref<128x144xf32, #tpu.memory_space<vmem>>, vector<16xf32>,
      %broadcast_in_dim3A_114 = arith.constant 0.000000e+00 : f32
      %broadcast_in_dim3A_115 = vector.broadcast %broadcast_in_dim3A_114 : f32 to vector<16xf32>
      %swap3A_116 = arith.index_cast %scan3A_105 : i32 to index
      %swap3A_117 = arith.constant 32 : index
      %swap3A_118 = tpu.vector_load %arg13[%swap3A_116, %swap3A_117] {strides = array<i32>} : memref<128x144xf32, #tpu.memory_space<vmem>>, vector<16xf32>,
      tpu.vector_store %arg13[%swap3A_116, %swap3A_117], %broadcast_in_dim3A_115 {strides = array<i32>} : memref<128x144xf32, #tpu.memory_space<vmem>>, vector<16xf32>,
      %broadcast_in_dim3A_119 = arith.constant 0.000000e+00 : f32
      %broadcast_in_dim3A_120 = vector.broadcast %broadcast_in_dim3A_119 : f32 to vector<16xf32>
      %swap3A_121 = arith.index_cast %scan3A_105 : i32 to index
      %swap3A_122 = arith.constant 48 : index
      %swap3A_123 = tpu.vector_load %arg13[%swap3A_121, %swap3A_122] {strides = array<i32>} : memref<128x144xf32, #tpu.memory_space<vmem>>, vector<16xf32>,
      tpu.vector_store %arg13[%swap3A_121, %swap3A_122], %broadcast_in_dim3A_120 {strides = array<i32>} : memref<128x144xf32, #tpu.memory_space<vmem>>, vector<16xf32>,
      %broadcast_in_dim3A_124 = arith.constant 0.000000e+00 : f32
      %broadcast_in_dim3A_125 = vector.broadcast %broadcast_in_dim3A_124 : f32 to vector<16xf32>
      %swap3A_126 = arith.index_cast %scan3A_105 : i32 to index
      %swap3A_127 = arith.constant 64 : index
      %swap3A_128 = tpu.vector_load %arg13[%swap3A_126, %swap3A_127] {strides = array<i32>} : memref<128x144xf32, #tpu.memory_space<vmem>>, vector<16xf32>,
      tpu.vector_store %arg13[%swap3A_126, %swap3A_127], %broadcast_in_dim3A_125 {strides = array<i32>} : memref<128x144xf32, #tpu.memory_space<vmem>>, vector<16xf32>,
      %broadcast_in_dim3A_129 = arith.constant 0.000000e+00 : f32
      %broadcast_in_dim3A_130 = vector.broadcast %broadcast_in_dim3A_129 : f32 to vector<16xf32>
      %swap3A_131 = arith.index_cast %scan3A_105 : i32 to index
      %swap3A_132 = arith.constant 80 : index
      %swap3A_133 = tpu.vector_load %arg13[%swap3A_131, %swap3A_132] {strides = array<i32>} : memref<128x144xf32, #tpu.memory_space<vmem>>, vector<16xf32>,
      tpu.vector_store %arg13[%swap3A_131, %swap3A_132], %broadcast_in_dim3A_130 {strides = array<i32>} : memref<128x144xf32, #tpu.memory_space<vmem>>, vector<16xf32>,
      %broadcast_in_dim3A_134 = arith.constant 0.000000e+00 : f32
      %broadcast_in_dim3A_135 = vector.broadcast %broadcast_in_dim3A_134 : f32 to vector<16xf32>
      %swap3A_136 = arith.index_cast %scan3A_105 : i32 to index
      %swap3A_137 = arith.constant 96 : index
      %swap3A_138 = tpu.vector_load %arg13[%swap3A_136, %swap3A_137] {strides = array<i32>} : memref<128x144xf32, #tpu.memory_space<vmem>>, vector<16xf32>,
      tpu.vector_store %arg13[%swap3A_136, %swap3A_137], %broadcast_in_dim3A_135 {strides = array<i32>} : memref<128x144xf32, #tpu.memory_space<vmem>>, vector<16xf32>,
      %broadcast_in_dim3A_139 = arith.constant 0.000000e+00 : f32
      %broadcast_in_dim3A_140 = vector.broadcast %broadcast_in_dim3A_139 : f32 to vector<16xf32>
      %swap3A_141 = arith.index_cast %scan3A_105 : i32 to index
      %swap3A_142 = arith.constant 112 : index
      %swap3A_143 = tpu.vector_load %arg13[%swap3A_141, %swap3A_142] {strides = array<i32>} : memref<128x144xf32, #tpu.memory_space<vmem>>, vector<16xf32>,
      tpu.vector_store %arg13[%swap3A_141, %swap3A_142], %broadcast_in_dim3A_140 {strides = array<i32>} : memref<128x144xf32, #tpu.memory_space<vmem>>, vector<16xf32>,
      %broadcast_in_dim3A_144 = arith.constant 0.000000e+00 : f32
      %broadcast_in_dim3A_145 = vector.broadcast %broadcast_in_dim3A_144 : f32 to vector<16xf32>
      %swap3A_146 = arith.index_cast %scan3A_105 : i32 to index
      %swap3A_147 = arith.constant 128 : index
      %swap3A_148 = tpu.vector_load %arg13[%swap3A_146, %swap3A_147] {strides = array<i32>} : memref<128x144xf32, #tpu.memory_space<vmem>>, vector<16xf32>,
      tpu.vector_store %arg13[%swap3A_146, %swap3A_147], %broadcast_in_dim3A_145 {strides = array<i32>} : memref<128x144xf32, #tpu.memory_space<vmem>>, vector<16xf32>,
    }
    %scan3A_4 = arith.constant 128 : i32
    %mul3A_5 = arith.constant 640 : i32
    %mul3A_6 = arith.muli %arg1, %mul3A_5 : i32
    %add3A_7 = arith.constant 0 : i32
    %add3A_8 = arith.addi %mul3A_6, %add3A_7 : i32
    "tpu.region"() ({
      %run_scoped3A = tpu.sem_alloc : memref<!tpu.dma_semaphore, #tpu.memory_space<semaphore_mem>>
      %dma_start3A = arith.constant 0 : i32
      %dma_start3A_105 = arith.constant 0 : i32
      %dma_start3A_106 = tpu.memref_slice %arg13[%dma_start3A, %dma_start3A_105] : memref<128x144xf32, #tpu.memory_space<vmem>> -> memref<128x144xf32, #tpu.memory_space<vmem>>
      %dma_start3A_107 = arith.constant 0 : i32
      %dma_start3A_108 = tpu.memref_slice %arg14[%add3A_8, %dma_start3A_107] : memref<10240x144xf32, #tpu.memory_space<vmem_shared>> -> memref<128x144xf32, #tpu.memory_space<vmem_shared>>
      %dma_start3A_109 = arith.constant 0 : i32
      %dma_start3A_110 = tpu.memref_slice %arg14[%add3A_8, %dma_start3A_109] : memref<10240x144xf32, #tpu.memory_space<vmem_shared>> -> memref<128x144xf32, #tpu.memory_space<vmem_shared>>
      %dma_start3A_111 = arith.constant 0 : i32
      %dma_start3A_112 = arith.constant 0 : i32
      %dma_start3A_113 = tpu.memref_slice %arg13[%dma_start3A_111, %dma_start3A_112] : memref<128x144xf32, #tpu.memory_space<vmem>> -> memref<128x144xf32, #tpu.memory_space<vmem>>
      tpu.enqueue_dma source(%dma_start3A_113 : memref<128x144xf32, #tpu.memory_space<vmem>>) target(%dma_start3A_110 : memref<128x144xf32, #tpu.memory_space<vmem_shared>>) target_semaphore(%run_scoped3A : memref<!tpu.dma_semaphore, #tpu.memory_space<semaphore_mem>>)
      %dma_wait3A = arith.constant 0 : i32
      %dma_wait3A_114 = arith.constant 0 : i32
      %dma_wait3A_115 = tpu.memref_slice %arg13[%dma_wait3A, %dma_wait3A_114] : memref<128x144xf32, #tpu.memory_space<vmem>> -> memref<128x144xf32, #tpu.memory_space<vmem>>
      %dma_wait3A_116 = arith.constant 0 : i32
      %dma_wait3A_117 = tpu.memref_slice %arg14[%add3A_8, %dma_wait3A_116] : memref<10240x144xf32, #tpu.memory_space<vmem_shared>> -> memref<128x144xf32, #tpu.memory_space<vmem_shared>>
      %dma_wait3A_118 = arith.constant 0 : i32
      %dma_wait3A_119 = tpu.memref_slice %arg14[%add3A_8, %dma_wait3A_118] : memref<10240x144xf32, #tpu.memory_space<vmem_shared>> -> memref<128x144xf32, #tpu.memory_space<vmem_shared>>
      %dma_wait3A_120 = arith.constant 0 : i32
      %dma_wait3A_121 = arith.constant 0 : i32
      %dma_wait3A_122 = tpu.memref_slice %arg13[%dma_wait3A_120, %dma_wait3A_121] : memref<128x144xf32, #tpu.memory_space<vmem>> -> memref<128x144xf32, #tpu.memory_space<vmem>>
      tpu.wait_dma2 semaphore(%run_scoped3A : memref<!tpu.dma_semaphore, #tpu.memory_space<semaphore_mem>>) src(%dma_wait3A_122 : memref<128x144xf32, #tpu.memory_space<vmem>>) dst(%dma_wait3A_119 : memref<128x144xf32, #tpu.memory_space<vmem_shared>>)
      tpu.yield
    }) : () -> ()
    %mul3A_9 = arith.constant 640 : i32
    %mul3A_10 = arith.muli %arg1, %mul3A_9 : i32
    %add3A_11 = arith.constant 128 : i32
    %add3A_12 = arith.addi %mul3A_10, %add3A_11 : i32
    "tpu.region"() ({
      %run_scoped3A = tpu.sem_alloc : memref<!tpu.dma_semaphore, #tpu.memory_space<semaphore_mem>>
      %dma_start3A = arith.constant 0 : i32
      %dma_start3A_105 = arith.constant 0 : i32
      %dma_start3A_106 = tpu.memref_slice %arg13[%dma_start3A, %dma_start3A_105] : memref<128x144xf32, #tpu.memory_space<vmem>> -> memref<128x144xf32, #tpu.memory_space<vmem>>
      %dma_start3A_107 = arith.constant 0 : i32
      %dma_start3A_108 = tpu.memref_slice %arg14[%add3A_12, %dma_start3A_107] : memref<10240x144xf32, #tpu.memory_space<vmem_shared>> -> memref<128x144xf32, #tpu.memory_space<vmem_shared>>
      %dma_start3A_109 = arith.constant 0 : i32
      %dma_start3A_110 = tpu.memref_slice %arg14[%add3A_12, %dma_start3A_109] : memref<10240x144xf32, #tpu.memory_space<vmem_shared>> -> memref<128x144xf32, #tpu.memory_space<vmem_shared>>
      %dma_start3A_111 = arith.constant 0 : i32
      %dma_start3A_112 = arith.constant 0 : i32
      %dma_start3A_113 = tpu.memref_slice %arg13[%dma_start3A_111, %dma_start3A_112] : memref<128x144xf32, #tpu.memory_space<vmem>> -> memref<128x144xf32, #tpu.memory_space<vmem>>
      tpu.enqueue_dma source(%dma_start3A_113 : memref<128x144xf32, #tpu.memory_space<vmem>>) target(%dma_start3A_110 : memref<128x144xf32, #tpu.memory_space<vmem_shared>>) target_semaphore(%run_scoped3A : memref<!tpu.dma_semaphore, #tpu.memory_space<semaphore_mem>>)
      %dma_wait3A = arith.constant 0 : i32
      %dma_wait3A_114 = arith.constant 0 : i32
      %dma_wait3A_115 = tpu.memref_slice %arg13[%dma_wait3A, %dma_wait3A_114] : memref<128x144xf32, #tpu.memory_space<vmem>> -> memref<128x144xf32, #tpu.memory_space<vmem>>
      %dma_wait3A_116 = arith.constant 0 : i32
      %dma_wait3A_117 = tpu.memref_slice %arg14[%add3A_12, %dma_wait3A_116] : memref<10240x144xf32, #tpu.memory_space<vmem_shared>> -> memref<128x144xf32, #tpu.memory_space<vmem_shared>>
      %dma_wait3A_118 = arith.constant 0 : i32
      %dma_wait3A_119 = tpu.memref_slice %arg14[%add3A_12, %dma_wait3A_118] : memref<10240x144xf32, #tpu.memory_space<vmem_shared>> -> memref<128x144xf32, #tpu.memory_space<vmem_shared>>
      %dma_wait3A_120 = arith.constant 0 : i32
      %dma_wait3A_121 = arith.constant 0 : i32
      %dma_wait3A_122 = tpu.memref_slice %arg13[%dma_wait3A_120, %dma_wait3A_121] : memref<128x144xf32, #tpu.memory_space<vmem>> -> memref<128x144xf32, #tpu.memory_space<vmem>>
      tpu.wait_dma2 semaphore(%run_scoped3A : memref<!tpu.dma_semaphore, #tpu.memory_space<semaphore_mem>>) src(%dma_wait3A_122 : memref<128x144xf32, #tpu.memory_space<vmem>>) dst(%dma_wait3A_119 : memref<128x144xf32, #tpu.memory_space<vmem_shared>>)
      tpu.yield
    }) : () -> ()
    %mul3A_13 = arith.constant 640 : i32
    %mul3A_14 = arith.muli %arg1, %mul3A_13 : i32
    %add3A_15 = arith.constant 256 : i32
    %add3A_16 = arith.addi %mul3A_14, %add3A_15 : i32
    "tpu.region"() ({
      %run_scoped3A = tpu.sem_alloc : memref<!tpu.dma_semaphore, #tpu.memory_space<semaphore_mem>>
      %dma_start3A = arith.constant 0 : i32
      %dma_start3A_105 = arith.constant 0 : i32
      %dma_start3A_106 = tpu.memref_slice %arg13[%dma_start3A, %dma_start3A_105] : memref<128x144xf32, #tpu.memory_space<vmem>> -> memref<128x144xf32, #tpu.memory_space<vmem>>
      %dma_start3A_107 = arith.constant 0 : i32
      %dma_start3A_108 = tpu.memref_slice %arg14[%add3A_16, %dma_start3A_107] : memref<10240x144xf32, #tpu.memory_space<vmem_shared>> -> memref<128x144xf32, #tpu.memory_space<vmem_shared>>
      %dma_start3A_109 = arith.constant 0 : i32
      %dma_start3A_110 = tpu.memref_slice %arg14[%add3A_16, %dma_start3A_109] : memref<10240x144xf32, #tpu.memory_space<vmem_shared>> -> memref<128x144xf32, #tpu.memory_space<vmem_shared>>
      %dma_start3A_111 = arith.constant 0 : i32
      %dma_start3A_112 = arith.constant 0 : i32
      %dma_start3A_113 = tpu.memref_slice %arg13[%dma_start3A_111, %dma_start3A_112] : memref<128x144xf32, #tpu.memory_space<vmem>> -> memref<128x144xf32, #tpu.memory_space<vmem>>
      tpu.enqueue_dma source(%dma_start3A_113 : memref<128x144xf32, #tpu.memory_space<vmem>>) target(%dma_start3A_110 : memref<128x144xf32, #tpu.memory_space<vmem_shared>>) target_semaphore(%run_scoped3A : memref<!tpu.dma_semaphore, #tpu.memory_space<semaphore_mem>>)
      %dma_wait3A = arith.constant 0 : i32
      %dma_wait3A_114 = arith.constant 0 : i32
      %dma_wait3A_115 = tpu.memref_slice %arg13[%dma_wait3A, %dma_wait3A_114] : memref<128x144xf32, #tpu.memory_space<vmem>> -> memref<128x144xf32, #tpu.memory_space<vmem>>
      %dma_wait3A_116 = arith.constant 0 : i32
      %dma_wait3A_117 = tpu.memref_slice %arg14[%add3A_16, %dma_wait3A_116] : memref<10240x144xf32, #tpu.memory_space<vmem_shared>> -> memref<128x144xf32, #tpu.memory_space<vmem_shared>>
      %dma_wait3A_118 = arith.constant 0 : i32
      %dma_wait3A_119 = tpu.memref_slice %arg14[%add3A_16, %dma_wait3A_118] : memref<10240x144xf32, #tpu.memory_space<vmem_shared>> -> memref<128x144xf32, #tpu.memory_space<vmem_shared>>
      %dma_wait3A_120 = arith.constant 0 : i32
      %dma_wait3A_121 = arith.constant 0 : i32
      %dma_wait3A_122 = tpu.memref_slice %arg13[%dma_wait3A_120, %dma_wait3A_121] : memref<128x144xf32, #tpu.memory_space<vmem>> -> memref<128x144xf32, #tpu.memory_space<vmem>>
      tpu.wait_dma2 semaphore(%run_scoped3A : memref<!tpu.dma_semaphore, #tpu.memory_space<semaphore_mem>>) src(%dma_wait3A_122 : memref<128x144xf32, #tpu.memory_space<vmem>>) dst(%dma_wait3A_119 : memref<128x144xf32, #tpu.memory_space<vmem_shared>>)
      tpu.yield
    }) : () -> ()
    %mul3A_17 = arith.constant 640 : i32
    %mul3A_18 = arith.muli %arg1, %mul3A_17 : i32
    %add3A_19 = arith.constant 384 : i32
    %add3A_20 = arith.addi %mul3A_18, %add3A_19 : i32
    "tpu.region"() ({
      %run_scoped3A = tpu.sem_alloc : memref<!tpu.dma_semaphore, #tpu.memory_space<semaphore_mem>>
      %dma_start3A = arith.constant 0 : i32
      %dma_start3A_105 = arith.constant 0 : i32
      %dma_start3A_106 = tpu.memref_slice %arg13[%dma_start3A, %dma_start3A_105] : memref<128x144xf32, #tpu.memory_space<vmem>> -> memref<128x144xf32, #tpu.memory_space<vmem>>
      %dma_start3A_107 = arith.constant 0 : i32
      %dma_start3A_108 = tpu.memref_slice %arg14[%add3A_20, %dma_start3A_107] : memref<10240x144xf32, #tpu.memory_space<vmem_shared>> -> memref<128x144xf32, #tpu.memory_space<vmem_shared>>
      %dma_start3A_109 = arith.constant 0 : i32
      %dma_start3A_110 = tpu.memref_slice %arg14[%add3A_20, %dma_start3A_109] : memref<10240x144xf32, #tpu.memory_space<vmem_shared>> -> memref<128x144xf32, #tpu.memory_space<vmem_shared>>
      %dma_start3A_111 = arith.constant 0 : i32
      %dma_start3A_112 = arith.constant 0 : i32
      %dma_start3A_113 = tpu.memref_slice %arg13[%dma_start3A_111, %dma_start3A_112] : memref<128x144xf32, #tpu.memory_space<vmem>> -> memref<128x144xf32, #tpu.memory_space<vmem>>
      tpu.enqueue_dma source(%dma_start3A_113 : memref<128x144xf32, #tpu.memory_space<vmem>>) target(%dma_start3A_110 : memref<128x144xf32, #tpu.memory_space<vmem_shared>>) target_semaphore(%run_scoped3A : memref<!tpu.dma_semaphore, #tpu.memory_space<semaphore_mem>>)
      %dma_wait3A = arith.constant 0 : i32
      %dma_wait3A_114 = arith.constant 0 : i32
      %dma_wait3A_115 = tpu.memref_slice %arg13[%dma_wait3A, %dma_wait3A_114] : memref<128x144xf32, #tpu.memory_space<vmem>> -> memref<128x144xf32, #tpu.memory_space<vmem>>
      %dma_wait3A_116 = arith.constant 0 : i32
      %dma_wait3A_117 = tpu.memref_slice %arg14[%add3A_20, %dma_wait3A_116] : memref<10240x144xf32, #tpu.memory_space<vmem_shared>> -> memref<128x144xf32, #tpu.memory_space<vmem_shared>>
      %dma_wait3A_118 = arith.constant 0 : i32
      %dma_wait3A_119 = tpu.memref_slice %arg14[%add3A_20, %dma_wait3A_118] : memref<10240x144xf32, #tpu.memory_space<vmem_shared>> -> memref<128x144xf32, #tpu.memory_space<vmem_shared>>
      %dma_wait3A_120 = arith.constant 0 : i32
      %dma_wait3A_121 = arith.constant 0 : i32
      %dma_wait3A_122 = tpu.memref_slice %arg13[%dma_wait3A_120, %dma_wait3A_121] : memref<128x144xf32, #tpu.memory_space<vmem>> -> memref<128x144xf32, #tpu.memory_space<vmem>>
      tpu.wait_dma2 semaphore(%run_scoped3A : memref<!tpu.dma_semaphore, #tpu.memory_space<semaphore_mem>>) src(%dma_wait3A_122 : memref<128x144xf32, #tpu.memory_space<vmem>>) dst(%dma_wait3A_119 : memref<128x144xf32, #tpu.memory_space<vmem_shared>>)
      tpu.yield
    }) : () -> ()
    %mul3A_21 = arith.constant 640 : i32
    %mul3A_22 = arith.muli %arg1, %mul3A_21 : i32
    %add3A_23 = arith.constant 512 : i32
    %add3A_24 = arith.addi %mul3A_22, %add3A_23 : i32
    "tpu.region"() ({
      %run_scoped3A = tpu.sem_alloc : memref<!tpu.dma_semaphore, #tpu.memory_space<semaphore_mem>>
      %dma_start3A = arith.constant 0 : i32
      %dma_start3A_105 = arith.constant 0 : i32
      %dma_start3A_106 = tpu.memref_slice %arg13[%dma_start3A, %dma_start3A_105] : memref<128x144xf32, #tpu.memory_space<vmem>> -> memref<128x144xf32, #tpu.memory_space<vmem>>
      %dma_start3A_107 = arith.constant 0 : i32
      %dma_start3A_108 = tpu.memref_slice %arg14[%add3A_24, %dma_start3A_107] : memref<10240x144xf32, #tpu.memory_space<vmem_shared>> -> memref<128x144xf32, #tpu.memory_space<vmem_shared>>
      %dma_start3A_109 = arith.constant 0 : i32
      %dma_start3A_110 = tpu.memref_slice %arg14[%add3A_24, %dma_start3A_109] : memref<10240x144xf32, #tpu.memory_space<vmem_shared>> -> memref<128x144xf32, #tpu.memory_space<vmem_shared>>
      %dma_start3A_111 = arith.constant 0 : i32
      %dma_start3A_112 = arith.constant 0 : i32
      %dma_start3A_113 = tpu.memref_slice %arg13[%dma_start3A_111, %dma_start3A_112] : memref<128x144xf32, #tpu.memory_space<vmem>> -> memref<128x144xf32, #tpu.memory_space<vmem>>
      tpu.enqueue_dma source(%dma_start3A_113 : memref<128x144xf32, #tpu.memory_space<vmem>>) target(%dma_start3A_110 : memref<128x144xf32, #tpu.memory_space<vmem_shared>>) target_semaphore(%run_scoped3A : memref<!tpu.dma_semaphore, #tpu.memory_space<semaphore_mem>>)
      %dma_wait3A = arith.constant 0 : i32
      %dma_wait3A_114 = arith.constant 0 : i32
      %dma_wait3A_115 = tpu.memref_slice %arg13[%dma_wait3A, %dma_wait3A_114] : memref<128x144xf32, #tpu.memory_space<vmem>> -> memref<128x144xf32, #tpu.memory_space<vmem>>
      %dma_wait3A_116 = arith.constant 0 : i32
      %dma_wait3A_117 = tpu.memref_slice %arg14[%add3A_24, %dma_wait3A_116] : memref<10240x144xf32, #tpu.memory_space<vmem_shared>> -> memref<128x144xf32, #tpu.memory_space<vmem_shared>>
      %dma_wait3A_118 = arith.constant 0 : i32
      %dma_wait3A_119 = tpu.memref_slice %arg14[%add3A_24, %dma_wait3A_118] : memref<10240x144xf32, #tpu.memory_space<vmem_shared>> -> memref<128x144xf32, #tpu.memory_space<vmem_shared>>
      %dma_wait3A_120 = arith.constant 0 : i32
      %dma_wait3A_121 = arith.constant 0 : i32
      %dma_wait3A_122 = tpu.memref_slice %arg13[%dma_wait3A_120, %dma_wait3A_121] : memref<128x144xf32, #tpu.memory_space<vmem>> -> memref<128x144xf32, #tpu.memory_space<vmem>>
      tpu.wait_dma2 semaphore(%run_scoped3A : memref<!tpu.dma_semaphore, #tpu.memory_space<semaphore_mem>>) src(%dma_wait3A_122 : memref<128x144xf32, #tpu.memory_space<vmem>>) dst(%dma_wait3A_119 : memref<128x144xf32, #tpu.memory_space<vmem_shared>>)
      tpu.yield
    }) : () -> ()
    %mul3A_25 = arith.constant 32 : i32
    %mul3A_26 = arith.muli %arg1, %mul3A_25 : i32
    "tpu.region"() ({
      %run_scoped3A = tpu.sem_alloc : memref<!tpu.dma_semaphore, #tpu.memory_space<semaphore_mem>>
      %dma_start3A = arith.constant 0 : i32
      %dma_start3A_105 = arith.constant 0 : i32
      %dma_start3A_106 = tpu.memref_slice %arg13[%dma_start3A, %dma_start3A_105] : memref<128x144xf32, #tpu.memory_space<vmem>> -> memref<32x144xf32, #tpu.memory_space<vmem>>
      %dma_start3A_107 = arith.constant 0 : i32
      %dma_start3A_108 = tpu.memref_slice %arg15[%mul3A_26, %dma_start3A_107] : memref<512x144xf32, #tpu.memory_space<vmem_shared>> -> memref<32x144xf32, #tpu.memory_space<vmem_shared>>
      %dma_start3A_109 = arith.constant 0 : i32
      %dma_start3A_110 = tpu.memref_slice %arg15[%mul3A_26, %dma_start3A_109] : memref<512x144xf32, #tpu.memory_space<vmem_shared>> -> memref<32x144xf32, #tpu.memory_space<vmem_shared>>
      %dma_start3A_111 = arith.constant 0 : i32
      %dma_start3A_112 = arith.constant 0 : i32
      %dma_start3A_113 = tpu.memref_slice %arg13[%dma_start3A_111, %dma_start3A_112] : memref<128x144xf32, #tpu.memory_space<vmem>> -> memref<32x144xf32, #tpu.memory_space<vmem>>
      tpu.enqueue_dma source(%dma_start3A_113 : memref<32x144xf32, #tpu.memory_space<vmem>>) target(%dma_start3A_110 : memref<32x144xf32, #tpu.memory_space<vmem_shared>>) target_semaphore(%run_scoped3A : memref<!tpu.dma_semaphore, #tpu.memory_space<semaphore_mem>>)
      %dma_wait3A = arith.constant 0 : i32
      %dma_wait3A_114 = arith.constant 0 : i32
      %dma_wait3A_115 = tpu.memref_slice %arg13[%dma_wait3A, %dma_wait3A_114] : memref<128x144xf32, #tpu.memory_space<vmem>> -> memref<32x144xf32, #tpu.memory_space<vmem>>
      %dma_wait3A_116 = arith.constant 0 : i32
      %dma_wait3A_117 = tpu.memref_slice %arg15[%mul3A_26, %dma_wait3A_116] : memref<512x144xf32, #tpu.memory_space<vmem_shared>> -> memref<32x144xf32, #tpu.memory_space<vmem_shared>>
      %dma_wait3A_118 = arith.constant 0 : i32
      %dma_wait3A_119 = tpu.memref_slice %arg15[%mul3A_26, %dma_wait3A_118] : memref<512x144xf32, #tpu.memory_space<vmem_shared>> -> memref<32x144xf32, #tpu.memory_space<vmem_shared>>
      %dma_wait3A_120 = arith.constant 0 : i32
      %dma_wait3A_121 = arith.constant 0 : i32
      %dma_wait3A_122 = tpu.memref_slice %arg13[%dma_wait3A_120, %dma_wait3A_121] : memref<128x144xf32, #tpu.memory_space<vmem>> -> memref<32x144xf32, #tpu.memory_space<vmem>>
      tpu.wait_dma2 semaphore(%run_scoped3A : memref<!tpu.dma_semaphore, #tpu.memory_space<semaphore_mem>>) src(%dma_wait3A_122 : memref<32x144xf32, #tpu.memory_space<vmem>>) dst(%dma_wait3A_119 : memref<32x144xf32, #tpu.memory_space<vmem_shared>>)
      tpu.yield
    }) : () -> ()
    %barrier3A = arith.constant 0 : index
    tpu.barrier barrier_id(%barrier3A)
    %mul3A_27 = arith.constant 1250 : i32
    %mul3A_28 = arith.muli %mul3A_27, %add3A : i32
    %jit3A = arith.constant 32 : i32
    %div3A = arith.divsi %mul3A_28, %jit3A : i32
    %sign3A = arith.constant 0 : i32
    %sign3A_29 = arith.cmpi sgt, %mul3A_28, %sign3A : i32
    %sign3A_30 = arith.extui %sign3A_29 : i1 to i32
    %sign3A_31 = arith.constant 0 : i32
    %sign3A_32 = arith.cmpi slt, %mul3A_28, %sign3A_31 : i32
    %sign3A_33 = arith.extui %sign3A_32 : i1 to i32
    %sign3A_34 = arith.subi %sign3A_30, %sign3A_33 : i32
    %sign3A_35 = arith.constant 0 : i32
    %sign3A_36 = arith.cmpi sgt, %jit3A, %sign3A_35 : i32
    %sign3A_37 = arith.extui %sign3A_36 : i1 to i32
    %sign3A_38 = arith.constant 0 : i32
    %sign3A_39 = arith.cmpi slt, %jit3A, %sign3A_38 : i32
    %sign3A_40 = arith.extui %sign3A_39 : i1 to i32
    %sign3A_41 = arith.subi %sign3A_37, %sign3A_40 : i32
    %ne3A = arith.cmpi ne, %sign3A_34, %sign3A_41 : i32
    %rem3A = arith.remsi %mul3A_28, %jit3A : i32
    %ne3A_42 = arith.constant 0 : i32
    %ne3A_43 = arith.cmpi ne, %rem3A, %ne3A_42 : i32
    %and3A = arith.andi %ne3A, %ne3A_43 : i1
    %sub3A = arith.constant 1 : i32
    %sub3A_44 = arith.subi %div3A, %sub3A : i32
    %select_n3A = arith.select %and3A, %sub3A_44, %div3A : i32
    %add3A_45 = arith.constant 1 : i32
    %add3A_46 = arith.addi %add3A, %add3A_45 : i32
    %mul3A_47 = arith.constant 1250 : i32
    %mul3A_48 = arith.muli %mul3A_47, %add3A_46 : i32
    %jit3A_49 = arith.constant 32 : i32
    %div3A_50 = arith.divsi %mul3A_48, %jit3A_49 : i32
    %sign3A_51 = arith.constant 0 : i32
    %sign3A_52 = arith.cmpi sgt, %mul3A_48, %sign3A_51 : i32
    %sign3A_53 = arith.extui %sign3A_52 : i1 to i32
    %sign3A_54 = arith.constant 0 : i32
    %sign3A_55 = arith.cmpi slt, %mul3A_48, %sign3A_54 : i32
    %sign3A_56 = arith.extui %sign3A_55 : i1 to i32
    %sign3A_57 = arith.subi %sign3A_53, %sign3A_56 : i32
    %sign3A_58 = arith.constant 0 : i32
    %sign3A_59 = arith.cmpi sgt, %jit3A_49, %sign3A_58 : i32
    %sign3A_60 = arith.extui %sign3A_59 : i1 to i32
    %sign3A_61 = arith.constant 0 : i32
    %sign3A_62 = arith.cmpi slt, %jit3A_49, %sign3A_61 : i32
    %sign3A_63 = arith.extui %sign3A_62 : i1 to i32
    %sign3A_64 = arith.subi %sign3A_60, %sign3A_63 : i32
    %ne3A_65 = arith.cmpi ne, %sign3A_57, %sign3A_64 : i32
    %rem3A_66 = arith.remsi %mul3A_48, %jit3A_49 : i32
    %ne3A_67 = arith.constant 0 : i32
    %ne3A_68 = arith.cmpi ne, %rem3A_66, %ne3A_67 : i32
    %and3A_69 = arith.andi %ne3A_65, %ne3A_68 : i1
    %sub3A_70 = arith.constant 1 : i32
    %sub3A_71 = arith.subi %div3A_50, %sub3A_70 : i32
    %select_n3A_72 = arith.select %and3A_69, %sub3A_71, %div3A_50 : i32
    %while3A = arith.subi %select_n3A_72, %select_n3A : i32
    %while3A_73 = arith.addi %select_n3A, %while3A : i32
    %while3A_74 = arith.constant 1 : i32
    %while3A_75 = arith.divsi %while3A, %while3A_74 : i32
    %while3A_76 = arith.muli %while3A_75, %while3A_74 : i32
    %while3A_77 = arith.addi %select_n3A, %while3A_76 : i32
    %while3A_78 = arith.constant 1 : i32
    scf.for %while3A_105 = %select_n3A to %while3A_77 step %while3A_78  : i32 {
      "tpu.region"() ({
        %run_scoped3A = tpu.sem_alloc : memref<!tpu.dma_semaphore, #tpu.memory_space<semaphore_mem>>
        %dma_start3A = arith.constant 0 : i32
        %dma_start3A_111 = tpu.memref_slice %arg2[%while3A_105, %dma_start3A] : memref<1250x128xi32, #tpu.memory_space<hbm>> -> memref<1x128xi32, #tpu.memory_space<hbm>>
        %dma_start3A_112 = tpu.memref_squeeze %dma_start3A_111 : memref<1x128xi32, #tpu.memory_space<hbm>> -> memref<128xi32, #tpu.memory_space<hbm>>
        %dma_start3A_113 = arith.constant 0 : i32
        %dma_start3A_114 = tpu.memref_slice %arg2[%while3A_105, %dma_start3A_113] : memref<1250x128xi32, #tpu.memory_space<hbm>> -> memref<1x128xi32, #tpu.memory_space<hbm>>
        %dma_start3A_115 = tpu.memref_squeeze %dma_start3A_114 : memref<1x128xi32, #tpu.memory_space<hbm>> -> memref<128xi32, #tpu.memory_space<hbm>>
        tpu.enqueue_dma source(%dma_start3A_115 : memref<128xi32, #tpu.memory_space<hbm>>) target(%arg10 : memref<128xi32, #tpu.memory_space<vmem>>) target_semaphore(%run_scoped3A : memref<!tpu.dma_semaphore, #tpu.memory_space<semaphore_mem>>)
        %dma_wait3A = arith.constant 0 : i32
        %dma_wait3A_116 = tpu.memref_slice %arg2[%while3A_105, %dma_wait3A] : memref<1250x128xi32, #tpu.memory_space<hbm>> -> memref<1x128xi32, #tpu.memory_space<hbm>>
        %dma_wait3A_117 = tpu.memref_squeeze %dma_wait3A_116 : memref<1x128xi32, #tpu.memory_space<hbm>> -> memref<128xi32, #tpu.memory_space<hbm>>
        %dma_wait3A_118 = arith.constant 0 : i32
        %dma_wait3A_119 = tpu.memref_slice %arg2[%while3A_105, %dma_wait3A_118] : memref<1250x128xi32, #tpu.memory_space<hbm>> -> memref<1x128xi32, #tpu.memory_space<hbm>>
        %dma_wait3A_120 = tpu.memref_squeeze %dma_wait3A_119 : memref<1x128xi32, #tpu.memory_space<hbm>> -> memref<128xi32, #tpu.memory_space<hbm>>
        tpu.wait_dma2 semaphore(%run_scoped3A : memref<!tpu.dma_semaphore, #tpu.memory_space<semaphore_mem>>) src(%dma_wait3A_120 : memref<128xi32, #tpu.memory_space<hbm>>) dst(%arg10 : memref<128xi32, #tpu.memory_space<vmem>>)
        tpu.yield
      }) : () -> ()
      "tpu.region"() ({
        %run_scoped3A = tpu.sem_alloc : memref<!tpu.dma_semaphore, #tpu.memory_space<semaphore_mem>>
        %dma_start3A = arith.constant 0 : i32
        %dma_start3A_111 = tpu.memref_slice %arg3[%while3A_105, %dma_start3A] : memref<1250x128xi32, #tpu.memory_space<hbm>> -> memref<1x128xi32, #tpu.memory_space<hbm>>
        %dma_start3A_112 = tpu.memref_squeeze %dma_start3A_111 : memref<1x128xi32, #tpu.memory_space<hbm>> -> memref<128xi32, #tpu.memory_space<hbm>>
        %dma_start3A_113 = arith.constant 0 : i32
        %dma_start3A_114 = tpu.memref_slice %arg3[%while3A_105, %dma_start3A_113] : memref<1250x128xi32, #tpu.memory_space<hbm>> -> memref<1x128xi32, #tpu.memory_space<hbm>>
        %dma_start3A_115 = tpu.memref_squeeze %dma_start3A_114 : memref<1x128xi32, #tpu.memory_space<hbm>> -> memref<128xi32, #tpu.memory_space<hbm>>
        tpu.enqueue_dma source(%dma_start3A_115 : memref<128xi32, #tpu.memory_space<hbm>>) target(%arg11 : memref<128xi32, #tpu.memory_space<vmem>>) target_semaphore(%run_scoped3A : memref<!tpu.dma_semaphore, #tpu.memory_space<semaphore_mem>>)
        %dma_wait3A = arith.constant 0 : i32
        %dma_wait3A_116 = tpu.memref_slice %arg3[%while3A_105, %dma_wait3A] : memref<1250x128xi32, #tpu.memory_space<hbm>> -> memref<1x128xi32, #tpu.memory_space<hbm>>
        %dma_wait3A_117 = tpu.memref_squeeze %dma_wait3A_116 : memref<1x128xi32, #tpu.memory_space<hbm>> -> memref<128xi32, #tpu.memory_space<hbm>>
        %dma_wait3A_118 = arith.constant 0 : i32
        %dma_wait3A_119 = tpu.memref_slice %arg3[%while3A_105, %dma_wait3A_118] : memref<1250x128xi32, #tpu.memory_space<hbm>> -> memref<1x128xi32, #tpu.memory_space<hbm>>
        %dma_wait3A_120 = tpu.memref_squeeze %dma_wait3A_119 : memref<1x128xi32, #tpu.memory_space<hbm>> -> memref<128xi32, #tpu.memory_space<hbm>>
        tpu.wait_dma2 semaphore(%run_scoped3A : memref<!tpu.dma_semaphore, #tpu.memory_space<semaphore_mem>>) src(%dma_wait3A_120 : memref<128xi32, #tpu.memory_space<hbm>>) dst(%arg11 : memref<128xi32, #tpu.memory_space<vmem>>)
        tpu.yield
      }) : () -> ()
      "tpu.region"() ({
        %run_scoped3A = tpu.sem_alloc : memref<!tpu.dma_semaphore, #tpu.memory_space<semaphore_mem>>
        %dma_start3A = arith.constant 0 : i32
        %dma_start3A_111 = tpu.memref_slice %arg4[%while3A_105, %dma_start3A] : memref<1250x128xi32, #tpu.memory_space<hbm>> -> memref<1x128xi32, #tpu.memory_space<hbm>>
        %dma_start3A_112 = tpu.memref_squeeze %dma_start3A_111 : memref<1x128xi32, #tpu.memory_space<hbm>> -> memref<128xi32, #tpu.memory_space<hbm>>
        %dma_start3A_113 = arith.constant 0 : i32
        %dma_start3A_114 = tpu.memref_slice %arg4[%while3A_105, %dma_start3A_113] : memref<1250x128xi32, #tpu.memory_space<hbm>> -> memref<1x128xi32, #tpu.memory_space<hbm>>
        %dma_start3A_115 = tpu.memref_squeeze %dma_start3A_114 : memref<1x128xi32, #tpu.memory_space<hbm>> -> memref<128xi32, #tpu.memory_space<hbm>>
        tpu.enqueue_dma source(%dma_start3A_115 : memref<128xi32, #tpu.memory_space<hbm>>) target(%arg12 : memref<128xi32, #tpu.memory_space<vmem>>) target_semaphore(%run_scoped3A : memref<!tpu.dma_semaphore, #tpu.memory_space<semaphore_mem>>)
        %dma_wait3A = arith.constant 0 : i32
        %dma_wait3A_116 = tpu.memref_slice %arg4[%while3A_105, %dma_wait3A] : memref<1250x128xi32, #tpu.memory_space<hbm>> -> memref<1x128xi32, #tpu.memory_space<hbm>>
        %dma_wait3A_117 = tpu.memref_squeeze %dma_wait3A_116 : memref<1x128xi32, #tpu.memory_space<hbm>> -> memref<128xi32, #tpu.memory_space<hbm>>
        %dma_wait3A_118 = arith.constant 0 : i32
        %dma_wait3A_119 = tpu.memref_slice %arg4[%while3A_105, %dma_wait3A_118] : memref<1250x128xi32, #tpu.memory_space<hbm>> -> memref<1x128xi32, #tpu.memory_space<hbm>>
        %dma_wait3A_120 = tpu.memref_squeeze %dma_wait3A_119 : memref<1x128xi32, #tpu.memory_space<hbm>> -> memref<128xi32, #tpu.memory_space<hbm>>
        tpu.wait_dma2 semaphore(%run_scoped3A : memref<!tpu.dma_semaphore, #tpu.memory_space<semaphore_mem>>) src(%dma_wait3A_120 : memref<128xi32, #tpu.memory_space<hbm>>) dst(%arg12 : memref<128xi32, #tpu.memory_space<vmem>>)
        tpu.yield
      }) : () -> ()
      "tpu.region"() ({
        %run_scoped3A = tpu.sem_alloc : memref<!tpu.dma_semaphore, #tpu.memory_space<semaphore_mem>>
        %dma_start3A = arith.constant 0 : i32
        %dma_start3A_111 = arith.constant 0 : i32
        %dma_start3A_112 = tpu.memref_slice %arg5[%dma_start3A, %dma_start3A_111] : memref<10000x144xf32, #tpu.memory_space<hbm>> -> memref<10000x144xf32, #tpu.memory_space<hbm>>
        tpu.enqueue_indirect_dma source(%dma_start3A_112 : memref<10000x144xf32, #tpu.memory_space<hbm>>) target(%arg13 : memref<128x144xf32, #tpu.memory_space<vmem>>) offsets(%arg10 : memref<128xi32, #tpu.memory_space<vmem>>) semaphore(%run_scoped3A : memref<!tpu.dma_semaphore, #tpu.memory_space<semaphore_mem>>)
        %dma_wait3A = arith.constant 0 : i32
        %dma_wait3A_113 = arith.constant 0 : i32
        %dma_wait3A_114 = tpu.memref_slice %arg5[%dma_wait3A, %dma_wait3A_113] : memref<10000x144xf32, #tpu.memory_space<hbm>> -> memref<10000x144xf32, #tpu.memory_space<hbm>>
        tpu.wait_indirect_dma semaphore(%run_scoped3A : memref<!tpu.dma_semaphore, #tpu.memory_space<semaphore_mem>>) src(%dma_wait3A_114 : memref<10000x144xf32, #tpu.memory_space<hbm>>) dst(%arg13 : memref<128x144xf32, #tpu.memory_space<vmem>>)
        tpu.yield
      }) : () -> ()
      "tpu.region"() ({
        %run_scoped3A = tpu.sem_alloc : memref<!tpu.dma_semaphore, #tpu.memory_space<semaphore_mem>>
        %dma_start3A = arith.constant 0 : i32
        %dma_start3A_111 = arith.constant 0 : i32
        %dma_start3A_112 = tpu.memref_slice %arg6[%dma_start3A, %dma_start3A_111] : memref<500x144xf32, #tpu.memory_space<hbm>> -> memref<500x144xf32, #tpu.memory_space<hbm>>
        tpu.enqueue_indirect_dma source(%dma_start3A_112 : memref<500x144xf32, #tpu.memory_space<hbm>>) target(%arg13 : memref<128x144xf32, #tpu.memory_space<vmem>>) offsets(%arg11 : memref<128xi32, #tpu.memory_space<vmem>>) semaphore(%run_scoped3A : memref<!tpu.dma_semaphore, #tpu.memory_space<semaphore_mem>>) {add = true}
        %dma_wait3A = arith.constant 0 : i32
        %dma_wait3A_113 = arith.constant 0 : i32
        %dma_wait3A_114 = tpu.memref_slice %arg6[%dma_wait3A, %dma_wait3A_113] : memref<500x144xf32, #tpu.memory_space<hbm>> -> memref<500x144xf32, #tpu.memory_space<hbm>>
        tpu.wait_indirect_dma semaphore(%run_scoped3A : memref<!tpu.dma_semaphore, #tpu.memory_space<semaphore_mem>>) src(%dma_wait3A_114 : memref<500x144xf32, #tpu.memory_space<hbm>>) dst(%arg13 : memref<128x144xf32, #tpu.memory_space<vmem>>)
        tpu.yield
      }) : () -> ()
      "tpu.region"() ({
        %run_scoped3A = tpu.sem_alloc : memref<!tpu.dma_semaphore, #tpu.memory_space<semaphore_mem>>
        %dma_start3A = arith.constant 0 : i32
        %dma_start3A_111 = arith.constant 0 : i32
        %dma_start3A_112 = tpu.memref_slice %arg7[%dma_start3A, %dma_start3A_111] : memref<160000x144xf32, #tpu.memory_space<hbm>> -> memref<160000x144xf32, #tpu.memory_space<hbm>>
        tpu.enqueue_indirect_dma source(%dma_start3A_112 : memref<160000x144xf32, #tpu.memory_space<hbm>>) target(%arg13 : memref<128x144xf32, #tpu.memory_space<vmem>>) offsets(%arg12 : memref<128xi32, #tpu.memory_space<vmem>>) semaphore(%run_scoped3A : memref<!tpu.dma_semaphore, #tpu.memory_space<semaphore_mem>>) {add = true}
        %dma_wait3A = arith.constant 0 : i32
        %dma_wait3A_113 = arith.constant 0 : i32
        %dma_wait3A_114 = tpu.memref_slice %arg7[%dma_wait3A, %dma_wait3A_113] : memref<160000x144xf32, #tpu.memory_space<hbm>> -> memref<160000x144xf32, #tpu.memory_space<hbm>>
        tpu.wait_indirect_dma semaphore(%run_scoped3A : memref<!tpu.dma_semaphore, #tpu.memory_space<semaphore_mem>>) src(%dma_wait3A_114 : memref<160000x144xf32, #tpu.memory_space<hbm>>) dst(%arg13 : memref<128x144xf32, #tpu.memory_space<vmem>>)
        tpu.yield
      }) : () -> ()
      %scan3A_106 = arith.constant 0 : i32
      %scan3A_107 = arith.constant 128 : i32
      %scan3A_108 = arith.addi %scan3A_106, %scan3A_107 : i32
      %scan3A_109 = arith.constant 1 : i32
      scf.for %scan3A_111 = %scan3A_106 to %scan3A_108 step %scan3A_109  : i32 {
        %get3A = arith.index_cast %scan3A_111 : i32 to index
        %get3A_112 = arith.constant 128 : index
        %get3A_113 = tpu.vector_load %arg13[%get3A, %get3A_112] {strides = array<i32>} : memref<128x144xf32, #tpu.memory_space<vmem>>, vector<16xf32>,
        %slice3A = vector.extract_strided_slice %get3A_113 {offsets = [0], sizes = [1], strides = [1]} : vector<16xf32> to vector<1xf32>
        %squeeze3A = vector.extract %slice3A[0] : f32 from vector<1xf32>
        %broadcast_in_dim3A = vector.broadcast %squeeze3A : f32 to vector<16xf32>
        %gt3A = arith.constant 0.000000e+00 : f32
        %gt3A_114 = vector.broadcast %gt3A : f32 to vector<16xf32>
        %gt3A_115 = arith.cmpf ogt, %broadcast_in_dim3A, %gt3A_114 : vector<16xf32>
        %mul3A_116 = arith.constant 2.000000e-01 : f32
        %mul3A_117 = vector.broadcast %mul3A_116 : f32 to vector<16xf32>
        %mul3A_118 = arith.mulf %mul3A_117, %broadcast_in_dim3A : vector<16xf32>
        %select_n3A_119 = arith.select %gt3A_115, %broadcast_in_dim3A, %mul3A_118 : vector<16xi1>, vector<16xf32>
        %neg3A = arith.constant 0.000000e+00 : f32
        %neg3A_120 = vector.broadcast %neg3A : f32 to vector<16xf32>
        %neg3A_121 = arith.subf %neg3A_120, %select_n3A_119 : vector<16xf32>
        %exp3A = math.exp %neg3A_121 : vector<16xf32>
        %get3A_122 = arith.index_cast %scan3A_111 : i32 to index
        %get3A_123 = arith.constant 0 : index
        %get3A_124 = tpu.vector_load %arg13[%get3A_122, %get3A_123] {strides = array<i32>} : memref<128x144xf32, #tpu.memory_space<vmem>>, vector<16xf32>,
        %mul3A_125 = arith.mulf %get3A_124, %exp3A : vector<16xf32>
        %swap3A = arith.index_cast %scan3A_111 : i32 to index
        %swap3A_126 = arith.constant 0 : index
        %swap3A_127 = tpu.vector_load %arg13[%swap3A, %swap3A_126] {strides = array<i32>} : memref<128x144xf32, #tpu.memory_space<vmem>>, vector<16xf32>,
        tpu.vector_store %arg13[%swap3A, %swap3A_126], %mul3A_125 {strides = array<i32>} : memref<128x144xf32, #tpu.memory_space<vmem>>, vector<16xf32>,
        %get3A_128 = arith.index_cast %scan3A_111 : i32 to index
        %get3A_129 = arith.constant 16 : index
        %get3A_130 = tpu.vector_load %arg13[%get3A_128, %get3A_129] {strides = array<i32>} : memref<128x144xf32, #tpu.memory_space<vmem>>, vector<16xf32>,
        %mul3A_131 = arith.mulf %get3A_130, %exp3A : vector<16xf32>
        %swap3A_132 = arith.index_cast %scan3A_111 : i32 to index
        %swap3A_133 = arith.constant 16 : index
        %swap3A_134 = tpu.vector_load %arg13[%swap3A_132, %swap3A_133] {strides = array<i32>} : memref<128x144xf32, #tpu.memory_space<vmem>>, vector<16xf32>,
        tpu.vector_store %arg13[%swap3A_132, %swap3A_133], %mul3A_131 {strides = array<i32>} : memref<128x144xf32, #tpu.memory_space<vmem>>, vector<16xf32>,
        %get3A_135 = arith.index_cast %scan3A_111 : i32 to index
        %get3A_136 = arith.constant 32 : index
        %get3A_137 = tpu.vector_load %arg13[%get3A_135, %get3A_136] {strides = array<i32>} : memref<128x144xf32, #tpu.memory_space<vmem>>, vector<16xf32>,
        %mul3A_138 = arith.mulf %get3A_137, %exp3A : vector<16xf32>
        %swap3A_139 = arith.index_cast %scan3A_111 : i32 to index
        %swap3A_140 = arith.constant 32 : index
        %swap3A_141 = tpu.vector_load %arg13[%swap3A_139, %swap3A_140] {strides = array<i32>} : memref<128x144xf32, #tpu.memory_space<vmem>>, vector<16xf32>,
        tpu.vector_store %arg13[%swap3A_139, %swap3A_140], %mul3A_138 {strides = array<i32>} : memref<128x144xf32, #tpu.memory_space<vmem>>, vector<16xf32>,
        %get3A_142 = arith.index_cast %scan3A_111 : i32 to index
        %get3A_143 = arith.constant 48 : index
        %get3A_144 = tpu.vector_load %arg13[%get3A_142, %get3A_143] {strides = array<i32>} : memref<128x144xf32, #tpu.memory_space<vmem>>, vector<16xf32>,
        %mul3A_145 = arith.mulf %get3A_144, %exp3A : vector<16xf32>
        %swap3A_146 = arith.index_cast %scan3A_111 : i32 to index
        %swap3A_147 = arith.constant 48 : index
        %swap3A_148 = tpu.vector_load %arg13[%swap3A_146, %swap3A_147] {strides = array<i32>} : memref<128x144xf32, #tpu.memory_space<vmem>>, vector<16xf32>,
        tpu.vector_store %arg13[%swap3A_146, %swap3A_147], %mul3A_145 {strides = array<i32>} : memref<128x144xf32, #tpu.memory_space<vmem>>, vector<16xf32>,
        %get3A_149 = arith.index_cast %scan3A_111 : i32 to index
        %get3A_150 = arith.constant 64 : index
        %get3A_151 = tpu.vector_load %arg13[%get3A_149, %get3A_150] {strides = array<i32>} : memref<128x144xf32, #tpu.memory_space<vmem>>, vector<16xf32>,
        %mul3A_152 = arith.mulf %get3A_151, %exp3A : vector<16xf32>
        %swap3A_153 = arith.index_cast %scan3A_111 : i32 to index
        %swap3A_154 = arith.constant 64 : index
        %swap3A_155 = tpu.vector_load %arg13[%swap3A_153, %swap3A_154] {strides = array<i32>} : memref<128x144xf32, #tpu.memory_space<vmem>>, vector<16xf32>,
        tpu.vector_store %arg13[%swap3A_153, %swap3A_154], %mul3A_152 {strides = array<i32>} : memref<128x144xf32, #tpu.memory_space<vmem>>, vector<16xf32>,
        %get3A_156 = arith.index_cast %scan3A_111 : i32 to index
        %get3A_157 = arith.constant 80 : index
        %get3A_158 = tpu.vector_load %arg13[%get3A_156, %get3A_157] {strides = array<i32>} : memref<128x144xf32, #tpu.memory_space<vmem>>, vector<16xf32>,
        %mul3A_159 = arith.mulf %get3A_158, %exp3A : vector<16xf32>
        %swap3A_160 = arith.index_cast %scan3A_111 : i32 to index
        %swap3A_161 = arith.constant 80 : index
        %swap3A_162 = tpu.vector_load %arg13[%swap3A_160, %swap3A_161] {strides = array<i32>} : memref<128x144xf32, #tpu.memory_space<vmem>>, vector<16xf32>,
        tpu.vector_store %arg13[%swap3A_160, %swap3A_161], %mul3A_159 {strides = array<i32>} : memref<128x144xf32, #tpu.memory_space<vmem>>, vector<16xf32>,
        %get3A_163 = arith.index_cast %scan3A_111 : i32 to index
        %get3A_164 = arith.constant 96 : index
        %get3A_165 = tpu.vector_load %arg13[%get3A_163, %get3A_164] {strides = array<i32>} : memref<128x144xf32, #tpu.memory_space<vmem>>, vector<16xf32>,
        %mul3A_166 = arith.mulf %get3A_165, %exp3A : vector<16xf32>
        %swap3A_167 = arith.index_cast %scan3A_111 : i32 to index
        %swap3A_168 = arith.constant 96 : index
        %swap3A_169 = tpu.vector_load %arg13[%swap3A_167, %swap3A_168] {strides = array<i32>} : memref<128x144xf32, #tpu.memory_space<vmem>>, vector<16xf32>,
        tpu.vector_store %arg13[%swap3A_167, %swap3A_168], %mul3A_166 {strides = array<i32>} : memref<128x144xf32, #tpu.memory_space<vmem>>, vector<16xf32>,
        %get3A_170 = arith.index_cast %scan3A_111 : i32 to index
        %get3A_171 = arith.constant 112 : index
        %get3A_172 = tpu.vector_load %arg13[%get3A_170, %get3A_171] {strides = array<i32>} : memref<128x144xf32, #tpu.memory_space<vmem>>, vector<16xf32>,
        %mul3A_173 = arith.mulf %get3A_172, %exp3A : vector<16xf32>
        %swap3A_174 = arith.index_cast %scan3A_111 : i32 to index
        %swap3A_175 = arith.constant 112 : index
        %swap3A_176 = tpu.vector_load %arg13[%swap3A_174, %swap3A_175] {strides = array<i32>} : memref<128x144xf32, #tpu.memory_space<vmem>>, vector<16xf32>,
        tpu.vector_store %arg13[%swap3A_174, %swap3A_175], %mul3A_173 {strides = array<i32>} : memref<128x144xf32, #tpu.memory_space<vmem>>, vector<16xf32>,
        %swap3A_177 = arith.index_cast %scan3A_111 : i32 to index
        %swap3A_178 = arith.constant 128 : index
        %swap3A_179 = tpu.vector_load %arg13[%swap3A_177, %swap3A_178] {strides = array<i32>} : memref<128x144xf32, #tpu.memory_space<vmem>>, vector<16xf32>,
        tpu.vector_store %arg13[%swap3A_177, %swap3A_178], %exp3A {strides = array<i32>} : memref<128x144xf32, #tpu.memory_space<vmem>>, vector<16xf32>,
      }
      %scan3A_110 = arith.constant 128 : i32
      "tpu.region"() ({
        %run_scoped3A = tpu.sem_alloc : memref<!tpu.dma_semaphore, #tpu.memory_space<semaphore_mem>>
        %dma_start3A = arith.constant 0 : i32
        %dma_start3A_111 = arith.constant 0 : i32
        %dma_start3A_112 = tpu.memref_slice %arg14[%dma_start3A, %dma_start3A_111] : memref<10240x144xf32, #tpu.memory_space<vmem_shared>> -> memref<10240x144xf32, #tpu.memory_space<vmem_shared>>
        tpu.enqueue_indirect_dma source(%arg13 : memref<128x144xf32, #tpu.memory_space<vmem>>) target(%dma_start3A_112 : memref<10240x144xf32, #tpu.memory_space<vmem_shared>>) offsets(%arg10 : memref<128xi32, #tpu.memory_space<vmem>>) semaphore(%run_scoped3A : memref<!tpu.dma_semaphore, #tpu.memory_space<semaphore_mem>>) {add = true}
        %dma_wait3A = arith.constant 0 : i32
        %dma_wait3A_113 = arith.constant 0 : i32
        %dma_wait3A_114 = tpu.memref_slice %arg14[%dma_wait3A, %dma_wait3A_113] : memref<10240x144xf32, #tpu.memory_space<vmem_shared>> -> memref<10240x144xf32, #tpu.memory_space<vmem_shared>>
        tpu.wait_indirect_dma semaphore(%run_scoped3A : memref<!tpu.dma_semaphore, #tpu.memory_space<semaphore_mem>>) src(%arg13 : memref<128x144xf32, #tpu.memory_space<vmem>>) dst(%dma_wait3A_114 : memref<10240x144xf32, #tpu.memory_space<vmem_shared>>)
        tpu.yield
      }) : () -> ()
      "tpu.region"() ({
        %run_scoped3A = tpu.sem_alloc : memref<!tpu.dma_semaphore, #tpu.memory_space<semaphore_mem>>
        %dma_start3A = arith.constant 0 : i32
        %dma_start3A_111 = arith.constant 0 : i32
        %dma_start3A_112 = tpu.memref_slice %arg15[%dma_start3A, %dma_start3A_111] : memref<512x144xf32, #tpu.memory_space<vmem_shared>> -> memref<512x144xf32, #tpu.memory_space<vmem_shared>>
        tpu.enqueue_indirect_dma source(%arg13 : memref<128x144xf32, #tpu.memory_space<vmem>>) target(%dma_start3A_112 : memref<512x144xf32, #tpu.memory_space<vmem_shared>>) offsets(%arg11 : memref<128xi32, #tpu.memory_space<vmem>>) semaphore(%run_scoped3A : memref<!tpu.dma_semaphore, #tpu.memory_space<semaphore_mem>>) {add = true}
        %dma_wait3A = arith.constant 0 : i32
        %dma_wait3A_113 = arith.constant 0 : i32
        %dma_wait3A_114 = tpu.memref_slice %arg15[%dma_wait3A, %dma_wait3A_113] : memref<512x144xf32, #tpu.memory_space<vmem_shared>> -> memref<512x144xf32, #tpu.memory_space<vmem_shared>>
        tpu.wait_indirect_dma semaphore(%run_scoped3A : memref<!tpu.dma_semaphore, #tpu.memory_space<semaphore_mem>>) src(%arg13 : memref<128x144xf32, #tpu.memory_space<vmem>>) dst(%dma_wait3A_114 : memref<512x144xf32, #tpu.memory_space<vmem_shared>>)
        tpu.yield
      }) : () -> ()
    }
    %while3A_79 = arith.constant 1 : i32
    scf.for %while3A_105 = %while3A_77 to %while3A_73 step %while3A_79  : i32 {
      "tpu.region"() ({
        %run_scoped3A = tpu.sem_alloc : memref<!tpu.dma_semaphore, #tpu.memory_space<semaphore_mem>>
        %dma_start3A = arith.constant 0 : i32
        %dma_start3A_111 = tpu.memref_slice %arg2[%while3A_105, %dma_start3A] : memref<1250x128xi32, #tpu.memory_space<hbm>> -> memref<1x128xi32, #tpu.memory_space<hbm>>
        %dma_start3A_112 = tpu.memref_squeeze %dma_start3A_111 : memref<1x128xi32, #tpu.memory_space<hbm>> -> memref<128xi32, #tpu.memory_space<hbm>>
        %dma_start3A_113 = arith.constant 0 : i32
        %dma_start3A_114 = tpu.memref_slice %arg2[%while3A_105, %dma_start3A_113] : memref<1250x128xi32, #tpu.memory_space<hbm>> -> memref<1x128xi32, #tpu.memory_space<hbm>>
        %dma_start3A_115 = tpu.memref_squeeze %dma_start3A_114 : memref<1x128xi32, #tpu.memory_space<hbm>> -> memref<128xi32, #tpu.memory_space<hbm>>
        tpu.enqueue_dma source(%dma_start3A_115 : memref<128xi32, #tpu.memory_space<hbm>>) target(%arg10 : memref<128xi32, #tpu.memory_space<vmem>>) target_semaphore(%run_scoped3A : memref<!tpu.dma_semaphore, #tpu.memory_space<semaphore_mem>>)
        %dma_wait3A = arith.constant 0 : i32
        %dma_wait3A_116 = tpu.memref_slice %arg2[%while3A_105, %dma_wait3A] : memref<1250x128xi32, #tpu.memory_space<hbm>> -> memref<1x128xi32, #tpu.memory_space<hbm>>
        %dma_wait3A_117 = tpu.memref_squeeze %dma_wait3A_116 : memref<1x128xi32, #tpu.memory_space<hbm>> -> memref<128xi32, #tpu.memory_space<hbm>>
        %dma_wait3A_118 = arith.constant 0 : i32
        %dma_wait3A_119 = tpu.memref_slice %arg2[%while3A_105, %dma_wait3A_118] : memref<1250x128xi32, #tpu.memory_space<hbm>> -> memref<1x128xi32, #tpu.memory_space<hbm>>
        %dma_wait3A_120 = tpu.memref_squeeze %dma_wait3A_119 : memref<1x128xi32, #tpu.memory_space<hbm>> -> memref<128xi32, #tpu.memory_space<hbm>>
        tpu.wait_dma2 semaphore(%run_scoped3A : memref<!tpu.dma_semaphore, #tpu.memory_space<semaphore_mem>>) src(%dma_wait3A_120 : memref<128xi32, #tpu.memory_space<hbm>>) dst(%arg10 : memref<128xi32, #tpu.memory_space<vmem>>)
        tpu.yield
      }) : () -> ()
      "tpu.region"() ({
        %run_scoped3A = tpu.sem_alloc : memref<!tpu.dma_semaphore, #tpu.memory_space<semaphore_mem>>
        %dma_start3A = arith.constant 0 : i32
        %dma_start3A_111 = tpu.memref_slice %arg3[%while3A_105, %dma_start3A] : memref<1250x128xi32, #tpu.memory_space<hbm>> -> memref<1x128xi32, #tpu.memory_space<hbm>>
        %dma_start3A_112 = tpu.memref_squeeze %dma_start3A_111 : memref<1x128xi32, #tpu.memory_space<hbm>> -> memref<128xi32, #tpu.memory_space<hbm>>
        %dma_start3A_113 = arith.constant 0 : i32
        %dma_start3A_114 = tpu.memref_slice %arg3[%while3A_105, %dma_start3A_113] : memref<1250x128xi32, #tpu.memory_space<hbm>> -> memref<1x128xi32, #tpu.memory_space<hbm>>
        %dma_start3A_115 = tpu.memref_squeeze %dma_start3A_114 : memref<1x128xi32, #tpu.memory_space<hbm>> -> memref<128xi32, #tpu.memory_space<hbm>>
        tpu.enqueue_dma source(%dma_start3A_115 : memref<128xi32, #tpu.memory_space<hbm>>) target(%arg11 : memref<128xi32, #tpu.memory_space<vmem>>) target_semaphore(%run_scoped3A : memref<!tpu.dma_semaphore, #tpu.memory_space<semaphore_mem>>)
        %dma_wait3A = arith.constant 0 : i32
        %dma_wait3A_116 = tpu.memref_slice %arg3[%while3A_105, %dma_wait3A] : memref<1250x128xi32, #tpu.memory_space<hbm>> -> memref<1x128xi32, #tpu.memory_space<hbm>>
        %dma_wait3A_117 = tpu.memref_squeeze %dma_wait3A_116 : memref<1x128xi32, #tpu.memory_space<hbm>> -> memref<128xi32, #tpu.memory_space<hbm>>
        %dma_wait3A_118 = arith.constant 0 : i32
        %dma_wait3A_119 = tpu.memref_slice %arg3[%while3A_105, %dma_wait3A_118] : memref<1250x128xi32, #tpu.memory_space<hbm>> -> memref<1x128xi32, #tpu.memory_space<hbm>>
        %dma_wait3A_120 = tpu.memref_squeeze %dma_wait3A_119 : memref<1x128xi32, #tpu.memory_space<hbm>> -> memref<128xi32, #tpu.memory_space<hbm>>
        tpu.wait_dma2 semaphore(%run_scoped3A : memref<!tpu.dma_semaphore, #tpu.memory_space<semaphore_mem>>) src(%dma_wait3A_120 : memref<128xi32, #tpu.memory_space<hbm>>) dst(%arg11 : memref<128xi32, #tpu.memory_space<vmem>>)
        tpu.yield
      }) : () -> ()
      "tpu.region"() ({
        %run_scoped3A = tpu.sem_alloc : memref<!tpu.dma_semaphore, #tpu.memory_space<semaphore_mem>>
        %dma_start3A = arith.constant 0 : i32
        %dma_start3A_111 = tpu.memref_slice %arg4[%while3A_105, %dma_start3A] : memref<1250x128xi32, #tpu.memory_space<hbm>> -> memref<1x128xi32, #tpu.memory_space<hbm>>
        %dma_start3A_112 = tpu.memref_squeeze %dma_start3A_111 : memref<1x128xi32, #tpu.memory_space<hbm>> -> memref<128xi32, #tpu.memory_space<hbm>>
        %dma_start3A_113 = arith.constant 0 : i32
        %dma_start3A_114 = tpu.memref_slice %arg4[%while3A_105, %dma_start3A_113] : memref<1250x128xi32, #tpu.memory_space<hbm>> -> memref<1x128xi32, #tpu.memory_space<hbm>>
        %dma_start3A_115 = tpu.memref_squeeze %dma_start3A_114 : memref<1x128xi32, #tpu.memory_space<hbm>> -> memref<128xi32, #tpu.memory_space<hbm>>
        tpu.enqueue_dma source(%dma_start3A_115 : memref<128xi32, #tpu.memory_space<hbm>>) target(%arg12 : memref<128xi32, #tpu.memory_space<vmem>>) target_semaphore(%run_scoped3A : memref<!tpu.dma_semaphore, #tpu.memory_space<semaphore_mem>>)
        %dma_wait3A = arith.constant 0 : i32
        %dma_wait3A_116 = tpu.memref_slice %arg4[%while3A_105, %dma_wait3A] : memref<1250x128xi32, #tpu.memory_space<hbm>> -> memref<1x128xi32, #tpu.memory_space<hbm>>
        %dma_wait3A_117 = tpu.memref_squeeze %dma_wait3A_116 : memref<1x128xi32, #tpu.memory_space<hbm>> -> memref<128xi32, #tpu.memory_space<hbm>>
        %dma_wait3A_118 = arith.constant 0 : i32
        %dma_wait3A_119 = tpu.memref_slice %arg4[%while3A_105, %dma_wait3A_118] : memref<1250x128xi32, #tpu.memory_space<hbm>> -> memref<1x128xi32, #tpu.memory_space<hbm>>
        %dma_wait3A_120 = tpu.memref_squeeze %dma_wait3A_119 : memref<1x128xi32, #tpu.memory_space<hbm>> -> memref<128xi32, #tpu.memory_space<hbm>>
        tpu.wait_dma2 semaphore(%run_scoped3A : memref<!tpu.dma_semaphore, #tpu.memory_space<semaphore_mem>>) src(%dma_wait3A_120 : memref<128xi32, #tpu.memory_space<hbm>>) dst(%arg12 : memref<128xi32, #tpu.memory_space<vmem>>)
        tpu.yield
      }) : () -> ()
      "tpu.region"() ({
        %run_scoped3A = tpu.sem_alloc : memref<!tpu.dma_semaphore, #tpu.memory_space<semaphore_mem>>
        %dma_start3A = arith.constant 0 : i32
        %dma_start3A_111 = arith.constant 0 : i32
        %dma_start3A_112 = tpu.memref_slice %arg5[%dma_start3A, %dma_start3A_111] : memref<10000x144xf32, #tpu.memory_space<hbm>> -> memref<10000x144xf32, #tpu.memory_space<hbm>>
        tpu.enqueue_indirect_dma source(%dma_start3A_112 : memref<10000x144xf32, #tpu.memory_space<hbm>>) target(%arg13 : memref<128x144xf32, #tpu.memory_space<vmem>>) offsets(%arg10 : memref<128xi32, #tpu.memory_space<vmem>>) semaphore(%run_scoped3A : memref<!tpu.dma_semaphore, #tpu.memory_space<semaphore_mem>>)
        %dma_wait3A = arith.constant 0 : i32
        %dma_wait3A_113 = arith.constant 0 : i32
        %dma_wait3A_114 = tpu.memref_slice %arg5[%dma_wait3A, %dma_wait3A_113] : memref<10000x144xf32, #tpu.memory_space<hbm>> -> memref<10000x144xf32, #tpu.memory_space<hbm>>
        tpu.wait_indirect_dma semaphore(%run_scoped3A : memref<!tpu.dma_semaphore, #tpu.memory_space<semaphore_mem>>) src(%dma_wait3A_114 : memref<10000x144xf32, #tpu.memory_space<hbm>>) dst(%arg13 : memref<128x144xf32, #tpu.memory_space<vmem>>)
        tpu.yield
      }) : () -> ()
      "tpu.region"() ({
        %run_scoped3A = tpu.sem_alloc : memref<!tpu.dma_semaphore, #tpu.memory_space<semaphore_mem>>
        %dma_start3A = arith.constant 0 : i32
        %dma_start3A_111 = arith.constant 0 : i32
        %dma_start3A_112 = tpu.memref_slice %arg6[%dma_start3A, %dma_start3A_111] : memref<500x144xf32, #tpu.memory_space<hbm>> -> memref<500x144xf32, #tpu.memory_space<hbm>>
        tpu.enqueue_indirect_dma source(%dma_start3A_112 : memref<500x144xf32, #tpu.memory_space<hbm>>) target(%arg13 : memref<128x144xf32, #tpu.memory_space<vmem>>) offsets(%arg11 : memref<128xi32, #tpu.memory_space<vmem>>) semaphore(%run_scoped3A : memref<!tpu.dma_semaphore, #tpu.memory_space<semaphore_mem>>) {add = true}
        %dma_wait3A = arith.constant 0 : i32
        %dma_wait3A_113 = arith.constant 0 : i32
        %dma_wait3A_114 = tpu.memref_slice %arg6[%dma_wait3A, %dma_wait3A_113] : memref<500x144xf32, #tpu.memory_space<hbm>> -> memref<500x144xf32, #tpu.memory_space<hbm>>
        tpu.wait_indirect_dma semaphore(%run_scoped3A : memref<!tpu.dma_semaphore, #tpu.memory_space<semaphore_mem>>) src(%dma_wait3A_114 : memref<500x144xf32, #tpu.memory_space<hbm>>) dst(%arg13 : memref<128x144xf32, #tpu.memory_space<vmem>>)
        tpu.yield
      }) : () -> ()
      "tpu.region"() ({
        %run_scoped3A = tpu.sem_alloc : memref<!tpu.dma_semaphore, #tpu.memory_space<semaphore_mem>>
        %dma_start3A = arith.constant 0 : i32
        %dma_start3A_111 = arith.constant 0 : i32
        %dma_start3A_112 = tpu.memref_slice %arg7[%dma_start3A, %dma_start3A_111] : memref<160000x144xf32, #tpu.memory_space<hbm>> -> memref<160000x144xf32, #tpu.memory_space<hbm>>
        tpu.enqueue_indirect_dma source(%dma_start3A_112 : memref<160000x144xf32, #tpu.memory_space<hbm>>) target(%arg13 : memref<128x144xf32, #tpu.memory_space<vmem>>) offsets(%arg12 : memref<128xi32, #tpu.memory_space<vmem>>) semaphore(%run_scoped3A : memref<!tpu.dma_semaphore, #tpu.memory_space<semaphore_mem>>) {add = true}
        %dma_wait3A = arith.constant 0 : i32
        %dma_wait3A_113 = arith.constant 0 : i32
        %dma_wait3A_114 = tpu.memref_slice %arg7[%dma_wait3A, %dma_wait3A_113] : memref<160000x144xf32, #tpu.memory_space<hbm>> -> memref<160000x144xf32, #tpu.memory_space<hbm>>
        tpu.wait_indirect_dma semaphore(%run_scoped3A : memref<!tpu.dma_semaphore, #tpu.memory_space<semaphore_mem>>) src(%dma_wait3A_114 : memref<160000x144xf32, #tpu.memory_space<hbm>>) dst(%arg13 : memref<128x144xf32, #tpu.memory_space<vmem>>)
        tpu.yield
      }) : () -> ()
      %scan3A_106 = arith.constant 0 : i32
      %scan3A_107 = arith.constant 128 : i32
      %scan3A_108 = arith.addi %scan3A_106, %scan3A_107 : i32
      %scan3A_109 = arith.constant 1 : i32
      scf.for %scan3A_111 = %scan3A_106 to %scan3A_108 step %scan3A_109  : i32 {
        %get3A = arith.index_cast %scan3A_111 : i32 to index
        %get3A_112 = arith.constant 128 : index
        %get3A_113 = tpu.vector_load %arg13[%get3A, %get3A_112] {strides = array<i32>} : memref<128x144xf32, #tpu.memory_space<vmem>>, vector<16xf32>,
        %slice3A = vector.extract_strided_slice %get3A_113 {offsets = [0], sizes = [1], strides = [1]} : vector<16xf32> to vector<1xf32>
        %squeeze3A = vector.extract %slice3A[0] : f32 from vector<1xf32>
        %broadcast_in_dim3A = vector.broadcast %squeeze3A : f32 to vector<16xf32>
        %gt3A = arith.constant 0.000000e+00 : f32
        %gt3A_114 = vector.broadcast %gt3A : f32 to vector<16xf32>
        %gt3A_115 = arith.cmpf ogt, %broadcast_in_dim3A, %gt3A_114 : vector<16xf32>
        %mul3A_116 = arith.constant 2.000000e-01 : f32
        %mul3A_117 = vector.broadcast %mul3A_116 : f32 to vector<16xf32>
        %mul3A_118 = arith.mulf %mul3A_117, %broadcast_in_dim3A : vector<16xf32>
        %select_n3A_119 = arith.select %gt3A_115, %broadcast_in_dim3A, %mul3A_118 : vector<16xi1>, vector<16xf32>
        %neg3A = arith.constant 0.000000e+00 : f32
        %neg3A_120 = vector.broadcast %neg3A : f32 to vector<16xf32>
        %neg3A_121 = arith.subf %neg3A_120, %select_n3A_119 : vector<16xf32>
        %exp3A = math.exp %neg3A_121 : vector<16xf32>
        %get3A_122 = arith.index_cast %scan3A_111 : i32 to index
        %get3A_123 = arith.constant 0 : index
        %get3A_124 = tpu.vector_load %arg13[%get3A_122, %get3A_123] {strides = array<i32>} : memref<128x144xf32, #tpu.memory_space<vmem>>, vector<16xf32>,
        %mul3A_125 = arith.mulf %get3A_124, %exp3A : vector<16xf32>
        %swap3A = arith.index_cast %scan3A_111 : i32 to index
        %swap3A_126 = arith.constant 0 : index
        %swap3A_127 = tpu.vector_load %arg13[%swap3A, %swap3A_126] {strides = array<i32>} : memref<128x144xf32, #tpu.memory_space<vmem>>, vector<16xf32>,
        tpu.vector_store %arg13[%swap3A, %swap3A_126], %mul3A_125 {strides = array<i32>} : memref<128x144xf32, #tpu.memory_space<vmem>>, vector<16xf32>,
        %get3A_128 = arith.index_cast %scan3A_111 : i32 to index
        %get3A_129 = arith.constant 16 : index
        %get3A_130 = tpu.vector_load %arg13[%get3A_128, %get3A_129] {strides = array<i32>} : memref<128x144xf32, #tpu.memory_space<vmem>>, vector<16xf32>,
        %mul3A_131 = arith.mulf %get3A_130, %exp3A : vector<16xf32>
        %swap3A_132 = arith.index_cast %scan3A_111 : i32 to index
        %swap3A_133 = arith.constant 16 : index
        %swap3A_134 = tpu.vector_load %arg13[%swap3A_132, %swap3A_133] {strides = array<i32>} : memref<128x144xf32, #tpu.memory_space<vmem>>, vector<16xf32>,
        tpu.vector_store %arg13[%swap3A_132, %swap3A_133], %mul3A_131 {strides = array<i32>} : memref<128x144xf32, #tpu.memory_space<vmem>>, vector<16xf32>,
        %get3A_135 = arith.index_cast %scan3A_111 : i32 to index
        %get3A_136 = arith.constant 32 : index
        %get3A_137 = tpu.vector_load %arg13[%get3A_135, %get3A_136] {strides = array<i32>} : memref<128x144xf32, #tpu.memory_space<vmem>>, vector<16xf32>,
        %mul3A_138 = arith.mulf %get3A_137, %exp3A : vector<16xf32>
        %swap3A_139 = arith.index_cast %scan3A_111 : i32 to index
        %swap3A_140 = arith.constant 32 : index
        %swap3A_141 = tpu.vector_load %arg13[%swap3A_139, %swap3A_140] {strides = array<i32>} : memref<128x144xf32, #tpu.memory_space<vmem>>, vector<16xf32>,
        tpu.vector_store %arg13[%swap3A_139, %swap3A_140], %mul3A_138 {strides = array<i32>} : memref<128x144xf32, #tpu.memory_space<vmem>>, vector<16xf32>,
        %get3A_142 = arith.index_cast %scan3A_111 : i32 to index
        %get3A_143 = arith.constant 48 : index
        %get3A_144 = tpu.vector_load %arg13[%get3A_142, %get3A_143] {strides = array<i32>} : memref<128x144xf32, #tpu.memory_space<vmem>>, vector<16xf32>,
        %mul3A_145 = arith.mulf %get3A_144, %exp3A : vector<16xf32>
        %swap3A_146 = arith.index_cast %scan3A_111 : i32 to index
        %swap3A_147 = arith.constant 48 : index
        %swap3A_148 = tpu.vector_load %arg13[%swap3A_146, %swap3A_147] {strides = array<i32>} : memref<128x144xf32, #tpu.memory_space<vmem>>, vector<16xf32>,
        tpu.vector_store %arg13[%swap3A_146, %swap3A_147], %mul3A_145 {strides = array<i32>} : memref<128x144xf32, #tpu.memory_space<vmem>>, vector<16xf32>,
        %get3A_149 = arith.index_cast %scan3A_111 : i32 to index
        %get3A_150 = arith.constant 64 : index
        %get3A_151 = tpu.vector_load %arg13[%get3A_149, %get3A_150] {strides = array<i32>} : memref<128x144xf32, #tpu.memory_space<vmem>>, vector<16xf32>,
        %mul3A_152 = arith.mulf %get3A_151, %exp3A : vector<16xf32>
        %swap3A_153 = arith.index_cast %scan3A_111 : i32 to index
        %swap3A_154 = arith.constant 64 : index
        %swap3A_155 = tpu.vector_load %arg13[%swap3A_153, %swap3A_154] {strides = array<i32>} : memref<128x144xf32, #tpu.memory_space<vmem>>, vector<16xf32>,
        tpu.vector_store %arg13[%swap3A_153, %swap3A_154], %mul3A_152 {strides = array<i32>} : memref<128x144xf32, #tpu.memory_space<vmem>>, vector<16xf32>,
        %get3A_156 = arith.index_cast %scan3A_111 : i32 to index
        %get3A_157 = arith.constant 80 : index
        %get3A_158 = tpu.vector_load %arg13[%get3A_156, %get3A_157] {strides = array<i32>} : memref<128x144xf32, #tpu.memory_space<vmem>>, vector<16xf32>,
        %mul3A_159 = arith.mulf %get3A_158, %exp3A : vector<16xf32>
        %swap3A_160 = arith.index_cast %scan3A_111 : i32 to index
        %swap3A_161 = arith.constant 80 : index
        %swap3A_162 = tpu.vector_load %arg13[%swap3A_160, %swap3A_161] {strides = array<i32>} : memref<128x144xf32, #tpu.memory_space<vmem>>, vector<16xf32>,
        tpu.vector_store %arg13[%swap3A_160, %swap3A_161], %mul3A_159 {strides = array<i32>} : memref<128x144xf32, #tpu.memory_space<vmem>>, vector<16xf32>,
        %get3A_163 = arith.index_cast %scan3A_111 : i32 to index
        %get3A_164 = arith.constant 96 : index
        %get3A_165 = tpu.vector_load %arg13[%get3A_163, %get3A_164] {strides = array<i32>} : memref<128x144xf32, #tpu.memory_space<vmem>>, vector<16xf32>,
        %mul3A_166 = arith.mulf %get3A_165, %exp3A : vector<16xf32>
        %swap3A_167 = arith.index_cast %scan3A_111 : i32 to index
        %swap3A_168 = arith.constant 96 : index
        %swap3A_169 = tpu.vector_load %arg13[%swap3A_167, %swap3A_168] {strides = array<i32>} : memref<128x144xf32, #tpu.memory_space<vmem>>, vector<16xf32>,
        tpu.vector_store %arg13[%swap3A_167, %swap3A_168], %mul3A_166 {strides = array<i32>} : memref<128x144xf32, #tpu.memory_space<vmem>>, vector<16xf32>,
        %get3A_170 = arith.index_cast %scan3A_111 : i32 to index
        %get3A_171 = arith.constant 112 : index
        %get3A_172 = tpu.vector_load %arg13[%get3A_170, %get3A_171] {strides = array<i32>} : memref<128x144xf32, #tpu.memory_space<vmem>>, vector<16xf32>,
        %mul3A_173 = arith.mulf %get3A_172, %exp3A : vector<16xf32>
        %swap3A_174 = arith.index_cast %scan3A_111 : i32 to index
        %swap3A_175 = arith.constant 112 : index
        %swap3A_176 = tpu.vector_load %arg13[%swap3A_174, %swap3A_175] {strides = array<i32>} : memref<128x144xf32, #tpu.memory_space<vmem>>, vector<16xf32>,
        tpu.vector_store %arg13[%swap3A_174, %swap3A_175], %mul3A_173 {strides = array<i32>} : memref<128x144xf32, #tpu.memory_space<vmem>>, vector<16xf32>,
        %swap3A_177 = arith.index_cast %scan3A_111 : i32 to index
        %swap3A_178 = arith.constant 128 : index
        %swap3A_179 = tpu.vector_load %arg13[%swap3A_177, %swap3A_178] {strides = array<i32>} : memref<128x144xf32, #tpu.memory_space<vmem>>, vector<16xf32>,
        tpu.vector_store %arg13[%swap3A_177, %swap3A_178], %exp3A {strides = array<i32>} : memref<128x144xf32, #tpu.memory_space<vmem>>, vector<16xf32>,
      }
      %scan3A_110 = arith.constant 128 : i32
      "tpu.region"() ({
        %run_scoped3A = tpu.sem_alloc : memref<!tpu.dma_semaphore, #tpu.memory_space<semaphore_mem>>
        %dma_start3A = arith.constant 0 : i32
        %dma_start3A_111 = arith.constant 0 : i32
        %dma_start3A_112 = tpu.memref_slice %arg14[%dma_start3A, %dma_start3A_111] : memref<10240x144xf32, #tpu.memory_space<vmem_shared>> -> memref<10240x144xf32, #tpu.memory_space<vmem_shared>>
        tpu.enqueue_indirect_dma source(%arg13 : memref<128x144xf32, #tpu.memory_space<vmem>>) target(%dma_start3A_112 : memref<10240x144xf32, #tpu.memory_space<vmem_shared>>) offsets(%arg10 : memref<128xi32, #tpu.memory_space<vmem>>) semaphore(%run_scoped3A : memref<!tpu.dma_semaphore, #tpu.memory_space<semaphore_mem>>) {add = true}
        %dma_wait3A = arith.constant 0 : i32
        %dma_wait3A_113 = arith.constant 0 : i32
        %dma_wait3A_114 = tpu.memref_slice %arg14[%dma_wait3A, %dma_wait3A_113] : memref<10240x144xf32, #tpu.memory_space<vmem_shared>> -> memref<10240x144xf32, #tpu.memory_space<vmem_shared>>
        tpu.wait_indirect_dma semaphore(%run_scoped3A : memref<!tpu.dma_semaphore, #tpu.memory_space<semaphore_mem>>) src(%arg13 : memref<128x144xf32, #tpu.memory_space<vmem>>) dst(%dma_wait3A_114 : memref<10240x144xf32, #tpu.memory_space<vmem_shared>>)
        tpu.yield
      }) : () -> ()
      "tpu.region"() ({
        %run_scoped3A = tpu.sem_alloc : memref<!tpu.dma_semaphore, #tpu.memory_space<semaphore_mem>>
        %dma_start3A = arith.constant 0 : i32
        %dma_start3A_111 = arith.constant 0 : i32
        %dma_start3A_112 = tpu.memref_slice %arg15[%dma_start3A, %dma_start3A_111] : memref<512x144xf32, #tpu.memory_space<vmem_shared>> -> memref<512x144xf32, #tpu.memory_space<vmem_shared>>
        tpu.enqueue_indirect_dma source(%arg13 : memref<128x144xf32, #tpu.memory_space<vmem>>) target(%dma_start3A_112 : memref<512x144xf32, #tpu.memory_space<vmem_shared>>) offsets(%arg11 : memref<128xi32, #tpu.memory_space<vmem>>) semaphore(%run_scoped3A : memref<!tpu.dma_semaphore, #tpu.memory_space<semaphore_mem>>) {add = true}
        %dma_wait3A = arith.constant 0 : i32
        %dma_wait3A_113 = arith.constant 0 : i32
        %dma_wait3A_114 = tpu.memref_slice %arg15[%dma_wait3A, %dma_wait3A_113] : memref<512x144xf32, #tpu.memory_space<vmem_shared>> -> memref<512x144xf32, #tpu.memory_space<vmem_shared>>
        tpu.wait_indirect_dma semaphore(%run_scoped3A : memref<!tpu.dma_semaphore, #tpu.memory_space<semaphore_mem>>) src(%arg13 : memref<128x144xf32, #tpu.memory_space<vmem>>) dst(%dma_wait3A_114 : memref<512x144xf32, #tpu.memory_space<vmem_shared>>)
        tpu.yield
      }) : () -> ()
    }
    %barrier3A_80 = arith.constant 0 : index
    tpu.barrier barrier_id(%barrier3A_80)
    %mul3A_81 = arith.constant 640 : i32
    %mul3A_82 = arith.muli %arg1, %mul3A_81 : i32
    %add3A_83 = arith.constant 0 : i32
    %add3A_84 = arith.addi %mul3A_82, %add3A_83 : i32
    "tpu.region"() ({
      %run_scoped3A = tpu.sem_alloc : memref<!tpu.dma_semaphore, #tpu.memory_space<semaphore_mem>>
      %dma_start3A = arith.constant 0 : i32
      %dma_start3A_105 = tpu.memref_slice %arg8[%arg0, %add3A_84, %dma_start3A] : memref<2x10240x144xf32, #tpu.memory_space<hbm>> -> memref<1x128x144xf32, #tpu.memory_space<hbm>>
      %dma_start3A_106 = tpu.memref_squeeze %dma_start3A_105 : memref<1x128x144xf32, #tpu.memory_space<hbm>> -> memref<128x144xf32, #tpu.memory_space<hbm>>
      %dma_start3A_107 = arith.constant 0 : i32
      %dma_start3A_108 = tpu.memref_slice %arg14[%add3A_84, %dma_start3A_107] : memref<10240x144xf32, #tpu.memory_space<vmem_shared>> -> memref<128x144xf32, #tpu.memory_space<vmem_shared>>
      tpu.enqueue_dma source(%dma_start3A_108 : memref<128x144xf32, #tpu.memory_space<vmem_shared>>) target(%dma_start3A_106 : memref<128x144xf32, #tpu.memory_space<hbm>>) target_semaphore(%run_scoped3A : memref<!tpu.dma_semaphore, #tpu.memory_space<semaphore_mem>>)
      %dma_wait3A = arith.constant 0 : i32
      %dma_wait3A_109 = tpu.memref_slice %arg8[%arg0, %add3A_84, %dma_wait3A] : memref<2x10240x144xf32, #tpu.memory_space<hbm>> -> memref<1x128x144xf32, #tpu.memory_space<hbm>>
      %dma_wait3A_110 = tpu.memref_squeeze %dma_wait3A_109 : memref<1x128x144xf32, #tpu.memory_space<hbm>> -> memref<128x144xf32, #tpu.memory_space<hbm>>
      %dma_wait3A_111 = arith.constant 0 : i32
      %dma_wait3A_112 = tpu.memref_slice %arg14[%add3A_84, %dma_wait3A_111] : memref<10240x144xf32, #tpu.memory_space<vmem_shared>> -> memref<128x144xf32, #tpu.memory_space<vmem_shared>>
      tpu.wait_dma2 semaphore(%run_scoped3A : memref<!tpu.dma_semaphore, #tpu.memory_space<semaphore_mem>>) src(%dma_wait3A_112 : memref<128x144xf32, #tpu.memory_space<vmem_shared>>) dst(%dma_wait3A_110 : memref<128x144xf32, #tpu.memory_space<hbm>>)
      tpu.yield
    }) : () -> ()
    %mul3A_85 = arith.constant 640 : i32
    %mul3A_86 = arith.muli %arg1, %mul3A_85 : i32
    %add3A_87 = arith.constant 128 : i32
    %add3A_88 = arith.addi %mul3A_86, %add3A_87 : i32
    "tpu.region"() ({
      %run_scoped3A = tpu.sem_alloc : memref<!tpu.dma_semaphore, #tpu.memory_space<semaphore_mem>>
      %dma_start3A = arith.constant 0 : i32
      %dma_start3A_105 = tpu.memref_slice %arg8[%arg0, %add3A_88, %dma_start3A] : memref<2x10240x144xf32, #tpu.memory_space<hbm>> -> memref<1x128x144xf32, #tpu.memory_space<hbm>>
      %dma_start3A_106 = tpu.memref_squeeze %dma_start3A_105 : memref<1x128x144xf32, #tpu.memory_space<hbm>> -> memref<128x144xf32, #tpu.memory_space<hbm>>
      %dma_start3A_107 = arith.constant 0 : i32
      %dma_start3A_108 = tpu.memref_slice %arg14[%add3A_88, %dma_start3A_107] : memref<10240x144xf32, #tpu.memory_space<vmem_shared>> -> memref<128x144xf32, #tpu.memory_space<vmem_shared>>
      tpu.enqueue_dma source(%dma_start3A_108 : memref<128x144xf32, #tpu.memory_space<vmem_shared>>) target(%dma_start3A_106 : memref<128x144xf32, #tpu.memory_space<hbm>>) target_semaphore(%run_scoped3A : memref<!tpu.dma_semaphore, #tpu.memory_space<semaphore_mem>>)
      %dma_wait3A = arith.constant 0 : i32
      %dma_wait3A_109 = tpu.memref_slice %arg8[%arg0, %add3A_88, %dma_wait3A] : memref<2x10240x144xf32, #tpu.memory_space<hbm>> -> memref<1x128x144xf32, #tpu.memory_space<hbm>>
      %dma_wait3A_110 = tpu.memref_squeeze %dma_wait3A_109 : memref<1x128x144xf32, #tpu.memory_space<hbm>> -> memref<128x144xf32, #tpu.memory_space<hbm>>
      %dma_wait3A_111 = arith.constant 0 : i32
      %dma_wait3A_112 = tpu.memref_slice %arg14[%add3A_88, %dma_wait3A_111] : memref<10240x144xf32, #tpu.memory_space<vmem_shared>> -> memref<128x144xf32, #tpu.memory_space<vmem_shared>>
      tpu.wait_dma2 semaphore(%run_scoped3A : memref<!tpu.dma_semaphore, #tpu.memory_space<semaphore_mem>>) src(%dma_wait3A_112 : memref<128x144xf32, #tpu.memory_space<vmem_shared>>) dst(%dma_wait3A_110 : memref<128x144xf32, #tpu.memory_space<hbm>>)
      tpu.yield
    }) : () -> ()
    %mul3A_89 = arith.constant 640 : i32
    %mul3A_90 = arith.muli %arg1, %mul3A_89 : i32
    %add3A_91 = arith.constant 256 : i32
    %add3A_92 = arith.addi %mul3A_90, %add3A_91 : i32
    "tpu.region"() ({
      %run_scoped3A = tpu.sem_alloc : memref<!tpu.dma_semaphore, #tpu.memory_space<semaphore_mem>>
      %dma_start3A = arith.constant 0 : i32
      %dma_start3A_105 = tpu.memref_slice %arg8[%arg0, %add3A_92, %dma_start3A] : memref<2x10240x144xf32, #tpu.memory_space<hbm>> -> memref<1x128x144xf32, #tpu.memory_space<hbm>>
      %dma_start3A_106 = tpu.memref_squeeze %dma_start3A_105 : memref<1x128x144xf32, #tpu.memory_space<hbm>> -> memref<128x144xf32, #tpu.memory_space<hbm>>
      %dma_start3A_107 = arith.constant 0 : i32
      %dma_start3A_108 = tpu.memref_slice %arg14[%add3A_92, %dma_start3A_107] : memref<10240x144xf32, #tpu.memory_space<vmem_shared>> -> memref<128x144xf32, #tpu.memory_space<vmem_shared>>
      tpu.enqueue_dma source(%dma_start3A_108 : memref<128x144xf32, #tpu.memory_space<vmem_shared>>) target(%dma_start3A_106 : memref<128x144xf32, #tpu.memory_space<hbm>>) target_semaphore(%run_scoped3A : memref<!tpu.dma_semaphore, #tpu.memory_space<semaphore_mem>>)
      %dma_wait3A = arith.constant 0 : i32
      %dma_wait3A_109 = tpu.memref_slice %arg8[%arg0, %add3A_92, %dma_wait3A] : memref<2x10240x144xf32, #tpu.memory_space<hbm>> -> memref<1x128x144xf32, #tpu.memory_space<hbm>>
      %dma_wait3A_110 = tpu.memref_squeeze %dma_wait3A_109 : memref<1x128x144xf32, #tpu.memory_space<hbm>> -> memref<128x144xf32, #tpu.memory_space<hbm>>
      %dma_wait3A_111 = arith.constant 0 : i32
      %dma_wait3A_112 = tpu.memref_slice %arg14[%add3A_92, %dma_wait3A_111] : memref<10240x144xf32, #tpu.memory_space<vmem_shared>> -> memref<128x144xf32, #tpu.memory_space<vmem_shared>>
      tpu.wait_dma2 semaphore(%run_scoped3A : memref<!tpu.dma_semaphore, #tpu.memory_space<semaphore_mem>>) src(%dma_wait3A_112 : memref<128x144xf32, #tpu.memory_space<vmem_shared>>) dst(%dma_wait3A_110 : memref<128x144xf32, #tpu.memory_space<hbm>>)
      tpu.yield
    }) : () -> ()
    %mul3A_93 = arith.constant 640 : i32
    %mul3A_94 = arith.muli %arg1, %mul3A_93 : i32
    %add3A_95 = arith.constant 384 : i32
    %add3A_96 = arith.addi %mul3A_94, %add3A_95 : i32
    "tpu.region"() ({
      %run_scoped3A = tpu.sem_alloc : memref<!tpu.dma_semaphore, #tpu.memory_space<semaphore_mem>>
      %dma_start3A = arith.constant 0 : i32
      %dma_start3A_105 = tpu.memref_slice %arg8[%arg0, %add3A_96, %dma_start3A] : memref<2x10240x144xf32, #tpu.memory_space<hbm>> -> memref<1x128x144xf32, #tpu.memory_space<hbm>>
      %dma_start3A_106 = tpu.memref_squeeze %dma_start3A_105 : memref<1x128x144xf32, #tpu.memory_space<hbm>> -> memref<128x144xf32, #tpu.memory_space<hbm>>
      %dma_start3A_107 = arith.constant 0 : i32
      %dma_start3A_108 = tpu.memref_slice %arg14[%add3A_96, %dma_start3A_107] : memref<10240x144xf32, #tpu.memory_space<vmem_shared>> -> memref<128x144xf32, #tpu.memory_space<vmem_shared>>
      tpu.enqueue_dma source(%dma_start3A_108 : memref<128x144xf32, #tpu.memory_space<vmem_shared>>) target(%dma_start3A_106 : memref<128x144xf32, #tpu.memory_space<hbm>>) target_semaphore(%run_scoped3A : memref<!tpu.dma_semaphore, #tpu.memory_space<semaphore_mem>>)
      %dma_wait3A = arith.constant 0 : i32
      %dma_wait3A_109 = tpu.memref_slice %arg8[%arg0, %add3A_96, %dma_wait3A] : memref<2x10240x144xf32, #tpu.memory_space<hbm>> -> memref<1x128x144xf32, #tpu.memory_space<hbm>>
      %dma_wait3A_110 = tpu.memref_squeeze %dma_wait3A_109 : memref<1x128x144xf32, #tpu.memory_space<hbm>> -> memref<128x144xf32, #tpu.memory_space<hbm>>
      %dma_wait3A_111 = arith.constant 0 : i32
      %dma_wait3A_112 = tpu.memref_slice %arg14[%add3A_96, %dma_wait3A_111] : memref<10240x144xf32, #tpu.memory_space<vmem_shared>> -> memref<128x144xf32, #tpu.memory_space<vmem_shared>>
      tpu.wait_dma2 semaphore(%run_scoped3A : memref<!tpu.dma_semaphore, #tpu.memory_space<semaphore_mem>>) src(%dma_wait3A_112 : memref<128x144xf32, #tpu.memory_space<vmem_shared>>) dst(%dma_wait3A_110 : memref<128x144xf32, #tpu.memory_space<hbm>>)
      tpu.yield
    }) : () -> ()
    %mul3A_97 = arith.constant 640 : i32
    %mul3A_98 = arith.muli %arg1, %mul3A_97 : i32
    %add3A_99 = arith.constant 512 : i32
    %add3A_100 = arith.addi %mul3A_98, %add3A_99 : i32
    "tpu.region"() ({
      %run_scoped3A = tpu.sem_alloc : memref<!tpu.dma_semaphore, #tpu.memory_space<semaphore_mem>>
      %dma_start3A = arith.constant 0 : i32
      %dma_start3A_105 = tpu.memref_slice %arg8[%arg0, %add3A_100, %dma_start3A] : memref<2x10240x144xf32, #tpu.memory_space<hbm>> -> memref<1x128x144xf32, #tpu.memory_space<hbm>>
      %dma_start3A_106 = tpu.memref_squeeze %dma_start3A_105 : memref<1x128x144xf32, #tpu.memory_space<hbm>> -> memref<128x144xf32, #tpu.memory_space<hbm>>
      %dma_start3A_107 = arith.constant 0 : i32
      %dma_start3A_108 = tpu.memref_slice %arg14[%add3A_100, %dma_start3A_107] : memref<10240x144xf32, #tpu.memory_space<vmem_shared>> -> memref<128x144xf32, #tpu.memory_space<vmem_shared>>
      tpu.enqueue_dma source(%dma_start3A_108 : memref<128x144xf32, #tpu.memory_space<vmem_shared>>) target(%dma_start3A_106 : memref<128x144xf32, #tpu.memory_space<hbm>>) target_semaphore(%run_scoped3A : memref<!tpu.dma_semaphore, #tpu.memory_space<semaphore_mem>>)
      %dma_wait3A = arith.constant 0 : i32
      %dma_wait3A_109 = tpu.memref_slice %arg8[%arg0, %add3A_100, %dma_wait3A] : memref<2x10240x144xf32, #tpu.memory_space<hbm>> -> memref<1x128x144xf32, #tpu.memory_space<hbm>>
      %dma_wait3A_110 = tpu.memref_squeeze %dma_wait3A_109 : memref<1x128x144xf32, #tpu.memory_space<hbm>> -> memref<128x144xf32, #tpu.memory_space<hbm>>
      %dma_wait3A_111 = arith.constant 0 : i32
      %dma_wait3A_112 = tpu.memref_slice %arg14[%add3A_100, %dma_wait3A_111] : memref<10240x144xf32, #tpu.memory_space<vmem_shared>> -> memref<128x144xf32, #tpu.memory_space<vmem_shared>>
      tpu.wait_dma2 semaphore(%run_scoped3A : memref<!tpu.dma_semaphore, #tpu.memory_space<semaphore_mem>>) src(%dma_wait3A_112 : memref<128x144xf32, #tpu.memory_space<vmem_shared>>) dst(%dma_wait3A_110 : memref<128x144xf32, #tpu.memory_space<hbm>>)
      tpu.yield
    }) : () -> ()
    %mul3A_101 = arith.constant 32 : i32
    %mul3A_102 = arith.muli %arg1, %mul3A_101 : i32
    %mul3A_103 = arith.constant 32 : i32
    %mul3A_104 = arith.muli %arg1, %mul3A_103 : i32
    "tpu.region"() ({
      %run_scoped3A = tpu.sem_alloc : memref<!tpu.dma_semaphore, #tpu.memory_space<semaphore_mem>>
      %dma_start3A = arith.constant 0 : i32
      %dma_start3A_105 = tpu.memref_slice %arg9[%arg0, %mul3A_104, %dma_start3A] : memref<2x512x144xf32, #tpu.memory_space<hbm>> -> memref<1x32x144xf32, #tpu.memory_space<hbm>>
      %dma_start3A_106 = tpu.memref_squeeze %dma_start3A_105 : memref<1x32x144xf32, #tpu.memory_space<hbm>> -> memref<32x144xf32, #tpu.memory_space<hbm>>
      %dma_start3A_107 = arith.constant 0 : i32
      %dma_start3A_108 = tpu.memref_slice %arg15[%mul3A_102, %dma_start3A_107] : memref<512x144xf32, #tpu.memory_space<vmem_shared>> -> memref<32x144xf32, #tpu.memory_space<vmem_shared>>
      tpu.enqueue_dma source(%dma_start3A_108 : memref<32x144xf32, #tpu.memory_space<vmem_shared>>) target(%dma_start3A_106 : memref<32x144xf32, #tpu.memory_space<hbm>>) target_semaphore(%run_scoped3A : memref<!tpu.dma_semaphore, #tpu.memory_space<semaphore_mem>>)
      %dma_wait3A = arith.constant 0 : i32
      %dma_wait3A_109 = tpu.memref_slice %arg9[%arg0, %mul3A_104, %dma_wait3A] : memref<2x512x144xf32, #tpu.memory_space<hbm>> -> memref<1x32x144xf32, #tpu.memory_space<hbm>>
      %dma_wait3A_110 = tpu.memref_squeeze %dma_wait3A_109 : memref<1x32x144xf32, #tpu.memory_space<hbm>> -> memref<32x144xf32, #tpu.memory_space<hbm>>
      %dma_wait3A_111 = arith.constant 0 : i32
      %dma_wait3A_112 = tpu.memref_slice %arg15[%mul3A_102, %dma_wait3A_111] : memref<512x144xf32, #tpu.memory_space<vmem_shared>> -> memref<32x144xf32, #tpu.memory_space<vmem_shared>>
      tpu.wait_dma2 semaphore(%run_scoped3A : memref<!tpu.dma_semaphore, #tpu.memory_space<semaphore_mem>>) src(%dma_wait3A_112 : memref<32x144xf32, #tpu.memory_space<vmem_shared>>) dst(%dma_wait3A_110 : memref<32x144xf32, #tpu.memory_space<hbm>>)
      tpu.yield
    }) : () -> ()
    return
  }
}

module attributes {stable_mosaic.version = 14 : i64} {
  func.func @_mm_kernel(%arg0: i32, %arg1: memref<1024x128xf32, #tpu.memory_space<vmem>>, %arg2: memref<128x144xf32, #tpu.memory_space<vmem>>, %arg3: memref<1024x144xf32, #tpu.memory_space<vmem>>) attributes {dimension_semantics = [#tpu.dimension_semantics<arbitrary>], iteration_bounds = array<i64: 157>, scalar_prefetch = 0 : i64, scratch_operands = 0 : i64, tpu.core_type = #tpu.core_type<tc>, window_params = [{transform_indices = @transform_0, window_bounds = array<i64: 1024, 128>}, {pipeline_mode = #tpu.pipeline_mode<synchronous>, transform_indices = @transform_1, window_bounds = array<i64: 128, 144>}, {transform_indices = @transform_2, window_bounds = array<i64: 1024, 144>}]} {
    %get3A = arith.constant 0 : index
    %get3A_0 = arith.constant 0 : index
    %get3A_1 = vector.load %arg1[%get3A, %get3A_0] : memref<1024x128xf32, #tpu.memory_space<vmem>>, vector<1024x128xf32>
    %get3A_2 = arith.constant 0 : index
    %get3A_3 = arith.constant 0 : index
    %get3A_4 = vector.load %arg2[%get3A_2, %get3A_3] : memref<128x144xf32, #tpu.memory_space<vmem>>, vector<128x144xf32>
    %dot_general3A = arith.constant dense<0.000000e+00> : vector<1024x144xf32>
    %dot_general3A_5 = tpu.matmul %get3A_1, %get3A_4, %dot_general3A {dimension_numbers = #tpu.dot_dimension_numbers<[1], [0], [0], [1], [0, 0, 1, 1], [], []>, transpose_lhs_hint = false} : vector<1024x128xf32>, vector<128x144xf32>, vector<1024x144xf32> -> vector<1024x144xf32>
    %swap3A = arith.constant 0 : index
    %swap3A_6 = arith.constant 0 : index
    %swap3A_7 = vector.load %arg3[%swap3A, %swap3A_6] : memref<1024x144xf32, #tpu.memory_space<vmem>>, vector<1024x144xf32>
    tpu.vector_store %arg3[%swap3A, %swap3A_6], %dot_general3A_5 {strides = array<i32>} : memref<1024x144xf32, #tpu.memory_space<vmem>>, vector<1024x144xf32>,
    return
  }
  func.func @transform_0(%arg0: i32) -> (i32, i32) {
    %c0_i32 = arith.constant 0 : i32
    %c0_i32_0 = arith.constant 0 : i32
    return %arg0, %c0_i32 : i32, i32
  }
  func.func @transform_1(%arg0: i32) -> (i32, i32) {
    %c0_i32 = arith.constant 0 : i32
    %c0_i32_0 = arith.constant 0 : i32
    %c0_i32_1 = arith.constant 0 : i32
    return %c0_i32, %c0_i32_0 : i32, i32
  }
  func.func @transform_2(%arg0: i32) -> (i32, i32) {
    %c0_i32 = arith.constant 0 : i32
    %c0_i32_0 = arith.constant 0 : i32
    return %arg0, %c0_i32 : i32, i32
  }
}

module attributes {stable_mosaic.version = 14 : i64} {
  func.func @_mm_kernel(%arg0: i32, %arg1: memref<1024x128xf32, #tpu.memory_space<vmem>>, %arg2: memref<128x144xf32, #tpu.memory_space<vmem>>, %arg3: memref<1024x144xf32, #tpu.memory_space<vmem>>) attributes {dimension_semantics = [#tpu.dimension_semantics<arbitrary>], iteration_bounds = array<i64: 10>, scalar_prefetch = 0 : i64, scratch_operands = 0 : i64, tpu.core_type = #tpu.core_type<tc>, window_params = [{transform_indices = @transform_0, window_bounds = array<i64: 1024, 128>}, {pipeline_mode = #tpu.pipeline_mode<synchronous>, transform_indices = @transform_1, window_bounds = array<i64: 128, 144>}, {transform_indices = @transform_2, window_bounds = array<i64: 1024, 144>}]} {
    %get3A = arith.constant 0 : index
    %get3A_0 = arith.constant 0 : index
    %get3A_1 = vector.load %arg1[%get3A, %get3A_0] : memref<1024x128xf32, #tpu.memory_space<vmem>>, vector<1024x128xf32>
    %get3A_2 = arith.constant 0 : index
    %get3A_3 = arith.constant 0 : index
    %get3A_4 = vector.load %arg2[%get3A_2, %get3A_3] : memref<128x144xf32, #tpu.memory_space<vmem>>, vector<128x144xf32>
    %dot_general3A = arith.constant dense<0.000000e+00> : vector<1024x144xf32>
    %dot_general3A_5 = tpu.matmul %get3A_1, %get3A_4, %dot_general3A {dimension_numbers = #tpu.dot_dimension_numbers<[1], [0], [0], [1], [0, 0, 1, 1], [], []>, transpose_lhs_hint = false} : vector<1024x128xf32>, vector<128x144xf32>, vector<1024x144xf32> -> vector<1024x144xf32>
    %swap3A = arith.constant 0 : index
    %swap3A_6 = arith.constant 0 : index
    %swap3A_7 = vector.load %arg3[%swap3A, %swap3A_6] : memref<1024x144xf32, #tpu.memory_space<vmem>>, vector<1024x144xf32>
    tpu.vector_store %arg3[%swap3A, %swap3A_6], %dot_general3A_5 {strides = array<i32>} : memref<1024x144xf32, #tpu.memory_space<vmem>>, vector<1024x144xf32>,
    return
  }
  func.func @transform_0(%arg0: i32) -> (i32, i32) {
    %c0_i32 = arith.constant 0 : i32
    %c0_i32_0 = arith.constant 0 : i32
    return %arg0, %c0_i32 : i32, i32
  }
  func.func @transform_1(%arg0: i32) -> (i32, i32) {
    %c0_i32 = arith.constant 0 : i32
    %c0_i32_0 = arith.constant 0 : i32
    %c0_i32_1 = arith.constant 0 : i32
    return %c0_i32, %c0_i32_0 : i32, i32
  }
  func.func @transform_2(%arg0: i32) -> (i32, i32) {
    %c0_i32 = arith.constant 0 : i32
    %c0_i32_0 = arith.constant 0 : i32
    return %arg0, %c0_i32 : i32, i32
  }
}

module attributes {stable_mosaic.version = 14 : i64} {
  func.func @_mm_kernel(%arg0: i32, %arg1: memref<1024x128xf32, #tpu.memory_space<vmem>>, %arg2: memref<128x144xf32, #tpu.memory_space<vmem>>, %arg3: memref<1024x144xf32, #tpu.memory_space<vmem>>) attributes {dimension_semantics = [#tpu.dimension_semantics<arbitrary>], iteration_bounds = array<i64: 1>, scalar_prefetch = 0 : i64, scratch_operands = 0 : i64, tpu.core_type = #tpu.core_type<tc>, window_params = [{transform_indices = @transform_0, window_bounds = array<i64: 1024, 128>}, {pipeline_mode = #tpu.pipeline_mode<synchronous>, transform_indices = @transform_1, window_bounds = array<i64: 128, 144>}, {transform_indices = @transform_2, window_bounds = array<i64: 1024, 144>}]} {
    %get3A = arith.constant 0 : index
    %get3A_0 = arith.constant 0 : index
    %get3A_1 = vector.load %arg1[%get3A, %get3A_0] : memref<1024x128xf32, #tpu.memory_space<vmem>>, vector<1024x128xf32>
    %get3A_2 = arith.constant 0 : index
    %get3A_3 = arith.constant 0 : index
    %get3A_4 = vector.load %arg2[%get3A_2, %get3A_3] : memref<128x144xf32, #tpu.memory_space<vmem>>, vector<128x144xf32>
    %dot_general3A = arith.constant dense<0.000000e+00> : vector<1024x144xf32>
    %dot_general3A_5 = tpu.matmul %get3A_1, %get3A_4, %dot_general3A {dimension_numbers = #tpu.dot_dimension_numbers<[1], [0], [0], [1], [0, 0, 1, 1], [], []>, transpose_lhs_hint = false} : vector<1024x128xf32>, vector<128x144xf32>, vector<1024x144xf32> -> vector<1024x144xf32>
    %swap3A = arith.constant 0 : index
    %swap3A_6 = arith.constant 0 : index
    %swap3A_7 = vector.load %arg3[%swap3A, %swap3A_6] : memref<1024x144xf32, #tpu.memory_space<vmem>>, vector<1024x144xf32>
    tpu.vector_store %arg3[%swap3A, %swap3A_6], %dot_general3A_5 {strides = array<i32>} : memref<1024x144xf32, #tpu.memory_space<vmem>>, vector<1024x144xf32>,
    return
  }
  func.func @transform_0(%arg0: i32) -> (i32, i32) {
    %c0_i32 = arith.constant 0 : i32
    %c0_i32_0 = arith.constant 0 : i32
    return %arg0, %c0_i32 : i32, i32
  }
  func.func @transform_1(%arg0: i32) -> (i32, i32) {
    %c0_i32 = arith.constant 0 : i32
    %c0_i32_0 = arith.constant 0 : i32
    %c0_i32_1 = arith.constant 0 : i32
    return %c0_i32, %c0_i32_0 : i32, i32
  }
  func.func @transform_2(%arg0: i32) -> (i32, i32) {
    %c0_i32 = arith.constant 0 : i32
    %c0_i32_0 = arith.constant 0 : i32
    return %arg0, %c0_i32 : i32, i32
  }
}

module attributes {stable_mosaic.version = 14 : i64} {
  func.func @_mm_kernel(%arg0: i32, %arg1: memref<1024x128xf32, #tpu.memory_space<vmem>>, %arg2: memref<128x256xf32, #tpu.memory_space<vmem>>, %arg3: memref<1024x256xf32, #tpu.memory_space<vmem>>) attributes {dimension_semantics = [#tpu.dimension_semantics<arbitrary>], iteration_bounds = array<i64: 1>, scalar_prefetch = 0 : i64, scratch_operands = 0 : i64, tpu.core_type = #tpu.core_type<tc>, window_params = [{transform_indices = @transform_0, window_bounds = array<i64: 1024, 128>}, {pipeline_mode = #tpu.pipeline_mode<synchronous>, transform_indices = @transform_1, window_bounds = array<i64: 128, 256>}, {transform_indices = @transform_2, window_bounds = array<i64: 1024, 256>}]} {
    %get3A = arith.constant 0 : index
    %get3A_0 = arith.constant 0 : index
    %get3A_1 = vector.load %arg1[%get3A, %get3A_0] : memref<1024x128xf32, #tpu.memory_space<vmem>>, vector<1024x128xf32>
    %get3A_2 = arith.constant 0 : index
    %get3A_3 = arith.constant 0 : index
    %get3A_4 = vector.load %arg2[%get3A_2, %get3A_3] : memref<128x256xf32, #tpu.memory_space<vmem>>, vector<128x256xf32>
    %dot_general3A = arith.constant dense<0.000000e+00> : vector<1024x256xf32>
    %dot_general3A_5 = tpu.matmul %get3A_1, %get3A_4, %dot_general3A {dimension_numbers = #tpu.dot_dimension_numbers<[1], [0], [0], [1], [0, 0, 1, 1], [], []>, transpose_lhs_hint = false} : vector<1024x128xf32>, vector<128x256xf32>, vector<1024x256xf32> -> vector<1024x256xf32>
    %swap3A = arith.constant 0 : index
    %swap3A_6 = arith.constant 0 : index
    %swap3A_7 = vector.load %arg3[%swap3A, %swap3A_6] : memref<1024x256xf32, #tpu.memory_space<vmem>>, vector<1024x256xf32>
    tpu.vector_store %arg3[%swap3A, %swap3A_6], %dot_general3A_5 {strides = array<i32>} : memref<1024x256xf32, #tpu.memory_space<vmem>>, vector<1024x256xf32>,
    return
  }
  func.func @transform_0(%arg0: i32) -> (i32, i32) {
    %c0_i32 = arith.constant 0 : i32
    %c0_i32_0 = arith.constant 0 : i32
    return %arg0, %c0_i32 : i32, i32
  }
  func.func @transform_1(%arg0: i32) -> (i32, i32) {
    %c0_i32 = arith.constant 0 : i32
    %c0_i32_0 = arith.constant 0 : i32
    %c0_i32_1 = arith.constant 0 : i32
    return %c0_i32, %c0_i32_0 : i32, i32
  }
  func.func @transform_2(%arg0: i32) -> (i32, i32) {
    %c0_i32 = arith.constant 0 : i32
    %c0_i32_0 = arith.constant 0 : i32
    return %arg0, %c0_i32 : i32, i32
  }
}

module attributes {stable_mosaic.version = 14 : i64} {
  func.func @_mm_kernel(%arg0: i32, %arg1: memref<1024x256xf32, #tpu.memory_space<vmem>>, %arg2: memref<256x144xf32, #tpu.memory_space<vmem>>, %arg3: memref<1024x144xf32, #tpu.memory_space<vmem>>) attributes {dimension_semantics = [#tpu.dimension_semantics<arbitrary>], iteration_bounds = array<i64: 1>, scalar_prefetch = 0 : i64, scratch_operands = 0 : i64, tpu.core_type = #tpu.core_type<tc>, window_params = [{transform_indices = @transform_0, window_bounds = array<i64: 1024, 256>}, {pipeline_mode = #tpu.pipeline_mode<synchronous>, transform_indices = @transform_1, window_bounds = array<i64: 256, 144>}, {transform_indices = @transform_2, window_bounds = array<i64: 1024, 144>}]} {
    %get3A = arith.constant 0 : index
    %get3A_0 = arith.constant 0 : index
    %get3A_1 = vector.load %arg1[%get3A, %get3A_0] : memref<1024x256xf32, #tpu.memory_space<vmem>>, vector<1024x256xf32>
    %get3A_2 = arith.constant 0 : index
    %get3A_3 = arith.constant 0 : index
    %get3A_4 = vector.load %arg2[%get3A_2, %get3A_3] : memref<256x144xf32, #tpu.memory_space<vmem>>, vector<256x144xf32>
    %dot_general3A = arith.constant dense<0.000000e+00> : vector<1024x144xf32>
    %dot_general3A_5 = tpu.matmul %get3A_1, %get3A_4, %dot_general3A {dimension_numbers = #tpu.dot_dimension_numbers<[1], [0], [0], [1], [0, 0, 1, 1], [], []>, transpose_lhs_hint = false} : vector<1024x256xf32>, vector<256x144xf32>, vector<1024x144xf32> -> vector<1024x144xf32>
    %swap3A = arith.constant 0 : index
    %swap3A_6 = arith.constant 0 : index
    %swap3A_7 = vector.load %arg3[%swap3A, %swap3A_6] : memref<1024x144xf32, #tpu.memory_space<vmem>>, vector<1024x144xf32>
    tpu.vector_store %arg3[%swap3A, %swap3A_6], %dot_general3A_5 {strides = array<i32>} : memref<1024x144xf32, #tpu.memory_space<vmem>>, vector<1024x144xf32>,
    return
  }
  func.func @transform_0(%arg0: i32) -> (i32, i32) {
    %c0_i32 = arith.constant 0 : i32
    %c0_i32_0 = arith.constant 0 : i32
    return %arg0, %c0_i32 : i32, i32
  }
  func.func @transform_1(%arg0: i32) -> (i32, i32) {
    %c0_i32 = arith.constant 0 : i32
    %c0_i32_0 = arith.constant 0 : i32
    %c0_i32_1 = arith.constant 0 : i32
    return %c0_i32, %c0_i32_0 : i32, i32
  }
  func.func @transform_2(%arg0: i32) -> (i32, i32) {
    %c0_i32 = arith.constant 0 : i32
    %c0_i32_0 = arith.constant 0 : i32
    return %arg0, %c0_i32 : i32, i32
  }
}

module attributes {stable_mosaic.version = 14 : i64} {
  func.func @_combine_kernel(%arg0: i32, %arg1: memref<2x512x144xf32, #tpu.memory_space<vmem>>, %arg2: memref<2x512x144xf32, #tpu.memory_space<vmem>>, %arg3: memref<512x256xf32, #tpu.memory_space<vmem>>) attributes {dimension_semantics = [#tpu.dimension_semantics<arbitrary>], iteration_bounds = array<i64: 20>, scalar_prefetch = 0 : i64, scratch_operands = 0 : i64, tpu.core_type = #tpu.core_type<tc>, window_params = [{transform_indices = @transform_0, window_bounds = array<i64: 2, 512, 144>}, {transform_indices = @transform_1, window_bounds = array<i64: 2, 512, 144>}, {transform_indices = @transform_2, window_bounds = array<i64: 512, 256>}]} {
    %get3A = arith.constant 0 : index
    %get3A_0 = arith.constant 0 : index
    %get3A_1 = arith.constant 0 : index
    %get3A_2 = vector.load %arg1[%get3A, %get3A_0, %get3A_1] : memref<2x512x144xf32, #tpu.memory_space<vmem>>, vector<1x512x128xf32>
    %get3A_3 = vector.shape_cast %get3A_2 : vector<1x512x128xf32> to vector<512x128xf32>
    %get3A_4 = arith.constant 1 : index
    %get3A_5 = arith.constant 0 : index
    %get3A_6 = arith.constant 0 : index
    %get3A_7 = vector.load %arg1[%get3A_4, %get3A_5, %get3A_6] : memref<2x512x144xf32, #tpu.memory_space<vmem>>, vector<1x512x128xf32>
    %get3A_8 = vector.shape_cast %get3A_7 : vector<1x512x128xf32> to vector<512x128xf32>
    %add3A = arith.addf %get3A_3, %get3A_8 : vector<512x128xf32>
    %get3A_9 = arith.constant 0 : index
    %get3A_10 = arith.constant 0 : index
    %get3A_11 = arith.constant 128 : index
    %get3A_12 = vector.load %arg1[%get3A_9, %get3A_10, %get3A_11] : memref<2x512x144xf32, #tpu.memory_space<vmem>>, vector<1x512x1xf32>
    %get3A_13 = vector.shape_cast %get3A_12 : vector<1x512x1xf32> to vector<512x1xf32>
    %get3A_14 = arith.constant 1 : index
    %get3A_15 = arith.constant 0 : index
    %get3A_16 = arith.constant 128 : index
    %get3A_17 = vector.load %arg1[%get3A_14, %get3A_15, %get3A_16] : memref<2x512x144xf32, #tpu.memory_space<vmem>>, vector<1x512x1xf32>
    %get3A_18 = vector.shape_cast %get3A_17 : vector<1x512x1xf32> to vector<512x1xf32>
    %add3A_19 = arith.addf %get3A_13, %get3A_18 : vector<512x1xf32>
    %eq3A = arith.constant 0.000000e+00 : f32
    %eq3A_20 = vector.broadcast %eq3A : f32 to vector<512x1xf32>
    %eq3A_21 = arith.cmpf oeq, %add3A_19, %eq3A_20 : vector<512x1xf32>
    %jit3A = arith.constant 9.99999996E-13 : f32
    %broadcast_in_dim3A = vector.broadcast %jit3A : f32 to vector<512x1xf32>
    %select_n3A = arith.select %eq3A_21, %broadcast_in_dim3A, %add3A_19 : vector<512x1xi1>, vector<512x1xf32>
    %div3A = vector.broadcast %select_n3A : vector<512x1xf32> to vector<512x128xf32>
    %div3A_22 = arith.divf %add3A, %div3A : vector<512x128xf32>
    %gt3A = arith.constant 0.000000e+00 : f32
    %gt3A_23 = vector.broadcast %gt3A : f32 to vector<512x128xf32>
    %gt3A_24 = arith.cmpf ogt, %div3A_22, %gt3A_23 : vector<512x128xf32>
    %exp3A = math.exp %div3A_22 : vector<512x128xf32>
    %sub3A = arith.constant 1.000000e+00 : f32
    %sub3A_25 = vector.broadcast %sub3A : f32 to vector<512x128xf32>
    %sub3A_26 = arith.subf %exp3A, %sub3A_25 : vector<512x128xf32>
    %select_n3A_27 = arith.select %gt3A_24, %div3A_22, %sub3A_26 : vector<512x128xi1>, vector<512x128xf32>
    %swap3A = arith.constant 0 : index
    %swap3A_28 = arith.constant 0 : index
    %swap3A_29 = vector.load %arg3[%swap3A, %swap3A_28] : memref<512x256xf32, #tpu.memory_space<vmem>>, vector<512x128xf32>
    tpu.vector_store %arg3[%swap3A, %swap3A_28], %select_n3A_27 {strides = array<i32>} : memref<512x256xf32, #tpu.memory_space<vmem>>, vector<512x128xf32>,
    %get3A_30 = arith.constant 0 : index
    %get3A_31 = arith.constant 0 : index
    %get3A_32 = arith.constant 0 : index
    %get3A_33 = vector.load %arg2[%get3A_30, %get3A_31, %get3A_32] : memref<2x512x144xf32, #tpu.memory_space<vmem>>, vector<1x512x128xf32>
    %get3A_34 = vector.shape_cast %get3A_33 : vector<1x512x128xf32> to vector<512x128xf32>
    %get3A_35 = arith.constant 1 : index
    %get3A_36 = arith.constant 0 : index
    %get3A_37 = arith.constant 0 : index
    %get3A_38 = vector.load %arg2[%get3A_35, %get3A_36, %get3A_37] : memref<2x512x144xf32, #tpu.memory_space<vmem>>, vector<1x512x128xf32>
    %get3A_39 = vector.shape_cast %get3A_38 : vector<1x512x128xf32> to vector<512x128xf32>
    %add3A_40 = arith.addf %get3A_34, %get3A_39 : vector<512x128xf32>
    %get3A_41 = arith.constant 0 : index
    %get3A_42 = arith.constant 0 : index
    %get3A_43 = arith.constant 128 : index
    %get3A_44 = vector.load %arg2[%get3A_41, %get3A_42, %get3A_43] : memref<2x512x144xf32, #tpu.memory_space<vmem>>, vector<1x512x1xf32>
    %get3A_45 = vector.shape_cast %get3A_44 : vector<1x512x1xf32> to vector<512x1xf32>
    %get3A_46 = arith.constant 1 : index
    %get3A_47 = arith.constant 0 : index
    %get3A_48 = arith.constant 128 : index
    %get3A_49 = vector.load %arg2[%get3A_46, %get3A_47, %get3A_48] : memref<2x512x144xf32, #tpu.memory_space<vmem>>, vector<1x512x1xf32>
    %get3A_50 = vector.shape_cast %get3A_49 : vector<1x512x1xf32> to vector<512x1xf32>
    %add3A_51 = arith.addf %get3A_45, %get3A_50 : vector<512x1xf32>
    %eq3A_52 = arith.constant 0.000000e+00 : f32
    %eq3A_53 = vector.broadcast %eq3A_52 : f32 to vector<512x1xf32>
    %eq3A_54 = arith.cmpf oeq, %add3A_51, %eq3A_53 : vector<512x1xf32>
    %jit3A_55 = arith.constant 9.99999996E-13 : f32
    %broadcast_in_dim3A_56 = vector.broadcast %jit3A_55 : f32 to vector<512x1xf32>
    %select_n3A_57 = arith.select %eq3A_54, %broadcast_in_dim3A_56, %add3A_51 : vector<512x1xi1>, vector<512x1xf32>
    %div3A_58 = vector.broadcast %select_n3A_57 : vector<512x1xf32> to vector<512x128xf32>
    %div3A_59 = arith.divf %add3A_40, %div3A_58 : vector<512x128xf32>
    %gt3A_60 = arith.constant 0.000000e+00 : f32
    %gt3A_61 = vector.broadcast %gt3A_60 : f32 to vector<512x128xf32>
    %gt3A_62 = arith.cmpf ogt, %div3A_59, %gt3A_61 : vector<512x128xf32>
    %exp3A_63 = math.exp %div3A_59 : vector<512x128xf32>
    %sub3A_64 = arith.constant 1.000000e+00 : f32
    %sub3A_65 = vector.broadcast %sub3A_64 : f32 to vector<512x128xf32>
    %sub3A_66 = arith.subf %exp3A_63, %sub3A_65 : vector<512x128xf32>
    %select_n3A_67 = arith.select %gt3A_62, %div3A_59, %sub3A_66 : vector<512x128xi1>, vector<512x128xf32>
    %swap3A_68 = arith.constant 0 : index
    %swap3A_69 = arith.constant 128 : index
    %swap3A_70 = vector.load %arg3[%swap3A_68, %swap3A_69] : memref<512x256xf32, #tpu.memory_space<vmem>>, vector<512x128xf32>
    tpu.vector_store %arg3[%swap3A_68, %swap3A_69], %select_n3A_67 {strides = array<i32>} : memref<512x256xf32, #tpu.memory_space<vmem>>, vector<512x128xf32>,
    return
  }
  func.func @transform_0(%arg0: i32) -> (i32, i32, i32) {
    %c0_i32 = arith.constant 0 : i32
    %c0_i32_0 = arith.constant 0 : i32
    %c0_i32_1 = arith.constant 0 : i32
    return %c0_i32, %arg0, %c0_i32_0 : i32, i32, i32
  }
  func.func @transform_1(%arg0: i32) -> (i32, i32, i32) {
    %c0_i32 = arith.constant 0 : i32
    %c0_i32_0 = arith.constant 0 : i32
    %c0_i32_1 = arith.constant 0 : i32
    return %c0_i32, %arg0, %c0_i32_0 : i32, i32, i32
  }
  func.func @transform_2(%arg0: i32) -> (i32, i32) {
    %c0_i32 = arith.constant 0 : i32
    %c0_i32_0 = arith.constant 0 : i32
    return %arg0, %c0_i32 : i32, i32
  }
}

module attributes {stable_mosaic.version = 14 : i64} {
  func.func @_mm_kernel(%arg0: i32, %arg1: memref<1024x256xf32, #tpu.memory_space<vmem>>, %arg2: memref<256x144xf32, #tpu.memory_space<vmem>>, %arg3: memref<1024x144xf32, #tpu.memory_space<vmem>>) attributes {dimension_semantics = [#tpu.dimension_semantics<arbitrary>], iteration_bounds = array<i64: 10>, scalar_prefetch = 0 : i64, scratch_operands = 0 : i64, tpu.core_type = #tpu.core_type<tc>, window_params = [{transform_indices = @transform_0, window_bounds = array<i64: 1024, 256>}, {pipeline_mode = #tpu.pipeline_mode<synchronous>, transform_indices = @transform_1, window_bounds = array<i64: 256, 144>}, {transform_indices = @transform_2, window_bounds = array<i64: 1024, 144>}]} {
    %get3A = arith.constant 0 : index
    %get3A_0 = arith.constant 0 : index
    %get3A_1 = vector.load %arg1[%get3A, %get3A_0] : memref<1024x256xf32, #tpu.memory_space<vmem>>, vector<1024x256xf32>
    %get3A_2 = arith.constant 0 : index
    %get3A_3 = arith.constant 0 : index
    %get3A_4 = vector.load %arg2[%get3A_2, %get3A_3] : memref<256x144xf32, #tpu.memory_space<vmem>>, vector<256x144xf32>
    %dot_general3A = arith.constant dense<0.000000e+00> : vector<1024x144xf32>
    %dot_general3A_5 = tpu.matmul %get3A_1, %get3A_4, %dot_general3A {dimension_numbers = #tpu.dot_dimension_numbers<[1], [0], [0], [1], [0, 0, 1, 1], [], []>, transpose_lhs_hint = false} : vector<1024x256xf32>, vector<256x144xf32>, vector<1024x144xf32> -> vector<1024x144xf32>
    %swap3A = arith.constant 0 : index
    %swap3A_6 = arith.constant 0 : index
    %swap3A_7 = vector.load %arg3[%swap3A, %swap3A_6] : memref<1024x144xf32, #tpu.memory_space<vmem>>, vector<1024x144xf32>
    tpu.vector_store %arg3[%swap3A, %swap3A_6], %dot_general3A_5 {strides = array<i32>} : memref<1024x144xf32, #tpu.memory_space<vmem>>, vector<1024x144xf32>,
    return
  }
  func.func @transform_0(%arg0: i32) -> (i32, i32) {
    %c0_i32 = arith.constant 0 : i32
    %c0_i32_0 = arith.constant 0 : i32
    return %arg0, %c0_i32 : i32, i32
  }
  func.func @transform_1(%arg0: i32) -> (i32, i32) {
    %c0_i32 = arith.constant 0 : i32
    %c0_i32_0 = arith.constant 0 : i32
    %c0_i32_1 = arith.constant 0 : i32
    return %c0_i32, %c0_i32_0 : i32, i32
  }
  func.func @transform_2(%arg0: i32) -> (i32, i32) {
    %c0_i32 = arith.constant 0 : i32
    %c0_i32_0 = arith.constant 0 : i32
    return %arg0, %c0_i32 : i32, i32
  }
}

module attributes {stable_mosaic.version = 14 : i64} {
  func.func @_combine_kernel(%arg0: i32, %arg1: memref<2x512x144xf32, #tpu.memory_space<vmem>>, %arg2: memref<2x512x144xf32, #tpu.memory_space<vmem>>, %arg3: memref<512x256xf32, #tpu.memory_space<vmem>>) attributes {dimension_semantics = [#tpu.dimension_semantics<arbitrary>], iteration_bounds = array<i64: 1>, scalar_prefetch = 0 : i64, scratch_operands = 0 : i64, tpu.core_type = #tpu.core_type<tc>, window_params = [{transform_indices = @transform_0, window_bounds = array<i64: 2, 512, 144>}, {transform_indices = @transform_1, window_bounds = array<i64: 2, 512, 144>}, {transform_indices = @transform_2, window_bounds = array<i64: 512, 256>}]} {
    %get3A = arith.constant 0 : index
    %get3A_0 = arith.constant 0 : index
    %get3A_1 = arith.constant 0 : index
    %get3A_2 = vector.load %arg1[%get3A, %get3A_0, %get3A_1] : memref<2x512x144xf32, #tpu.memory_space<vmem>>, vector<1x512x128xf32>
    %get3A_3 = vector.shape_cast %get3A_2 : vector<1x512x128xf32> to vector<512x128xf32>
    %get3A_4 = arith.constant 1 : index
    %get3A_5 = arith.constant 0 : index
    %get3A_6 = arith.constant 0 : index
    %get3A_7 = vector.load %arg1[%get3A_4, %get3A_5, %get3A_6] : memref<2x512x144xf32, #tpu.memory_space<vmem>>, vector<1x512x128xf32>
    %get3A_8 = vector.shape_cast %get3A_7 : vector<1x512x128xf32> to vector<512x128xf32>
    %add3A = arith.addf %get3A_3, %get3A_8 : vector<512x128xf32>
    %get3A_9 = arith.constant 0 : index
    %get3A_10 = arith.constant 0 : index
    %get3A_11 = arith.constant 128 : index
    %get3A_12 = vector.load %arg1[%get3A_9, %get3A_10, %get3A_11] : memref<2x512x144xf32, #tpu.memory_space<vmem>>, vector<1x512x1xf32>
    %get3A_13 = vector.shape_cast %get3A_12 : vector<1x512x1xf32> to vector<512x1xf32>
    %get3A_14 = arith.constant 1 : index
    %get3A_15 = arith.constant 0 : index
    %get3A_16 = arith.constant 128 : index
    %get3A_17 = vector.load %arg1[%get3A_14, %get3A_15, %get3A_16] : memref<2x512x144xf32, #tpu.memory_space<vmem>>, vector<1x512x1xf32>
    %get3A_18 = vector.shape_cast %get3A_17 : vector<1x512x1xf32> to vector<512x1xf32>
    %add3A_19 = arith.addf %get3A_13, %get3A_18 : vector<512x1xf32>
    %eq3A = arith.constant 0.000000e+00 : f32
    %eq3A_20 = vector.broadcast %eq3A : f32 to vector<512x1xf32>
    %eq3A_21 = arith.cmpf oeq, %add3A_19, %eq3A_20 : vector<512x1xf32>
    %jit3A = arith.constant 9.99999996E-13 : f32
    %broadcast_in_dim3A = vector.broadcast %jit3A : f32 to vector<512x1xf32>
    %select_n3A = arith.select %eq3A_21, %broadcast_in_dim3A, %add3A_19 : vector<512x1xi1>, vector<512x1xf32>
    %div3A = vector.broadcast %select_n3A : vector<512x1xf32> to vector<512x128xf32>
    %div3A_22 = arith.divf %add3A, %div3A : vector<512x128xf32>
    %gt3A = arith.constant 0.000000e+00 : f32
    %gt3A_23 = vector.broadcast %gt3A : f32 to vector<512x128xf32>
    %gt3A_24 = arith.cmpf ogt, %div3A_22, %gt3A_23 : vector<512x128xf32>
    %exp3A = math.exp %div3A_22 : vector<512x128xf32>
    %sub3A = arith.constant 1.000000e+00 : f32
    %sub3A_25 = vector.broadcast %sub3A : f32 to vector<512x128xf32>
    %sub3A_26 = arith.subf %exp3A, %sub3A_25 : vector<512x128xf32>
    %select_n3A_27 = arith.select %gt3A_24, %div3A_22, %sub3A_26 : vector<512x128xi1>, vector<512x128xf32>
    %swap3A = arith.constant 0 : index
    %swap3A_28 = arith.constant 0 : index
    %swap3A_29 = vector.load %arg3[%swap3A, %swap3A_28] : memref<512x256xf32, #tpu.memory_space<vmem>>, vector<512x128xf32>
    tpu.vector_store %arg3[%swap3A, %swap3A_28], %select_n3A_27 {strides = array<i32>} : memref<512x256xf32, #tpu.memory_space<vmem>>, vector<512x128xf32>,
    %get3A_30 = arith.constant 0 : index
    %get3A_31 = arith.constant 0 : index
    %get3A_32 = arith.constant 0 : index
    %get3A_33 = vector.load %arg2[%get3A_30, %get3A_31, %get3A_32] : memref<2x512x144xf32, #tpu.memory_space<vmem>>, vector<1x512x128xf32>
    %get3A_34 = vector.shape_cast %get3A_33 : vector<1x512x128xf32> to vector<512x128xf32>
    %get3A_35 = arith.constant 1 : index
    %get3A_36 = arith.constant 0 : index
    %get3A_37 = arith.constant 0 : index
    %get3A_38 = vector.load %arg2[%get3A_35, %get3A_36, %get3A_37] : memref<2x512x144xf32, #tpu.memory_space<vmem>>, vector<1x512x128xf32>
    %get3A_39 = vector.shape_cast %get3A_38 : vector<1x512x128xf32> to vector<512x128xf32>
    %add3A_40 = arith.addf %get3A_34, %get3A_39 : vector<512x128xf32>
    %get3A_41 = arith.constant 0 : index
    %get3A_42 = arith.constant 0 : index
    %get3A_43 = arith.constant 128 : index
    %get3A_44 = vector.load %arg2[%get3A_41, %get3A_42, %get3A_43] : memref<2x512x144xf32, #tpu.memory_space<vmem>>, vector<1x512x1xf32>
    %get3A_45 = vector.shape_cast %get3A_44 : vector<1x512x1xf32> to vector<512x1xf32>
    %get3A_46 = arith.constant 1 : index
    %get3A_47 = arith.constant 0 : index
    %get3A_48 = arith.constant 128 : index
    %get3A_49 = vector.load %arg2[%get3A_46, %get3A_47, %get3A_48] : memref<2x512x144xf32, #tpu.memory_space<vmem>>, vector<1x512x1xf32>
    %get3A_50 = vector.shape_cast %get3A_49 : vector<1x512x1xf32> to vector<512x1xf32>
    %add3A_51 = arith.addf %get3A_45, %get3A_50 : vector<512x1xf32>
    %eq3A_52 = arith.constant 0.000000e+00 : f32
    %eq3A_53 = vector.broadcast %eq3A_52 : f32 to vector<512x1xf32>
    %eq3A_54 = arith.cmpf oeq, %add3A_51, %eq3A_53 : vector<512x1xf32>
    %jit3A_55 = arith.constant 9.99999996E-13 : f32
    %broadcast_in_dim3A_56 = vector.broadcast %jit3A_55 : f32 to vector<512x1xf32>
    %select_n3A_57 = arith.select %eq3A_54, %broadcast_in_dim3A_56, %add3A_51 : vector<512x1xi1>, vector<512x1xf32>
    %div3A_58 = vector.broadcast %select_n3A_57 : vector<512x1xf32> to vector<512x128xf32>
    %div3A_59 = arith.divf %add3A_40, %div3A_58 : vector<512x128xf32>
    %gt3A_60 = arith.constant 0.000000e+00 : f32
    %gt3A_61 = vector.broadcast %gt3A_60 : f32 to vector<512x128xf32>
    %gt3A_62 = arith.cmpf ogt, %div3A_59, %gt3A_61 : vector<512x128xf32>
    %exp3A_63 = math.exp %div3A_59 : vector<512x128xf32>
    %sub3A_64 = arith.constant 1.000000e+00 : f32
    %sub3A_65 = vector.broadcast %sub3A_64 : f32 to vector<512x128xf32>
    %sub3A_66 = arith.subf %exp3A_63, %sub3A_65 : vector<512x128xf32>
    %select_n3A_67 = arith.select %gt3A_62, %div3A_59, %sub3A_66 : vector<512x128xi1>, vector<512x128xf32>
    %swap3A_68 = arith.constant 0 : index
    %swap3A_69 = arith.constant 128 : index
    %swap3A_70 = vector.load %arg3[%swap3A_68, %swap3A_69] : memref<512x256xf32, #tpu.memory_space<vmem>>, vector<512x128xf32>
    tpu.vector_store %arg3[%swap3A_68, %swap3A_69], %select_n3A_67 {strides = array<i32>} : memref<512x256xf32, #tpu.memory_space<vmem>>, vector<512x128xf32>,
    return
  }
  func.func @transform_0(%arg0: i32) -> (i32, i32, i32) {
    %c0_i32 = arith.constant 0 : i32
    %c0_i32_0 = arith.constant 0 : i32
    %c0_i32_1 = arith.constant 0 : i32
    return %c0_i32, %arg0, %c0_i32_0 : i32, i32, i32
  }
  func.func @transform_1(%arg0: i32) -> (i32, i32, i32) {
    %c0_i32 = arith.constant 0 : i32
    %c0_i32_0 = arith.constant 0 : i32
    %c0_i32_1 = arith.constant 0 : i32
    return %c0_i32, %arg0, %c0_i32_0 : i32, i32, i32
  }
  func.func @transform_2(%arg0: i32) -> (i32, i32) {
    %c0_i32 = arith.constant 0 : i32
    %c0_i32_0 = arith.constant 0 : i32
    return %arg0, %c0_i32 : i32, i32
  }
}

</mosaic_0001>

<sc_bundles>
// kernel: kernel.23.cloned.1.call-start
scs
__scs_entry_jumppad:
0x0: {  	(pc) =	sbr.rel $0x88, $3  }
0x1: {  	(tag) =	ssettag $0x0;
	lr =	simm.s32 $0x1  }
0x2: {  	[smem:$0x3F94] =	sst lr;
	_ =	strace $0xD0000000  }
0x3: {  	_ = 	snop  }
0x4: {  	_ = 	snop  }
0x5: {  	_ = 	snop  }
0x6: {  	_ = 	snop  }
0x7: {  	_ = 	snop  }
__scs_overlays_trampoline_lowered:
0x8: {  	[smem:$0x3FA3] =	sst s0  }
0x9: {  	[smem:$0x3FA4] =	sst s1  }
0xa: {  	[smem:$0x3FA5] =	sst s2  }
0xb: {  	[smem:$0x3FA6] =	sst s3  }
0xc: {  	[smem:$0x3FA7] =	sst s4  }
0xd: {  	[smem:$0x3FA8] =	sst s5  }
0xe: {  	[smem:$0x3FA9] =	sst s6  }
0xf: {  	[smem:$0x3FAA] =	sst s7  }
0x10: {  	[smem:$0x3FAB] =	sst s8  }
0x11: {  	[smem:$0x3FAC] =	sst s9;
	s0 =	simm.s32 @!p0 $0x0  }
0x12: {  	s1 =	sld [smem:$0x3F92];
	s0 =	simm.s32 @p0 $0x1  }
0x13: {  	[smem:$0x3FAD] =	sst s0;
	s0 =	simm.s32 @!p1 $0x0  }
0x14: {  	s2 =	sld [smem:$0x3F91];
	s0 =	simm.s32 @p1 $0x1  }
0x15: {  	[smem:$0x3FAE] =	sst s0;
	s0 =	simm.s32 @!p2 $0x0  }
0x16: {  	s3 =	sld [smem:$0x3FDB];
	s0 =	simm.s32 @p2 $0x1  }
0x17: {  	s4 =	simm.s32 $0x1BF5;
	[smem:$0x3FB0] =	sst s0  }
0x18: {  	s0 =	sld [smem:$0x3F93];
	_ =	swait.ge [sflag:s4], $0x0  }
0x19: {  	s7 =	sld [smem:$0x3F94]  }
0x1a: {  	s8 =	sadd.s32 $0xFFFFE003, lr  }
0x1b: {  	s9 =	sadd.s32 $0xFFFFFEF7, lr;
	s5 =	simm.s32 $0xFFFFFFFF;
	p2 =	slt.u32 s8, $0xFFFFF086  }
0x1c: {  	p1 =	slt.u32 s9, $0xF7A;
	s5 =	simm.s32 @!p2 $0x0  }
0x1d: {  	s5 =	simm.s32 @p1 $0x1;
	p0 =	seq.s32 s7, s2  }
0x1e: {  	s7 =	smul.u32 @!p0 $0xF7A, s2;
	p2 =	seq.s32 @!p0 s5, $0x0  }
0x1f: {  	s9 =	smul.u32 $0xF7A, s1;
	s8 =	simm.s32 @!p0 $0x1BF5;
	p2 =	por !p2, p0  }
0x20: {  	[sflag:s8] =	ssyncset.s32 @!p0 $0xFFFFF086;
	s6 =	sadd.s32 @!p0 s3, s7;
	s7 =	simm.s32 @!p0 $0x108  }
0x21: {  	s3 =	sadd.s32 s3, s9;
	s6 =	sadd.s32 @!p0 $0x88, s6;
	s7 =	simm.s32 @p2 $0x1082  }
0x22: {  	[simem:s7], [sflag:s8] =	dma.local @!p0 [hbm:s6], $0xF7A  }
0x23: {  	s9 =	sor.u32 $0xD0000000, s2;
	s6 =	simm.s32 $0x108;
	_ =	swait.ge @!p0 [sflag:s8], $0x0  }
0x24: {  	s3 =	sadd.s32 $0x88, s3;
	s6 =	simm.s32 @!p1 $0x1082;
	[sflag:s4] =	ssyncset.s32 $0xFFFFF086  }
0x25: {  	[simem:s6], [sflag:s4] =	dma.local [hbm:s3], $0xF7A  }
0x26: {  	[smem:$0x3F94] =	sst s1;
	(tag) =	ssettag s2;
	_ =	strace s9  }
0x27: {  	s1 =	sld [smem:$0x3FA4]  }
0x28: {  	s2 =	sld [smem:$0x3FA5]  }
0x29: {  	s4 =	sld [smem:$0x3FA7]  }
0x2a: {  	p0 =	seq.s32 s5, $0x0;
	s5 =	sld [smem:$0x3FA8]  }
0x2b: {  	s6 =	sld [smem:$0x3FA9]  }
0x2c: {  	s7 =	sld [smem:$0x3FAA]  }
0x2d: {  	s3 =	simm.s32 $0x108;
	s8 =	sld [smem:$0x3FAB]  }
0x2e: {  	s3 =	simm.s32 @!p0 $0x1082;
	s9 =	sld [smem:$0x3FAC]  }
0x2f: {  	lr =	sadd.s32 s0, s3;
	s0 =	sld [smem:$0x3FA3]  }
0x30: {  	s3 =	sld [smem:$0x3FA6]  }
0x31: {  	[smem:$0x3FAF] =	sst s10  }
0x32: {  	s10 =	sld [smem:$0x3FAD];
	_ =	sdelay $0x3  }
0x33: {  	p0 =	seq.s32 s10, $0x1;
	s10 =	sld [smem:$0x3FAF];
	_ =	sdelay $0x3  }
0x34: {  	[smem:$0x3FAF] =	sst s10  }
0x35: {  	s10 =	sld [smem:$0x3FAE];
	_ =	sdelay $0x3  }
0x36: {  	p1 =	seq.s32 s10, $0x1;
	s10 =	sld [smem:$0x3FAF];
	_ =	sdelay $0x3  }
0x37: {  	[smem:$0x3FAF] =	sst s10  }
0x38: {  	s10 =	sld [smem:$0x3FB0]  }
0x39: {  	_ = 	snop;
	(pc) =	sbr.ind lr, $3  }
0x3a: {  	_ = 	snop  }
0x3b: {  	_ = 	snop  }
0x3c: {  	p2 =	seq.s32 s10, $0x1;
	s10 =	sld [smem:$0x3FAF]  }
0x3d: {  	_ =	shalt  }
0x3e: {  	_ =	shalt  }
0x3f: {  	_ =	shalt  }
0x40: {  	_ =	shalt  }
0x41: {  	_ =	shalt  }
0x42: {  	_ =	shalt  }
0x43: {  	_ =	shalt  }
0x44: {  	_ =	shalt  }
0x45: {  	_ =	shalt  }
0x46: {  	_ =	shalt  }
0x47: {  	_ =	shalt  }
0x48: {  	_ =	shalt  }
0x49: {  	_ =	shalt  }
0x4a: {  	_ =	shalt  }
0x4b: {  	_ =	shalt  }
0x4c: {  	_ =	shalt  }
0x4d: {  	_ =	shalt  }
0x4e: {  	_ =	shalt  }
0x4f: {  	_ =	shalt  }
0x50: {  	_ =	shalt  }
0x51: {  	_ =	shalt  }
0x52: {  	_ =	shalt  }
0x53: {  	_ =	shalt  }
0x54: {  	_ =	shalt  }
0x55: {  	_ =	shalt  }
0x56: {  	_ =	shalt  }
0x57: {  	_ =	shalt  }
0x58: {  	_ =	shalt  }
0x59: {  	_ =	shalt  }
0x5a: {  	_ =	shalt  }
0x5b: {  	_ =	shalt  }
0x5c: {  	_ =	shalt  }
0x5d: {  	_ =	shalt  }
0x5e: {  	_ =	shalt  }
0x5f: {  	_ =	shalt  }
0x60: {  	_ =	shalt  }
0x61: {  	_ =	shalt  }
0x62: {  	_ =	shalt  }
0x63: {  	_ =	shalt  }
0x64: {  	_ =	shalt  }
0x65: {  	_ =	shalt  }
0x66: {  	_ =	shalt  }
0x67: {  	_ =	shalt  }
0x68: {  	_ =	shalt  }
0x69: {  	_ =	shalt  }
0x6a: {  	_ =	shalt  }
0x6b: {  	_ =	shalt  }
0x6c: {  	_ =	shalt  }
0x6d: {  	_ =	shalt  }
0x6e: {  	_ =	shalt  }
0x6f: {  	_ =	shalt  }
0x70: {  	_ =	shalt  }
0x71: {  	_ =	shalt  }
0x72: {  	_ =	shalt  }
0x73: {  	_ =	shalt  }
0x74: {  	_ =	shalt  }
0x75: {  	_ =	shalt  }
0x76: {  	_ =	shalt  }
0x77: {  	_ =	shalt  }
0x78: {  	_ =	shalt  }
0x79: {  	_ =	shalt  }
0x7a: {  	_ =	shalt  }
0x7b: {  	_ =	shalt  }
0x7c: {  	_ =	shalt  }
0x7d: {  	_ =	shalt  }
0x7e: {  	_ =	shalt  }
0x7f: {  	_ =	shalt  }
0x80: {  	_ =	shalt  }
0x81: {  	_ =	shalt  }
0x82: {  	_ =	shalt  }
0x83: {  	_ =	shalt  }
0x84: {  	_ =	shalt  }
0x85: {  	_ =	shalt  }
0x86: {  	_ =	shalt  }
0x87: {  	_ =	shalt  }
.Lfunc_end0:
.L_simem_size_0:
called_computation_lowered:
.L_overlay_start_0:
0x88: {  	s2 =	sld [smem:$0x3FD9]  }
0x89: {  	s3 =	sld [smem:$0x3FFE];
	_ =	sdelay $0x1  }
0x8a: {  	s1 =	srdreg.scid  }
0x8b: {  	s0 =	sand.u32 $0x1, s1  }
0x8c: {  	s15 =	sshll.u32 s0, $0xA;
	s2 =	sadd.s32 s3, s2  }
0x8d: {  	s2 =	sadd.s32 s2, s15  }
0x8e: {  	[smem:$0x3FBB] =	sst s2  }
0x8f: {  	_ = 	snop  }
0x90: {  	s2 =	sld [smem:$0x3FD0];
	_ =	sdelay $0x2  }
0x91: {  	s4 =	simm.s32 $0xB;
	s16 =	simm.s32 $0x10  }
0x92: {  	[smem:s16], [sflag:s4] =	dma.local [hbm:s2], $0x1  }
0x93: {  	_ =	swait.eq [sflag:s4], $0x1  }
0x94: {  	[sflag:s4] =	ssyncset.done $0x0  }
0x95: {  	s17 =	sld [smem:$0x10];
	[sflag:s4] =	ssyncadd.s32 $0xFFFFFFFF  }
0x96: {  	s18 =	sld [smem:$0x11];
	(tm) =	ssettm $0x1  }
0x97: {  	s19 =	sld [smem:$0x3FFB];
	_ =	sdelay $0x3  }
0x98: {  	_ =	strace s19  }
0x99: {  	s2 =	sld [smem:$0x3FFC];
	_ =	sdelay $0x3  }
0x9a: {  	_ =	strace s2  }
0x9b: {  	s2 =	sld [smem:$0x3FFD];
	_ =	sdelay $0x3  }
0x9c: {  	_ =	strace s2  }
0x9d: {  	_ =	strace $0x8FFFFFFF  }
0x9e: {  	s20 =	sld [smem:$0x3FDB];
	_ =	sdelay $0x1  }
0x9f: {  	s5 =	simm.s32 $_scs_section_size  }
0xa0: {  	s6 =	simm.s32 $_size__tile_overlayer_lowered;
	s7 =	simm.s32 $_tile_overlayer_lowered  }
0xa1: {  	s8 =	simm.s32 $0x1BFF;
	s21 =	sshll.u32 s7, $0x1;
	s5 =	sadd.s32 s5, s20  }
0xa2: {  	s22 =	simm.s32 $0x0;
	s6 =	sshll.u32 s6, $0x1;
	s7 =	sadd.s32 s21, s5  }
0xa3: {  	[timem:s22], [sflag:s8] =	dma.local [hbm:s7], s6  }
0xa4: {  	_ =	swait.ge [sflag:s8], s6  }
0xa5: {  	s6 =	ssub.s32 $0x0, s6;
	[sflag:s8] =	ssyncset.done $0x0  }
0xa6: {  	[sflag:s8] =	ssyncadd.s32 s6;
	_ =	sdelay $0x1  }
0xa7: {  	s23 =	simm.s32 $0x1B8B  }
0xa8: {  	_ =	swait.ge [sflag:s23], $0x1  }
0xa9: {  	[sflag:s23] =	ssyncset.done $0x0  }
0xaa: {  	[sflag:s23] =	ssyncadd.s32 $0xFFFFFFFF  }
0xab: {  	s6 =	sld [smem:$0x0]  }
0xac: {  	s7 =	sand.u32 $0xFFFFFFFE, s1  }
0xad: {  	p0 =	sne.s32 s1, s7  }
0xae: {  	s7 =	sshll.u32 @p0 s7, $0xE  }
0xaf: {  	s7 =	sadd.s32 @p0 $0x11B8D, s7;
	s8 =	sshll.u32 @p0 s6, $0x11  }
0xb0: {  	s7 =	sor.u32 @p0 s8, s7  }
0xb1: {  	[sflag:s7] =	ssyncadd.remote.s32 @p0 $0x1;
	_ =	sdelay $0x1  }
0xb2: {  	s7 =	simm.s32 @p0 $0x1B8D  }
0xb3: {  	_ =	swait.eq @p0 [sflag:s7], $0x1  }
0xb4: {  	[sflag:s7] =	ssyncadd.s32 @p0 $0xFFFFFFFF  }
0xb5: {  	s8 =	sshll.u32 @!p0 s1, $0xE  }
0xb6: {  	s8 =	sor.u32 @!p0 $0x4000, s8;
	s7 =	simm.s32 @!p0 $0x1B8D  }
0xb7: {  	s6 =	sshll.u32 @!p0 s6, $0x11;
	s8 =	sadd.s32 @!p0 $0x11B8D, s8;
	_ =	swait.eq @!p0 [sflag:s7], $0x1  }
0xb8: {  	s6 =	sor.u32 @!p0 s6, s8;
	[sflag:s7] =	ssyncadd.s32 @!p0 $0xFFFFFFFF  }
0xb9: {  	s25 =	simm.s32 $0x1B8E;
	s24 =	sld [smem:$0x3FFE];
	[sflag:s6] =	ssyncadd.remote.s32 @!p0 $0x1  }
0xba: {  	s26 =	simm.s32 $execute0_lowered;
	[smem:$0x3FD2] =	sst s25  }
0xbb: {  	s7 =	sshll.u32 s26, $0x1;
	_ =	strace $0x80000049;
	[dreg:$0x1] =	wrdreg $0xFFFFFFFF  }
0xbc: {  	s28 =	simm.s32 $_size_execute0_lowered;
	s5 =	sadd.s32 s5, s7;
	[dreg:$0x0] =	wrdreg $0x0  }
0xbd: {  	s7 =	sshll.u32 s28, $0x1;
	[dreg:$0x2] =	wrdreg s5  }
0xbe: {  	[dreg:$0x3] =	wrdreg s7  }
0xbf: {  	[dreg:$0x4] =	wrdreg $0xC0  }
0xc0: {  	_ =	task [dreg:s22], $0x5FFFF  }
0xc1: {  	[dreg:$0x1] =	wrdreg $0xFFFFFFFF  }
0xc2: {  	[dreg:$0x0] =	wrdreg $0x60  }
0xc3: {  	[dreg:$0x2] =	wrdreg s24  }
0xc4: {  	[dreg:$0x3] =	wrdreg s17  }
0xc5: {  	[dreg:$0x4] =	wrdreg s18  }
0xc6: {  	[dreg:$0x5] =	wrdreg $0x49800  }
0xc7: {  	[dreg:$0x6] =	wrdreg $0x1B1800  }
0xc8: {  	[dreg:$0x7] =	wrdreg $0x9  }
0xc9: {  	_ =	task.clear_ibuf [dreg:s22], $0x8FFFF;
	_ =	strace $0x90000049  }
0xca: {  	s29 =	simm.s32 $0x9;
	_ =	strace $0x8000004B  }
0xcb: {  	_ =	swait.ge [sflag:s29], $0x1  }
0xcc: {  	[sflag:s29] =	ssyncadd.s32 $0xFFFFFFFF  }
0xcd: {  	_ =	strace $0x9000004B  }
0xce: {  	_ =	sfence  }
0xcf: {  	s30 =	sld [smem:$0x0];
	_ =	sdelay $0x2  }
0xd0: {  	s31 =	sshll.u32 s1, $0xD;
	s1 =	sshrl.u32 s1, $0x2  }
0xd1: {  	s4 =	sand.u32 $0x4000, s31;
	s1 =	sadd.s32 s1, s30  }
0xd2: {  	s0 =	sor.u32 s4, s0;
	s1 =	sshll.u32 s1, $0x11  }
0xd3: {  	s0 =	sor.u32 s1, s0  }
0xd4: {  	s0 =	sadd.s32 $0x8F2B, s0  }
0xd5: {  	[sflag:s0] =	ssyncadd.remote.s32 $0x1  }
0xd6: {  	_ =	sfence.sel $0xFFFF  }
0xd7: {  	[dreg:$0x0] =	wrdreg $0xFFFFFFFF;
	(pc) =	sbr.abs _section_cstart, $3  }
0xd8: {  	[dreg:$0x1] =	wrdreg $0xFFFFFFFF  }
0xd9: {  	_ =	task.clear_ibuf [dreg:s22], $0x2FFFF;
	_ =	strace $0x9FFFFFFF  }
0xda: {  	(tm) =	ssettm $0x7FFFFFFF  }
0xdb: {  	_ =	shalt  }
tec
execute0_lowered:
.L_overlay_start_1:
0x0: {  	(tag) =	ssettag $0x1  }
0x1: {  	s0 =	rddreg [dreg:$0x0]  }
0x2: {  	s1 =	rddreg [dreg:$0x1]  }
0x3: {  	s2 =	rddreg [dreg:$0x2]  }
0x4: {  	s3 =	rddreg [dreg:$0x3]  }
0x5: {  	s5 =	rddreg [dreg:$0x4]  }
0x6: {  	s6 =	simm.s32 $0x0;
	s4 =	srdreg.scid;
	s14 =	stileid.u32  }
0x7: {  	s28 =	simm.s32 $0x1;
	s29 =	simm.s32 $0x80;
	s30 =	simm.s32 $0x100  }
0x8: {  	s31 =	simm.s32 $0x0;
	[smem:$0x7FF] =	sst s6;
	s4 =	sand.u32 $0x1, s4  }
0x9: {  	s16 =	smul.u32 $0x1200, s14;
	s7 =	sadd.s32 $0x3DE00, s0;
	s8 =	sadd.s32 $0x38E00, s0  }
0xa: {  	s9 =	sadd.s32 $0x5800, s0;
	s17 =	sadd.s32 $0x360800, s0;
	s15 =	smul.u32 $0x16800, s14  }
0xb: {  	s10 =	sadd.s32 $0xA1600, s0;
	_ =	strace $0x8000004A;
	s11 =	smul.u32 $0x12000, s4  }
0xc: {  	s12 =	ssub.s32 $0x2, s4;
	s23 =	sshll.u32 s4, $0x4;
	s4 =	smul.u32 $0x168000, s4  }
0xd: {  	s13 =	sshrl.u32 s12, $0x1;
	s18 =	sadd.s32 $0x4800, s15;
	s19 =	sadd.s32 $0x9000, s15  }
0xe: {  	s20 =	sadd.s32 $0xD800, s15;
	s21 =	sadd.s32 $0x12000, s15;
	s11 =	sadd.s32 s16, s11  }
0xf: {  	s25 =	ssub.s32 s12, s13;
	s12 =	sadd.s32 s18, s3;
	s13 =	sadd.s32 s19, s3  }
0x10: {  	s18 =	sadd.s32 s4, s18;
	s19 =	sadd.s32 s4, s19;
	s16 =	sadd.s32 s16, s5  }
0x11: {  	s11 =	sshrl.u32 s11, $0x3;
	s18 =	sshrl.u32 s18, $0x3;
	s25 =	smax.u32 s25, $0x1  }
0x12: {  	s22 =	sadd.s32 s11, s0;
	s0 =	sor.u32 s14, s23;
	s11 =	sadd.s32 s15, s3  }
0x13: {  	s14 =	sadd.s32 s20, s3;
	s23 =	sadd.s32 s15, s4;
	s20 =	sadd.s32 s4, s20  }
0x14: {  	s4 =	sadd.s32 s4, s21;
	s15 =	sadd.s32 s21, s3;
	s21 =	sshrl.u32 s19, $0x3  }
0x15: {  	s24 =	sshrl.u32 s23, $0x3;
	s23 =	smul.u32 $0x4E2, s0;
	s0 =	sadd.s32 s17, s18  }
.Ltmp0:
0x16: {  	s20 =	sshrl.u32 s20, $0x3;
	s19 =	sadd.s32 s17, s21;
	(pc) =	sbr.rel .LBB2_1-.Ltmp0, $4  }
0x17: {  	s26 =	sadd.s32 s17, s24;
	[dreg:$0x7] =	wrdreg s0;
	s20 =	sadd.s32 s17, s20  }
0x18: {  	s24 =	sshrl.u32 s4, $0x3;
	[dreg:$0x6] =	wrdreg s26;
	s26 =	sadd.s32 $0x4E2, s23  }
0x19: {  	s21 =	sadd.s32 s17, s24;
	s0 =	sshrl.u32 s23, $0x5;
	s23 =	sshrl.u32 s26, $0x5  }
0x1a: {  	v0 =	vimm.f32 $0.0e+00;
	s24 =	sadd.s32 $0x3BA800, s22;
	s26 =	simm.s32 $0x180;
	p0 =	sge.u32 s0, s23  }
.LBB2_7:
0x1b: {  	s4 =	stileid.u32  }
0x1c: {  	[bflag:$0x0] =	sbarrier.arrive $0xFFFF;
	s4 =	sshll.u32 s4, $0x6  }
0x1d: {  	s17 =	sshrl.u32 s11, $0x3;
	s18 =	rddreg [dreg:$0x6];
	s4 =	sor.u32 $0x1C01, s4  }
0x1e: {  	[hbm:s18], [sflag:s4] =	dma.local [spmem:s17], $0x900  }
0x1f: {  	_ =	swait.ge [sflag:s28], $0x900  }
0x20: {  	[sflag:s28] =	ssyncset.done $0x0  }
0x21: {  	s18 =	sshrl.u32 s12, $0x3;
	s22 =	rddreg [dreg:$0x7];
	[sflag:s28] =	ssyncadd.s32 $0xFFFFF700  }
0x22: {  	[hbm:s22], [sflag:s4] =	dma.local [spmem:s18], $0x900  }
0x23: {  	_ =	swait.ge [sflag:s28], $0x900  }
0x24: {  	[sflag:s28] =	ssyncset.done $0x0  }
0x25: {  	s18 =	sshrl.u32 s13, $0x3;
	[sflag:s28] =	ssyncadd.s32 $0xFFFFF700  }
0x26: {  	[hbm:s19], [sflag:s4] =	dma.local [spmem:s18], $0x900  }
0x27: {  	_ =	swait.ge [sflag:s28], $0x900  }
0x28: {  	[sflag:s28] =	ssyncset.done $0x0  }
0x29: {  	s22 =	sshrl.u32 s14, $0x3;
	[sflag:s28] =	ssyncadd.s32 $0xFFFFF700  }
0x2a: {  	[hbm:s20], [sflag:s4] =	dma.local [spmem:s22], $0x900  }
0x2b: {  	_ =	swait.ge [sflag:s28], $0x900  }
0x2c: {  	[sflag:s28] =	ssyncset.done $0x0  }
0x2d: {  	s18 =	sshrl.u32 s15, $0x3;
	[sflag:s28] =	ssyncadd.s32 $0xFFFFF700  }
0x2e: {  	[hbm:s21], [sflag:s4] =	dma.local [spmem:s18], $0x900  }
0x2f: {  	s31 =	sadd.s32 $0x1, s31;
	_ =	swait.ge [sflag:s28], $0x900  }
0x30: {  	p1 =	sne.s32 s31, s25;
	[sflag:s28] =	ssyncset.done $0x0  }
.Ltmp1:
0x31: {  	s22 =	sshrl.u32 s16, $0x3;
	[sflag:s28] =	ssyncadd.s32 $0xFFFFF700;
	(pc) =	sbr.rel @!p1 .LBB2_8-.Ltmp1, $4  }
0x32: {  	[hbm:s24], [sflag:s4] =	dma.local [spmem:s22], $0x240  }
0x33: {  	_ =	swait.ge [sflag:s28], $0x240  }
0x34: {  	[sflag:s28] =	ssyncset.done $0x0  }
0x35: {  	[sflag:s28] =	ssyncadd.s32 $0xFFFFFDC0  }
.LBB2_1:
0x36: {  	s4 =	simm.s32 $0x0;
	s17 =	simm.s32 $0x240  }
.LBB2_2:
0x37: {  	p1 =	sne.s32 s17, $0x11DC0;
	[tilespmem:s4+$0x200] =	vst v0  }
0x38: {  	[tilespmem:s4+$0x180] =	vst v0  }
0x39: {  	[tilespmem:s4+$0x190] =	vst v0  }
0x3a: {  	[tilespmem:s4+$0x1A0] =	vst v0  }
.Ltmp2:
0x3b: {  	[tilespmem:s4+$0x1B0] =	vst v0;
	(pc) =	sbr.rel @p1 .LBB2_2-.Ltmp2, $4  }
0x3c: {  	[tilespmem:s4+$0x1C0] =	vst v0  }
0x3d: {  	[tilespmem:s4+$0x1D0] =	vst v0  }
0x3e: {  	[tilespmem:s4+$0x1E0] =	vst v0  }
0x3f: {  	[tilespmem:s4+$0x1F0] =	vst v0;
	s4 =	sshra.s32 s17, $0x2;
	s17 =	sadd.s32 $0x240, s17  }
0x40: {  	[tilespmem:s4+$0x200] =	vst v0  }
0x41: {  	[tilespmem:s4+$0x180] =	vst v0  }
0x42: {  	[tilespmem:s4+$0x190] =	vst v0  }
0x43: {  	[tilespmem:s4+$0x1A0] =	vst v0  }
0x44: {  	[tilespmem:s4+$0x1B0] =	vst v0  }
0x45: {  	[tilespmem:s4+$0x1C0] =	vst v0  }
0x46: {  	[tilespmem:s4+$0x1D0] =	vst v0  }
0x47: {  	[tilespmem:s4+$0x1E0] =	vst v0  }
0x48: {  	[tilespmem:s4+$0x1F0] =	vst v0  }
0x49: {  	[spmem:s11] =	stream.linear.scatter [tilespmem:s26], [sflag:$0x1], $0x4800, $0x38;
	[tilespmem:$0x1C380] =	vst v63  }
0x4a: {  	_ =	swait.ge [sflag:s28], $0x4800  }
0x4b: {  	[sflag:s28] =	ssyncset.done $0x0  }
0x4c: {  	[sflag:s28] =	ssyncadd.s32 $0xFFFFB800  }
0x4d: {  	[spmem:s12] =	stream.linear.scatter [tilespmem:s26], [sflag:$0x1], $0x4800, $0x38;
	[tilespmem:$0x1C380] =	vst v63  }
0x4e: {  	_ =	swait.ge [sflag:s28], $0x4800  }
0x4f: {  	[sflag:s28] =	ssyncset.done $0x0  }
0x50: {  	[sflag:s28] =	ssyncadd.s32 $0xFFFFB800  }
0x51: {  	[spmem:s13] =	stream.linear.scatter [tilespmem:s26], [sflag:$0x1], $0x4800, $0x38;
	[tilespmem:$0x1C380] =	vst v63  }
0x52: {  	_ =	swait.ge [sflag:s28], $0x4800  }
0x53: {  	[sflag:s28] =	ssyncset.done $0x0  }
0x54: {  	[sflag:s28] =	ssyncadd.s32 $0xFFFFB800  }
0x55: {  	[spmem:s14] =	stream.linear.scatter [tilespmem:s26], [sflag:$0x1], $0x4800, $0x38;
	[tilespmem:$0x1C380] =	vst v63  }
0x56: {  	_ =	swait.ge [sflag:s28], $0x4800  }
0x57: {  	[sflag:s28] =	ssyncset.done $0x0  }
0x58: {  	[sflag:s28] =	ssyncadd.s32 $0xFFFFB800  }
0x59: {  	[spmem:s15] =	stream.linear.scatter [tilespmem:s26], [sflag:$0x1], $0x4800, $0x38;
	[tilespmem:$0x1C380] =	vst v63  }
0x5a: {  	_ =	swait.ge [sflag:s28], $0x4800  }
0x5b: {  	[sflag:s28] =	ssyncset.done $0x0  }
0x5c: {  	[sflag:s28] =	ssyncadd.s32 $0xFFFFB800  }
0x5d: {  	[spmem:s16] =	stream.linear.scatter [tilespmem:s26], [sflag:$0x1], $0x1200, $0x38;
	[tilespmem:$0x1C380] =	vst v63  }
.Ltmp3:
0x5e: {  	_ =	swait.ge [sflag:s28], $0x1200;
	(pc) =	sbr.rel @p0 .LBB2_7-.Ltmp3, $4  }
0x5f: {  	[sflag:s28] =	ssyncset.done $0x0  }
0x60: {  	[sflag:s28] =	ssyncadd.s32 $0xFFFFEE00  }
0x61: {  	[bflag:$0x0] =	sbarrier.arrive $0xFFFF  }
0x62: {  	s22 =	smov.u32 s0  }
.LBB2_4:
0x63: {  	s4 =	sshll.u32 s22, $0x4  }
0x64: {  	s18 =	simm.s32 $0x0;
	s17 =	sadd.s32 s7, s4  }
0x65: {  	[tilespmem:s18], [sflag:$0x1] =	stream.linear.gather [hbm4b:s17+s18], $0x80, $0x38;
	[tilespmem:$0x1C380] =	vst v63  }
0x66: {  	_ =	swait.ge [sflag:s28], $0x80  }
0x67: {  	[sflag:s28] =	ssyncset.done $0x0  }
0x68: {  	s17 =	sadd.s32 s8, s4;
	[sflag:s28] =	ssyncadd.s32 $0xFFFFFF80  }
0x69: {  	[tilespmem:s29], [sflag:$0x1] =	stream.linear.gather [hbm4b:s17+s18], $0x80, $0x38;
	[tilespmem:$0x1C380] =	vst v63  }
0x6a: {  	_ =	swait.ge [sflag:s28], $0x80  }
0x6b: {  	[sflag:s28] =	ssyncset.done $0x0  }
0x6c: {  	s4 =	sadd.s32 s9, s4;
	[sflag:s28] =	ssyncadd.s32 $0xFFFFFF80  }
0x6d: {  	[tilespmem:s30], [sflag:$0x1] =	stream.linear.gather [hbm4b:s4+s18], $0x80, $0x38;
	[tilespmem:$0x1C380] =	vst v63  }
0x6e: {  	_ =	swait.ge [sflag:s28], $0x80  }
0x6f: {  	[sflag:s28] =	ssyncset.done $0x0  }
0x70: {  	[sflag:s28] =	ssyncadd.s32 $0xFFFFFF80  }
0x71: {  	[tilespmem:s26], [sflag:$0x1] =	stream.indirect.gather [hbm4b:s1+s29], $0x90, s18, s29, $0xb8;
	[tilespmem:$0x1C380] =	vst v63  }
0x72: {  	_ =	swait.ge [sflag:s28], $0x4800  }
0x73: {  	[sflag:s28] =	ssyncset.done $0x0  }
0x74: {  	[sflag:s28] =	ssyncadd.s32 $0xFFFFB800  }
0x75: {  	[tilespmem:s26], [sflag:$0x1] =	stream.indirect.gather.add.f32 [hbm:s2], $0x90, s29, s29, $0xb8;
	[tilespmem:$0x1C380] =	vst v63  }
0x76: {  	_ =	swait.ge [sflag:s28], $0x4800  }
0x77: {  	[sflag:s28] =	ssyncset.done $0x0  }
0x78: {  	[sflag:s28] =	ssyncadd.s32 $0xFFFFB800  }
0x79: {  	[tilespmem:s26], [sflag:$0x1] =	stream.indirect.gather.add.f32 [hbm:s10], $0x90, s30, s29, $0xb8;
	[tilespmem:$0x1C380] =	vst v63  }
0x7a: {  	_ =	swait.ge [sflag:s28], $0x4800  }
0x7b: {  	[sflag:s28] =	ssyncset.done $0x0  }
0x7c: {  	s17 =	simm.s32 $0x240;
	s4 =	simm.s32 $0x0;
	[sflag:s28] =	ssyncadd.s32 $0xFFFFB800  }
.LBB2_5:
0x7d: {  	p1 =	sne.s32 s17, $0x11DC0;
	v1 =	vld.msk [tilespmem:s4+$0x200 ss:$0x0], $0xffff;
	_ =	sdelay $0x5  }
0x7e: {  	v2 =	vmul.f32 $2.000000030e-01, v1  }
0x7f: {  	vm0 =	vgt.f32 v1, $0.0e+00  }
0x80: {  	v1 =	vsel vm0, v1, v2  }
0x81: {  	v1 =	vsub.f32 $0.0e+00, v1;
	_ =	sdelay $0x1  }
0x82: {  	v1 =	vmul.f32 $1.442695020e+00, v1;
	_ =	sdelay $0x1  }
0x83: {  	(erf) = vpow2.f32 v1  }
0x84: {  	v1 =	vld [tilespmem:s4+$0x1F0]  }
0x85: {  	v2 =	vld [tilespmem:s4+$0x1D0]  }
0x86: {  	v3 =	vld [tilespmem:s4+$0x1B0]  }
0x87: {  	v4 =	vld [tilespmem:s4+$0x190]  }
0x88: {  	v5 =	vld [tilespmem:s4+$0x180]  }
0x89: {  	v6 =	vld [tilespmem:s4+$0x1A0]  }
0x8a: {  	v7 =	vld [tilespmem:s4+$0x1C0]  }
0x8b: {  	v8 =	vld [tilespmem:s4+$0x1E0]  }
0x8c: {  	v9 =	vpop (erf)  }
0x8d: {  	v5 =	vmul.f32 v9, v5;
	v4 =	vmul.f32 v9, v4;
	[tilespmem:s4+$0x200] =	vst v9  }
0x8e: {  	v3 =	vmul.f32 v3, v9;
	v6 =	vmul.f32 v9, v6  }
0x8f: {  	v2 =	vmul.f32 v2, v9;
	[tilespmem:s4+$0x180] =	vst v5;
	v5 =	vmul.f32 v7, v9  }
0x90: {  	v1 =	vmul.f32 v1, v9;
	[tilespmem:s4+$0x190] =	vst v4;
	v4 =	vmul.f32 v8, v9  }
0x91: {  	[tilespmem:s4+$0x1A0] =	vst v6  }
.Ltmp4:
0x92: {  	[tilespmem:s4+$0x1B0] =	vst v3;
	(pc) =	sbr.rel @p1 .LBB2_5-.Ltmp4, $4  }
0x93: {  	[tilespmem:s4+$0x1C0] =	vst v5  }
0x94: {  	[tilespmem:s4+$0x1D0] =	vst v2  }
0x95: {  	[tilespmem:s4+$0x1E0] =	vst v4  }
0x96: {  	[tilespmem:s4+$0x1F0] =	vst v1;
	s4 =	sshra.s32 s17, $0x2;
	s17 =	sadd.s32 $0x240, s17  }
0x97: {  	v1 =	vld.msk [tilespmem:s4+$0x200 ss:$0x0], $0xffff;
	_ =	sdelay $0x4  }
0x98: {  	v2 =	vmul.f32 $2.000000030e-01, v1  }
0x99: {  	vm0 =	vgt.f32 v1, $0.0e+00  }
0x9a: {  	v1 =	vsel vm0, v1, v2  }
0x9b: {  	v1 =	vsub.f32 $0.0e+00, v1;
	_ =	sdelay $0x1  }
0x9c: {  	v1 =	vmul.f32 $1.442695020e+00, v1;
	_ =	sdelay $0x1  }
0x9d: {  	(erf) = vpow2.f32 v1;
	_ =	sdelay $0x4  }
0x9e: {  	v3 =	vld [tilespmem:s4+$0x180]  }
0x9f: {  	v4 =	vld [tilespmem:s4+$0x190]  }
0xa0: {  	v5 =	vld [tilespmem:s4+$0x1A0]  }
0xa1: {  	v7 =	vld [tilespmem:s4+$0x1C0]  }
0xa2: {  	v2 =	vld [tilespmem:s4+$0x1D0];
	v8 =	vpop (erf)  }
0xa3: {  	v6 =	vld [tilespmem:s4+$0x1B0];
	v3 =	vmul.f32 v8, v3  }
0xa4: {  	v1 =	vld [tilespmem:s4+$0x1F0];
	v4 =	vmul.f32 v8, v4;
	[tilespmem:s4+$0x200] =	vst v8  }
0xa5: {  	v9 =	vld [tilespmem:s4+$0x1E0];
	v5 =	vmul.f32 v8, v5;
	[tilespmem:s4+$0x180] =	vst v3  }
0xa6: {  	v63 =	vmul.f32 v7, v8;
	[tilespmem:s4+$0x190] =	vst v4  }
0xa7: {  	v2 =	vmul.f32 v2, v8;
	[tilespmem:s4+$0x1A0] =	vst v5  }
0xa8: {  	v3 =	vmul.f32 v6, v8;
	[tilespmem:s4+$0x1C0] =	vst v63  }
0xa9: {  	v1 =	vmul.f32 v1, v8;
	[tilespmem:s4+$0x1D0] =	vst v2  }
0xaa: {  	[tilespmem:s4+$0x1B0] =	vst v3;
	v3 =	vmul.f32 v9, v8  }
0xab: {  	[tilespmem:s4+$0x1F0] =	vst v1  }
0xac: {  	[tilespmem:s4+$0x1E0] =	vst v3  }
0xad: {  	[spmem:s3] =	stream.indirect.scatter.add.f32 [tilespmem:s26], [sflag:$0x1], $0x90, s6, s29, $0xb8;
	[tilespmem:$0x1C380] =	vst v63  }
0xae: {  	_ =	swait.ge [sflag:s28], $0x4800  }
0xaf: {  	s22 =	sadd.s32 $0x1, s22;
	[sflag:s28] =	ssyncset.done $0x0  }
0xb0: {  	p1 =	slt.u32 s22, s23;
	[sflag:s28] =	ssyncadd.s32 $0xFFFFB800  }
0xb1: {  	[spmem:s5] =	stream.indirect.scatter.add.f32 [tilespmem:s26], [sflag:$0x1], $0x90, s29, s29, $0xb8;
	[tilespmem:$0x1C380] =	vst v63  }
.Ltmp5:
0xb2: {  	_ = 	snop;
	(pc) =	sbr.rel @p1 .LBB2_4-.Ltmp5, $4  }
.Ltmp6:
0xb3: {  	_ = 	snop;
	(pc) =	sbr.rel @!p1 .LBB2_7-.Ltmp6, $4  }
0xb4: {  	_ =	swait.ge [sflag:s28], $0x4800  }
0xb5: {  	[sflag:s28] =	ssyncset.done $0x0  }
0xb6: {  	[sflag:s28] =	ssyncadd.s32 $0xFFFFB800  }
0xb7: {  	_ = 	snop  }
.LBB2_8:
0xb8: {  	_ =	sfence.sel $0x180000  }
0xb9: {  	[bflag:$0x0] =	sbarrier.arrive $0xFFFF  }
0xba: {  	_ =	strace $0x9000004A  }
0xbb: {  	s0 =	stileid.u32;
	[bflag:$0x2] =	sbarrier.arrive $0xFFFF  }
0xbc: {  	p0 =	sne.s32 s0, $0x0;
	s0 =	rddreg [dreg:$0x5]  }
0xbd: {  	s0 =	sadd.s32 @!p0 $0x100000, s0  }
0xbe: {  	[sflag:s0] =	ssyncadd.tile.s32 @!p0 $0x1;
	_ =	shalt  }
.Lfunc_end2:
_tile_overlayer_lowered:
.L_overlay_start_2:
0xbf: {  	(tag) =	ssettag $0x2  }
0xc0: {  	s0 =	rddreg [dreg:$0x0];
	s2 =	stileid.u32  }
0xc1: {  	s1 =	rddreg [dreg:$0x1];
	p0 =	sne.s32 s2, $0x0  }
0xc2: {  	s3 =	rddreg [dreg:$0x2];
	[bflag:$0x3] =	sbarrier.arrive $0xFFFF;
	s2 =	simm.s32 @!p0 $0x1C01  }
0xc3: {  	[timem:s3], [sflag:s2] =	dma.local @!p0 [hbm:s0], s1  }
0xc4: {  	s0 =	simm.s32 @!p0 $0x1  }
0xc5: {  	_ =	swait.ge @!p0 [sflag:s0], s1  }
0xc6: {  	s1 =	ssub.s32 @!p0 $0x0, s1;
	[sflag:s0] =	ssyncset.done @!p0 $0x0  }
0xc7: {  	[sflag:s0] =	ssyncadd.s32 @!p0 s1  }
0xc8: {  	[bflag:$0x3] =	sbarrier.arrive $0xFFFF  }
0xc9: {  	_ =	shalt  }

// kernel: kernel.26.cloned.1.call-start
scs
__scs_entry_jumppad:
0x0: {  	(pc) =	sbr.rel $0x88, $3  }
0x1: {  	(tag) =	ssettag $0x0;
	lr =	simm.s32 $0x1  }
0x2: {  	[smem:$0x3F94] =	sst lr;
	_ =	strace $0xD0000000  }
0x3: {  	_ = 	snop  }
0x4: {  	_ = 	snop  }
0x5: {  	_ = 	snop  }
0x6: {  	_ = 	snop  }
0x7: {  	_ = 	snop  }
__scs_overlays_trampoline_lowered:
0x8: {  	[smem:$0x3FA3] =	sst s0  }
0x9: {  	[smem:$0x3FA4] =	sst s1  }
0xa: {  	[smem:$0x3FA5] =	sst s2  }
0xb: {  	[smem:$0x3FA6] =	sst s3  }
0xc: {  	[smem:$0x3FA7] =	sst s4  }
0xd: {  	[smem:$0x3FA8] =	sst s5  }
0xe: {  	[smem:$0x3FA9] =	sst s6  }
0xf: {  	[smem:$0x3FAA] =	sst s7  }
0x10: {  	[smem:$0x3FAB] =	sst s8  }
0x11: {  	[smem:$0x3FAC] =	sst s9;
	s0 =	simm.s32 @!p0 $0x0  }
0x12: {  	s1 =	sld [smem:$0x3F92];
	s0 =	simm.s32 @p0 $0x1  }
0x13: {  	[smem:$0x3FAD] =	sst s0;
	s0 =	simm.s32 @!p1 $0x0  }
0x14: {  	s2 =	sld [smem:$0x3F91];
	s0 =	simm.s32 @p1 $0x1  }
0x15: {  	[smem:$0x3FAE] =	sst s0;
	s0 =	simm.s32 @!p2 $0x0  }
0x16: {  	s3 =	sld [smem:$0x3FDB];
	s0 =	simm.s32 @p2 $0x1  }
0x17: {  	s4 =	simm.s32 $0x1BF5;
	[smem:$0x3FB0] =	sst s0  }
0x18: {  	s0 =	sld [smem:$0x3F93];
	_ =	swait.ge [sflag:s4], $0x0  }
0x19: {  	s7 =	sld [smem:$0x3F94]  }
0x1a: {  	s8 =	sadd.s32 $0xFFFFE003, lr  }
0x1b: {  	s9 =	sadd.s32 $0xFFFFFEF7, lr;
	s5 =	simm.s32 $0xFFFFFFFF;
	p2 =	slt.u32 s8, $0xFFFFF086  }
0x1c: {  	p1 =	slt.u32 s9, $0xF7A;
	s5 =	simm.s32 @!p2 $0x0  }
0x1d: {  	s5 =	simm.s32 @p1 $0x1;
	p0 =	seq.s32 s7, s2  }
0x1e: {  	s7 =	smul.u32 @!p0 $0xF7A, s2;
	p2 =	seq.s32 @!p0 s5, $0x0  }
0x1f: {  	s9 =	smul.u32 $0xF7A, s1;
	s8 =	simm.s32 @!p0 $0x1BF5;
	p2 =	por !p2, p0  }
0x20: {  	[sflag:s8] =	ssyncset.s32 @!p0 $0xFFFFF086;
	s6 =	sadd.s32 @!p0 s3, s7;
	s7 =	simm.s32 @!p0 $0x108  }
0x21: {  	s3 =	sadd.s32 s3, s9;
	s6 =	sadd.s32 @!p0 $0x88, s6;
	s7 =	simm.s32 @p2 $0x1082  }
0x22: {  	[simem:s7], [sflag:s8] =	dma.local @!p0 [hbm:s6], $0xF7A  }
0x23: {  	s9 =	sor.u32 $0xD0000000, s2;
	s6 =	simm.s32 $0x108;
	_ =	swait.ge @!p0 [sflag:s8], $0x0  }
0x24: {  	s3 =	sadd.s32 $0x88, s3;
	s6 =	simm.s32 @!p1 $0x1082;
	[sflag:s4] =	ssyncset.s32 $0xFFFFF086  }
0x25: {  	[simem:s6], [sflag:s4] =	dma.local [hbm:s3], $0xF7A  }
0x26: {  	[smem:$0x3F94] =	sst s1;
	(tag) =	ssettag s2;
	_ =	strace s9  }
0x27: {  	s1 =	sld [smem:$0x3FA4]  }
0x28: {  	s2 =	sld [smem:$0x3FA5]  }
0x29: {  	s4 =	sld [smem:$0x3FA7]  }
0x2a: {  	p0 =	seq.s32 s5, $0x0;
	s5 =	sld [smem:$0x3FA8]  }
0x2b: {  	s6 =	sld [smem:$0x3FA9]  }
0x2c: {  	s7 =	sld [smem:$0x3FAA]  }
0x2d: {  	s3 =	simm.s32 $0x108;
	s8 =	sld [smem:$0x3FAB]  }
0x2e: {  	s3 =	simm.s32 @!p0 $0x1082;
	s9 =	sld [smem:$0x3FAC]  }
0x2f: {  	lr =	sadd.s32 s0, s3;
	s0 =	sld [smem:$0x3FA3]  }
0x30: {  	s3 =	sld [smem:$0x3FA6]  }
0x31: {  	[smem:$0x3FAF] =	sst s10  }
0x32: {  	s10 =	sld [smem:$0x3FAD];
	_ =	sdelay $0x3  }
0x33: {  	p0 =	seq.s32 s10, $0x1;
	s10 =	sld [smem:$0x3FAF];
	_ =	sdelay $0x3  }
0x34: {  	[smem:$0x3FAF] =	sst s10  }
0x35: {  	s10 =	sld [smem:$0x3FAE];
	_ =	sdelay $0x3  }
0x36: {  	p1 =	seq.s32 s10, $0x1;
	s10 =	sld [smem:$0x3FAF];
	_ =	sdelay $0x3  }
0x37: {  	[smem:$0x3FAF] =	sst s10  }
0x38: {  	s10 =	sld [smem:$0x3FB0]  }
0x39: {  	_ = 	snop;
	(pc) =	sbr.ind lr, $3  }
0x3a: {  	_ = 	snop  }
0x3b: {  	_ = 	snop  }
0x3c: {  	p2 =	seq.s32 s10, $0x1;
	s10 =	sld [smem:$0x3FAF]  }
0x3d: {  	_ =	shalt  }
0x3e: {  	_ =	shalt  }
0x3f: {  	_ =	shalt  }
0x40: {  	_ =	shalt  }
0x41: {  	_ =	shalt  }
0x42: {  	_ =	shalt  }
0x43: {  	_ =	shalt  }
0x44: {  	_ =	shalt  }
0x45: {  	_ =	shalt  }
0x46: {  	_ =	shalt  }
0x47: {  	_ =	shalt  }
0x48: {  	_ =	shalt  }
0x49: {  	_ =	shalt  }
0x4a: {  	_ =	shalt  }
0x4b: {  	_ =	shalt  }
0x4c: {  	_ =	shalt  }
0x4d: {  	_ =	shalt  }
0x4e: {  	_ =	shalt  }
0x4f: {  	_ =	shalt  }
0x50: {  	_ =	shalt  }
0x51: {  	_ =	shalt  }
0x52: {  	_ =	shalt  }
0x53: {  	_ =	shalt  }
0x54: {  	_ =	shalt  }
0x55: {  	_ =	shalt  }
0x56: {  	_ =	shalt  }
0x57: {  	_ =	shalt  }
0x58: {  	_ =	shalt  }
0x59: {  	_ =	shalt  }
0x5a: {  	_ =	shalt  }
0x5b: {  	_ =	shalt  }
0x5c: {  	_ =	shalt  }
0x5d: {  	_ =	shalt  }
0x5e: {  	_ =	shalt  }
0x5f: {  	_ =	shalt  }
0x60: {  	_ =	shalt  }
0x61: {  	_ =	shalt  }
0x62: {  	_ =	shalt  }
0x63: {  	_ =	shalt  }
0x64: {  	_ =	shalt  }
0x65: {  	_ =	shalt  }
0x66: {  	_ =	shalt  }
0x67: {  	_ =	shalt  }
0x68: {  	_ =	shalt  }
0x69: {  	_ =	shalt  }
0x6a: {  	_ =	shalt  }
0x6b: {  	_ =	shalt  }
0x6c: {  	_ =	shalt  }
0x6d: {  	_ =	shalt  }
0x6e: {  	_ =	shalt  }
0x6f: {  	_ =	shalt  }
0x70: {  	_ =	shalt  }
0x71: {  	_ =	shalt  }
0x72: {  	_ =	shalt  }
0x73: {  	_ =	shalt  }
0x74: {  	_ =	shalt  }
0x75: {  	_ =	shalt  }
0x76: {  	_ =	shalt  }
0x77: {  	_ =	shalt  }
0x78: {  	_ =	shalt  }
0x79: {  	_ =	shalt  }
0x7a: {  	_ =	shalt  }
0x7b: {  	_ =	shalt  }
0x7c: {  	_ =	shalt  }
0x7d: {  	_ =	shalt  }
0x7e: {  	_ =	shalt  }
0x7f: {  	_ =	shalt  }
0x80: {  	_ =	shalt  }
0x81: {  	_ =	shalt  }
0x82: {  	_ =	shalt  }
0x83: {  	_ =	shalt  }
0x84: {  	_ =	shalt  }
0x85: {  	_ =	shalt  }
0x86: {  	_ =	shalt  }
0x87: {  	_ =	shalt  }
.Lfunc_end0:
.L_simem_size_0:
called_computation.1_lowered:
.L_overlay_start_0:
0x88: {  	s2 =	sld [smem:$0x3FD9]  }
0x89: {  	s3 =	sld [smem:$0x3FFE];
	_ =	sdelay $0x1  }
0x8a: {  	s1 =	srdreg.scid  }
0x8b: {  	s0 =	sand.u32 $0x1, s1  }
0x8c: {  	s16 =	sshll.u32 s0, $0xA;
	s2 =	sadd.s32 s3, s2  }
0x8d: {  	s2 =	sadd.s32 s2, s16  }
0x8e: {  	[smem:$0x3FBB] =	sst s2  }
0x8f: {  	_ = 	snop  }
0x90: {  	(tm) =	ssettm $0x1  }
0x91: {  	s17 =	sld [smem:$0x3FFB];
	_ =	sdelay $0x3  }
0x92: {  	_ =	strace s17  }
0x93: {  	s2 =	sld [smem:$0x3FFC];
	_ =	sdelay $0x3  }
0x94: {  	_ =	strace s2  }
0x95: {  	s2 =	sld [smem:$0x3FFD];
	_ =	sdelay $0x3  }
0x96: {  	_ =	strace s2  }
0x97: {  	_ =	strace $0x8FFFFFFF  }
0x98: {  	s18 =	sld [smem:$0x3FDB];
	_ =	sdelay $0x1  }
0x99: {  	s19 =	simm.s32 $_scs_section_size  }
0x9a: {  	s4 =	simm.s32 $_size__tile_overlayer_lowered;
	s5 =	simm.s32 $_tile_overlayer_lowered  }
0x9b: {  	s22 =	simm.s32 $0x1BFF;
	s21 =	sshll.u32 s5, $0x1;
	s2 =	sadd.s32 s19, s18  }
0x9c: {  	s6 =	simm.s32 $0x0;
	s20 =	sshll.u32 s4, $0x1;
	s4 =	sadd.s32 s21, s2  }
0x9d: {  	[timem:s6], [sflag:s22] =	dma.local [hbm:s4], s20  }
0x9e: {  	_ =	swait.ge [sflag:s22], s20  }
0x9f: {  	s3 =	ssub.s32 $0x0, s20;
	[sflag:s22] =	ssyncset.done $0x0  }
0xa0: {  	[sflag:s22] =	ssyncadd.s32 s3;
	_ =	sdelay $0x1  }
0xa1: {  	s23 =	simm.s32 $0x1B8B  }
0xa2: {  	_ =	swait.ge [sflag:s23], $0x1  }
0xa3: {  	[sflag:s23] =	ssyncset.done $0x0  }
0xa4: {  	s25 =	simm.s32 $0x1B8E;
	s24 =	sld [smem:$0x3FFE];
	[sflag:s23] =	ssyncadd.s32 $0xFFFFFFFF  }
0xa5: {  	s26 =	simm.s32 $execute0_lowered;
	[smem:$0x3FD2] =	sst s25  }
0xa6: {  	s4 =	sshll.u32 s26, $0x1;
	_ =	strace $0x80000046;
	[dreg:$0x1] =	wrdreg $0xFFFFFFFF  }
0xa7: {  	s28 =	simm.s32 $_size_execute0_lowered;
	s2 =	sadd.s32 s2, s4;
	[dreg:$0x0] =	wrdreg $0x0  }
0xa8: {  	s4 =	sshll.u32 s28, $0x1;
	[dreg:$0x2] =	wrdreg s2  }
0xa9: {  	[dreg:$0x3] =	wrdreg s4  }
0xaa: {  	[dreg:$0x4] =	wrdreg $0xC0  }
0xab: {  	_ =	task [dreg:s6], $0x5FFFF  }
0xac: {  	[dreg:$0x1] =	wrdreg $0xFFFFFFFF  }
0xad: {  	[dreg:$0x0] =	wrdreg $0x60  }
0xae: {  	[dreg:$0x2] =	wrdreg s24  }
0xaf: {  	[dreg:$0x3] =	wrdreg $0x49800  }
0xb0: {  	[dreg:$0x4] =	wrdreg $0x1B1800  }
0xb1: {  	[dreg:$0x5] =	wrdreg $0xA  }
0xb2: {  	_ =	task.clear_ibuf [dreg:s6], $0x6FFFF;
	_ =	strace $0x90000046  }
0xb3: {  	s29 =	simm.s32 $0xA;
	_ =	strace $0x80000048  }
0xb4: {  	_ =	swait.ge [sflag:s29], $0x1  }
0xb5: {  	[sflag:s29] =	ssyncadd.s32 $0xFFFFFFFF  }
0xb6: {  	_ =	strace $0x90000048  }
0xb7: {  	_ =	sfence  }
0xb8: {  	s30 =	sld [smem:$0x0];
	_ =	sdelay $0x2  }
0xb9: {  	s31 =	sshll.u32 s1, $0xD;
	s1 =	sshrl.u32 s1, $0x2  }
0xba: {  	s3 =	sand.u32 $0x4000, s31;
	s1 =	sadd.s32 s1, s30  }
0xbb: {  	s0 =	sor.u32 s3, s0;
	s1 =	sshll.u32 s1, $0x11  }
0xbc: {  	s0 =	sor.u32 s1, s0  }
0xbd: {  	s0 =	sadd.s32 $0x8F2B, s0  }
0xbe: {  	[sflag:s0] =	ssyncadd.remote.s32 $0x1  }
0xbf: {  	_ =	sfence.sel $0xFFFF  }
0xc0: {  	[dreg:$0x0] =	wrdreg $0xFFFFFFFF;
	(pc) =	sbr.abs _section_cstart, $3  }
0xc1: {  	[dreg:$0x1] =	wrdreg $0xFFFFFFFF  }
0xc2: {  	_ =	task.clear_ibuf [dreg:s6], $0x2FFFF;
	_ =	strace $0x9FFFFFFF  }
0xc3: {  	(tm) =	ssettm $0x7FFFFFFF  }
tec
execute0_lowered:
.L_overlay_start_1:
0x0: {  	(tag) =	ssettag $0x1  }
0x1: {  	s0 =	rddreg [dreg:$0x0]  }
0x2: {  	s1 =	rddreg [dreg:$0x1]  }
0x3: {  	s2 =	rddreg [dreg:$0x2];
	s4 =	simm.s32 $0x0;
	s3 =	srdreg.scid  }
0x4: {  	s14 =	stileid.u32;
	s28 =	simm.s32 $0x1;
	s29 =	simm.s32 $0x80  }
0x5: {  	s30 =	simm.s32 $0x100;
	s31 =	simm.s32 $0x0;
	[smem:$0x7FF] =	sst s4  }
0x6: {  	s5 =	sadd.s32 $0x3DE00, s0;
	s3 =	sand.u32 $0x1, s3;
	s16 =	smul.u32 $0x1200, s14  }
0x7: {  	s6 =	sadd.s32 $0x38E00, s0;
	s7 =	sadd.s32 $0x5800, s0;
	s8 =	sadd.s32 $0xAA00, s0  }
0x8: {  	s9 =	sadd.s32 $0x36A00, s0;
	s10 =	sadd.s32 $0x4ECA00, s0;
	s15 =	smul.u32 $0x16800, s14  }
0x9: {  	s17 =	sadd.s32 $0x42E00, s0;
	_ =	strace $0x80000047;
	s11 =	smul.u32 $0x12000, s3  }
0xa: {  	s12 =	ssub.s32 $0x2, s3;
	s23 =	sshll.u32 s3, $0x4;
	s3 =	smul.u32 $0x168000, s3  }
0xb: {  	s13 =	sshrl.u32 s12, $0x1;
	s18 =	sadd.s32 $0x4800, s15;
	s19 =	sadd.s32 $0x9000, s15  }
0xc: {  	s20 =	sadd.s32 $0xD800, s15;
	s21 =	sadd.s32 $0x12000, s15;
	s11 =	sadd.s32 s16, s11  }
0xd: {  	s25 =	ssub.s32 s12, s13;
	s12 =	sadd.s32 s18, s1;
	s13 =	sadd.s32 s19, s1  }
0xe: {  	s18 =	sadd.s32 s3, s18;
	s19 =	sadd.s32 s3, s19;
	s16 =	sadd.s32 s16, s2  }
0xf: {  	s11 =	sshrl.u32 s11, $0x3;
	s18 =	sshrl.u32 s18, $0x3;
	s25 =	smax.u32 s25, $0x1  }
0x10: {  	s22 =	sadd.s32 s11, s0;
	s0 =	sor.u32 s14, s23;
	s11 =	sadd.s32 s15, s1  }
0x11: {  	s14 =	sadd.s32 s20, s1;
	s23 =	sadd.s32 s15, s3;
	s20 =	sadd.s32 s3, s20  }
0x12: {  	s3 =	sadd.s32 s3, s21;
	s15 =	sadd.s32 s21, s1;
	s21 =	sshrl.u32 s19, $0x3  }
0x13: {  	s24 =	sshrl.u32 s23, $0x3;
	s23 =	smul.u32 $0x4E2, s0;
	s0 =	sadd.s32 s17, s18  }
.Ltmp0:
0x14: {  	s20 =	sshrl.u32 s20, $0x3;
	s19 =	sadd.s32 s17, s21;
	(pc) =	sbr.rel .LBB2_1-.Ltmp0, $4  }
0x15: {  	s26 =	sadd.s32 s17, s24;
	[dreg:$0x5] =	wrdreg s0;
	s20 =	sadd.s32 s17, s20  }
0x16: {  	s24 =	sshrl.u32 s3, $0x3;
	[dreg:$0x4] =	wrdreg s26;
	s26 =	sadd.s32 $0x4E2, s23  }
0x17: {  	s21 =	sadd.s32 s17, s24;
	s0 =	sshrl.u32 s23, $0x5;
	s23 =	sshrl.u32 s26, $0x5  }
0x18: {  	v0 =	vimm.f32 $0.0e+00;
	s24 =	sadd.s32 $0x9CE00, s22;
	s26 =	simm.s32 $0x180;
	p0 =	sge.u32 s0, s23  }
.LBB2_7:
0x19: {  	s3 =	stileid.u32  }
0x1a: {  	[bflag:$0x0] =	sbarrier.arrive $0xFFFF;
	s3 =	sshll.u32 s3, $0x6  }
0x1b: {  	s17 =	sshrl.u32 s11, $0x3;
	s18 =	rddreg [dreg:$0x4];
	s3 =	sor.u32 $0x1C01, s3  }
0x1c: {  	[hbm:s18], [sflag:s3] =	dma.local [spmem:s17], $0x900  }
0x1d: {  	_ =	swait.ge [sflag:s28], $0x900  }
0x1e: {  	[sflag:s28] =	ssyncset.done $0x0  }
0x1f: {  	s18 =	sshrl.u32 s12, $0x3;
	s22 =	rddreg [dreg:$0x5];
	[sflag:s28] =	ssyncadd.s32 $0xFFFFF700  }
0x20: {  	[hbm:s22], [sflag:s3] =	dma.local [spmem:s18], $0x900  }
0x21: {  	_ =	swait.ge [sflag:s28], $0x900  }
0x22: {  	[sflag:s28] =	ssyncset.done $0x0  }
0x23: {  	s18 =	sshrl.u32 s13, $0x3;
	[sflag:s28] =	ssyncadd.s32 $0xFFFFF700  }
0x24: {  	[hbm:s19], [sflag:s3] =	dma.local [spmem:s18], $0x900  }
0x25: {  	_ =	swait.ge [sflag:s28], $0x900  }
0x26: {  	[sflag:s28] =	ssyncset.done $0x0  }
0x27: {  	s22 =	sshrl.u32 s14, $0x3;
	[sflag:s28] =	ssyncadd.s32 $0xFFFFF700  }
0x28: {  	[hbm:s20], [sflag:s3] =	dma.local [spmem:s22], $0x900  }
0x29: {  	_ =	swait.ge [sflag:s28], $0x900  }
0x2a: {  	[sflag:s28] =	ssyncset.done $0x0  }
0x2b: {  	s18 =	sshrl.u32 s15, $0x3;
	[sflag:s28] =	ssyncadd.s32 $0xFFFFF700  }
0x2c: {  	[hbm:s21], [sflag:s3] =	dma.local [spmem:s18], $0x900  }
0x2d: {  	s31 =	sadd.s32 $0x1, s31;
	_ =	swait.ge [sflag:s28], $0x900  }
0x2e: {  	p1 =	sne.s32 s31, s25;
	[sflag:s28] =	ssyncset.done $0x0  }
.Ltmp1:
0x2f: {  	s22 =	sshrl.u32 s16, $0x3;
	[sflag:s28] =	ssyncadd.s32 $0xFFFFF700;
	(pc) =	sbr.rel @!p1 .LBB2_8-.Ltmp1, $4  }
0x30: {  	[hbm:s24], [sflag:s3] =	dma.local [spmem:s22], $0x240  }
0x31: {  	_ =	swait.ge [sflag:s28], $0x240  }
0x32: {  	[sflag:s28] =	ssyncset.done $0x0  }
0x33: {  	[sflag:s28] =	ssyncadd.s32 $0xFFFFFDC0  }
.LBB2_1:
0x34: {  	s3 =	simm.s32 $0x0;
	s17 =	simm.s32 $0x240  }
.LBB2_2:
0x35: {  	p1 =	sne.s32 s17, $0x11DC0;
	[tilespmem:s3+$0x200] =	vst v0  }
0x36: {  	[tilespmem:s3+$0x180] =	vst v0  }
0x37: {  	[tilespmem:s3+$0x190] =	vst v0  }
0x38: {  	[tilespmem:s3+$0x1A0] =	vst v0  }
.Ltmp2:
0x39: {  	[tilespmem:s3+$0x1B0] =	vst v0;
	(pc) =	sbr.rel @p1 .LBB2_2-.Ltmp2, $4  }
0x3a: {  	[tilespmem:s3+$0x1C0] =	vst v0  }
0x3b: {  	[tilespmem:s3+$0x1D0] =	vst v0  }
0x3c: {  	[tilespmem:s3+$0x1E0] =	vst v0  }
0x3d: {  	[tilespmem:s3+$0x1F0] =	vst v0;
	s3 =	sshra.s32 s17, $0x2;
	s17 =	sadd.s32 $0x240, s17  }
0x3e: {  	[tilespmem:s3+$0x200] =	vst v0  }
0x3f: {  	[tilespmem:s3+$0x180] =	vst v0  }
0x40: {  	[tilespmem:s3+$0x190] =	vst v0  }
0x41: {  	[tilespmem:s3+$0x1A0] =	vst v0  }
0x42: {  	[tilespmem:s3+$0x1B0] =	vst v0  }
0x43: {  	[tilespmem:s3+$0x1C0] =	vst v0  }
0x44: {  	[tilespmem:s3+$0x1D0] =	vst v0  }
0x45: {  	[tilespmem:s3+$0x1E0] =	vst v0  }
0x46: {  	[tilespmem:s3+$0x1F0] =	vst v0  }
0x47: {  	[spmem:s11] =	stream.linear.scatter [tilespmem:s26], [sflag:$0x1], $0x4800, $0x38;
	[tilespmem:$0x1C380] =	vst v63  }
0x48: {  	_ =	swait.ge [sflag:s28], $0x4800  }
0x49: {  	[sflag:s28] =	ssyncset.done $0x0  }
0x4a: {  	[sflag:s28] =	ssyncadd.s32 $0xFFFFB800  }
0x4b: {  	[spmem:s12] =	stream.linear.scatter [tilespmem:s26], [sflag:$0x1], $0x4800, $0x38;
	[tilespmem:$0x1C380] =	vst v63  }
0x4c: {  	_ =	swait.ge [sflag:s28], $0x4800  }
0x4d: {  	[sflag:s28] =	ssyncset.done $0x0  }
0x4e: {  	[sflag:s28] =	ssyncadd.s32 $0xFFFFB800  }
0x4f: {  	[spmem:s13] =	stream.linear.scatter [tilespmem:s26], [sflag:$0x1], $0x4800, $0x38;
	[tilespmem:$0x1C380] =	vst v63  }
0x50: {  	_ =	swait.ge [sflag:s28], $0x4800  }
0x51: {  	[sflag:s28] =	ssyncset.done $0x0  }
0x52: {  	[sflag:s28] =	ssyncadd.s32 $0xFFFFB800  }
0x53: {  	[spmem:s14] =	stream.linear.scatter [tilespmem:s26], [sflag:$0x1], $0x4800, $0x38;
	[tilespmem:$0x1C380] =	vst v63  }
0x54: {  	_ =	swait.ge [sflag:s28], $0x4800  }
0x55: {  	[sflag:s28] =	ssyncset.done $0x0  }
0x56: {  	[sflag:s28] =	ssyncadd.s32 $0xFFFFB800  }
0x57: {  	[spmem:s15] =	stream.linear.scatter [tilespmem:s26], [sflag:$0x1], $0x4800, $0x38;
	[tilespmem:$0x1C380] =	vst v63  }
0x58: {  	_ =	swait.ge [sflag:s28], $0x4800  }
0x59: {  	[sflag:s28] =	ssyncset.done $0x0  }
0x5a: {  	[sflag:s28] =	ssyncadd.s32 $0xFFFFB800  }
0x5b: {  	[spmem:s16] =	stream.linear.scatter [tilespmem:s26], [sflag:$0x1], $0x1200, $0x38;
	[tilespmem:$0x1C380] =	vst v63  }
.Ltmp3:
0x5c: {  	_ =	swait.ge [sflag:s28], $0x1200;
	(pc) =	sbr.rel @p0 .LBB2_7-.Ltmp3, $4  }
0x5d: {  	[sflag:s28] =	ssyncset.done $0x0  }
0x5e: {  	[sflag:s28] =	ssyncadd.s32 $0xFFFFEE00  }
0x5f: {  	[bflag:$0x0] =	sbarrier.arrive $0xFFFF  }
0x60: {  	s22 =	smov.u32 s0  }
.LBB2_4:
0x61: {  	s3 =	sshll.u32 s22, $0x4  }
0x62: {  	s18 =	simm.s32 $0x0;
	s17 =	sadd.s32 s5, s3  }
0x63: {  	[tilespmem:s18], [sflag:$0x1] =	stream.linear.gather [hbm4b:s17+s18], $0x80, $0x38;
	[tilespmem:$0x1C380] =	vst v63  }
0x64: {  	_ =	swait.ge [sflag:s28], $0x80  }
0x65: {  	[sflag:s28] =	ssyncset.done $0x0  }
0x66: {  	s17 =	sadd.s32 s6, s3;
	[sflag:s28] =	ssyncadd.s32 $0xFFFFFF80  }
0x67: {  	[tilespmem:s29], [sflag:$0x1] =	stream.linear.gather [hbm4b:s17+s18], $0x80, $0x38;
	[tilespmem:$0x1C380] =	vst v63  }
0x68: {  	_ =	swait.ge [sflag:s28], $0x80  }
0x69: {  	[sflag:s28] =	ssyncset.done $0x0  }
0x6a: {  	s3 =	sadd.s32 s7, s3;
	[sflag:s28] =	ssyncadd.s32 $0xFFFFFF80  }
0x6b: {  	[tilespmem:s30], [sflag:$0x1] =	stream.linear.gather [hbm4b:s3+s18], $0x80, $0x38;
	[tilespmem:$0x1C380] =	vst v63  }
0x6c: {  	_ =	swait.ge [sflag:s28], $0x80  }
0x6d: {  	[sflag:s28] =	ssyncset.done $0x0  }
0x6e: {  	[sflag:s28] =	ssyncadd.s32 $0xFFFFFF80  }
0x6f: {  	[tilespmem:s26], [sflag:$0x1] =	stream.indirect.gather [hbm4b:s8+s29], $0x90, s18, s29, $0xb8;
	[tilespmem:$0x1C380] =	vst v63  }
0x70: {  	_ =	swait.ge [sflag:s28], $0x4800  }
0x71: {  	[sflag:s28] =	ssyncset.done $0x0  }
0x72: {  	[sflag:s28] =	ssyncadd.s32 $0xFFFFB800  }
0x73: {  	[tilespmem:s26], [sflag:$0x1] =	stream.indirect.gather.add.f32 [hbm:s9], $0x90, s29, s29, $0xb8;
	[tilespmem:$0x1C380] =	vst v63  }
0x74: {  	_ =	swait.ge [sflag:s28], $0x4800  }
0x75: {  	[sflag:s28] =	ssyncset.done $0x0  }
0x76: {  	[sflag:s28] =	ssyncadd.s32 $0xFFFFB800  }
0x77: {  	[tilespmem:s26], [sflag:$0x1] =	stream.indirect.gather.add.f32 [hbm:s10], $0x90, s30, s29, $0xb8;
	[tilespmem:$0x1C380] =	vst v63  }
0x78: {  	_ =	swait.ge [sflag:s28], $0x4800  }
0x79: {  	[sflag:s28] =	ssyncset.done $0x0  }
0x7a: {  	s17 =	simm.s32 $0x240;
	s3 =	simm.s32 $0x0;
	[sflag:s28] =	ssyncadd.s32 $0xFFFFB800  }
.LBB2_5:
0x7b: {  	p1 =	sne.s32 s17, $0x11DC0;
	v1 =	vld.msk [tilespmem:s3+$0x200 ss:$0x0], $0xffff;
	_ =	sdelay $0x5  }
0x7c: {  	v2 =	vmul.f32 $2.000000030e-01, v1  }
0x7d: {  	vm0 =	vgt.f32 v1, $0.0e+00  }
0x7e: {  	v1 =	vsel vm0, v1, v2  }
0x7f: {  	v1 =	vsub.f32 $0.0e+00, v1;
	_ =	sdelay $0x1  }
0x80: {  	v1 =	vmul.f32 $1.442695020e+00, v1;
	_ =	sdelay $0x1  }
0x81: {  	(erf) = vpow2.f32 v1  }
0x82: {  	v1 =	vld [tilespmem:s3+$0x1F0]  }
0x83: {  	v2 =	vld [tilespmem:s3+$0x1D0]  }
0x84: {  	v3 =	vld [tilespmem:s3+$0x1B0]  }
0x85: {  	v4 =	vld [tilespmem:s3+$0x190]  }
0x86: {  	v5 =	vld [tilespmem:s3+$0x180]  }
0x87: {  	v6 =	vld [tilespmem:s3+$0x1A0]  }
0x88: {  	v7 =	vld [tilespmem:s3+$0x1C0]  }
0x89: {  	v8 =	vld [tilespmem:s3+$0x1E0]  }
0x8a: {  	v9 =	vpop (erf)  }
0x8b: {  	v5 =	vmul.f32 v9, v5;
	v4 =	vmul.f32 v9, v4;
	[tilespmem:s3+$0x200] =	vst v9  }
0x8c: {  	v3 =	vmul.f32 v3, v9;
	v6 =	vmul.f32 v9, v6  }
0x8d: {  	v2 =	vmul.f32 v2, v9;
	[tilespmem:s3+$0x180] =	vst v5;
	v5 =	vmul.f32 v7, v9  }
0x8e: {  	v1 =	vmul.f32 v1, v9;
	[tilespmem:s3+$0x190] =	vst v4;
	v4 =	vmul.f32 v8, v9  }
0x8f: {  	[tilespmem:s3+$0x1A0] =	vst v6  }
.Ltmp4:
0x90: {  	[tilespmem:s3+$0x1B0] =	vst v3;
	(pc) =	sbr.rel @p1 .LBB2_5-.Ltmp4, $4  }
0x91: {  	[tilespmem:s3+$0x1C0] =	vst v5  }
0x92: {  	[tilespmem:s3+$0x1D0] =	vst v2  }
0x93: {  	[tilespmem:s3+$0x1E0] =	vst v4  }
0x94: {  	[tilespmem:s3+$0x1F0] =	vst v1;
	s3 =	sshra.s32 s17, $0x2;
	s17 =	sadd.s32 $0x240, s17  }
0x95: {  	v1 =	vld.msk [tilespmem:s3+$0x200 ss:$0x0], $0xffff;
	_ =	sdelay $0x4  }
0x96: {  	v2 =	vmul.f32 $2.000000030e-01, v1  }
0x97: {  	vm0 =	vgt.f32 v1, $0.0e+00  }
0x98: {  	v1 =	vsel vm0, v1, v2  }
0x99: {  	v1 =	vsub.f32 $0.0e+00, v1;
	_ =	sdelay $0x1  }
0x9a: {  	v1 =	vmul.f32 $1.442695020e+00, v1;
	_ =	sdelay $0x1  }
0x9b: {  	(erf) = vpow2.f32 v1;
	_ =	sdelay $0x4  }
0x9c: {  	v3 =	vld [tilespmem:s3+$0x180]  }
0x9d: {  	v4 =	vld [tilespmem:s3+$0x190]  }
0x9e: {  	v5 =	vld [tilespmem:s3+$0x1A0]  }
0x9f: {  	v7 =	vld [tilespmem:s3+$0x1C0]  }
0xa0: {  	v2 =	vld [tilespmem:s3+$0x1D0];
	v8 =	vpop (erf)  }
0xa1: {  	v6 =	vld [tilespmem:s3+$0x1B0];
	v3 =	vmul.f32 v8, v3  }
0xa2: {  	v1 =	vld [tilespmem:s3+$0x1F0];
	v4 =	vmul.f32 v8, v4;
	[tilespmem:s3+$0x200] =	vst v8  }
0xa3: {  	v9 =	vld [tilespmem:s3+$0x1E0];
	v5 =	vmul.f32 v8, v5;
	[tilespmem:s3+$0x180] =	vst v3  }
0xa4: {  	v63 =	vmul.f32 v7, v8;
	[tilespmem:s3+$0x190] =	vst v4  }
0xa5: {  	v2 =	vmul.f32 v2, v8;
	[tilespmem:s3+$0x1A0] =	vst v5  }
0xa6: {  	v3 =	vmul.f32 v6, v8;
	[tilespmem:s3+$0x1C0] =	vst v63  }
0xa7: {  	v1 =	vmul.f32 v1, v8;
	[tilespmem:s3+$0x1D0] =	vst v2  }
0xa8: {  	[tilespmem:s3+$0x1B0] =	vst v3;
	v3 =	vmul.f32 v9, v8  }
0xa9: {  	[tilespmem:s3+$0x1F0] =	vst v1  }
0xaa: {  	[tilespmem:s3+$0x1E0] =	vst v3  }
0xab: {  	[spmem:s1] =	stream.indirect.scatter.add.f32 [tilespmem:s26], [sflag:$0x1], $0x90, s4, s29, $0xb8;
	[tilespmem:$0x1C380] =	vst v63  }
0xac: {  	_ =	swait.ge [sflag:s28], $0x4800  }
0xad: {  	s22 =	sadd.s32 $0x1, s22;
	[sflag:s28] =	ssyncset.done $0x0  }
0xae: {  	p1 =	slt.u32 s22, s23;
	[sflag:s28] =	ssyncadd.s32 $0xFFFFB800  }
0xaf: {  	[spmem:s2] =	stream.indirect.scatter.add.f32 [tilespmem:s26], [sflag:$0x1], $0x90, s29, s29, $0xb8;
	[tilespmem:$0x1C380] =	vst v63  }
.Ltmp5:
0xb0: {  	_ = 	snop;
	(pc) =	sbr.rel @p1 .LBB2_4-.Ltmp5, $4  }
.Ltmp6:
0xb1: {  	_ = 	snop;
	(pc) =	sbr.rel @!p1 .LBB2_7-.Ltmp6, $4  }
0xb2: {  	_ =	swait.ge [sflag:s28], $0x4800  }
0xb3: {  	[sflag:s28] =	ssyncset.done $0x0  }
0xb4: {  	[sflag:s28] =	ssyncadd.s32 $0xFFFFB800  }
0xb5: {  	_ = 	snop  }
.LBB2_8:
0xb6: {  	_ =	sfence.sel $0x180000  }
0xb7: {  	[bflag:$0x0] =	sbarrier.arrive $0xFFFF  }
0xb8: {  	_ =	strace $0x90000047  }
0xb9: {  	s0 =	stileid.u32;
	[bflag:$0x2] =	sbarrier.arrive $0xFFFF  }
0xba: {  	p0 =	sne.s32 s0, $0x0;
	s0 =	rddreg [dreg:$0x3]  }
0xbb: {  	s0 =	sadd.s32 @!p0 $0x100000, s0  }
0xbc: {  	[sflag:s0] =	ssyncadd.tile.s32 @!p0 $0x1;
	_ =	shalt  }
.Lfunc_end2:
_tile_overlayer_lowered:
.L_overlay_start_2:
0xbd: {  	(tag) =	ssettag $0x2  }
0xbe: {  	s0 =	rddreg [dreg:$0x0];
	s2 =	stileid.u32  }
0xbf: {  	s1 =	rddreg [dreg:$0x1];
	p0 =	sne.s32 s2, $0x0  }
0xc0: {  	s3 =	rddreg [dreg:$0x2];
	[bflag:$0x3] =	sbarrier.arrive $0xFFFF;
	s2 =	simm.s32 @!p0 $0x1C01  }
0xc1: {  	[timem:s3], [sflag:s2] =	dma.local @!p0 [hbm:s0], s1  }
0xc2: {  	s0 =	simm.s32 @!p0 $0x1  }
0xc3: {  	_ =	swait.ge @!p0 [sflag:s0], s1  }
0xc4: {  	s1 =	ssub.s32 @!p0 $0x0, s1;
	[sflag:s0] =	ssyncset.done @!p0 $0x0  }
0xc5: {  	[sflag:s0] =	ssyncadd.s32 @!p0 s1  }
0xc6: {  	[bflag:$0x3] =	sbarrier.arrive $0xFFFF  }
0xc7: {  	_ =	shalt  }

// kernel: kernel.29.cloned.1.call-start
scs
__scs_entry_jumppad:
0x0: {  	(pc) =	sbr.rel $0x88, $3  }
0x1: {  	(tag) =	ssettag $0x0;
	lr =	simm.s32 $0x1  }
0x2: {  	[smem:$0x3F94] =	sst lr;
	_ =	strace $0xD0000000  }
0x3: {  	_ = 	snop  }
0x4: {  	_ = 	snop  }
0x5: {  	_ = 	snop  }
0x6: {  	_ = 	snop  }
0x7: {  	_ = 	snop  }
__scs_overlays_trampoline_lowered:
0x8: {  	[smem:$0x3FA3] =	sst s0  }
0x9: {  	[smem:$0x3FA4] =	sst s1  }
0xa: {  	[smem:$0x3FA5] =	sst s2  }
0xb: {  	[smem:$0x3FA6] =	sst s3  }
0xc: {  	[smem:$0x3FA7] =	sst s4  }
0xd: {  	[smem:$0x3FA8] =	sst s5  }
0xe: {  	[smem:$0x3FA9] =	sst s6  }
0xf: {  	[smem:$0x3FAA] =	sst s7  }
0x10: {  	[smem:$0x3FAB] =	sst s8  }
0x11: {  	[smem:$0x3FAC] =	sst s9;
	s0 =	simm.s32 @!p0 $0x0  }
0x12: {  	s1 =	sld [smem:$0x3F92];
	s0 =	simm.s32 @p0 $0x1  }
0x13: {  	[smem:$0x3FAD] =	sst s0;
	s0 =	simm.s32 @!p1 $0x0  }
0x14: {  	s2 =	sld [smem:$0x3F91];
	s0 =	simm.s32 @p1 $0x1  }
0x15: {  	[smem:$0x3FAE] =	sst s0;
	s0 =	simm.s32 @!p2 $0x0  }
0x16: {  	s3 =	sld [smem:$0x3FDB];
	s0 =	simm.s32 @p2 $0x1  }
0x17: {  	s4 =	simm.s32 $0x1BF5;
	[smem:$0x3FB0] =	sst s0  }
0x18: {  	s0 =	sld [smem:$0x3F93];
	_ =	swait.ge [sflag:s4], $0x0  }
0x19: {  	s7 =	sld [smem:$0x3F94]  }
0x1a: {  	s8 =	sadd.s32 $0xFFFFE003, lr  }
0x1b: {  	s9 =	sadd.s32 $0xFFFFFEF7, lr;
	s5 =	simm.s32 $0xFFFFFFFF;
	p2 =	slt.u32 s8, $0xFFFFF086  }
0x1c: {  	p1 =	slt.u32 s9, $0xF7A;
	s5 =	simm.s32 @!p2 $0x0  }
0x1d: {  	s5 =	simm.s32 @p1 $0x1;
	p0 =	seq.s32 s7, s2  }
0x1e: {  	s7 =	smul.u32 @!p0 $0xF7A, s2;
	p2 =	seq.s32 @!p0 s5, $0x0  }
0x1f: {  	s9 =	smul.u32 $0xF7A, s1;
	s8 =	simm.s32 @!p0 $0x1BF5;
	p2 =	por !p2, p0  }
0x20: {  	[sflag:s8] =	ssyncset.s32 @!p0 $0xFFFFF086;
	s6 =	sadd.s32 @!p0 s3, s7;
	s7 =	simm.s32 @!p0 $0x108  }
0x21: {  	s3 =	sadd.s32 s3, s9;
	s6 =	sadd.s32 @!p0 $0x88, s6;
	s7 =	simm.s32 @p2 $0x1082  }
0x22: {  	[simem:s7], [sflag:s8] =	dma.local @!p0 [hbm:s6], $0xF7A  }
0x23: {  	s9 =	sor.u32 $0xD0000000, s2;
	s6 =	simm.s32 $0x108;
	_ =	swait.ge @!p0 [sflag:s8], $0x0  }
0x24: {  	s3 =	sadd.s32 $0x88, s3;
	s6 =	simm.s32 @!p1 $0x1082;
	[sflag:s4] =	ssyncset.s32 $0xFFFFF086  }
0x25: {  	[simem:s6], [sflag:s4] =	dma.local [hbm:s3], $0xF7A  }
0x26: {  	[smem:$0x3F94] =	sst s1;
	(tag) =	ssettag s2;
	_ =	strace s9  }
0x27: {  	s1 =	sld [smem:$0x3FA4]  }
0x28: {  	s2 =	sld [smem:$0x3FA5]  }
0x29: {  	s4 =	sld [smem:$0x3FA7]  }
0x2a: {  	p0 =	seq.s32 s5, $0x0;
	s5 =	sld [smem:$0x3FA8]  }
0x2b: {  	s6 =	sld [smem:$0x3FA9]  }
0x2c: {  	s7 =	sld [smem:$0x3FAA]  }
0x2d: {  	s3 =	simm.s32 $0x108;
	s8 =	sld [smem:$0x3FAB]  }
0x2e: {  	s3 =	simm.s32 @!p0 $0x1082;
	s9 =	sld [smem:$0x3FAC]  }
0x2f: {  	lr =	sadd.s32 s0, s3;
	s0 =	sld [smem:$0x3FA3]  }
0x30: {  	s3 =	sld [smem:$0x3FA6]  }
0x31: {  	[smem:$0x3FAF] =	sst s10  }
0x32: {  	s10 =	sld [smem:$0x3FAD];
	_ =	sdelay $0x3  }
0x33: {  	p0 =	seq.s32 s10, $0x1;
	s10 =	sld [smem:$0x3FAF];
	_ =	sdelay $0x3  }
0x34: {  	[smem:$0x3FAF] =	sst s10  }
0x35: {  	s10 =	sld [smem:$0x3FAE];
	_ =	sdelay $0x3  }
0x36: {  	p1 =	seq.s32 s10, $0x1;
	s10 =	sld [smem:$0x3FAF];
	_ =	sdelay $0x3  }
0x37: {  	[smem:$0x3FAF] =	sst s10  }
0x38: {  	s10 =	sld [smem:$0x3FB0]  }
0x39: {  	_ = 	snop;
	(pc) =	sbr.ind lr, $3  }
0x3a: {  	_ = 	snop  }
0x3b: {  	_ = 	snop  }
0x3c: {  	p2 =	seq.s32 s10, $0x1;
	s10 =	sld [smem:$0x3FAF]  }
0x3d: {  	_ =	shalt  }
0x3e: {  	_ =	shalt  }
0x3f: {  	_ =	shalt  }
0x40: {  	_ =	shalt  }
0x41: {  	_ =	shalt  }
0x42: {  	_ =	shalt  }
0x43: {  	_ =	shalt  }
0x44: {  	_ =	shalt  }
0x45: {  	_ =	shalt  }
0x46: {  	_ =	shalt  }
0x47: {  	_ =	shalt  }
0x48: {  	_ =	shalt  }
0x49: {  	_ =	shalt  }
0x4a: {  	_ =	shalt  }
0x4b: {  	_ =	shalt  }
0x4c: {  	_ =	shalt  }
0x4d: {  	_ =	shalt  }
0x4e: {  	_ =	shalt  }
0x4f: {  	_ =	shalt  }
0x50: {  	_ =	shalt  }
0x51: {  	_ =	shalt  }
0x52: {  	_ =	shalt  }
0x53: {  	_ =	shalt  }
0x54: {  	_ =	shalt  }
0x55: {  	_ =	shalt  }
0x56: {  	_ =	shalt  }
0x57: {  	_ =	shalt  }
0x58: {  	_ =	shalt  }
0x59: {  	_ =	shalt  }
0x5a: {  	_ =	shalt  }
0x5b: {  	_ =	shalt  }
0x5c: {  	_ =	shalt  }
0x5d: {  	_ =	shalt  }
0x5e: {  	_ =	shalt  }
0x5f: {  	_ =	shalt  }
0x60: {  	_ =	shalt  }
0x61: {  	_ =	shalt  }
0x62: {  	_ =	shalt  }
0x63: {  	_ =	shalt  }
0x64: {  	_ =	shalt  }
0x65: {  	_ =	shalt  }
0x66: {  	_ =	shalt  }
0x67: {  	_ =	shalt  }
0x68: {  	_ =	shalt  }
0x69: {  	_ =	shalt  }
0x6a: {  	_ =	shalt  }
0x6b: {  	_ =	shalt  }
0x6c: {  	_ =	shalt  }
0x6d: {  	_ =	shalt  }
0x6e: {  	_ =	shalt  }
0x6f: {  	_ =	shalt  }
0x70: {  	_ =	shalt  }
0x71: {  	_ =	shalt  }
0x72: {  	_ =	shalt  }
0x73: {  	_ =	shalt  }
0x74: {  	_ =	shalt  }
0x75: {  	_ =	shalt  }
0x76: {  	_ =	shalt  }
0x77: {  	_ =	shalt  }
0x78: {  	_ =	shalt  }
0x79: {  	_ =	shalt  }
0x7a: {  	_ =	shalt  }
0x7b: {  	_ =	shalt  }
0x7c: {  	_ =	shalt  }
0x7d: {  	_ =	shalt  }
0x7e: {  	_ =	shalt  }
0x7f: {  	_ =	shalt  }
0x80: {  	_ =	shalt  }
0x81: {  	_ =	shalt  }
0x82: {  	_ =	shalt  }
0x83: {  	_ =	shalt  }
0x84: {  	_ =	shalt  }
0x85: {  	_ =	shalt  }
0x86: {  	_ =	shalt  }
0x87: {  	_ =	shalt  }
.Lfunc_end0:
.L_simem_size_0:
called_computation.2_lowered:
.L_overlay_start_0:
0x88: {  	s2 =	sld [smem:$0x3FD9]  }
0x89: {  	s3 =	sld [smem:$0x3FFE];
	_ =	sdelay $0x1  }
0x8a: {  	s1 =	srdreg.scid  }
0x8b: {  	s0 =	sand.u32 $0x1, s1  }
0x8c: {  	s15 =	sshll.u32 s0, $0xA;
	s2 =	sadd.s32 s3, s2  }
0x8d: {  	s2 =	sadd.s32 s2, s15  }
0x8e: {  	[smem:$0x3FBB] =	sst s2  }
0x8f: {  	_ = 	snop  }
0x90: {  	s2 =	sld [smem:$0x3FD0];
	_ =	sdelay $0x2  }
0x91: {  	s5 =	simm.s32 $0xB;
	s4 =	simm.s32 $0x10;
	s16 =	sld [smem:$0x3FC5]  }
0x92: {  	[smem:s4], [sflag:s5] =	dma.local [hbm:s2], $0x1  }
0x93: {  	_ =	swait.eq [sflag:s5], $0x1  }
0x94: {  	[sflag:s5] =	ssyncset.done $0x0  }
0x95: {  	s17 =	sld [smem:$0x10];
	[sflag:s5] =	ssyncadd.s32 $0xFFFFFFFF  }
0x96: {  	s18 =	sld [smem:$0x11];
	(tm) =	ssettm $0x1  }
0x97: {  	s19 =	sld [smem:$0x3FFB];
	_ =	sdelay $0x3  }
0x98: {  	_ =	strace s19  }
0x99: {  	s2 =	sld [smem:$0x3FFC];
	_ =	sdelay $0x3  }
0x9a: {  	_ =	strace s2  }
0x9b: {  	s2 =	sld [smem:$0x3FFD];
	_ =	sdelay $0x3  }
0x9c: {  	_ =	strace s2  }
0x9d: {  	_ =	strace $0x8FFFFFFF  }
0x9e: {  	s20 =	sld [smem:$0x3FDB];
	_ =	sdelay $0x1  }
0x9f: {  	s6 =	simm.s32 $_scs_section_size  }
0xa0: {  	s7 =	simm.s32 $_size__tile_overlayer_lowered;
	s8 =	simm.s32 $_tile_overlayer_lowered  }
0xa1: {  	s9 =	simm.s32 $0x1BFF;
	s21 =	sshll.u32 s8, $0x1;
	s6 =	sadd.s32 s6, s20  }
0xa2: {  	s22 =	simm.s32 $0x0;
	s7 =	sshll.u32 s7, $0x1;
	s8 =	sadd.s32 s21, s6  }
0xa3: {  	[timem:s22], [sflag:s9] =	dma.local [hbm:s8], s7  }
0xa4: {  	_ =	swait.ge [sflag:s9], s7  }
0xa5: {  	s7 =	ssub.s32 $0x0, s7;
	[sflag:s9] =	ssyncset.done $0x0  }
0xa6: {  	[sflag:s9] =	ssyncadd.s32 s7;
	_ =	sdelay $0x1  }
0xa7: {  	s23 =	simm.s32 $0x1B8B  }
0xa8: {  	_ =	swait.ge [sflag:s23], $0x1  }
0xa9: {  	[sflag:s23] =	ssyncset.done $0x0  }
0xaa: {  	[sflag:s23] =	ssyncadd.s32 $0xFFFFFFFF  }
0xab: {  	s7 =	sld [smem:$0x0]  }
0xac: {  	s8 =	sand.u32 $0xFFFFFFFE, s1  }
0xad: {  	p0 =	sne.s32 s1, s8  }
0xae: {  	s8 =	sshll.u32 @p0 s8, $0xE  }
0xaf: {  	s8 =	sadd.s32 @p0 $0x11B8D, s8;
	s9 =	sshll.u32 @p0 s7, $0x11  }
0xb0: {  	s8 =	sor.u32 @p0 s9, s8  }
0xb1: {  	[sflag:s8] =	ssyncadd.remote.s32 @p0 $0x1;
	_ =	sdelay $0x1  }
0xb2: {  	s8 =	simm.s32 @p0 $0x1B8D  }
0xb3: {  	_ =	swait.eq @p0 [sflag:s8], $0x1  }
0xb4: {  	[sflag:s8] =	ssyncadd.s32 @p0 $0xFFFFFFFF  }
0xb5: {  	s9 =	sshll.u32 @!p0 s1, $0xE  }
0xb6: {  	s9 =	sor.u32 @!p0 $0x4000, s9;
	s8 =	simm.s32 @!p0 $0x1B8D  }
0xb7: {  	s7 =	sshll.u32 @!p0 s7, $0x11;
	s9 =	sadd.s32 @!p0 $0x11B8D, s9;
	_ =	swait.eq @!p0 [sflag:s8], $0x1  }
0xb8: {  	s7 =	sor.u32 @!p0 s7, s9;
	[sflag:s8] =	ssyncadd.s32 @!p0 $0xFFFFFFFF  }
0xb9: {  	s25 =	simm.s32 $0x1B8E;
	s24 =	sld [smem:$0x3FFE];
	[sflag:s7] =	ssyncadd.remote.s32 @!p0 $0x1  }
0xba: {  	s26 =	simm.s32 $execute0_lowered;
	[smem:$0x3FD2] =	sst s25  }
0xbb: {  	s8 =	sshll.u32 s26, $0x1;
	_ =	strace $0x8000004F;
	[dreg:$0x1] =	wrdreg $0xFFFFFFFF  }
0xbc: {  	s28 =	simm.s32 $_size_execute0_lowered;
	s6 =	sadd.s32 s6, s8;
	[dreg:$0x0] =	wrdreg $0x0  }
0xbd: {  	s8 =	sshll.u32 s28, $0x1;
	[dreg:$0x2] =	wrdreg s6  }
0xbe: {  	[dreg:$0x3] =	wrdreg s8  }
0xbf: {  	[dreg:$0x4] =	wrdreg $0xC0  }
0xc0: {  	_ =	task [dreg:s22], $0x5FFFF  }
0xc1: {  	[dreg:$0x1] =	wrdreg $0xFFFFFFFF  }
0xc2: {  	[dreg:$0x0] =	wrdreg $0x60  }
0xc3: {  	[dreg:$0x2] =	wrdreg s24  }
0xc4: {  	[dreg:$0x3] =	wrdreg s16  }
0xc5: {  	[dreg:$0x4] =	wrdreg s17  }
0xc6: {  	[dreg:$0x5] =	wrdreg s18  }
0xc7: {  	[dreg:$0x6] =	wrdreg $0x49800  }
0xc8: {  	[dreg:$0x7] =	wrdreg $0x1B1800  }
0xc9: {  	[dreg:$0x8] =	wrdreg $0x9  }
0xca: {  	_ =	task.clear_ibuf [dreg:s22], $0x9FFFF;
	_ =	strace $0x9000004F  }
0xcb: {  	s29 =	simm.s32 $0x9;
	_ =	strace $0x80000051  }
0xcc: {  	_ =	swait.ge [sflag:s29], $0x1  }
0xcd: {  	[sflag:s29] =	ssyncadd.s32 $0xFFFFFFFF  }
0xce: {  	_ =	strace $0x90000051  }
0xcf: {  	_ =	sfence  }
0xd0: {  	s30 =	sld [smem:$0x0];
	_ =	sdelay $0x2  }
0xd1: {  	s31 =	sshll.u32 s1, $0xD;
	s1 =	sshrl.u32 s1, $0x2  }
0xd2: {  	s4 =	sand.u32 $0x4000, s31;
	s1 =	sadd.s32 s1, s30  }
0xd3: {  	s0 =	sor.u32 s4, s0;
	s1 =	sshll.u32 s1, $0x11  }
0xd4: {  	s0 =	sor.u32 s1, s0  }
0xd5: {  	s0 =	sadd.s32 $0x8F2B, s0  }
0xd6: {  	[sflag:s0] =	ssyncadd.remote.s32 $0x1  }
0xd7: {  	_ =	sfence.sel $0xFFFF  }
0xd8: {  	[dreg:$0x0] =	wrdreg $0xFFFFFFFF;
	(pc) =	sbr.abs _section_cstart, $3  }
0xd9: {  	[dreg:$0x1] =	wrdreg $0xFFFFFFFF  }
0xda: {  	_ =	task.clear_ibuf [dreg:s22], $0x2FFFF;
	_ =	strace $0x9FFFFFFF  }
0xdb: {  	(tm) =	ssettm $0x7FFFFFFF  }
tec
execute0_lowered:
.L_overlay_start_1:
0x0: {  	(tag) =	ssettag $0x1  }
0x1: {  	s0 =	rddreg [dreg:$0x0]  }
0x2: {  	s1 =	rddreg [dreg:$0x1]  }
0x3: {  	s2 =	rddreg [dreg:$0x2]  }
0x4: {  	s3 =	rddreg [dreg:$0x3]  }
0x5: {  	s4 =	rddreg [dreg:$0x4]  }
0x6: {  	s6 =	rddreg [dreg:$0x5];
	s7 =	simm.s32 $0x0;
	s5 =	srdreg.scid  }
0x7: {  	s14 =	stileid.u32;
	s28 =	simm.s32 $0x1;
	s29 =	simm.s32 $0x80  }
0x8: {  	s30 =	simm.s32 $0x100;
	s31 =	simm.s32 $0x0;
	[smem:$0x7FF] =	sst s7  }
0x9: {  	s5 =	sand.u32 $0x1, s5;
	s16 =	smul.u32 $0x1200, s14;
	s8 =	sadd.s32 $0x3DE00, s0  }
0xa: {  	s9 =	sadd.s32 $0x38E00, s0;
	s10 =	sadd.s32 $0x9CE00, s0;
	s15 =	smul.u32 $0x16800, s14  }
0xb: {  	s17 =	sadd.s32 $0xA3A00, s0;
	_ =	strace $0x80000050;
	s11 =	smul.u32 $0x12000, s5  }
0xc: {  	s12 =	ssub.s32 $0x2, s5;
	s23 =	sshll.u32 s5, $0x4;
	s5 =	smul.u32 $0x168000, s5  }
0xd: {  	s13 =	sshrl.u32 s12, $0x1;
	s18 =	sadd.s32 $0x4800, s15;
	s19 =	sadd.s32 $0x9000, s15  }
0xe: {  	s20 =	sadd.s32 $0xD800, s15;
	s21 =	sadd.s32 $0x12000, s15;
	s11 =	sadd.s32 s16, s11  }
0xf: {  	s25 =	ssub.s32 s12, s13;
	s12 =	sadd.s32 s18, s4;
	s13 =	sadd.s32 s19, s4  }
0x10: {  	s18 =	sadd.s32 s5, s18;
	s19 =	sadd.s32 s5, s19;
	s16 =	sadd.s32 s16, s6  }
0x11: {  	s11 =	sshrl.u32 s11, $0x3;
	s18 =	sshrl.u32 s18, $0x3;
	s25 =	smax.u32 s25, $0x1  }
0x12: {  	s22 =	sadd.s32 s11, s0;
	s0 =	sor.u32 s14, s23;
	s11 =	sadd.s32 s15, s4  }
0x13: {  	s14 =	sadd.s32 s20, s4;
	s23 =	sadd.s32 s15, s5;
	s20 =	sadd.s32 s5, s20  }
0x14: {  	s5 =	sadd.s32 s5, s21;
	s15 =	sadd.s32 s21, s4;
	s21 =	sshrl.u32 s19, $0x3  }
0x15: {  	s24 =	sshrl.u32 s23, $0x3;
	s23 =	smul.u32 $0x4E2, s0;
	s0 =	sadd.s32 s17, s18  }
.Ltmp0:
0x16: {  	s20 =	sshrl.u32 s20, $0x3;
	s19 =	sadd.s32 s17, s21;
	(pc) =	sbr.rel .LBB2_1-.Ltmp0, $4  }
0x17: {  	s26 =	sadd.s32 s17, s24;
	[dreg:$0x8] =	wrdreg s0;
	s20 =	sadd.s32 s17, s20  }
0x18: {  	s24 =	sshrl.u32 s5, $0x3;
	[dreg:$0x7] =	wrdreg s26;
	s26 =	sadd.s32 $0x4E2, s23  }
0x19: {  	s21 =	sadd.s32 s17, s24;
	s0 =	sshrl.u32 s23, $0x5;
	s23 =	sshrl.u32 s26, $0x5  }
0x1a: {  	v0 =	vimm.f32 $0.0e+00;
	s24 =	sadd.s32 $0x9F200, s22;
	s26 =	simm.s32 $0x180;
	p0 =	sge.u32 s0, s23  }
.LBB2_7:
0x1b: {  	s5 =	stileid.u32  }
0x1c: {  	[bflag:$0x0] =	sbarrier.arrive $0xFFFF;
	s5 =	sshll.u32 s5, $0x6  }
0x1d: {  	s17 =	sshrl.u32 s11, $0x3;
	s18 =	rddreg [dreg:$0x7];
	s5 =	sor.u32 $0x1C01, s5  }
0x1e: {  	[hbm:s18], [sflag:s5] =	dma.local [spmem:s17], $0x900  }
0x1f: {  	_ =	swait.ge [sflag:s28], $0x900  }
0x20: {  	[sflag:s28] =	ssyncset.done $0x0  }
0x21: {  	s18 =	sshrl.u32 s12, $0x3;
	s22 =	rddreg [dreg:$0x8];
	[sflag:s28] =	ssyncadd.s32 $0xFFFFF700  }
0x22: {  	[hbm:s22], [sflag:s5] =	dma.local [spmem:s18], $0x900  }
0x23: {  	_ =	swait.ge [sflag:s28], $0x900  }
0x24: {  	[sflag:s28] =	ssyncset.done $0x0  }
0x25: {  	s18 =	sshrl.u32 s13, $0x3;
	[sflag:s28] =	ssyncadd.s32 $0xFFFFF700  }
0x26: {  	[hbm:s19], [sflag:s5] =	dma.local [spmem:s18], $0x900  }
0x27: {  	_ =	swait.ge [sflag:s28], $0x900  }
0x28: {  	[sflag:s28] =	ssyncset.done $0x0  }
0x29: {  	s22 =	sshrl.u32 s14, $0x3;
	[sflag:s28] =	ssyncadd.s32 $0xFFFFF700  }
0x2a: {  	[hbm:s20], [sflag:s5] =	dma.local [spmem:s22], $0x900  }
0x2b: {  	_ =	swait.ge [sflag:s28], $0x900  }
0x2c: {  	[sflag:s28] =	ssyncset.done $0x0  }
0x2d: {  	s18 =	sshrl.u32 s15, $0x3;
	[sflag:s28] =	ssyncadd.s32 $0xFFFFF700  }
0x2e: {  	[hbm:s21], [sflag:s5] =	dma.local [spmem:s18], $0x900  }
0x2f: {  	s31 =	sadd.s32 $0x1, s31;
	_ =	swait.ge [sflag:s28], $0x900  }
0x30: {  	p1 =	sne.s32 s31, s25;
	[sflag:s28] =	ssyncset.done $0x0  }
.Ltmp1:
0x31: {  	s22 =	sshrl.u32 s16, $0x3;
	[sflag:s28] =	ssyncadd.s32 $0xFFFFF700;
	(pc) =	sbr.rel @!p1 .LBB2_8-.Ltmp1, $4  }
0x32: {  	[hbm:s24], [sflag:s5] =	dma.local [spmem:s22], $0x240  }
0x33: {  	_ =	swait.ge [sflag:s28], $0x240  }
0x34: {  	[sflag:s28] =	ssyncset.done $0x0  }
0x35: {  	[sflag:s28] =	ssyncadd.s32 $0xFFFFFDC0  }
.LBB2_1:
0x36: {  	s5 =	simm.s32 $0x0;
	s17 =	simm.s32 $0x240  }
.LBB2_2:
0x37: {  	p1 =	sne.s32 s17, $0x11DC0;
	[tilespmem:s5+$0x200] =	vst v0  }
0x38: {  	[tilespmem:s5+$0x180] =	vst v0  }
0x39: {  	[tilespmem:s5+$0x190] =	vst v0  }
0x3a: {  	[tilespmem:s5+$0x1A0] =	vst v0  }
.Ltmp2:
0x3b: {  	[tilespmem:s5+$0x1B0] =	vst v0;
	(pc) =	sbr.rel @p1 .LBB2_2-.Ltmp2, $4  }
0x3c: {  	[tilespmem:s5+$0x1C0] =	vst v0  }
0x3d: {  	[tilespmem:s5+$0x1D0] =	vst v0  }
0x3e: {  	[tilespmem:s5+$0x1E0] =	vst v0  }
0x3f: {  	[tilespmem:s5+$0x1F0] =	vst v0;
	s5 =	sshra.s32 s17, $0x2;
	s17 =	sadd.s32 $0x240, s17  }
0x40: {  	[tilespmem:s5+$0x200] =	vst v0  }
0x41: {  	[tilespmem:s5+$0x180] =	vst v0  }
0x42: {  	[tilespmem:s5+$0x190] =	vst v0  }
0x43: {  	[tilespmem:s5+$0x1A0] =	vst v0  }
0x44: {  	[tilespmem:s5+$0x1B0] =	vst v0  }
0x45: {  	[tilespmem:s5+$0x1C0] =	vst v0  }
0x46: {  	[tilespmem:s5+$0x1D0] =	vst v0  }
0x47: {  	[tilespmem:s5+$0x1E0] =	vst v0  }
0x48: {  	[tilespmem:s5+$0x1F0] =	vst v0  }
0x49: {  	[spmem:s11] =	stream.linear.scatter [tilespmem:s26], [sflag:$0x1], $0x4800, $0x38;
	[tilespmem:$0x1C380] =	vst v63  }
0x4a: {  	_ =	swait.ge [sflag:s28], $0x4800  }
0x4b: {  	[sflag:s28] =	ssyncset.done $0x0  }
0x4c: {  	[sflag:s28] =	ssyncadd.s32 $0xFFFFB800  }
0x4d: {  	[spmem:s12] =	stream.linear.scatter [tilespmem:s26], [sflag:$0x1], $0x4800, $0x38;
	[tilespmem:$0x1C380] =	vst v63  }
0x4e: {  	_ =	swait.ge [sflag:s28], $0x4800  }
0x4f: {  	[sflag:s28] =	ssyncset.done $0x0  }
0x50: {  	[sflag:s28] =	ssyncadd.s32 $0xFFFFB800  }
0x51: {  	[spmem:s13] =	stream.linear.scatter [tilespmem:s26], [sflag:$0x1], $0x4800, $0x38;
	[tilespmem:$0x1C380] =	vst v63  }
0x52: {  	_ =	swait.ge [sflag:s28], $0x4800  }
0x53: {  	[sflag:s28] =	ssyncset.done $0x0  }
0x54: {  	[sflag:s28] =	ssyncadd.s32 $0xFFFFB800  }
0x55: {  	[spmem:s14] =	stream.linear.scatter [tilespmem:s26], [sflag:$0x1], $0x4800, $0x38;
	[tilespmem:$0x1C380] =	vst v63  }
0x56: {  	_ =	swait.ge [sflag:s28], $0x4800  }
0x57: {  	[sflag:s28] =	ssyncset.done $0x0  }
0x58: {  	[sflag:s28] =	ssyncadd.s32 $0xFFFFB800  }
0x59: {  	[spmem:s15] =	stream.linear.scatter [tilespmem:s26], [sflag:$0x1], $0x4800, $0x38;
	[tilespmem:$0x1C380] =	vst v63  }
0x5a: {  	_ =	swait.ge [sflag:s28], $0x4800  }
0x5b: {  	[sflag:s28] =	ssyncset.done $0x0  }
0x5c: {  	[sflag:s28] =	ssyncadd.s32 $0xFFFFB800  }
0x5d: {  	[spmem:s16] =	stream.linear.scatter [tilespmem:s26], [sflag:$0x1], $0x1200, $0x38;
	[tilespmem:$0x1C380] =	vst v63  }
.Ltmp3:
0x5e: {  	_ =	swait.ge [sflag:s28], $0x1200;
	(pc) =	sbr.rel @p0 .LBB2_7-.Ltmp3, $4  }
0x5f: {  	[sflag:s28] =	ssyncset.done $0x0  }
0x60: {  	[sflag:s28] =	ssyncadd.s32 $0xFFFFEE00  }
0x61: {  	[bflag:$0x0] =	sbarrier.arrive $0xFFFF  }
0x62: {  	s22 =	smov.u32 s0  }
.LBB2_4:
0x63: {  	s5 =	sshll.u32 s22, $0x4  }
0x64: {  	s18 =	simm.s32 $0x0;
	s17 =	sadd.s32 s8, s5  }
0x65: {  	[tilespmem:s18], [sflag:$0x1] =	stream.linear.gather [hbm4b:s17+s18], $0x80, $0x38;
	[tilespmem:$0x1C380] =	vst v63  }
0x66: {  	_ =	swait.ge [sflag:s28], $0x80  }
0x67: {  	[sflag:s28] =	ssyncset.done $0x0  }
0x68: {  	s17 =	sadd.s32 s9, s5;
	[sflag:s28] =	ssyncadd.s32 $0xFFFFFF80  }
0x69: {  	[tilespmem:s29], [sflag:$0x1] =	stream.linear.gather [hbm4b:s17+s18], $0x80, $0x38;
	[tilespmem:$0x1C380] =	vst v63  }
0x6a: {  	_ =	swait.ge [sflag:s28], $0x80  }
0x6b: {  	[sflag:s28] =	ssyncset.done $0x0  }
0x6c: {  	s5 =	sadd.s32 s1, s5;
	[sflag:s28] =	ssyncadd.s32 $0xFFFFFF80  }
0x6d: {  	[tilespmem:s30], [sflag:$0x1] =	stream.linear.gather [hbm4b:s5+s18], $0x80, $0x38;
	[tilespmem:$0x1C380] =	vst v63  }
0x6e: {  	_ =	swait.ge [sflag:s28], $0x80  }
0x6f: {  	[sflag:s28] =	ssyncset.done $0x0  }
0x70: {  	[sflag:s28] =	ssyncadd.s32 $0xFFFFFF80  }
0x71: {  	[tilespmem:s26], [sflag:$0x1] =	stream.indirect.gather [hbm4b:s2+s29], $0x90, s18, s29, $0xb8;
	[tilespmem:$0x1C380] =	vst v63  }
0x72: {  	_ =	swait.ge [sflag:s28], $0x4800  }
0x73: {  	[sflag:s28] =	ssyncset.done $0x0  }
0x74: {  	[sflag:s28] =	ssyncadd.s32 $0xFFFFB800  }
0x75: {  	[tilespmem:s26], [sflag:$0x1] =	stream.indirect.gather.add.f32 [hbm:s3], $0x90, s29, s29, $0xb8;
	[tilespmem:$0x1C380] =	vst v63  }
0x76: {  	_ =	swait.ge [sflag:s28], $0x4800  }
0x77: {  	[sflag:s28] =	ssyncset.done $0x0  }
0x78: {  	[sflag:s28] =	ssyncadd.s32 $0xFFFFB800  }
0x79: {  	[tilespmem:s26], [sflag:$0x1] =	stream.indirect.gather.add.f32 [hbm:s10], $0x90, s30, s29, $0xb8;
	[tilespmem:$0x1C380] =	vst v63  }
0x7a: {  	_ =	swait.ge [sflag:s28], $0x4800  }
0x7b: {  	[sflag:s28] =	ssyncset.done $0x0  }
0x7c: {  	s17 =	simm.s32 $0x240;
	s5 =	simm.s32 $0x0;
	[sflag:s28] =	ssyncadd.s32 $0xFFFFB800  }
.LBB2_5:
0x7d: {  	p1 =	sne.s32 s17, $0x11DC0;
	v1 =	vld.msk [tilespmem:s5+$0x200 ss:$0x0], $0xffff;
	_ =	sdelay $0x5  }
0x7e: {  	v2 =	vmul.f32 $2.000000030e-01, v1  }
0x7f: {  	vm0 =	vgt.f32 v1, $0.0e+00  }
0x80: {  	v1 =	vsel vm0, v1, v2  }
0x81: {  	v1 =	vsub.f32 $0.0e+00, v1;
	_ =	sdelay $0x1  }
0x82: {  	v1 =	vmul.f32 $1.442695020e+00, v1;
	_ =	sdelay $0x1  }
0x83: {  	(erf) = vpow2.f32 v1  }
0x84: {  	v1 =	vld [tilespmem:s5+$0x1F0]  }
0x85: {  	v2 =	vld [tilespmem:s5+$0x1D0]  }
0x86: {  	v3 =	vld [tilespmem:s5+$0x1B0]  }
0x87: {  	v4 =	vld [tilespmem:s5+$0x190]  }
0x88: {  	v5 =	vld [tilespmem:s5+$0x180]  }
0x89: {  	v6 =	vld [tilespmem:s5+$0x1A0]  }
0x8a: {  	v7 =	vld [tilespmem:s5+$0x1C0]  }
0x8b: {  	v8 =	vld [tilespmem:s5+$0x1E0]  }
0x8c: {  	v9 =	vpop (erf)  }
0x8d: {  	v5 =	vmul.f32 v9, v5;
	v4 =	vmul.f32 v9, v4;
	[tilespmem:s5+$0x200] =	vst v9  }
0x8e: {  	v3 =	vmul.f32 v3, v9;
	v6 =	vmul.f32 v9, v6  }
0x8f: {  	v2 =	vmul.f32 v2, v9;
	[tilespmem:s5+$0x180] =	vst v5;
	v5 =	vmul.f32 v7, v9  }
0x90: {  	v1 =	vmul.f32 v1, v9;
	[tilespmem:s5+$0x190] =	vst v4;
	v4 =	vmul.f32 v8, v9  }
0x91: {  	[tilespmem:s5+$0x1A0] =	vst v6  }
.Ltmp4:
0x92: {  	[tilespmem:s5+$0x1B0] =	vst v3;
	(pc) =	sbr.rel @p1 .LBB2_5-.Ltmp4, $4  }
0x93: {  	[tilespmem:s5+$0x1C0] =	vst v5  }
0x94: {  	[tilespmem:s5+$0x1D0] =	vst v2  }
0x95: {  	[tilespmem:s5+$0x1E0] =	vst v4  }
0x96: {  	[tilespmem:s5+$0x1F0] =	vst v1;
	s5 =	sshra.s32 s17, $0x2;
	s17 =	sadd.s32 $0x240, s17  }
0x97: {  	v1 =	vld.msk [tilespmem:s5+$0x200 ss:$0x0], $0xffff;
	_ =	sdelay $0x4  }
0x98: {  	v2 =	vmul.f32 $2.000000030e-01, v1  }
0x99: {  	vm0 =	vgt.f32 v1, $0.0e+00  }
0x9a: {  	v1 =	vsel vm0, v1, v2  }
0x9b: {  	v1 =	vsub.f32 $0.0e+00, v1;
	_ =	sdelay $0x1  }
0x9c: {  	v1 =	vmul.f32 $1.442695020e+00, v1;
	_ =	sdelay $0x1  }
0x9d: {  	(erf) = vpow2.f32 v1;
	_ =	sdelay $0x4  }
0x9e: {  	v3 =	vld [tilespmem:s5+$0x180]  }
0x9f: {  	v4 =	vld [tilespmem:s5+$0x190]  }
0xa0: {  	v5 =	vld [tilespmem:s5+$0x1A0]  }
0xa1: {  	v7 =	vld [tilespmem:s5+$0x1C0]  }
0xa2: {  	v2 =	vld [tilespmem:s5+$0x1D0];
	v8 =	vpop (erf)  }
0xa3: {  	v6 =	vld [tilespmem:s5+$0x1B0];
	v3 =	vmul.f32 v8, v3  }
0xa4: {  	v1 =	vld [tilespmem:s5+$0x1F0];
	v4 =	vmul.f32 v8, v4;
	[tilespmem:s5+$0x200] =	vst v8  }
0xa5: {  	v9 =	vld [tilespmem:s5+$0x1E0];
	v5 =	vmul.f32 v8, v5;
	[tilespmem:s5+$0x180] =	vst v3  }
0xa6: {  	v63 =	vmul.f32 v7, v8;
	[tilespmem:s5+$0x190] =	vst v4  }
0xa7: {  	v2 =	vmul.f32 v2, v8;
	[tilespmem:s5+$0x1A0] =	vst v5  }
0xa8: {  	v3 =	vmul.f32 v6, v8;
	[tilespmem:s5+$0x1C0] =	vst v63  }
0xa9: {  	v1 =	vmul.f32 v1, v8;
	[tilespmem:s5+$0x1D0] =	vst v2  }
0xaa: {  	[tilespmem:s5+$0x1B0] =	vst v3;
	v3 =	vmul.f32 v9, v8  }
0xab: {  	[tilespmem:s5+$0x1F0] =	vst v1  }
0xac: {  	[tilespmem:s5+$0x1E0] =	vst v3  }
0xad: {  	[spmem:s4] =	stream.indirect.scatter.add.f32 [tilespmem:s26], [sflag:$0x1], $0x90, s7, s29, $0xb8;
	[tilespmem:$0x1C380] =	vst v63  }
0xae: {  	_ =	swait.ge [sflag:s28], $0x4800  }
0xaf: {  	s22 =	sadd.s32 $0x1, s22;
	[sflag:s28] =	ssyncset.done $0x0  }
0xb0: {  	p1 =	slt.u32 s22, s23;
	[sflag:s28] =	ssyncadd.s32 $0xFFFFB800  }
0xb1: {  	[spmem:s6] =	stream.indirect.scatter.add.f32 [tilespmem:s26], [sflag:$0x1], $0x90, s29, s29, $0xb8;
	[tilespmem:$0x1C380] =	vst v63  }
.Ltmp5:
0xb2: {  	_ = 	snop;
	(pc) =	sbr.rel @p1 .LBB2_4-.Ltmp5, $4  }
.Ltmp6:
0xb3: {  	_ = 	snop;
	(pc) =	sbr.rel @!p1 .LBB2_7-.Ltmp6, $4  }
0xb4: {  	_ =	swait.ge [sflag:s28], $0x4800  }
0xb5: {  	[sflag:s28] =	ssyncset.done $0x0  }
0xb6: {  	[sflag:s28] =	ssyncadd.s32 $0xFFFFB800  }
0xb7: {  	_ = 	snop  }
.LBB2_8:
0xb8: {  	_ =	sfence.sel $0x180000  }
0xb9: {  	[bflag:$0x0] =	sbarrier.arrive $0xFFFF  }
0xba: {  	_ =	strace $0x90000050  }
0xbb: {  	s0 =	stileid.u32;
	[bflag:$0x2] =	sbarrier.arrive $0xFFFF  }
0xbc: {  	p0 =	sne.s32 s0, $0x0;
	s0 =	rddreg [dreg:$0x6]  }
0xbd: {  	s0 =	sadd.s32 @!p0 $0x100000, s0  }
0xbe: {  	[sflag:s0] =	ssyncadd.tile.s32 @!p0 $0x1;
	_ =	shalt  }
.Lfunc_end2:
_tile_overlayer_lowered:
.L_overlay_start_2:
0xbf: {  	(tag) =	ssettag $0x2  }
0xc0: {  	s0 =	rddreg [dreg:$0x0];
	s2 =	stileid.u32  }
0xc1: {  	s1 =	rddreg [dreg:$0x1];
	p0 =	sne.s32 s2, $0x0  }
0xc2: {  	s3 =	rddreg [dreg:$0x2];
	[bflag:$0x3] =	sbarrier.arrive $0xFFFF;
	s2 =	simm.s32 @!p0 $0x1C01  }
0xc3: {  	[timem:s3], [sflag:s2] =	dma.local @!p0 [hbm:s0], s1  }
0xc4: {  	s0 =	simm.s32 @!p0 $0x1  }
0xc5: {  	_ =	swait.ge @!p0 [sflag:s0], s1  }
0xc6: {  	s1 =	ssub.s32 @!p0 $0x0, s1;
	[sflag:s0] =	ssyncset.done @!p0 $0x0  }
0xc7: {  	[sflag:s0] =	ssyncadd.s32 @!p0 s1  }
0xc8: {  	[bflag:$0x3] =	sbarrier.arrive $0xFFFF  }
0xc9: {  	_ =	shalt  }

// kernel: kernel.32.cloned.1.call-start
scs
__scs_entry_jumppad:
0x0: {  	(pc) =	sbr.rel $0x88, $3  }
0x1: {  	(tag) =	ssettag $0x0;
	lr =	simm.s32 $0x1  }
0x2: {  	[smem:$0x3F94] =	sst lr;
	_ =	strace $0xD0000000  }
0x3: {  	_ = 	snop  }
0x4: {  	_ = 	snop  }
0x5: {  	_ = 	snop  }
0x6: {  	_ = 	snop  }
0x7: {  	_ = 	snop  }
__scs_overlays_trampoline_lowered:
0x8: {  	[smem:$0x3FA3] =	sst s0  }
0x9: {  	[smem:$0x3FA4] =	sst s1  }
0xa: {  	[smem:$0x3FA5] =	sst s2  }
0xb: {  	[smem:$0x3FA6] =	sst s3  }
0xc: {  	[smem:$0x3FA7] =	sst s4  }
0xd: {  	[smem:$0x3FA8] =	sst s5  }
0xe: {  	[smem:$0x3FA9] =	sst s6  }
0xf: {  	[smem:$0x3FAA] =	sst s7  }
0x10: {  	[smem:$0x3FAB] =	sst s8  }
0x11: {  	[smem:$0x3FAC] =	sst s9;
	s0 =	simm.s32 @!p0 $0x0  }
0x12: {  	s1 =	sld [smem:$0x3F92];
	s0 =	simm.s32 @p0 $0x1  }
0x13: {  	[smem:$0x3FAD] =	sst s0;
	s0 =	simm.s32 @!p1 $0x0  }
0x14: {  	s2 =	sld [smem:$0x3F91];
	s0 =	simm.s32 @p1 $0x1  }
0x15: {  	[smem:$0x3FAE] =	sst s0;
	s0 =	simm.s32 @!p2 $0x0  }
0x16: {  	s3 =	sld [smem:$0x3FDB];
	s0 =	simm.s32 @p2 $0x1  }
0x17: {  	s4 =	simm.s32 $0x1BF5;
	[smem:$0x3FB0] =	sst s0  }
0x18: {  	s0 =	sld [smem:$0x3F93];
	_ =	swait.ge [sflag:s4], $0x0  }
0x19: {  	s7 =	sld [smem:$0x3F94]  }
0x1a: {  	s8 =	sadd.s32 $0xFFFFE003, lr  }
0x1b: {  	s9 =	sadd.s32 $0xFFFFFEF7, lr;
	s5 =	simm.s32 $0xFFFFFFFF;
	p2 =	slt.u32 s8, $0xFFFFF086  }
0x1c: {  	p1 =	slt.u32 s9, $0xF7A;
	s5 =	simm.s32 @!p2 $0x0  }
0x1d: {  	s5 =	simm.s32 @p1 $0x1;
	p0 =	seq.s32 s7, s2  }
0x1e: {  	s7 =	smul.u32 @!p0 $0xF7A, s2;
	p2 =	seq.s32 @!p0 s5, $0x0  }
0x1f: {  	s9 =	smul.u32 $0xF7A, s1;
	s8 =	simm.s32 @!p0 $0x1BF5;
	p2 =	por !p2, p0  }
0x20: {  	[sflag:s8] =	ssyncset.s32 @!p0 $0xFFFFF086;
	s6 =	sadd.s32 @!p0 s3, s7;
	s7 =	simm.s32 @!p0 $0x108  }
0x21: {  	s3 =	sadd.s32 s3, s9;
	s6 =	sadd.s32 @!p0 $0x88, s6;
	s7 =	simm.s32 @p2 $0x1082  }
0x22: {  	[simem:s7], [sflag:s8] =	dma.local @!p0 [hbm:s6], $0xF7A  }
0x23: {  	s9 =	sor.u32 $0xD0000000, s2;
	s6 =	simm.s32 $0x108;
	_ =	swait.ge @!p0 [sflag:s8], $0x0  }
0x24: {  	s3 =	sadd.s32 $0x88, s3;
	s6 =	simm.s32 @!p1 $0x1082;
	[sflag:s4] =	ssyncset.s32 $0xFFFFF086  }
0x25: {  	[simem:s6], [sflag:s4] =	dma.local [hbm:s3], $0xF7A  }
0x26: {  	[smem:$0x3F94] =	sst s1;
	(tag) =	ssettag s2;
	_ =	strace s9  }
0x27: {  	s1 =	sld [smem:$0x3FA4]  }
0x28: {  	s2 =	sld [smem:$0x3FA5]  }
0x29: {  	s4 =	sld [smem:$0x3FA7]  }
0x2a: {  	p0 =	seq.s32 s5, $0x0;
	s5 =	sld [smem:$0x3FA8]  }
0x2b: {  	s6 =	sld [smem:$0x3FA9]  }
0x2c: {  	s7 =	sld [smem:$0x3FAA]  }
0x2d: {  	s3 =	simm.s32 $0x108;
	s8 =	sld [smem:$0x3FAB]  }
0x2e: {  	s3 =	simm.s32 @!p0 $0x1082;
	s9 =	sld [smem:$0x3FAC]  }
0x2f: {  	lr =	sadd.s32 s0, s3;
	s0 =	sld [smem:$0x3FA3]  }
0x30: {  	s3 =	sld [smem:$0x3FA6]  }
0x31: {  	[smem:$0x3FAF] =	sst s10  }
0x32: {  	s10 =	sld [smem:$0x3FAD];
	_ =	sdelay $0x3  }
0x33: {  	p0 =	seq.s32 s10, $0x1;
	s10 =	sld [smem:$0x3FAF];
	_ =	sdelay $0x3  }
0x34: {  	[smem:$0x3FAF] =	sst s10  }
0x35: {  	s10 =	sld [smem:$0x3FAE];
	_ =	sdelay $0x3  }
0x36: {  	p1 =	seq.s32 s10, $0x1;
	s10 =	sld [smem:$0x3FAF];
	_ =	sdelay $0x3  }
0x37: {  	[smem:$0x3FAF] =	sst s10  }
0x38: {  	s10 =	sld [smem:$0x3FB0]  }
0x39: {  	_ = 	snop;
	(pc) =	sbr.ind lr, $3  }
0x3a: {  	_ = 	snop  }
0x3b: {  	_ = 	snop  }
0x3c: {  	p2 =	seq.s32 s10, $0x1;
	s10 =	sld [smem:$0x3FAF]  }
0x3d: {  	_ =	shalt  }
0x3e: {  	_ =	shalt  }
0x3f: {  	_ =	shalt  }
0x40: {  	_ =	shalt  }
0x41: {  	_ =	shalt  }
0x42: {  	_ =	shalt  }
0x43: {  	_ =	shalt  }
0x44: {  	_ =	shalt  }
0x45: {  	_ =	shalt  }
0x46: {  	_ =	shalt  }
0x47: {  	_ =	shalt  }
0x48: {  	_ =	shalt  }
0x49: {  	_ =	shalt  }
0x4a: {  	_ =	shalt  }
0x4b: {  	_ =	shalt  }
0x4c: {  	_ =	shalt  }
0x4d: {  	_ =	shalt  }
0x4e: {  	_ =	shalt  }
0x4f: {  	_ =	shalt  }
0x50: {  	_ =	shalt  }
0x51: {  	_ =	shalt  }
0x52: {  	_ =	shalt  }
0x53: {  	_ =	shalt  }
0x54: {  	_ =	shalt  }
0x55: {  	_ =	shalt  }
0x56: {  	_ =	shalt  }
0x57: {  	_ =	shalt  }
0x58: {  	_ =	shalt  }
0x59: {  	_ =	shalt  }
0x5a: {  	_ =	shalt  }
0x5b: {  	_ =	shalt  }
0x5c: {  	_ =	shalt  }
0x5d: {  	_ =	shalt  }
0x5e: {  	_ =	shalt  }
0x5f: {  	_ =	shalt  }
0x60: {  	_ =	shalt  }
0x61: {  	_ =	shalt  }
0x62: {  	_ =	shalt  }
0x63: {  	_ =	shalt  }
0x64: {  	_ =	shalt  }
0x65: {  	_ =	shalt  }
0x66: {  	_ =	shalt  }
0x67: {  	_ =	shalt  }
0x68: {  	_ =	shalt  }
0x69: {  	_ =	shalt  }
0x6a: {  	_ =	shalt  }
0x6b: {  	_ =	shalt  }
0x6c: {  	_ =	shalt  }
0x6d: {  	_ =	shalt  }
0x6e: {  	_ =	shalt  }
0x6f: {  	_ =	shalt  }
0x70: {  	_ =	shalt  }
0x71: {  	_ =	shalt  }
0x72: {  	_ =	shalt  }
0x73: {  	_ =	shalt  }
0x74: {  	_ =	shalt  }
0x75: {  	_ =	shalt  }
0x76: {  	_ =	shalt  }
0x77: {  	_ =	shalt  }
0x78: {  	_ =	shalt  }
0x79: {  	_ =	shalt  }
0x7a: {  	_ =	shalt  }
0x7b: {  	_ =	shalt  }
0x7c: {  	_ =	shalt  }
0x7d: {  	_ =	shalt  }
0x7e: {  	_ =	shalt  }
0x7f: {  	_ =	shalt  }
0x80: {  	_ =	shalt  }
0x81: {  	_ =	shalt  }
0x82: {  	_ =	shalt  }
0x83: {  	_ =	shalt  }
0x84: {  	_ =	shalt  }
0x85: {  	_ =	shalt  }
0x86: {  	_ =	shalt  }
0x87: {  	_ =	shalt  }
.Lfunc_end0:
.L_simem_size_0:
called_computation.3_lowered:
.L_overlay_start_0:
0x88: {  	s2 =	sld [smem:$0x3FD9]  }
0x89: {  	s3 =	sld [smem:$0x3FFE];
	_ =	sdelay $0x1  }
0x8a: {  	s1 =	srdreg.scid  }
0x8b: {  	s0 =	sand.u32 $0x1, s1  }
0x8c: {  	s17 =	sshll.u32 s0, $0xA;
	s2 =	sadd.s32 s3, s2  }
0x8d: {  	s2 =	sadd.s32 s2, s17  }
0x8e: {  	[smem:$0x3FBB] =	sst s2  }
0x8f: {  	_ = 	snop  }
0x90: {  	s2 =	sld [smem:$0x3FC5];
	(tm) =	ssettm $0x1  }
0x91: {  	s18 =	sld [smem:$0x3FFB];
	_ =	sdelay $0x3  }
0x92: {  	_ =	strace s18  }
0x93: {  	s3 =	sld [smem:$0x3FFC];
	_ =	sdelay $0x3  }
0x94: {  	_ =	strace s3  }
0x95: {  	s3 =	sld [smem:$0x3FFD];
	_ =	sdelay $0x3  }
0x96: {  	_ =	strace s3  }
0x97: {  	_ =	strace $0x8FFFFFFF  }
0x98: {  	s19 =	sld [smem:$0x3FDB];
	_ =	sdelay $0x1  }
0x99: {  	s4 =	simm.s32 $_scs_section_size  }
0x9a: {  	s5 =	simm.s32 $_size__tile_overlayer_lowered;
	s6 =	simm.s32 $_tile_overlayer_lowered  }
0x9b: {  	s22 =	simm.s32 $0x1BFF;
	s21 =	sshll.u32 s6, $0x1;
	s3 =	sadd.s32 s4, s19  }
0x9c: {  	s7 =	simm.s32 $0x0;
	s20 =	sshll.u32 s5, $0x1;
	s5 =	sadd.s32 s21, s3  }
0x9d: {  	[timem:s7], [sflag:s22] =	dma.local [hbm:s5], s20  }
0x9e: {  	_ =	swait.ge [sflag:s22], s20  }
0x9f: {  	s4 =	ssub.s32 $0x0, s20;
	[sflag:s22] =	ssyncset.done $0x0  }
0xa0: {  	[sflag:s22] =	ssyncadd.s32 s4;
	_ =	sdelay $0x1  }
0xa1: {  	s23 =	simm.s32 $0x1B8B  }
0xa2: {  	_ =	swait.ge [sflag:s23], $0x1  }
0xa3: {  	[sflag:s23] =	ssyncset.done $0x0  }
0xa4: {  	s25 =	simm.s32 $0x1B8E;
	s24 =	sld [smem:$0x3FFE];
	[sflag:s23] =	ssyncadd.s32 $0xFFFFFFFF  }
0xa5: {  	s26 =	simm.s32 $execute0_lowered;
	[smem:$0x3FD2] =	sst s25  }
0xa6: {  	s5 =	sshll.u32 s26, $0x1;
	_ =	strace $0x8000004C;
	[dreg:$0x1] =	wrdreg $0xFFFFFFFF  }
0xa7: {  	s28 =	simm.s32 $_size_execute0_lowered;
	s3 =	sadd.s32 s3, s5;
	[dreg:$0x0] =	wrdreg $0x0  }
0xa8: {  	s5 =	sshll.u32 s28, $0x1;
	[dreg:$0x2] =	wrdreg s3  }
0xa9: {  	[dreg:$0x3] =	wrdreg s5  }
0xaa: {  	[dreg:$0x4] =	wrdreg $0xC0  }
0xab: {  	_ =	task [dreg:s7], $0x5FFFF  }
0xac: {  	[dreg:$0x1] =	wrdreg $0xFFFFFFFF  }
0xad: {  	[dreg:$0x0] =	wrdreg $0x60  }
0xae: {  	[dreg:$0x2] =	wrdreg s24  }
0xaf: {  	[dreg:$0x3] =	wrdreg s2  }
0xb0: {  	[dreg:$0x4] =	wrdreg $0x49800  }
0xb1: {  	[dreg:$0x5] =	wrdreg $0x1B1800  }
0xb2: {  	[dreg:$0x6] =	wrdreg $0xA  }
0xb3: {  	_ =	task.clear_ibuf [dreg:s7], $0x7FFFF;
	_ =	strace $0x9000004C  }
0xb4: {  	s29 =	simm.s32 $0xA;
	_ =	strace $0x8000004E  }
0xb5: {  	_ =	swait.ge [sflag:s29], $0x1  }
0xb6: {  	[sflag:s29] =	ssyncadd.s32 $0xFFFFFFFF  }
0xb7: {  	_ =	strace $0x9000004E  }
0xb8: {  	_ =	sfence  }
0xb9: {  	s30 =	sld [smem:$0x0];
	_ =	sdelay $0x2  }
0xba: {  	s31 =	sshll.u32 s1, $0xD;
	s1 =	sshrl.u32 s1, $0x2  }
0xbb: {  	s3 =	sand.u32 $0x4000, s31;
	s1 =	sadd.s32 s1, s30  }
0xbc: {  	s0 =	sor.u32 s3, s0;
	s1 =	sshll.u32 s1, $0x11  }
0xbd: {  	s0 =	sor.u32 s1, s0  }
0xbe: {  	s0 =	sadd.s32 $0x8F2B, s0  }
0xbf: {  	[sflag:s0] =	ssyncadd.remote.s32 $0x1  }
0xc0: {  	_ =	sfence.sel $0xFFFF  }
0xc1: {  	[dreg:$0x0] =	wrdreg $0xFFFFFFFF;
	(pc) =	sbr.abs _section_cstart, $3  }
0xc2: {  	[dreg:$0x1] =	wrdreg $0xFFFFFFFF  }
0xc3: {  	_ =	task.clear_ibuf [dreg:s7], $0x2FFFF;
	_ =	strace $0x9FFFFFFF  }
0xc4: {  	(tm) =	ssettm $0x7FFFFFFF  }
0xc5: {  	_ =	shalt  }
tec
execute0_lowered:
.L_overlay_start_1:
0x0: {  	(tag) =	ssettag $0x1  }
0x1: {  	s0 =	rddreg [dreg:$0x0]  }
0x2: {  	s1 =	rddreg [dreg:$0x1]  }
0x3: {  	s2 =	rddreg [dreg:$0x2]  }
0x4: {  	s3 =	rddreg [dreg:$0x3];
	s5 =	simm.s32 $0x0  }
0x5: {  	s4 =	srdreg.scid;
	s14 =	stileid.u32;
	s28 =	simm.s32 $0x1  }
0x6: {  	s29 =	simm.s32 $0x80;
	s30 =	simm.s32 $0x100;
	s31 =	simm.s32 $0x0  }
0x7: {  	[smem:$0x7FF] =	sst s5;
	s4 =	sand.u32 $0x1, s4;
	s16 =	smul.u32 $0x1200, s14  }
0x8: {  	s6 =	sadd.s32 $0x3DE00, s0;
	s7 =	sadd.s32 $0x38E00, s0;
	s8 =	sadd.s32 $0x5800, s0  }
0x9: {  	s9 =	sadd.s32 $0x31800, s0;
	s10 =	sadd.s32 $0x3BF000, s0;
	s15 =	smul.u32 $0x16800, s14  }
0xa: {  	s17 =	sadd.s32 $0x42E00, s0;
	_ =	strace $0x8000004D;
	s11 =	smul.u32 $0x12000, s4  }
0xb: {  	s12 =	ssub.s32 $0x2, s4;
	s23 =	sshll.u32 s4, $0x4;
	s4 =	smul.u32 $0x168000, s4  }
0xc: {  	s13 =	sshrl.u32 s12, $0x1;
	s18 =	sadd.s32 $0x4800, s15;
	s19 =	sadd.s32 $0x9000, s15  }
0xd: {  	s20 =	sadd.s32 $0xD800, s15;
	s21 =	sadd.s32 $0x12000, s15;
	s11 =	sadd.s32 s16, s11  }
0xe: {  	s25 =	ssub.s32 s12, s13;
	s12 =	sadd.s32 s18, s2;
	s13 =	sadd.s32 s19, s2  }
0xf: {  	s18 =	sadd.s32 s4, s18;
	s19 =	sadd.s32 s4, s19;
	s16 =	sadd.s32 s16, s3  }
0x10: {  	s11 =	sshrl.u32 s11, $0x3;
	s18 =	sshrl.u32 s18, $0x3;
	s25 =	smax.u32 s25, $0x1  }
0x11: {  	s22 =	sadd.s32 s11, s0;
	s0 =	sor.u32 s14, s23;
	s11 =	sadd.s32 s15, s2  }
0x12: {  	s14 =	sadd.s32 s20, s2;
	s23 =	sadd.s32 s15, s4;
	s20 =	sadd.s32 s4, s20  }
0x13: {  	s4 =	sadd.s32 s4, s21;
	s15 =	sadd.s32 s21, s2;
	s21 =	sshrl.u32 s19, $0x3  }
0x14: {  	s24 =	sshrl.u32 s23, $0x3;
	s23 =	smul.u32 $0x4E2, s0;
	s0 =	sadd.s32 s17, s18  }
.Ltmp0:
0x15: {  	s20 =	sshrl.u32 s20, $0x3;
	s19 =	sadd.s32 s17, s21;
	(pc) =	sbr.rel .LBB2_1-.Ltmp0, $4  }
0x16: {  	s26 =	sadd.s32 s17, s24;
	[dreg:$0x6] =	wrdreg s0;
	s20 =	sadd.s32 s17, s20  }
0x17: {  	s24 =	sshrl.u32 s4, $0x3;
	[dreg:$0x5] =	wrdreg s26;
	s26 =	sadd.s32 $0x4E2, s23  }
0x18: {  	s21 =	sadd.s32 s17, s24;
	s0 =	sshrl.u32 s23, $0x5;
	s23 =	sshrl.u32 s26, $0x5  }
0x19: {  	v0 =	vimm.f32 $0.0e+00;
	s24 =	sadd.s32 $0x33C00, s22;
	s26 =	simm.s32 $0x180;
	p0 =	sge.u32 s0, s23  }
.LBB2_7:
0x1a: {  	s4 =	stileid.u32  }
0x1b: {  	[bflag:$0x0] =	sbarrier.arrive $0xFFFF;
	s4 =	sshll.u32 s4, $0x6  }
0x1c: {  	s17 =	sshrl.u32 s11, $0x3;
	s18 =	rddreg [dreg:$0x5];
	s4 =	sor.u32 $0x1C01, s4  }
0x1d: {  	[hbm:s18], [sflag:s4] =	dma.local [spmem:s17], $0x900  }
0x1e: {  	_ =	swait.ge [sflag:s28], $0x900  }
0x1f: {  	[sflag:s28] =	ssyncset.done $0x0  }
0x20: {  	s18 =	sshrl.u32 s12, $0x3;
	s22 =	rddreg [dreg:$0x6];
	[sflag:s28] =	ssyncadd.s32 $0xFFFFF700  }
0x21: {  	[hbm:s22], [sflag:s4] =	dma.local [spmem:s18], $0x900  }
0x22: {  	_ =	swait.ge [sflag:s28], $0x900  }
0x23: {  	[sflag:s28] =	ssyncset.done $0x0  }
0x24: {  	s18 =	sshrl.u32 s13, $0x3;
	[sflag:s28] =	ssyncadd.s32 $0xFFFFF700  }
0x25: {  	[hbm:s19], [sflag:s4] =	dma.local [spmem:s18], $0x900  }
0x26: {  	_ =	swait.ge [sflag:s28], $0x900  }
0x27: {  	[sflag:s28] =	ssyncset.done $0x0  }
0x28: {  	s22 =	sshrl.u32 s14, $0x3;
	[sflag:s28] =	ssyncadd.s32 $0xFFFFF700  }
0x29: {  	[hbm:s20], [sflag:s4] =	dma.local [spmem:s22], $0x900  }
0x2a: {  	_ =	swait.ge [sflag:s28], $0x900  }
0x2b: {  	[sflag:s28] =	ssyncset.done $0x0  }
0x2c: {  	s18 =	sshrl.u32 s15, $0x3;
	[sflag:s28] =	ssyncadd.s32 $0xFFFFF700  }
0x2d: {  	[hbm:s21], [sflag:s4] =	dma.local [spmem:s18], $0x900  }
0x2e: {  	s31 =	sadd.s32 $0x1, s31;
	_ =	swait.ge [sflag:s28], $0x900  }
0x2f: {  	p1 =	sne.s32 s31, s25;
	[sflag:s28] =	ssyncset.done $0x0  }
.Ltmp1:
0x30: {  	s22 =	sshrl.u32 s16, $0x3;
	[sflag:s28] =	ssyncadd.s32 $0xFFFFF700;
	(pc) =	sbr.rel @!p1 .LBB2_8-.Ltmp1, $4  }
0x31: {  	[hbm:s24], [sflag:s4] =	dma.local [spmem:s22], $0x240  }
0x32: {  	_ =	swait.ge [sflag:s28], $0x240  }
0x33: {  	[sflag:s28] =	ssyncset.done $0x0  }
0x34: {  	[sflag:s28] =	ssyncadd.s32 $0xFFFFFDC0  }
.LBB2_1:
0x35: {  	s4 =	simm.s32 $0x0;
	s17 =	simm.s32 $0x240  }
.LBB2_2:
0x36: {  	p1 =	sne.s32 s17, $0x11DC0;
	[tilespmem:s4+$0x200] =	vst v0  }
0x37: {  	[tilespmem:s4+$0x180] =	vst v0  }
0x38: {  	[tilespmem:s4+$0x190] =	vst v0  }
0x39: {  	[tilespmem:s4+$0x1A0] =	vst v0  }
.Ltmp2:
0x3a: {  	[tilespmem:s4+$0x1B0] =	vst v0;
	(pc) =	sbr.rel @p1 .LBB2_2-.Ltmp2, $4  }
0x3b: {  	[tilespmem:s4+$0x1C0] =	vst v0  }
0x3c: {  	[tilespmem:s4+$0x1D0] =	vst v0  }
0x3d: {  	[tilespmem:s4+$0x1E0] =	vst v0  }
0x3e: {  	[tilespmem:s4+$0x1F0] =	vst v0;
	s4 =	sshra.s32 s17, $0x2;
	s17 =	sadd.s32 $0x240, s17  }
0x3f: {  	[tilespmem:s4+$0x200] =	vst v0  }
0x40: {  	[tilespmem:s4+$0x180] =	vst v0  }
0x41: {  	[tilespmem:s4+$0x190] =	vst v0  }
0x42: {  	[tilespmem:s4+$0x1A0] =	vst v0  }
0x43: {  	[tilespmem:s4+$0x1B0] =	vst v0  }
0x44: {  	[tilespmem:s4+$0x1C0] =	vst v0  }
0x45: {  	[tilespmem:s4+$0x1D0] =	vst v0  }
0x46: {  	[tilespmem:s4+$0x1E0] =	vst v0  }
0x47: {  	[tilespmem:s4+$0x1F0] =	vst v0  }
0x48: {  	[spmem:s11] =	stream.linear.scatter [tilespmem:s26], [sflag:$0x1], $0x4800, $0x38;
	[tilespmem:$0x1C380] =	vst v63  }
0x49: {  	_ =	swait.ge [sflag:s28], $0x4800  }
0x4a: {  	[sflag:s28] =	ssyncset.done $0x0  }
0x4b: {  	[sflag:s28] =	ssyncadd.s32 $0xFFFFB800  }
0x4c: {  	[spmem:s12] =	stream.linear.scatter [tilespmem:s26], [sflag:$0x1], $0x4800, $0x38;
	[tilespmem:$0x1C380] =	vst v63  }
0x4d: {  	_ =	swait.ge [sflag:s28], $0x4800  }
0x4e: {  	[sflag:s28] =	ssyncset.done $0x0  }
0x4f: {  	[sflag:s28] =	ssyncadd.s32 $0xFFFFB800  }
0x50: {  	[spmem:s13] =	stream.linear.scatter [tilespmem:s26], [sflag:$0x1], $0x4800, $0x38;
	[tilespmem:$0x1C380] =	vst v63  }
0x51: {  	_ =	swait.ge [sflag:s28], $0x4800  }
0x52: {  	[sflag:s28] =	ssyncset.done $0x0  }
0x53: {  	[sflag:s28] =	ssyncadd.s32 $0xFFFFB800  }
0x54: {  	[spmem:s14] =	stream.linear.scatter [tilespmem:s26], [sflag:$0x1], $0x4800, $0x38;
	[tilespmem:$0x1C380] =	vst v63  }
0x55: {  	_ =	swait.ge [sflag:s28], $0x4800  }
0x56: {  	[sflag:s28] =	ssyncset.done $0x0  }
0x57: {  	[sflag:s28] =	ssyncadd.s32 $0xFFFFB800  }
0x58: {  	[spmem:s15] =	stream.linear.scatter [tilespmem:s26], [sflag:$0x1], $0x4800, $0x38;
	[tilespmem:$0x1C380] =	vst v63  }
0x59: {  	_ =	swait.ge [sflag:s28], $0x4800  }
0x5a: {  	[sflag:s28] =	ssyncset.done $0x0  }
0x5b: {  	[sflag:s28] =	ssyncadd.s32 $0xFFFFB800  }
0x5c: {  	[spmem:s16] =	stream.linear.scatter [tilespmem:s26], [sflag:$0x1], $0x1200, $0x38;
	[tilespmem:$0x1C380] =	vst v63  }
.Ltmp3:
0x5d: {  	_ =	swait.ge [sflag:s28], $0x1200;
	(pc) =	sbr.rel @p0 .LBB2_7-.Ltmp3, $4  }
0x5e: {  	[sflag:s28] =	ssyncset.done $0x0  }
0x5f: {  	[sflag:s28] =	ssyncadd.s32 $0xFFFFEE00  }
0x60: {  	[bflag:$0x0] =	sbarrier.arrive $0xFFFF  }
0x61: {  	s22 =	smov.u32 s0  }
.LBB2_4:
0x62: {  	s4 =	sshll.u32 s22, $0x4  }
0x63: {  	s18 =	simm.s32 $0x0;
	s17 =	sadd.s32 s6, s4  }
0x64: {  	[tilespmem:s18], [sflag:$0x1] =	stream.linear.gather [hbm4b:s17+s18], $0x80, $0x38;
	[tilespmem:$0x1C380] =	vst v63  }
0x65: {  	_ =	swait.ge [sflag:s28], $0x80  }
0x66: {  	[sflag:s28] =	ssyncset.done $0x0  }
0x67: {  	s17 =	sadd.s32 s7, s4;
	[sflag:s28] =	ssyncadd.s32 $0xFFFFFF80  }
0x68: {  	[tilespmem:s29], [sflag:$0x1] =	stream.linear.gather [hbm4b:s17+s18], $0x80, $0x38;
	[tilespmem:$0x1C380] =	vst v63  }
0x69: {  	_ =	swait.ge [sflag:s28], $0x80  }
0x6a: {  	[sflag:s28] =	ssyncset.done $0x0  }
0x6b: {  	s4 =	sadd.s32 s1, s4;
	[sflag:s28] =	ssyncadd.s32 $0xFFFFFF80  }
0x6c: {  	[tilespmem:s30], [sflag:$0x1] =	stream.linear.gather [hbm4b:s4+s18], $0x80, $0x38;
	[tilespmem:$0x1C380] =	vst v63  }
0x6d: {  	_ =	swait.ge [sflag:s28], $0x80  }
0x6e: {  	[sflag:s28] =	ssyncset.done $0x0  }
0x6f: {  	[sflag:s28] =	ssyncadd.s32 $0xFFFFFF80  }
0x70: {  	[tilespmem:s26], [sflag:$0x1] =	stream.indirect.gather [hbm4b:s8+s29], $0x90, s18, s29, $0xb8;
	[tilespmem:$0x1C380] =	vst v63  }
0x71: {  	_ =	swait.ge [sflag:s28], $0x4800  }
0x72: {  	[sflag:s28] =	ssyncset.done $0x0  }
0x73: {  	[sflag:s28] =	ssyncadd.s32 $0xFFFFB800  }
0x74: {  	[tilespmem:s26], [sflag:$0x1] =	stream.indirect.gather.add.f32 [hbm:s9], $0x90, s29, s29, $0xb8;
	[tilespmem:$0x1C380] =	vst v63  }
0x75: {  	_ =	swait.ge [sflag:s28], $0x4800  }
0x76: {  	[sflag:s28] =	ssyncset.done $0x0  }
0x77: {  	[sflag:s28] =	ssyncadd.s32 $0xFFFFB800  }
0x78: {  	[tilespmem:s26], [sflag:$0x1] =	stream.indirect.gather.add.f32 [hbm:s10], $0x90, s30, s29, $0xb8;
	[tilespmem:$0x1C380] =	vst v63  }
0x79: {  	_ =	swait.ge [sflag:s28], $0x4800  }
0x7a: {  	[sflag:s28] =	ssyncset.done $0x0  }
0x7b: {  	s17 =	simm.s32 $0x240;
	s4 =	simm.s32 $0x0;
	[sflag:s28] =	ssyncadd.s32 $0xFFFFB800  }
.LBB2_5:
0x7c: {  	p1 =	sne.s32 s17, $0x11DC0;
	v1 =	vld.msk [tilespmem:s4+$0x200 ss:$0x0], $0xffff;
	_ =	sdelay $0x5  }
0x7d: {  	v2 =	vmul.f32 $2.000000030e-01, v1  }
0x7e: {  	vm0 =	vgt.f32 v1, $0.0e+00  }
0x7f: {  	v1 =	vsel vm0, v1, v2  }
0x80: {  	v1 =	vsub.f32 $0.0e+00, v1;
	_ =	sdelay $0x1  }
0x81: {  	v1 =	vmul.f32 $1.442695020e+00, v1;
	_ =	sdelay $0x1  }
0x82: {  	(erf) = vpow2.f32 v1  }
0x83: {  	v1 =	vld [tilespmem:s4+$0x1F0]  }
0x84: {  	v2 =	vld [tilespmem:s4+$0x1D0]  }
0x85: {  	v3 =	vld [tilespmem:s4+$0x1B0]  }
0x86: {  	v4 =	vld [tilespmem:s4+$0x190]  }
0x87: {  	v5 =	vld [tilespmem:s4+$0x180]  }
0x88: {  	v6 =	vld [tilespmem:s4+$0x1A0]  }
0x89: {  	v7 =	vld [tilespmem:s4+$0x1C0]  }
0x8a: {  	v8 =	vld [tilespmem:s4+$0x1E0]  }
0x8b: {  	v9 =	vpop (erf)  }
0x8c: {  	v5 =	vmul.f32 v9, v5;
	v4 =	vmul.f32 v9, v4;
	[tilespmem:s4+$0x200] =	vst v9  }
0x8d: {  	v3 =	vmul.f32 v3, v9;
	v6 =	vmul.f32 v9, v6  }
0x8e: {  	v2 =	vmul.f32 v2, v9;
	[tilespmem:s4+$0x180] =	vst v5;
	v5 =	vmul.f32 v7, v9  }
0x8f: {  	v1 =	vmul.f32 v1, v9;
	[tilespmem:s4+$0x190] =	vst v4;
	v4 =	vmul.f32 v8, v9  }
0x90: {  	[tilespmem:s4+$0x1A0] =	vst v6  }
.Ltmp4:
0x91: {  	[tilespmem:s4+$0x1B0] =	vst v3;
	(pc) =	sbr.rel @p1 .LBB2_5-.Ltmp4, $4  }
0x92: {  	[tilespmem:s4+$0x1C0] =	vst v5  }
0x93: {  	[tilespmem:s4+$0x1D0] =	vst v2  }
0x94: {  	[tilespmem:s4+$0x1E0] =	vst v4  }
0x95: {  	[tilespmem:s4+$0x1F0] =	vst v1;
	s4 =	sshra.s32 s17, $0x2;
	s17 =	sadd.s32 $0x240, s17  }
0x96: {  	v1 =	vld.msk [tilespmem:s4+$0x200 ss:$0x0], $0xffff;
	_ =	sdelay $0x4  }
0x97: {  	v2 =	vmul.f32 $2.000000030e-01, v1  }
0x98: {  	vm0 =	vgt.f32 v1, $0.0e+00  }
0x99: {  	v1 =	vsel vm0, v1, v2  }
0x9a: {  	v1 =	vsub.f32 $0.0e+00, v1;
	_ =	sdelay $0x1  }
0x9b: {  	v1 =	vmul.f32 $1.442695020e+00, v1;
	_ =	sdelay $0x1  }
0x9c: {  	(erf) = vpow2.f32 v1;
	_ =	sdelay $0x4  }
0x9d: {  	v3 =	vld [tilespmem:s4+$0x180]  }
0x9e: {  	v4 =	vld [tilespmem:s4+$0x190]  }
0x9f: {  	v5 =	vld [tilespmem:s4+$0x1A0]  }
0xa0: {  	v7 =	vld [tilespmem:s4+$0x1C0]  }
0xa1: {  	v2 =	vld [tilespmem:s4+$0x1D0];
	v8 =	vpop (erf)  }
0xa2: {  	v6 =	vld [tilespmem:s4+$0x1B0];
	v3 =	vmul.f32 v8, v3  }
0xa3: {  	v1 =	vld [tilespmem:s4+$0x1F0];
	v4 =	vmul.f32 v8, v4;
	[tilespmem:s4+$0x200] =	vst v8  }
0xa4: {  	v9 =	vld [tilespmem:s4+$0x1E0];
	v5 =	vmul.f32 v8, v5;
	[tilespmem:s4+$0x180] =	vst v3  }
0xa5: {  	v63 =	vmul.f32 v7, v8;
	[tilespmem:s4+$0x190] =	vst v4  }
0xa6: {  	v2 =	vmul.f32 v2, v8;
	[tilespmem:s4+$0x1A0] =	vst v5  }
0xa7: {  	v3 =	vmul.f32 v6, v8;
	[tilespmem:s4+$0x1C0] =	vst v63  }
0xa8: {  	v1 =	vmul.f32 v1, v8;
	[tilespmem:s4+$0x1D0] =	vst v2  }
0xa9: {  	[tilespmem:s4+$0x1B0] =	vst v3;
	v3 =	vmul.f32 v9, v8  }
0xaa: {  	[tilespmem:s4+$0x1F0] =	vst v1  }
0xab: {  	[tilespmem:s4+$0x1E0] =	vst v3  }
0xac: {  	[spmem:s2] =	stream.indirect.scatter.add.f32 [tilespmem:s26], [sflag:$0x1], $0x90, s5, s29, $0xb8;
	[tilespmem:$0x1C380] =	vst v63  }
0xad: {  	_ =	swait.ge [sflag:s28], $0x4800  }
0xae: {  	s22 =	sadd.s32 $0x1, s22;
	[sflag:s28] =	ssyncset.done $0x0  }
0xaf: {  	p1 =	slt.u32 s22, s23;
	[sflag:s28] =	ssyncadd.s32 $0xFFFFB800  }
0xb0: {  	[spmem:s3] =	stream.indirect.scatter.add.f32 [tilespmem:s26], [sflag:$0x1], $0x90, s29, s29, $0xb8;
	[tilespmem:$0x1C380] =	vst v63  }
.Ltmp5:
0xb1: {  	_ = 	snop;
	(pc) =	sbr.rel @p1 .LBB2_4-.Ltmp5, $4  }
.Ltmp6:
0xb2: {  	_ = 	snop;
	(pc) =	sbr.rel @!p1 .LBB2_7-.Ltmp6, $4  }
0xb3: {  	_ =	swait.ge [sflag:s28], $0x4800  }
0xb4: {  	[sflag:s28] =	ssyncset.done $0x0  }
0xb5: {  	[sflag:s28] =	ssyncadd.s32 $0xFFFFB800  }
0xb6: {  	_ = 	snop  }
.LBB2_8:
0xb7: {  	_ =	sfence.sel $0x180000  }
0xb8: {  	[bflag:$0x0] =	sbarrier.arrive $0xFFFF  }
0xb9: {  	_ =	strace $0x9000004D  }
0xba: {  	s0 =	stileid.u32;
	[bflag:$0x2] =	sbarrier.arrive $0xFFFF  }
0xbb: {  	p0 =	sne.s32 s0, $0x0;
	s0 =	rddreg [dreg:$0x4]  }
0xbc: {  	s0 =	sadd.s32 @!p0 $0x100000, s0  }
0xbd: {  	[sflag:s0] =	ssyncadd.tile.s32 @!p0 $0x1;
	_ =	shalt  }
.Lfunc_end2:
_tile_overlayer_lowered:
.L_overlay_start_2:
0xbe: {  	(tag) =	ssettag $0x2  }
0xbf: {  	s0 =	rddreg [dreg:$0x0];
	s2 =	stileid.u32  }
0xc0: {  	s1 =	rddreg [dreg:$0x1];
	p0 =	sne.s32 s2, $0x0  }
0xc1: {  	s3 =	rddreg [dreg:$0x2];
	[bflag:$0x3] =	sbarrier.arrive $0xFFFF;
	s2 =	simm.s32 @!p0 $0x1C01  }
0xc2: {  	[timem:s3], [sflag:s2] =	dma.local @!p0 [hbm:s0], s1  }
0xc3: {  	s0 =	simm.s32 @!p0 $0x1  }
0xc4: {  	_ =	swait.ge @!p0 [sflag:s0], s1  }
0xc5: {  	s1 =	ssub.s32 @!p0 $0x0, s1;
	[sflag:s0] =	ssyncset.done @!p0 $0x0  }
0xc6: {  	[sflag:s0] =	ssyncadd.s32 @!p0 s1  }
0xc7: {  	[bflag:$0x3] =	sbarrier.arrive $0xFFFF  }
0xc8: {  	_ =	shalt  }

</sc_bundles>
